<compile_context>
chip_gen: v7x
topology: tpu7x:2x2x1
jax: 0.10.2.dev20260603
libtpu: 0.0.44.dev20260713+nightly
codegen_flags: <defaults>
</compile_context>

<pallas_src>
import functools

import jax
import jax.numpy as jnp
from jax import lax
from jax.experimental import pallas as pl
from jax.experimental.pallas import tpu as pltpu
from jax.experimental.pallas import tpu_sc as plsc

N = 10000
E = 320000
D_IN = 128
D_HID = 128
D_OUT = 64

CH = 128
NC = 2
NS = 16
NW = NC * NS
NCHT = 80
NCHP = NW * NCHT
EPAD = NCHP * CH
NSINK = 128
NACC = N + NSINK
NPH = 2
CPP = NCHT // NPH
RSTRIDE = 624
RCOPY = 128
NCOPY = 5

@functools.cache
def _mesh():
  return plsc.VectorSubcoreMesh(
      core_axis_name="c", subcore_axis_name="s", num_cores=NC, num_subcores=NS
  )


def _worker_id():
  return lax.axis_index("c") * NS + lax.axis_index("s")


_NHIST = N + NSINK


@functools.cache
def _make_deg():
  @functools.partial(
      pl.kernel,
      out_type=jax.ShapeDtypeStruct((NW * N,), jnp.float32),
      mesh=_mesh(),
      scratch_types=[
          pltpu.VMEM((_NHIST,), jnp.float32),
          pltpu.VMEM((NCHT, CH), jnp.int32),
      ],
      compiler_params=pltpu.CompilerParams(needs_layout_passes=False),
  )
  def _deg(col_hbm, degp_hbm, hist, cbuf):
    w = _worker_id()
    base = pl.multiple_of(w * NCHT, 8)
    pltpu.sync_copy(col_hbm.at[pl.ds(base, NCHT)], cbuf)

    def zero(i, carry):
      hist[pl.ds(i * 16, 16)] = jnp.zeros((16,), jnp.float32)
      return carry

    lax.fori_loop(0, _NHIST // 16, zero, 0)

    ones = jnp.ones((16,), jnp.float32)

    def body(j, carry):
      def inner(k, c2):
        idx = cbuf[j, pl.ds(k * 16, 16)]
        plsc.addupdate_scatter(hist, [idx], ones)
        return c2

      return lax.fori_loop(0, CH // 16, inner, carry)

    lax.fori_loop(0, NCHT, body, 0)
    pltpu.sync_copy(
        hist.at[pl.ds(0, N)], degp_hbm.at[pl.ds(pl.multiple_of(w * N, 8), N)]
    )

  return _deg


@functools.cache
def _make_agg(d):
  @functools.partial(
      pl.kernel,
      out_type=jax.ShapeDtypeStruct((NC, N, d), jnp.float32),
      mesh=_mesh(),
      scratch_types=[
          pltpu.VMEM((CH, d), jnp.float32),
          pltpu.VMEM((CH, d), jnp.float32),
          pltpu.VMEM((CPP, CH), jnp.int32),
          pltpu.VMEM((CPP, CH), jnp.int32),
          pltpu.VMEM((1, CH), jnp.int32),
          pltpu.VMEM_SHARED((NACC, d), jnp.float32),
          pltpu.SemaphoreType.DMA,
          pltpu.SemaphoreType.DMA,
      ],
      compiler_params=pltpu.CompilerParams(needs_layout_passes=False),
  )
  def _agg(
      u_hbm, row_hbm, col_hbm, part_hbm, g0, g1, ridx, cidx, ccur, acc, s0, s1
  ):
    c = lax.axis_index("c")
    s = lax.axis_index("s")
    w = c * NS + s
    base = pl.multiple_of(w * NCHT, 8)

    def zg(r, carry):
      def zg2(k, c2):
        g0[r, pl.ds(k * 16, 16)] = jnp.zeros((16,), jnp.float32)
        return c2

      return lax.fori_loop(0, d // 16, zg2, carry)

    lax.fori_loop(0, CH, zg, 0)
    for k in range(NCOPY):
      r0 = pl.multiple_of(s * RSTRIDE + k * RCOPY, 8)
      pltpu.sync_copy(g0, acc.at[pl.ds(r0, RCOPY)])

    plsc.subcore_barrier()

    HCH = CH // 2

    def gather(i, buf, sem):
      pltpu.async_copy(
          u_hbm.at[ridx.at[i, pl.ds(0, HCH)]], buf.at[pl.ds(0, HCH)], sem
      )
      pltpu.async_copy(
          u_hbm.at[ridx.at[i, pl.ds(HCH, HCH)]], buf.at[pl.ds(HCH, HCH)], sem
      )

    def wait(buf, sem):
      pltpu.make_async_copy(u_hbm.at[ridx.at[0]], buf, sem).wait()

    def stage(i):
      def cp(k, carry):
        ccur[0, pl.ds(k * 16, 16)] = cidx[i, pl.ds(k * 16, 16)]
        return carry

      lax.fori_loop(0, CH // 16, cp, 0)

    def scatter(buf):
      pltpu.sync_copy(buf, acc.at[ccur.at[0]], add=True)

    for p in range(NPH):
      pbase = pl.multiple_of(base + p * CPP, 8)
      pltpu.sync_copy(row_hbm.at[pl.ds(pbase, CPP)], ridx)
      pltpu.sync_copy(col_hbm.at[pl.ds(pbase, CPP)], cidx)
      gather(0, g0, s0)
      gather(1, g1, s1)

      def pair(jj, carry):
        i0 = jj * 2
        stage(i0)
        wait(g0, s0)
        scatter(g0)
        gather(i0 + 2, g0, s0)
        stage(i0 + 1)
        wait(g1, s1)
        scatter(g1)
        gather(i0 + 3, g1, s1)
        return carry

      lax.fori_loop(0, CPP // 2 - 1, pair, 0)
      stage(CPP - 2)
      wait(g0, s0)
      scatter(g0)
      stage(CPP - 1)
      wait(g1, s1)
      scatter(g1)

    plsc.subcore_barrier()
    for k in range(NCOPY):
      r0 = pl.multiple_of(s * RSTRIDE + k * RCOPY, 8)
      pltpu.sync_copy(acc.at[pl.ds(r0, RCOPY)], part_hbm.at[c, pl.ds(r0, RCOPY)])

  return _agg


_RB = 2000
_GRID = N // _RB


def _dinv_of(dp):
  deg = 1.0 + jnp.sum(dp[0], axis=-1)
  return lax.rsqrt(deg)[:, None]


def _u1_body(x_ref, w1_ref, dp_ref, o_ref):
  dinv = _dinv_of(dp_ref[...])
  xw = jnp.dot(x_ref[...], w1_ref[...], preferred_element_type=jnp.float32)
  o_ref[...] = xw * dinv


def _v_body(u1_ref, p0_ref, p1_ref, dp_ref, b1_ref, o_ref):
  dinv = _dinv_of(dp_ref[...])
  h = jnp.maximum(
      dinv * (u1_ref[...] + p0_ref[...] + p1_ref[...]) + b1_ref[...], 0.0
  )
  o_ref[...] = h * dinv


def _z_body(v_ref, q0_ref, q1_ref, dp_ref, b2_ref, w2_ref, o_ref):
  dinv = _dinv_of(dp_ref[...])
  t = v_ref[...] + q0_ref[...] + q1_ref[...]
  tw = jnp.dot(t, w2_ref[...], preferred_element_type=jnp.float32)
  o_ref[...] = jnp.maximum(dinv * tw + b2_ref[...], 0.0)


def _row_spec(d):
  return pl.BlockSpec((_RB, d), lambda i: (i, 0))


_full = lambda shape: pl.BlockSpec(shape, lambda i: tuple(0 for _ in shape))
_dp_spec = pl.BlockSpec((1, _RB, NW), lambda i: (i, 0, 0))

_u1_call = pl.pallas_call(
    _u1_body,
    grid=(_GRID,),
    in_specs=[_row_spec(D_IN), _full((D_IN, D_HID)), _dp_spec],
    out_specs=_row_spec(D_HID),
    out_shape=jax.ShapeDtypeStruct((N, D_HID), jnp.float32),
)

_v_call = pl.pallas_call(
    _v_body,
    grid=(_GRID,),
    in_specs=[
        _row_spec(D_HID),
        _row_spec(D_HID),
        _row_spec(D_HID),
        _dp_spec,
        _full((1, D_HID)),
    ],
    out_specs=_row_spec(D_HID),
    out_shape=jax.ShapeDtypeStruct((N, D_HID), jnp.float32),
)

_z_call = pl.pallas_call(
    _z_body,
    grid=(_GRID,),
    in_specs=[
        _row_spec(D_HID),
        _row_spec(D_HID),
        _row_spec(D_HID),
        _dp_spec,
        _full((1, D_OUT)),
        _full((D_HID, D_OUT)),
    ],
    out_specs=_row_spec(D_OUT),
    out_shape=jax.ShapeDtypeStruct((N, D_OUT), jnp.float32),
)


@jax.jit
def kernel(x, edge_index, W1, b1, W2, b2):
  pad = EPAD - E
  padv = (jnp.arange(pad, dtype=edge_index.dtype)) % NSINK
  row = jnp.concatenate([edge_index[0], padv]).reshape(NCHP, CH)
  col = jnp.concatenate([edge_index[1], N + padv]).reshape(NCHP, CH)
  degp = _make_deg()(col)
  dpt = degp.reshape(NW, _GRID, _RB).transpose(1, 2, 0)
  u1 = _u1_call(x, W1, dpt)
  part1 = _make_agg(D_HID)(u1, row, col)
  v = _v_call(u1, part1[0], part1[1], dpt, b1.reshape(1, D_HID))
  part2 = _make_agg(D_HID)(v, row, col)
  return _z_call(v, part2[0], part2[1], dpt, b2.reshape(1, D_OUT), W2)

# --- scband reference (transcript-rebuilt; emitter-appended) ---
"""Pipeline reference for scband-gnnvae-28621662060780 (READ-ONLY COPY).

The authoritative reference and input builder live on the scoring server;
editing this copy changes nothing except your own understanding.
"""

import jax, jax.numpy as jnp
import numpy as np

N = 10000
E = 320000
D_IN = 128
D_HID = 128
D_OUT = 64


def setup_inputs(seed: int = 0) -> dict:
    key = jax.random.key(seed)
    k1, k2, k3, k4 = jax.random.split(key, 4)
    x = jax.random.normal(k1, (N, D_IN), dtype=jnp.float32)
    edge_index = jax.random.randint(k2, (2, E), 0, N, dtype=jnp.int32)
    W1 = jax.random.normal(k3, (D_IN, D_HID), dtype=jnp.float32) * (1.0 / np.sqrt(D_IN))
    b1 = jnp.zeros((D_HID,), dtype=jnp.float32)
    W2 = jax.random.normal(k4, (D_HID, D_OUT), dtype=jnp.float32) * (1.0 / np.sqrt(D_HID))
    b2 = jnp.zeros((D_OUT,), dtype=jnp.float32)
    return {"x": x, "edge_index": edge_index, "W1": W1, "b1": b1, "W2": W2, "b2": b2}


def _gcn_conv(x, row, col, W, b, num_nodes):
    # GCNConv: out = D^{-1/2} (A + I) D^{-1/2} X W + b
    xw = x @ W
    deg = jnp.zeros((num_nodes,), dtype=x.dtype).at[col].add(1.0)
    dinv = jnp.where(deg > 0, jax.lax.rsqrt(jnp.maximum(deg, 1e-12)), 0.0)
    norm = dinv[row] * dinv[col]
    msg = xw[row] * norm[:, None]
    out = jax.ops.segment_sum(msg, col, num_segments=num_nodes)
    return out + b


def reference(x, edge_index, W1, b1, W2, b2):
    # encode(): GNNConvIn -> relu -> GNNConvOut -> relu (hidden conv is skipped in encode)
    loop = jnp.arange(N, dtype=edge_index.dtype)
    row = jnp.concatenate([edge_index[0], loop])
    col = jnp.concatenate([edge_index[1], loop])
    h = jax.nn.relu(_gcn_conv(x, row, col, W1, b1, N))
    z = jax.nn.relu(_gcn_conv(h, row, col, W2, b2, N))
    return z

if __name__ == "__main__":
    import jax
    _d = setup_inputs()
    print(jax.jit(kernel)(*tuple(_d.values())))

</pallas_src>

<mosaic_0001>
#map = affine_map<(d0, d1) -> (0, 0)>
#map1 = affine_map<(d0, d1) -> (0)>
module attributes {stable_mosaic.version = 14 : i64} {
  func.func @_deg(%arg0: i32, %arg1: i32, %arg2: memref<2560x128xi32, #tpu.memory_space<hbm>>, %arg3: memref<320000xf32, #tpu.memory_space<hbm>>, %arg4: memref<10128xf32, #tpu.memory_space<vmem>>, %arg5: memref<80x128xi32, #tpu.memory_space<vmem>>) attributes {dimension_semantics = [#tpu.dimension_semantics<core_parallel>, #tpu.dimension_semantics<subcore_parallel>], iteration_bounds = array<i64: 2, 16>, scalar_prefetch = 0 : i64, scratch_operands = 2 : i64, tpu.core_type = #tpu.core_type<sc_vector_subcore>, window_params = [{transform_indices = #map}, {transform_indices = #map1}]} {
    %mul3A = arith.constant 16 : i32
    %mul3A_0 = arith.muli %arg0, %mul3A : i32
    %add3A = arith.addi %mul3A_0, %arg1 : i32
    %mul3A_1 = arith.constant 80 : i32
    %mul3A_2 = arith.muli %add3A, %mul3A_1 : i32
    %multiple_of3A = tpu.assume_multiple %mul3A_2, 8 : i32
    "tpu.region"() ({
      %run_scoped3A = tpu.sem_alloc : memref<!tpu.dma_semaphore, #tpu.memory_space<semaphore_mem>>
      %dma_start3A = arith.constant 0 : i32
      %dma_start3A_18 = tpu.memref_slice %arg2[%multiple_of3A, %dma_start3A] : memref<2560x128xi32, #tpu.memory_space<hbm>> -> memref<80x128xi32, #tpu.memory_space<hbm>>
      %dma_start3A_19 = arith.constant 0 : i32
      %dma_start3A_20 = tpu.memref_slice %arg2[%multiple_of3A, %dma_start3A_19] : memref<2560x128xi32, #tpu.memory_space<hbm>> -> memref<80x128xi32, #tpu.memory_space<hbm>>
      tpu.enqueue_dma source(%dma_start3A_20 : memref<80x128xi32, #tpu.memory_space<hbm>>) target(%arg5 : memref<80x128xi32, #tpu.memory_space<vmem>>) target_semaphore(%run_scoped3A : memref<!tpu.dma_semaphore, #tpu.memory_space<semaphore_mem>>)
      %dma_wait3A = arith.constant 0 : i32
      %dma_wait3A_21 = tpu.memref_slice %arg2[%multiple_of3A, %dma_wait3A] : memref<2560x128xi32, #tpu.memory_space<hbm>> -> memref<80x128xi32, #tpu.memory_space<hbm>>
      %dma_wait3A_22 = arith.constant 0 : i32
      %dma_wait3A_23 = tpu.memref_slice %arg2[%multiple_of3A, %dma_wait3A_22] : memref<2560x128xi32, #tpu.memory_space<hbm>> -> memref<80x128xi32, #tpu.memory_space<hbm>>
      tpu.wait_dma2 semaphore(%run_scoped3A : memref<!tpu.dma_semaphore, #tpu.memory_space<semaphore_mem>>) src(%dma_wait3A_23 : memref<80x128xi32, #tpu.memory_space<hbm>>) dst(%arg5 : memref<80x128xi32, #tpu.memory_space<vmem>>)
      tpu.yield
    }) : () -> ()
    %scan3A = arith.constant 0 : i32
    %scan3A_3 = arith.constant 0 : i32
    %scan3A_4 = arith.constant 633 : i32
    %scan3A_5 = arith.addi %scan3A_3, %scan3A_4 : i32
    %scan3A_6 = arith.constant 1 : i32
    scf.for %scan3A_18 = %scan3A_3 to %scan3A_5 step %scan3A_6  : i32 {
      %broadcast_in_dim3A_19 = arith.constant 0.000000e+00 : f32
      %broadcast_in_dim3A_20 = vector.broadcast %broadcast_in_dim3A_19 : f32 to vector<16xf32>
      %mul3A_21 = arith.constant 16 : i32
      %mul3A_22 = arith.muli %scan3A_18, %mul3A_21 : i32
      %swap3A = arith.index_cast %mul3A_22 : i32 to index
      %swap3A_23 = tpu.vector_load %arg4[%swap3A] {strides = array<i32>} : memref<10128xf32, #tpu.memory_space<vmem>>, vector<16xf32>,
      tpu.vector_store %arg4[%swap3A], %broadcast_in_dim3A_20 {strides = array<i32>} : memref<10128xf32, #tpu.memory_space<vmem>>, vector<16xf32>,
    }
    %scan3A_7 = arith.constant 633 : i32
    %broadcast_in_dim3A = arith.constant 1.000000e+00 : f32
    %broadcast_in_dim3A_8 = vector.broadcast %broadcast_in_dim3A : f32 to vector<16xf32>
    %scan3A_9 = arith.constant 0 : i32
    %scan3A_10 = arith.constant 0 : i32
    %scan3A_11 = arith.constant 80 : i32
    %scan3A_12 = arith.addi %scan3A_10, %scan3A_11 : i32
    %scan3A_13 = arith.constant 1 : i32
    scf.for %scan3A_18 = %scan3A_10 to %scan3A_12 step %scan3A_13  : i32 {
      %scan3A_19 = arith.constant 0 : i32
      %scan3A_20 = arith.constant 8 : i32
      %scan3A_21 = arith.addi %scan3A_19, %scan3A_20 : i32
      %scan3A_22 = arith.constant 1 : i32
      scf.for %scan3A_24 = %scan3A_19 to %scan3A_21 step %scan3A_22  : i32 {
        %mul3A_25 = arith.constant 16 : i32
        %mul3A_26 = arith.muli %scan3A_24, %mul3A_25 : i32
        %get3A = arith.index_cast %scan3A_18 : i32 to index
        %get3A_27 = arith.index_cast %mul3A_26 : i32 to index
        %get3A_28 = tpu.vector_load %arg5[%get3A, %get3A_27] {strides = array<i32>} : memref<80x128xi32, #tpu.memory_space<vmem>>, vector<16xi32>,
        tpu.vector_store_idx %arg4[%get3A_28], %broadcast_in_dim3A_8 {add = true} : memref<10128xf32, #tpu.memory_space<vmem>>[vector<16xi32>], vector<16xf32>,
      }
      %scan3A_23 = arith.constant 8 : i32
    }
    %scan3A_14 = arith.constant 80 : i32
    %mul3A_15 = arith.constant 10000 : i32
    %mul3A_16 = arith.muli %add3A, %mul3A_15 : i32
    %multiple_of3A_17 = tpu.assume_multiple %mul3A_16, 8 : i32
    "tpu.region"() ({
      %run_scoped3A = tpu.sem_alloc : memref<!tpu.dma_semaphore, #tpu.memory_space<semaphore_mem>>
      %dma_start3A = arith.constant 0 : i32
      %dma_start3A_18 = tpu.memref_slice %arg4[%dma_start3A] : memref<10128xf32, #tpu.memory_space<vmem>> -> memref<10000xf32, #tpu.memory_space<vmem>>
      %dma_start3A_19 = tpu.memref_slice %arg3[%multiple_of3A_17] : memref<320000xf32, #tpu.memory_space<hbm>> -> memref<10000xf32, #tpu.memory_space<hbm>>
      %dma_start3A_20 = tpu.memref_slice %arg3[%multiple_of3A_17] : memref<320000xf32, #tpu.memory_space<hbm>> -> memref<10000xf32, #tpu.memory_space<hbm>>
      %dma_start3A_21 = arith.constant 0 : i32
      %dma_start3A_22 = tpu.memref_slice %arg4[%dma_start3A_21] : memref<10128xf32, #tpu.memory_space<vmem>> -> memref<10000xf32, #tpu.memory_space<vmem>>
      tpu.enqueue_dma source(%dma_start3A_22 : memref<10000xf32, #tpu.memory_space<vmem>>) target(%dma_start3A_20 : memref<10000xf32, #tpu.memory_space<hbm>>) target_semaphore(%run_scoped3A : memref<!tpu.dma_semaphore, #tpu.memory_space<semaphore_mem>>)
      %dma_wait3A = arith.constant 0 : i32
      %dma_wait3A_23 = tpu.memref_slice %arg4[%dma_wait3A] : memref<10128xf32, #tpu.memory_space<vmem>> -> memref<10000xf32, #tpu.memory_space<vmem>>
      %dma_wait3A_24 = tpu.memref_slice %arg3[%multiple_of3A_17] : memref<320000xf32, #tpu.memory_space<hbm>> -> memref<10000xf32, #tpu.memory_space<hbm>>
      %dma_wait3A_25 = tpu.memref_slice %arg3[%multiple_of3A_17] : memref<320000xf32, #tpu.memory_space<hbm>> -> memref<10000xf32, #tpu.memory_space<hbm>>
      %dma_wait3A_26 = arith.constant 0 : i32
      %dma_wait3A_27 = tpu.memref_slice %arg4[%dma_wait3A_26] : memref<10128xf32, #tpu.memory_space<vmem>> -> memref<10000xf32, #tpu.memory_space<vmem>>
      tpu.wait_dma2 semaphore(%run_scoped3A : memref<!tpu.dma_semaphore, #tpu.memory_space<semaphore_mem>>) src(%dma_wait3A_27 : memref<10000xf32, #tpu.memory_space<vmem>>) dst(%dma_wait3A_25 : memref<10000xf32, #tpu.memory_space<hbm>>)
      tpu.yield
    }) : () -> ()
    return
  }
}

#map = affine_map<(d0, d1) -> (0, 0)>
#map1 = affine_map<(d0, d1) -> (0, 0, 0)>
module attributes {stable_mosaic.version = 14 : i64} {
  func.func @_agg(%arg0: i32, %arg1: i32, %arg2: memref<10000x128xf32, #tpu.memory_space<hbm>>, %arg3: memref<2560x128xi32, #tpu.memory_space<hbm>>, %arg4: memref<2560x128xi32, #tpu.memory_space<hbm>>, %arg5: memref<2x10000x128xf32, #tpu.memory_space<hbm>>, %arg6: memref<128x128xf32, #tpu.memory_space<vmem>>, %arg7: memref<128x128xf32, #tpu.memory_space<vmem>>, %arg8: memref<40x128xi32, #tpu.memory_space<vmem>>, %arg9: memref<40x128xi32, #tpu.memory_space<vmem>>, %arg10: memref<1x128xi32, #tpu.memory_space<vmem>>, %arg11: memref<10128x128xf32, #tpu.memory_space<vmem_shared>>, %arg12: memref<!tpu.dma_semaphore, #tpu.memory_space<semaphore_mem>>, %arg13: memref<!tpu.dma_semaphore, #tpu.memory_space<semaphore_mem>>) attributes {dimension_semantics = [#tpu.dimension_semantics<core_parallel>, #tpu.dimension_semantics<subcore_parallel>], iteration_bounds = array<i64: 2, 16>, scalar_prefetch = 0 : i64, scratch_operands = 8 : i64, tpu.core_type = #tpu.core_type<sc_vector_subcore>, window_params = [{transform_indices = #map}, {transform_indices = #map}, {transform_indices = #map}, {transform_indices = #map1}]} {
    %mul3A = arith.constant 16 : i32
    %mul3A_0 = arith.muli %arg0, %mul3A : i32
    %add3A = arith.addi %mul3A_0, %arg1 : i32
    %mul3A_1 = arith.constant 80 : i32
    %mul3A_2 = arith.muli %add3A, %mul3A_1 : i32
    %multiple_of3A = tpu.assume_multiple %mul3A_2, 8 : i32
    %scan3A = arith.constant 0 : i32
    %scan3A_3 = arith.constant 0 : i32
    %scan3A_4 = arith.constant 128 : i32
    %scan3A_5 = arith.addi %scan3A_3, %scan3A_4 : i32
    %scan3A_6 = arith.constant 1 : i32
    scf.for %scan3A_210 = %scan3A_3 to %scan3A_5 step %scan3A_6  : i32 {
      %scan3A_211 = arith.constant 0 : i32
      %scan3A_212 = arith.constant 8 : i32
      %scan3A_213 = arith.addi %scan3A_211, %scan3A_212 : i32
      %scan3A_214 = arith.constant 1 : i32
      scf.for %scan3A_216 = %scan3A_211 to %scan3A_213 step %scan3A_214  : i32 {
        %broadcast_in_dim3A = arith.constant 0.000000e+00 : f32
        %broadcast_in_dim3A_217 = vector.broadcast %broadcast_in_dim3A : f32 to vector<16xf32>
        %mul3A_218 = arith.constant 16 : i32
        %mul3A_219 = arith.muli %scan3A_216, %mul3A_218 : i32
        %swap3A = arith.index_cast %scan3A_210 : i32 to index
        %swap3A_220 = arith.index_cast %mul3A_219 : i32 to index
        %swap3A_221 = tpu.vector_load %arg6[%swap3A, %swap3A_220] {strides = array<i32>} : memref<128x128xf32, #tpu.memory_space<vmem>>, vector<16xf32>,
        tpu.vector_store %arg6[%swap3A, %swap3A_220], %broadcast_in_dim3A_217 {strides = array<i32>} : memref<128x128xf32, #tpu.memory_space<vmem>>, vector<16xf32>,
      }
      %scan3A_215 = arith.constant 8 : i32
    }
    %scan3A_7 = arith.constant 128 : i32
    %mul3A_8 = arith.constant 624 : i32
    %mul3A_9 = arith.muli %arg1, %mul3A_8 : i32
    %add3A_10 = arith.constant 0 : i32
    %add3A_11 = arith.addi %mul3A_9, %add3A_10 : i32
    %multiple_of3A_12 = tpu.assume_multiple %add3A_11, 8 : i32
    "tpu.region"() ({
      %run_scoped3A_210 = tpu.sem_alloc : memref<!tpu.dma_semaphore, #tpu.memory_space<semaphore_mem>>
      %dma_start3A_211 = arith.constant 0 : i32
      %dma_start3A_212 = tpu.memref_slice %arg11[%multiple_of3A_12, %dma_start3A_211] : memref<10128x128xf32, #tpu.memory_space<vmem_shared>> -> memref<128x128xf32, #tpu.memory_space<vmem_shared>>
      %dma_start3A_213 = arith.constant 0 : i32
      %dma_start3A_214 = tpu.memref_slice %arg11[%multiple_of3A_12, %dma_start3A_213] : memref<10128x128xf32, #tpu.memory_space<vmem_shared>> -> memref<128x128xf32, #tpu.memory_space<vmem_shared>>
      tpu.enqueue_dma source(%arg6 : memref<128x128xf32, #tpu.memory_space<vmem>>) target(%dma_start3A_214 : memref<128x128xf32, #tpu.memory_space<vmem_shared>>) target_semaphore(%run_scoped3A_210 : memref<!tpu.dma_semaphore, #tpu.memory_space<semaphore_mem>>)
      %dma_wait3A_215 = arith.constant 0 : i32
      %dma_wait3A_216 = tpu.memref_slice %arg11[%multiple_of3A_12, %dma_wait3A_215] : memref<10128x128xf32, #tpu.memory_space<vmem_shared>> -> memref<128x128xf32, #tpu.memory_space<vmem_shared>>
      %dma_wait3A_217 = arith.constant 0 : i32
      %dma_wait3A_218 = tpu.memref_slice %arg11[%multiple_of3A_12, %dma_wait3A_217] : memref<10128x128xf32, #tpu.memory_space<vmem_shared>> -> memref<128x128xf32, #tpu.memory_space<vmem_shared>>
      tpu.wait_dma2 semaphore(%run_scoped3A_210 : memref<!tpu.dma_semaphore, #tpu.memory_space<semaphore_mem>>) src(%arg6 : memref<128x128xf32, #tpu.memory_space<vmem>>) dst(%dma_wait3A_218 : memref<128x128xf32, #tpu.memory_space<vmem_shared>>)
      tpu.yield
    }) : () -> ()
    %mul3A_13 = arith.constant 624 : i32
    %mul3A_14 = arith.muli %arg1, %mul3A_13 : i32
    %add3A_15 = arith.constant 128 : i32
    %add3A_16 = arith.addi %mul3A_14, %add3A_15 : i32
    %multiple_of3A_17 = tpu.assume_multiple %add3A_16, 8 : i32
    "tpu.region"() ({
      %run_scoped3A_210 = tpu.sem_alloc : memref<!tpu.dma_semaphore, #tpu.memory_space<semaphore_mem>>
      %dma_start3A_211 = arith.constant 0 : i32
      %dma_start3A_212 = tpu.memref_slice %arg11[%multiple_of3A_17, %dma_start3A_211] : memref<10128x128xf32, #tpu.memory_space<vmem_shared>> -> memref<128x128xf32, #tpu.memory_space<vmem_shared>>
      %dma_start3A_213 = arith.constant 0 : i32
      %dma_start3A_214 = tpu.memref_slice %arg11[%multiple_of3A_17, %dma_start3A_213] : memref<10128x128xf32, #tpu.memory_space<vmem_shared>> -> memref<128x128xf32, #tpu.memory_space<vmem_shared>>
      tpu.enqueue_dma source(%arg6 : memref<128x128xf32, #tpu.memory_space<vmem>>) target(%dma_start3A_214 : memref<128x128xf32, #tpu.memory_space<vmem_shared>>) target_semaphore(%run_scoped3A_210 : memref<!tpu.dma_semaphore, #tpu.memory_space<semaphore_mem>>)
      %dma_wait3A_215 = arith.constant 0 : i32
      %dma_wait3A_216 = tpu.memref_slice %arg11[%multiple_of3A_17, %dma_wait3A_215] : memref<10128x128xf32, #tpu.memory_space<vmem_shared>> -> memref<128x128xf32, #tpu.memory_space<vmem_shared>>
      %dma_wait3A_217 = arith.constant 0 : i32
      %dma_wait3A_218 = tpu.memref_slice %arg11[%multiple_of3A_17, %dma_wait3A_217] : memref<10128x128xf32, #tpu.memory_space<vmem_shared>> -> memref<128x128xf32, #tpu.memory_space<vmem_shared>>
      tpu.wait_dma2 semaphore(%run_scoped3A_210 : memref<!tpu.dma_semaphore, #tpu.memory_space<semaphore_mem>>) src(%arg6 : memref<128x128xf32, #tpu.memory_space<vmem>>) dst(%dma_wait3A_218 : memref<128x128xf32, #tpu.memory_space<vmem_shared>>)
      tpu.yield
    }) : () -> ()
    %mul3A_18 = arith.constant 624 : i32
    %mul3A_19 = arith.muli %arg1, %mul3A_18 : i32
    %add3A_20 = arith.constant 256 : i32
    %add3A_21 = arith.addi %mul3A_19, %add3A_20 : i32
    %multiple_of3A_22 = tpu.assume_multiple %add3A_21, 8 : i32
    "tpu.region"() ({
      %run_scoped3A_210 = tpu.sem_alloc : memref<!tpu.dma_semaphore, #tpu.memory_space<semaphore_mem>>
      %dma_start3A_211 = arith.constant 0 : i32
      %dma_start3A_212 = tpu.memref_slice %arg11[%multiple_of3A_22, %dma_start3A_211] : memref<10128x128xf32, #tpu.memory_space<vmem_shared>> -> memref<128x128xf32, #tpu.memory_space<vmem_shared>>
      %dma_start3A_213 = arith.constant 0 : i32
      %dma_start3A_214 = tpu.memref_slice %arg11[%multiple_of3A_22, %dma_start3A_213] : memref<10128x128xf32, #tpu.memory_space<vmem_shared>> -> memref<128x128xf32, #tpu.memory_space<vmem_shared>>
      tpu.enqueue_dma source(%arg6 : memref<128x128xf32, #tpu.memory_space<vmem>>) target(%dma_start3A_214 : memref<128x128xf32, #tpu.memory_space<vmem_shared>>) target_semaphore(%run_scoped3A_210 : memref<!tpu.dma_semaphore, #tpu.memory_space<semaphore_mem>>)
      %dma_wait3A_215 = arith.constant 0 : i32
      %dma_wait3A_216 = tpu.memref_slice %arg11[%multiple_of3A_22, %dma_wait3A_215] : memref<10128x128xf32, #tpu.memory_space<vmem_shared>> -> memref<128x128xf32, #tpu.memory_space<vmem_shared>>
      %dma_wait3A_217 = arith.constant 0 : i32
      %dma_wait3A_218 = tpu.memref_slice %arg11[%multiple_of3A_22, %dma_wait3A_217] : memref<10128x128xf32, #tpu.memory_space<vmem_shared>> -> memref<128x128xf32, #tpu.memory_space<vmem_shared>>
      tpu.wait_dma2 semaphore(%run_scoped3A_210 : memref<!tpu.dma_semaphore, #tpu.memory_space<semaphore_mem>>) src(%arg6 : memref<128x128xf32, #tpu.memory_space<vmem>>) dst(%dma_wait3A_218 : memref<128x128xf32, #tpu.memory_space<vmem_shared>>)
      tpu.yield
    }) : () -> ()
    %mul3A_23 = arith.constant 624 : i32
    %mul3A_24 = arith.muli %arg1, %mul3A_23 : i32
    %add3A_25 = arith.constant 384 : i32
    %add3A_26 = arith.addi %mul3A_24, %add3A_25 : i32
    %multiple_of3A_27 = tpu.assume_multiple %add3A_26, 8 : i32
    "tpu.region"() ({
      %run_scoped3A_210 = tpu.sem_alloc : memref<!tpu.dma_semaphore, #tpu.memory_space<semaphore_mem>>
      %dma_start3A_211 = arith.constant 0 : i32
      %dma_start3A_212 = tpu.memref_slice %arg11[%multiple_of3A_27, %dma_start3A_211] : memref<10128x128xf32, #tpu.memory_space<vmem_shared>> -> memref<128x128xf32, #tpu.memory_space<vmem_shared>>
      %dma_start3A_213 = arith.constant 0 : i32
      %dma_start3A_214 = tpu.memref_slice %arg11[%multiple_of3A_27, %dma_start3A_213] : memref<10128x128xf32, #tpu.memory_space<vmem_shared>> -> memref<128x128xf32, #tpu.memory_space<vmem_shared>>
      tpu.enqueue_dma source(%arg6 : memref<128x128xf32, #tpu.memory_space<vmem>>) target(%dma_start3A_214 : memref<128x128xf32, #tpu.memory_space<vmem_shared>>) target_semaphore(%run_scoped3A_210 : memref<!tpu.dma_semaphore, #tpu.memory_space<semaphore_mem>>)
      %dma_wait3A_215 = arith.constant 0 : i32
      %dma_wait3A_216 = tpu.memref_slice %arg11[%multiple_of3A_27, %dma_wait3A_215] : memref<10128x128xf32, #tpu.memory_space<vmem_shared>> -> memref<128x128xf32, #tpu.memory_space<vmem_shared>>
      %dma_wait3A_217 = arith.constant 0 : i32
      %dma_wait3A_218 = tpu.memref_slice %arg11[%multiple_of3A_27, %dma_wait3A_217] : memref<10128x128xf32, #tpu.memory_space<vmem_shared>> -> memref<128x128xf32, #tpu.memory_space<vmem_shared>>
      tpu.wait_dma2 semaphore(%run_scoped3A_210 : memref<!tpu.dma_semaphore, #tpu.memory_space<semaphore_mem>>) src(%arg6 : memref<128x128xf32, #tpu.memory_space<vmem>>) dst(%dma_wait3A_218 : memref<128x128xf32, #tpu.memory_space<vmem_shared>>)
      tpu.yield
    }) : () -> ()
    %mul3A_28 = arith.constant 624 : i32
    %mul3A_29 = arith.muli %arg1, %mul3A_28 : i32
    %add3A_30 = arith.constant 512 : i32
    %add3A_31 = arith.addi %mul3A_29, %add3A_30 : i32
    %multiple_of3A_32 = tpu.assume_multiple %add3A_31, 8 : i32
    "tpu.region"() ({
      %run_scoped3A_210 = tpu.sem_alloc : memref<!tpu.dma_semaphore, #tpu.memory_space<semaphore_mem>>
      %dma_start3A_211 = arith.constant 0 : i32
      %dma_start3A_212 = tpu.memref_slice %arg11[%multiple_of3A_32, %dma_start3A_211] : memref<10128x128xf32, #tpu.memory_space<vmem_shared>> -> memref<128x128xf32, #tpu.memory_space<vmem_shared>>
      %dma_start3A_213 = arith.constant 0 : i32
      %dma_start3A_214 = tpu.memref_slice %arg11[%multiple_of3A_32, %dma_start3A_213] : memref<10128x128xf32, #tpu.memory_space<vmem_shared>> -> memref<128x128xf32, #tpu.memory_space<vmem_shared>>
      tpu.enqueue_dma source(%arg6 : memref<128x128xf32, #tpu.memory_space<vmem>>) target(%dma_start3A_214 : memref<128x128xf32, #tpu.memory_space<vmem_shared>>) target_semaphore(%run_scoped3A_210 : memref<!tpu.dma_semaphore, #tpu.memory_space<semaphore_mem>>)
      %dma_wait3A_215 = arith.constant 0 : i32
      %dma_wait3A_216 = tpu.memref_slice %arg11[%multiple_of3A_32, %dma_wait3A_215] : memref<10128x128xf32, #tpu.memory_space<vmem_shared>> -> memref<128x128xf32, #tpu.memory_space<vmem_shared>>
      %dma_wait3A_217 = arith.constant 0 : i32
      %dma_wait3A_218 = tpu.memref_slice %arg11[%multiple_of3A_32, %dma_wait3A_217] : memref<10128x128xf32, #tpu.memory_space<vmem_shared>> -> memref<128x128xf32, #tpu.memory_space<vmem_shared>>
      tpu.wait_dma2 semaphore(%run_scoped3A_210 : memref<!tpu.dma_semaphore, #tpu.memory_space<semaphore_mem>>) src(%arg6 : memref<128x128xf32, #tpu.memory_space<vmem>>) dst(%dma_wait3A_218 : memref<128x128xf32, #tpu.memory_space<vmem_shared>>)
      tpu.yield
    }) : () -> ()
    %barrier3A = arith.constant 0 : index
    tpu.barrier barrier_id(%barrier3A)
    %add3A_33 = arith.constant 0 : i32
    %add3A_34 = arith.addi %multiple_of3A, %add3A_33 : i32
    %multiple_of3A_35 = tpu.assume_multiple %add3A_34, 8 : i32
    "tpu.region"() ({
      %run_scoped3A_210 = tpu.sem_alloc : memref<!tpu.dma_semaphore, #tpu.memory_space<semaphore_mem>>
      %dma_start3A_211 = arith.constant 0 : i32
      %dma_start3A_212 = tpu.memref_slice %arg3[%multiple_of3A_35, %dma_start3A_211] : memref<2560x128xi32, #tpu.memory_space<hbm>> -> memref<40x128xi32, #tpu.memory_space<hbm>>
      %dma_start3A_213 = arith.constant 0 : i32
      %dma_start3A_214 = tpu.memref_slice %arg3[%multiple_of3A_35, %dma_start3A_213] : memref<2560x128xi32, #tpu.memory_space<hbm>> -> memref<40x128xi32, #tpu.memory_space<hbm>>
      tpu.enqueue_dma source(%dma_start3A_214 : memref<40x128xi32, #tpu.memory_space<hbm>>) target(%arg8 : memref<40x128xi32, #tpu.memory_space<vmem>>) target_semaphore(%run_scoped3A_210 : memref<!tpu.dma_semaphore, #tpu.memory_space<semaphore_mem>>)
      %dma_wait3A_215 = arith.constant 0 : i32
      %dma_wait3A_216 = tpu.memref_slice %arg3[%multiple_of3A_35, %dma_wait3A_215] : memref<2560x128xi32, #tpu.memory_space<hbm>> -> memref<40x128xi32, #tpu.memory_space<hbm>>
      %dma_wait3A_217 = arith.constant 0 : i32
      %dma_wait3A_218 = tpu.memref_slice %arg3[%multiple_of3A_35, %dma_wait3A_217] : memref<2560x128xi32, #tpu.memory_space<hbm>> -> memref<40x128xi32, #tpu.memory_space<hbm>>
      tpu.wait_dma2 semaphore(%run_scoped3A_210 : memref<!tpu.dma_semaphore, #tpu.memory_space<semaphore_mem>>) src(%dma_wait3A_218 : memref<40x128xi32, #tpu.memory_space<hbm>>) dst(%arg8 : memref<40x128xi32, #tpu.memory_space<vmem>>)
      tpu.yield
    }) : () -> ()
    "tpu.region"() ({
      %run_scoped3A_210 = tpu.sem_alloc : memref<!tpu.dma_semaphore, #tpu.memory_space<semaphore_mem>>
      %dma_start3A_211 = arith.constant 0 : i32
      %dma_start3A_212 = tpu.memref_slice %arg4[%multiple_of3A_35, %dma_start3A_211] : memref<2560x128xi32, #tpu.memory_space<hbm>> -> memref<40x128xi32, #tpu.memory_space<hbm>>
      %dma_start3A_213 = arith.constant 0 : i32
      %dma_start3A_214 = tpu.memref_slice %arg4[%multiple_of3A_35, %dma_start3A_213] : memref<2560x128xi32, #tpu.memory_space<hbm>> -> memref<40x128xi32, #tpu.memory_space<hbm>>
      tpu.enqueue_dma source(%dma_start3A_214 : memref<40x128xi32, #tpu.memory_space<hbm>>) target(%arg9 : memref<40x128xi32, #tpu.memory_space<vmem>>) target_semaphore(%run_scoped3A_210 : memref<!tpu.dma_semaphore, #tpu.memory_space<semaphore_mem>>)
      %dma_wait3A_215 = arith.constant 0 : i32
      %dma_wait3A_216 = tpu.memref_slice %arg4[%multiple_of3A_35, %dma_wait3A_215] : memref<2560x128xi32, #tpu.memory_space<hbm>> -> memref<40x128xi32, #tpu.memory_space<hbm>>
      %dma_wait3A_217 = arith.constant 0 : i32
      %dma_wait3A_218 = tpu.memref_slice %arg4[%multiple_of3A_35, %dma_wait3A_217] : memref<2560x128xi32, #tpu.memory_space<hbm>> -> memref<40x128xi32, #tpu.memory_space<hbm>>
      tpu.wait_dma2 semaphore(%run_scoped3A_210 : memref<!tpu.dma_semaphore, #tpu.memory_space<semaphore_mem>>) src(%dma_wait3A_218 : memref<40x128xi32, #tpu.memory_space<hbm>>) dst(%arg9 : memref<40x128xi32, #tpu.memory_space<vmem>>)
      tpu.yield
    }) : () -> ()
    %dma_start3A = arith.constant 0 : i32
    %dma_start3A_36 = arith.constant 0 : i32
    %dma_start3A_37 = arith.constant 0 : i32
    %dma_start3A_38 = tpu.memref_slice %arg6[%dma_start3A_36, %dma_start3A_37] : memref<128x128xf32, #tpu.memory_space<vmem>> -> memref<64x128xf32, #tpu.memory_space<vmem>>
    %dma_start3A_39 = arith.constant 0 : i32
    %dma_start3A_40 = tpu.memref_slice %arg8[%dma_start3A, %dma_start3A_39] : memref<40x128xi32, #tpu.memory_space<vmem>> -> memref<1x64xi32, #tpu.memory_space<vmem>>
    %dma_start3A_41 = tpu.memref_squeeze %dma_start3A_40 : memref<1x64xi32, #tpu.memory_space<vmem>> -> memref<64xi32, #tpu.memory_space<vmem>>
    %dma_start3A_42 = arith.constant 0 : i32
    %dma_start3A_43 = arith.constant 0 : i32
    %dma_start3A_44 = tpu.memref_slice %arg2[%dma_start3A_42, %dma_start3A_43] : memref<10000x128xf32, #tpu.memory_space<hbm>> -> memref<10000x128xf32, #tpu.memory_space<hbm>>
    tpu.enqueue_indirect_dma source(%dma_start3A_44 : memref<10000x128xf32, #tpu.memory_space<hbm>>) target(%dma_start3A_38 : memref<64x128xf32, #tpu.memory_space<vmem>>) offsets(%dma_start3A_41 : memref<64xi32, #tpu.memory_space<vmem>>) semaphore(%arg12 : memref<!tpu.dma_semaphore, #tpu.memory_space<semaphore_mem>>)
    %dma_start3A_45 = arith.constant 0 : i32
    %dma_start3A_46 = arith.constant 64 : i32
    %dma_start3A_47 = arith.constant 0 : i32
    %dma_start3A_48 = tpu.memref_slice %arg6[%dma_start3A_46, %dma_start3A_47] : memref<128x128xf32, #tpu.memory_space<vmem>> -> memref<64x128xf32, #tpu.memory_space<vmem>>
    %dma_start3A_49 = arith.constant 64 : i32
    %dma_start3A_50 = tpu.memref_slice %arg8[%dma_start3A_45, %dma_start3A_49] : memref<40x128xi32, #tpu.memory_space<vmem>> -> memref<1x64xi32, #tpu.memory_space<vmem>>
    %dma_start3A_51 = tpu.memref_squeeze %dma_start3A_50 : memref<1x64xi32, #tpu.memory_space<vmem>> -> memref<64xi32, #tpu.memory_space<vmem>>
    %dma_start3A_52 = arith.constant 0 : i32
    %dma_start3A_53 = arith.constant 0 : i32
    %dma_start3A_54 = tpu.memref_slice %arg2[%dma_start3A_52, %dma_start3A_53] : memref<10000x128xf32, #tpu.memory_space<hbm>> -> memref<10000x128xf32, #tpu.memory_space<hbm>>
    tpu.enqueue_indirect_dma source(%dma_start3A_54 : memref<10000x128xf32, #tpu.memory_space<hbm>>) target(%dma_start3A_48 : memref<64x128xf32, #tpu.memory_space<vmem>>) offsets(%dma_start3A_51 : memref<64xi32, #tpu.memory_space<vmem>>) semaphore(%arg12 : memref<!tpu.dma_semaphore, #tpu.memory_space<semaphore_mem>>)
    %dma_start3A_55 = arith.constant 1 : i32
    %dma_start3A_56 = arith.constant 0 : i32
    %dma_start3A_57 = arith.constant 0 : i32
    %dma_start3A_58 = tpu.memref_slice %arg7[%dma_start3A_56, %dma_start3A_57] : memref<128x128xf32, #tpu.memory_space<vmem>> -> memref<64x128xf32, #tpu.memory_space<vmem>>
    %dma_start3A_59 = arith.constant 0 : i32
    %dma_start3A_60 = tpu.memref_slice %arg8[%dma_start3A_55, %dma_start3A_59] : memref<40x128xi32, #tpu.memory_space<vmem>> -> memref<1x64xi32, #tpu.memory_space<vmem>>
    %dma_start3A_61 = tpu.memref_squeeze %dma_start3A_60 : memref<1x64xi32, #tpu.memory_space<vmem>> -> memref<64xi32, #tpu.memory_space<vmem>>
    %dma_start3A_62 = arith.constant 0 : i32
    %dma_start3A_63 = arith.constant 0 : i32
    %dma_start3A_64 = tpu.memref_slice %arg2[%dma_start3A_62, %dma_start3A_63] : memref<10000x128xf32, #tpu.memory_space<hbm>> -> memref<10000x128xf32, #tpu.memory_space<hbm>>
    tpu.enqueue_indirect_dma source(%dma_start3A_64 : memref<10000x128xf32, #tpu.memory_space<hbm>>) target(%dma_start3A_58 : memref<64x128xf32, #tpu.memory_space<vmem>>) offsets(%dma_start3A_61 : memref<64xi32, #tpu.memory_space<vmem>>) semaphore(%arg13 : memref<!tpu.dma_semaphore, #tpu.memory_space<semaphore_mem>>)
    %dma_start3A_65 = arith.constant 1 : i32
    %dma_start3A_66 = arith.constant 64 : i32
    %dma_start3A_67 = arith.constant 0 : i32
    %dma_start3A_68 = tpu.memref_slice %arg7[%dma_start3A_66, %dma_start3A_67] : memref<128x128xf32, #tpu.memory_space<vmem>> -> memref<64x128xf32, #tpu.memory_space<vmem>>
    %dma_start3A_69 = arith.constant 64 : i32
    %dma_start3A_70 = tpu.memref_slice %arg8[%dma_start3A_65, %dma_start3A_69] : memref<40x128xi32, #tpu.memory_space<vmem>> -> memref<1x64xi32, #tpu.memory_space<vmem>>
    %dma_start3A_71 = tpu.memref_squeeze %dma_start3A_70 : memref<1x64xi32, #tpu.memory_space<vmem>> -> memref<64xi32, #tpu.memory_space<vmem>>
    %dma_start3A_72 = arith.constant 0 : i32
    %dma_start3A_73 = arith.constant 0 : i32
    %dma_start3A_74 = tpu.memref_slice %arg2[%dma_start3A_72, %dma_start3A_73] : memref<10000x128xf32, #tpu.memory_space<hbm>> -> memref<10000x128xf32, #tpu.memory_space<hbm>>
    tpu.enqueue_indirect_dma source(%dma_start3A_74 : memref<10000x128xf32, #tpu.memory_space<hbm>>) target(%dma_start3A_68 : memref<64x128xf32, #tpu.memory_space<vmem>>) offsets(%dma_start3A_71 : memref<64xi32, #tpu.memory_space<vmem>>) semaphore(%arg13 : memref<!tpu.dma_semaphore, #tpu.memory_space<semaphore_mem>>)
    %scan3A_75 = arith.constant 0 : i32
    %scan3A_76 = arith.constant 0 : i32
    %scan3A_77 = arith.constant 19 : i32
    %scan3A_78 = arith.addi %scan3A_76, %scan3A_77 : i32
    %scan3A_79 = arith.constant 1 : i32
    scf.for %scan3A_210 = %scan3A_76 to %scan3A_78 step %scan3A_79  : i32 {
      %mul3A_211 = arith.constant 2 : i32
      %mul3A_212 = arith.muli %scan3A_210, %mul3A_211 : i32
      %scan3A_213 = arith.constant 0 : i32
      %scan3A_214 = arith.constant 0 : i32
      %scan3A_215 = arith.constant 8 : i32
      %scan3A_216 = arith.addi %scan3A_214, %scan3A_215 : i32
      %scan3A_217 = arith.constant 1 : i32
      scf.for %scan3A_283 = %scan3A_214 to %scan3A_216 step %scan3A_217  : i32 {
        %mul3A_284 = arith.constant 16 : i32
        %mul3A_285 = arith.muli %scan3A_283, %mul3A_284 : i32
        %get3A = arith.index_cast %mul3A_212 : i32 to index
        %get3A_286 = arith.index_cast %mul3A_285 : i32 to index
        %get3A_287 = tpu.vector_load %arg9[%get3A, %get3A_286] {strides = array<i32>} : memref<40x128xi32, #tpu.memory_space<vmem>>, vector<16xi32>,
        %mul3A_288 = arith.constant 16 : i32
        %mul3A_289 = arith.muli %scan3A_283, %mul3A_288 : i32
        %swap3A = arith.constant 0 : i32
        %swap3A_290 = arith.index_cast %swap3A : i32 to index
        %swap3A_291 = arith.index_cast %mul3A_289 : i32 to index
        %swap3A_292 = tpu.vector_load %arg10[%swap3A_290, %swap3A_291] {strides = array<i32>} : memref<1x128xi32, #tpu.memory_space<vmem>>, vector<16xi32>,
        tpu.vector_store %arg10[%swap3A_290, %swap3A_291], %get3A_287 {strides = array<i32>} : memref<1x128xi32, #tpu.memory_space<vmem>>, vector<16xi32>,
      }
      %scan3A_218 = arith.constant 8 : i32
      %dma_wait3A_219 = arith.constant 0 : i32
      %dma_wait3A_220 = arith.constant 0 : i32
      %dma_wait3A_221 = tpu.memref_slice %arg8[%dma_wait3A_219, %dma_wait3A_220] : memref<40x128xi32, #tpu.memory_space<vmem>> -> memref<1x128xi32, #tpu.memory_space<vmem>>
      %dma_wait3A_222 = tpu.memref_squeeze %dma_wait3A_221 : memref<1x128xi32, #tpu.memory_space<vmem>> -> memref<128xi32, #tpu.memory_space<vmem>>
      %dma_wait3A_223 = arith.constant 0 : i32
      %dma_wait3A_224 = arith.constant 0 : i32
      %dma_wait3A_225 = tpu.memref_slice %arg2[%dma_wait3A_223, %dma_wait3A_224] : memref<10000x128xf32, #tpu.memory_space<hbm>> -> memref<10000x128xf32, #tpu.memory_space<hbm>>
      tpu.wait_indirect_dma semaphore(%arg12 : memref<!tpu.dma_semaphore, #tpu.memory_space<semaphore_mem>>) src(%dma_wait3A_225 : memref<10000x128xf32, #tpu.memory_space<hbm>>) dst(%arg6 : memref<128x128xf32, #tpu.memory_space<vmem>>)
      %run_scoped3A_226 = arith.constant 0 : i32
      "tpu.region"() ({
        %run_scoped3A_283 = tpu.sem_alloc : memref<!tpu.dma_semaphore, #tpu.memory_space<semaphore_mem>>
        %dma_start3A_284 = arith.constant 0 : i32
        %dma_start3A_285 = tpu.memref_slice %arg10[%run_scoped3A_226, %dma_start3A_284] : memref<1x128xi32, #tpu.memory_space<vmem>> -> memref<1x128xi32, #tpu.memory_space<vmem>>
        %dma_start3A_286 = tpu.memref_squeeze %dma_start3A_285 : memref<1x128xi32, #tpu.memory_space<vmem>> -> memref<128xi32, #tpu.memory_space<vmem>>
        %dma_start3A_287 = arith.constant 0 : i32
        %dma_start3A_288 = arith.constant 0 : i32
        %dma_start3A_289 = tpu.memref_slice %arg11[%dma_start3A_287, %dma_start3A_288] : memref<10128x128xf32, #tpu.memory_space<vmem_shared>> -> memref<10128x128xf32, #tpu.memory_space<vmem_shared>>
        tpu.enqueue_indirect_dma source(%arg6 : memref<128x128xf32, #tpu.memory_space<vmem>>) target(%dma_start3A_289 : memref<10128x128xf32, #tpu.memory_space<vmem_shared>>) offsets(%dma_start3A_286 : memref<128xi32, #tpu.memory_space<vmem>>) semaphore(%run_scoped3A_283 : memref<!tpu.dma_semaphore, #tpu.memory_space<semaphore_mem>>) {add = true}
        %dma_wait3A_290 = arith.constant 0 : i32
        %dma_wait3A_291 = tpu.memref_slice %arg10[%run_scoped3A_226, %dma_wait3A_290] : memref<1x128xi32, #tpu.memory_space<vmem>> -> memref<1x128xi32, #tpu.memory_space<vmem>>
        %dma_wait3A_292 = tpu.memref_squeeze %dma_wait3A_291 : memref<1x128xi32, #tpu.memory_space<vmem>> -> memref<128xi32, #tpu.memory_space<vmem>>
        %dma_wait3A_293 = arith.constant 0 : i32
        %dma_wait3A_294 = arith.constant 0 : i32
        %dma_wait3A_295 = tpu.memref_slice %arg11[%dma_wait3A_293, %dma_wait3A_294] : memref<10128x128xf32, #tpu.memory_space<vmem_shared>> -> memref<10128x128xf32, #tpu.memory_space<vmem_shared>>
        tpu.wait_indirect_dma semaphore(%run_scoped3A_283 : memref<!tpu.dma_semaphore, #tpu.memory_space<semaphore_mem>>) src(%arg6 : memref<128x128xf32, #tpu.memory_space<vmem>>) dst(%dma_wait3A_295 : memref<10128x128xf32, #tpu.memory_space<vmem_shared>>)
        tpu.yield
      }) : () -> ()
      %add3A_227 = arith.constant 2 : i32
      %add3A_228 = arith.addi %mul3A_212, %add3A_227 : i32
      %dma_start3A_229 = arith.constant 0 : i32
      %dma_start3A_230 = arith.constant 0 : i32
      %dma_start3A_231 = tpu.memref_slice %arg6[%dma_start3A_229, %dma_start3A_230] : memref<128x128xf32, #tpu.memory_space<vmem>> -> memref<64x128xf32, #tpu.memory_space<vmem>>
      %dma_start3A_232 = arith.constant 0 : i32
      %dma_start3A_233 = tpu.memref_slice %arg8[%add3A_228, %dma_start3A_232] : memref<40x128xi32, #tpu.memory_space<vmem>> -> memref<1x64xi32, #tpu.memory_space<vmem>>
      %dma_start3A_234 = tpu.memref_squeeze %dma_start3A_233 : memref<1x64xi32, #tpu.memory_space<vmem>> -> memref<64xi32, #tpu.memory_space<vmem>>
      %dma_start3A_235 = arith.constant 0 : i32
      %dma_start3A_236 = arith.constant 0 : i32
      %dma_start3A_237 = tpu.memref_slice %arg2[%dma_start3A_235, %dma_start3A_236] : memref<10000x128xf32, #tpu.memory_space<hbm>> -> memref<10000x128xf32, #tpu.memory_space<hbm>>
      tpu.enqueue_indirect_dma source(%dma_start3A_237 : memref<10000x128xf32, #tpu.memory_space<hbm>>) target(%dma_start3A_231 : memref<64x128xf32, #tpu.memory_space<vmem>>) offsets(%dma_start3A_234 : memref<64xi32, #tpu.memory_space<vmem>>) semaphore(%arg12 : memref<!tpu.dma_semaphore, #tpu.memory_space<semaphore_mem>>)
      %dma_start3A_238 = arith.constant 64 : i32
      %dma_start3A_239 = arith.constant 0 : i32
      %dma_start3A_240 = tpu.memref_slice %arg6[%dma_start3A_238, %dma_start3A_239] : memref<128x128xf32, #tpu.memory_space<vmem>> -> memref<64x128xf32, #tpu.memory_space<vmem>>
      %dma_start3A_241 = arith.constant 64 : i32
      %dma_start3A_242 = tpu.memref_slice %arg8[%add3A_228, %dma_start3A_241] : memref<40x128xi32, #tpu.memory_space<vmem>> -> memref<1x64xi32, #tpu.memory_space<vmem>>
      %dma_start3A_243 = tpu.memref_squeeze %dma_start3A_242 : memref<1x64xi32, #tpu.memory_space<vmem>> -> memref<64xi32, #tpu.memory_space<vmem>>
      %dma_start3A_244 = arith.constant 0 : i32
      %dma_start3A_245 = arith.constant 0 : i32
      %dma_start3A_246 = tpu.memref_slice %arg2[%dma_start3A_244, %dma_start3A_245] : memref<10000x128xf32, #tpu.memory_space<hbm>> -> memref<10000x128xf32, #tpu.memory_space<hbm>>
      tpu.enqueue_indirect_dma source(%dma_start3A_246 : memref<10000x128xf32, #tpu.memory_space<hbm>>) target(%dma_start3A_240 : memref<64x128xf32, #tpu.memory_space<vmem>>) offsets(%dma_start3A_243 : memref<64xi32, #tpu.memory_space<vmem>>) semaphore(%arg12 : memref<!tpu.dma_semaphore, #tpu.memory_space<semaphore_mem>>)
      %add3A_247 = arith.constant 1 : i32
      %add3A_248 = arith.addi %mul3A_212, %add3A_247 : i32
      %scan3A_249 = arith.constant 0 : i32
      %scan3A_250 = arith.constant 0 : i32
      %scan3A_251 = arith.constant 8 : i32
      %scan3A_252 = arith.addi %scan3A_250, %scan3A_251 : i32
      %scan3A_253 = arith.constant 1 : i32
      scf.for %scan3A_283 = %scan3A_250 to %scan3A_252 step %scan3A_253  : i32 {
        %mul3A_284 = arith.constant 16 : i32
        %mul3A_285 = arith.muli %scan3A_283, %mul3A_284 : i32
        %get3A = arith.index_cast %add3A_248 : i32 to index
        %get3A_286 = arith.index_cast %mul3A_285 : i32 to index
        %get3A_287 = tpu.vector_load %arg9[%get3A, %get3A_286] {strides = array<i32>} : memref<40x128xi32, #tpu.memory_space<vmem>>, vector<16xi32>,
        %mul3A_288 = arith.constant 16 : i32
        %mul3A_289 = arith.muli %scan3A_283, %mul3A_288 : i32
        %swap3A = arith.constant 0 : i32
        %swap3A_290 = arith.index_cast %swap3A : i32 to index
        %swap3A_291 = arith.index_cast %mul3A_289 : i32 to index
        %swap3A_292 = tpu.vector_load %arg10[%swap3A_290, %swap3A_291] {strides = array<i32>} : memref<1x128xi32, #tpu.memory_space<vmem>>, vector<16xi32>,
        tpu.vector_store %arg10[%swap3A_290, %swap3A_291], %get3A_287 {strides = array<i32>} : memref<1x128xi32, #tpu.memory_space<vmem>>, vector<16xi32>,
      }
      %scan3A_254 = arith.constant 8 : i32
      %dma_wait3A_255 = arith.constant 0 : i32
      %dma_wait3A_256 = arith.constant 0 : i32
      %dma_wait3A_257 = tpu.memref_slice %arg8[%dma_wait3A_255, %dma_wait3A_256] : memref<40x128xi32, #tpu.memory_space<vmem>> -> memref<1x128xi32, #tpu.memory_space<vmem>>
      %dma_wait3A_258 = tpu.memref_squeeze %dma_wait3A_257 : memref<1x128xi32, #tpu.memory_space<vmem>> -> memref<128xi32, #tpu.memory_space<vmem>>
      %dma_wait3A_259 = arith.constant 0 : i32
      %dma_wait3A_260 = arith.constant 0 : i32
      %dma_wait3A_261 = tpu.memref_slice %arg2[%dma_wait3A_259, %dma_wait3A_260] : memref<10000x128xf32, #tpu.memory_space<hbm>> -> memref<10000x128xf32, #tpu.memory_space<hbm>>
      tpu.wait_indirect_dma semaphore(%arg13 : memref<!tpu.dma_semaphore, #tpu.memory_space<semaphore_mem>>) src(%dma_wait3A_261 : memref<10000x128xf32, #tpu.memory_space<hbm>>) dst(%arg7 : memref<128x128xf32, #tpu.memory_space<vmem>>)
      %run_scoped3A_262 = arith.constant 0 : i32
      "tpu.region"() ({
        %run_scoped3A_283 = tpu.sem_alloc : memref<!tpu.dma_semaphore, #tpu.memory_space<semaphore_mem>>
        %dma_start3A_284 = arith.constant 0 : i32
        %dma_start3A_285 = tpu.memref_slice %arg10[%run_scoped3A_262, %dma_start3A_284] : memref<1x128xi32, #tpu.memory_space<vmem>> -> memref<1x128xi32, #tpu.memory_space<vmem>>
        %dma_start3A_286 = tpu.memref_squeeze %dma_start3A_285 : memref<1x128xi32, #tpu.memory_space<vmem>> -> memref<128xi32, #tpu.memory_space<vmem>>
        %dma_start3A_287 = arith.constant 0 : i32
        %dma_start3A_288 = arith.constant 0 : i32
        %dma_start3A_289 = tpu.memref_slice %arg11[%dma_start3A_287, %dma_start3A_288] : memref<10128x128xf32, #tpu.memory_space<vmem_shared>> -> memref<10128x128xf32, #tpu.memory_space<vmem_shared>>
        tpu.enqueue_indirect_dma source(%arg7 : memref<128x128xf32, #tpu.memory_space<vmem>>) target(%dma_start3A_289 : memref<10128x128xf32, #tpu.memory_space<vmem_shared>>) offsets(%dma_start3A_286 : memref<128xi32, #tpu.memory_space<vmem>>) semaphore(%run_scoped3A_283 : memref<!tpu.dma_semaphore, #tpu.memory_space<semaphore_mem>>) {add = true}
        %dma_wait3A_290 = arith.constant 0 : i32
        %dma_wait3A_291 = tpu.memref_slice %arg10[%run_scoped3A_262, %dma_wait3A_290] : memref<1x128xi32, #tpu.memory_space<vmem>> -> memref<1x128xi32, #tpu.memory_space<vmem>>
        %dma_wait3A_292 = tpu.memref_squeeze %dma_wait3A_291 : memref<1x128xi32, #tpu.memory_space<vmem>> -> memref<128xi32, #tpu.memory_space<vmem>>
        %dma_wait3A_293 = arith.constant 0 : i32
        %dma_wait3A_294 = arith.constant 0 : i32
        %dma_wait3A_295 = tpu.memref_slice %arg11[%dma_wait3A_293, %dma_wait3A_294] : memref<10128x128xf32, #tpu.memory_space<vmem_shared>> -> memref<10128x128xf32, #tpu.memory_space<vmem_shared>>
        tpu.wait_indirect_dma semaphore(%run_scoped3A_283 : memref<!tpu.dma_semaphore, #tpu.memory_space<semaphore_mem>>) src(%arg7 : memref<128x128xf32, #tpu.memory_space<vmem>>) dst(%dma_wait3A_295 : memref<10128x128xf32, #tpu.memory_space<vmem_shared>>)
        tpu.yield
      }) : () -> ()
      %add3A_263 = arith.constant 3 : i32
      %add3A_264 = arith.addi %mul3A_212, %add3A_263 : i32
      %dma_start3A_265 = arith.constant 0 : i32
      %dma_start3A_266 = arith.constant 0 : i32
      %dma_start3A_267 = tpu.memref_slice %arg7[%dma_start3A_265, %dma_start3A_266] : memref<128x128xf32, #tpu.memory_space<vmem>> -> memref<64x128xf32, #tpu.memory_space<vmem>>
      %dma_start3A_268 = arith.constant 0 : i32
      %dma_start3A_269 = tpu.memref_slice %arg8[%add3A_264, %dma_start3A_268] : memref<40x128xi32, #tpu.memory_space<vmem>> -> memref<1x64xi32, #tpu.memory_space<vmem>>
      %dma_start3A_270 = tpu.memref_squeeze %dma_start3A_269 : memref<1x64xi32, #tpu.memory_space<vmem>> -> memref<64xi32, #tpu.memory_space<vmem>>
      %dma_start3A_271 = arith.constant 0 : i32
      %dma_start3A_272 = arith.constant 0 : i32
      %dma_start3A_273 = tpu.memref_slice %arg2[%dma_start3A_271, %dma_start3A_272] : memref<10000x128xf32, #tpu.memory_space<hbm>> -> memref<10000x128xf32, #tpu.memory_space<hbm>>
      tpu.enqueue_indirect_dma source(%dma_start3A_273 : memref<10000x128xf32, #tpu.memory_space<hbm>>) target(%dma_start3A_267 : memref<64x128xf32, #tpu.memory_space<vmem>>) offsets(%dma_start3A_270 : memref<64xi32, #tpu.memory_space<vmem>>) semaphore(%arg13 : memref<!tpu.dma_semaphore, #tpu.memory_space<semaphore_mem>>)
      %dma_start3A_274 = arith.constant 64 : i32
      %dma_start3A_275 = arith.constant 0 : i32
      %dma_start3A_276 = tpu.memref_slice %arg7[%dma_start3A_274, %dma_start3A_275] : memref<128x128xf32, #tpu.memory_space<vmem>> -> memref<64x128xf32, #tpu.memory_space<vmem>>
      %dma_start3A_277 = arith.constant 64 : i32
      %dma_start3A_278 = tpu.memref_slice %arg8[%add3A_264, %dma_start3A_277] : memref<40x128xi32, #tpu.memory_space<vmem>> -> memref<1x64xi32, #tpu.memory_space<vmem>>
      %dma_start3A_279 = tpu.memref_squeeze %dma_start3A_278 : memref<1x64xi32, #tpu.memory_space<vmem>> -> memref<64xi32, #tpu.memory_space<vmem>>
      %dma_start3A_280 = arith.constant 0 : i32
      %dma_start3A_281 = arith.constant 0 : i32
      %dma_start3A_282 = tpu.memref_slice %arg2[%dma_start3A_280, %dma_start3A_281] : memref<10000x128xf32, #tpu.memory_space<hbm>> -> memref<10000x128xf32, #tpu.memory_space<hbm>>
      tpu.enqueue_indirect_dma source(%dma_start3A_282 : memref<10000x128xf32, #tpu.memory_space<hbm>>) target(%dma_start3A_276 : memref<64x128xf32, #tpu.memory_space<vmem>>) offsets(%dma_start3A_279 : memref<64xi32, #tpu.memory_space<vmem>>) semaphore(%arg13 : memref<!tpu.dma_semaphore, #tpu.memory_space<semaphore_mem>>)
    }
    %scan3A_80 = arith.constant 19 : i32
    %scan3A_81 = arith.constant 0 : i32
    %scan3A_82 = arith.constant 0 : i32
    %scan3A_83 = arith.constant 8 : i32
    %scan3A_84 = arith.addi %scan3A_82, %scan3A_83 : i32
    %scan3A_85 = arith.constant 1 : i32
    scf.for %scan3A_210 = %scan3A_82 to %scan3A_84 step %scan3A_85  : i32 {
      %mul3A_211 = arith.constant 16 : i32
      %mul3A_212 = arith.muli %scan3A_210, %mul3A_211 : i32
      %get3A = arith.constant 38 : i32
      %get3A_213 = arith.index_cast %get3A : i32 to index
      %get3A_214 = arith.index_cast %mul3A_212 : i32 to index
      %get3A_215 = tpu.vector_load %arg9[%get3A_213, %get3A_214] {strides = array<i32>} : memref<40x128xi32, #tpu.memory_space<vmem>>, vector<16xi32>,
      %mul3A_216 = arith.constant 16 : i32
      %mul3A_217 = arith.muli %scan3A_210, %mul3A_216 : i32
      %swap3A = arith.constant 0 : i32
      %swap3A_218 = arith.index_cast %swap3A : i32 to index
      %swap3A_219 = arith.index_cast %mul3A_217 : i32 to index
      %swap3A_220 = tpu.vector_load %arg10[%swap3A_218, %swap3A_219] {strides = array<i32>} : memref<1x128xi32, #tpu.memory_space<vmem>>, vector<16xi32>,
      tpu.vector_store %arg10[%swap3A_218, %swap3A_219], %get3A_215 {strides = array<i32>} : memref<1x128xi32, #tpu.memory_space<vmem>>, vector<16xi32>,
    }
    %scan3A_86 = arith.constant 8 : i32
    %dma_wait3A = arith.constant 0 : i32
    %dma_wait3A_87 = arith.constant 0 : i32
    %dma_wait3A_88 = tpu.memref_slice %arg8[%dma_wait3A, %dma_wait3A_87] : memref<40x128xi32, #tpu.memory_space<vmem>> -> memref<1x128xi32, #tpu.memory_space<vmem>>
    %dma_wait3A_89 = tpu.memref_squeeze %dma_wait3A_88 : memref<1x128xi32, #tpu.memory_space<vmem>> -> memref<128xi32, #tpu.memory_space<vmem>>
    %dma_wait3A_90 = arith.constant 0 : i32
    %dma_wait3A_91 = arith.constant 0 : i32
    %dma_wait3A_92 = tpu.memref_slice %arg2[%dma_wait3A_90, %dma_wait3A_91] : memref<10000x128xf32, #tpu.memory_space<hbm>> -> memref<10000x128xf32, #tpu.memory_space<hbm>>
    tpu.wait_indirect_dma semaphore(%arg12 : memref<!tpu.dma_semaphore, #tpu.memory_space<semaphore_mem>>) src(%dma_wait3A_92 : memref<10000x128xf32, #tpu.memory_space<hbm>>) dst(%arg6 : memref<128x128xf32, #tpu.memory_space<vmem>>)
    %run_scoped3A = arith.constant 0 : i32
    "tpu.region"() ({
      %run_scoped3A_210 = tpu.sem_alloc : memref<!tpu.dma_semaphore, #tpu.memory_space<semaphore_mem>>
      %dma_start3A_211 = arith.constant 0 : i32
      %dma_start3A_212 = tpu.memref_slice %arg10[%run_scoped3A, %dma_start3A_211] : memref<1x128xi32, #tpu.memory_space<vmem>> -> memref<1x128xi32, #tpu.memory_space<vmem>>
      %dma_start3A_213 = tpu.memref_squeeze %dma_start3A_212 : memref<1x128xi32, #tpu.memory_space<vmem>> -> memref<128xi32, #tpu.memory_space<vmem>>
      %dma_start3A_214 = arith.constant 0 : i32
      %dma_start3A_215 = arith.constant 0 : i32
      %dma_start3A_216 = tpu.memref_slice %arg11[%dma_start3A_214, %dma_start3A_215] : memref<10128x128xf32, #tpu.memory_space<vmem_shared>> -> memref<10128x128xf32, #tpu.memory_space<vmem_shared>>
      tpu.enqueue_indirect_dma source(%arg6 : memref<128x128xf32, #tpu.memory_space<vmem>>) target(%dma_start3A_216 : memref<10128x128xf32, #tpu.memory_space<vmem_shared>>) offsets(%dma_start3A_213 : memref<128xi32, #tpu.memory_space<vmem>>) semaphore(%run_scoped3A_210 : memref<!tpu.dma_semaphore, #tpu.memory_space<semaphore_mem>>) {add = true}
      %dma_wait3A_217 = arith.constant 0 : i32
      %dma_wait3A_218 = tpu.memref_slice %arg10[%run_scoped3A, %dma_wait3A_217] : memref<1x128xi32, #tpu.memory_space<vmem>> -> memref<1x128xi32, #tpu.memory_space<vmem>>
      %dma_wait3A_219 = tpu.memref_squeeze %dma_wait3A_218 : memref<1x128xi32, #tpu.memory_space<vmem>> -> memref<128xi32, #tpu.memory_space<vmem>>
      %dma_wait3A_220 = arith.constant 0 : i32
      %dma_wait3A_221 = arith.constant 0 : i32
      %dma_wait3A_222 = tpu.memref_slice %arg11[%dma_wait3A_220, %dma_wait3A_221] : memref<10128x128xf32, #tpu.memory_space<vmem_shared>> -> memref<10128x128xf32, #tpu.memory_space<vmem_shared>>
      tpu.wait_indirect_dma semaphore(%run_scoped3A_210 : memref<!tpu.dma_semaphore, #tpu.memory_space<semaphore_mem>>) src(%arg6 : memref<128x128xf32, #tpu.memory_space<vmem>>) dst(%dma_wait3A_222 : memref<10128x128xf32, #tpu.memory_space<vmem_shared>>)
      tpu.yield
    }) : () -> ()
    %scan3A_93 = arith.constant 0 : i32
    %scan3A_94 = arith.constant 0 : i32
    %scan3A_95 = arith.constant 8 : i32
    %scan3A_96 = arith.addi %scan3A_94, %scan3A_95 : i32
    %scan3A_97 = arith.constant 1 : i32
    scf.for %scan3A_210 = %scan3A_94 to %scan3A_96 step %scan3A_97  : i32 {
      %mul3A_211 = arith.constant 16 : i32
      %mul3A_212 = arith.muli %scan3A_210, %mul3A_211 : i32
      %get3A = arith.constant 39 : i32
      %get3A_213 = arith.index_cast %get3A : i32 to index
      %get3A_214 = arith.index_cast %mul3A_212 : i32 to index
      %get3A_215 = tpu.vector_load %arg9[%get3A_213, %get3A_214] {strides = array<i32>} : memref<40x128xi32, #tpu.memory_space<vmem>>, vector<16xi32>,
      %mul3A_216 = arith.constant 16 : i32
      %mul3A_217 = arith.muli %scan3A_210, %mul3A_216 : i32
      %swap3A = arith.constant 0 : i32
      %swap3A_218 = arith.index_cast %swap3A : i32 to index
      %swap3A_219 = arith.index_cast %mul3A_217 : i32 to index
      %swap3A_220 = tpu.vector_load %arg10[%swap3A_218, %swap3A_219] {strides = array<i32>} : memref<1x128xi32, #tpu.memory_space<vmem>>, vector<16xi32>,
      tpu.vector_store %arg10[%swap3A_218, %swap3A_219], %get3A_215 {strides = array<i32>} : memref<1x128xi32, #tpu.memory_space<vmem>>, vector<16xi32>,
    }
    %scan3A_98 = arith.constant 8 : i32
    %dma_wait3A_99 = arith.constant 0 : i32
    %dma_wait3A_100 = arith.constant 0 : i32
    %dma_wait3A_101 = tpu.memref_slice %arg8[%dma_wait3A_99, %dma_wait3A_100] : memref<40x128xi32, #tpu.memory_space<vmem>> -> memref<1x128xi32, #tpu.memory_space<vmem>>
    %dma_wait3A_102 = tpu.memref_squeeze %dma_wait3A_101 : memref<1x128xi32, #tpu.memory_space<vmem>> -> memref<128xi32, #tpu.memory_space<vmem>>
    %dma_wait3A_103 = arith.constant 0 : i32
    %dma_wait3A_104 = arith.constant 0 : i32
    %dma_wait3A_105 = tpu.memref_slice %arg2[%dma_wait3A_103, %dma_wait3A_104] : memref<10000x128xf32, #tpu.memory_space<hbm>> -> memref<10000x128xf32, #tpu.memory_space<hbm>>
    tpu.wait_indirect_dma semaphore(%arg13 : memref<!tpu.dma_semaphore, #tpu.memory_space<semaphore_mem>>) src(%dma_wait3A_105 : memref<10000x128xf32, #tpu.memory_space<hbm>>) dst(%arg7 : memref<128x128xf32, #tpu.memory_space<vmem>>)
    %run_scoped3A_106 = arith.constant 0 : i32
    "tpu.region"() ({
      %run_scoped3A_210 = tpu.sem_alloc : memref<!tpu.dma_semaphore, #tpu.memory_space<semaphore_mem>>
      %dma_start3A_211 = arith.constant 0 : i32
      %dma_start3A_212 = tpu.memref_slice %arg10[%run_scoped3A_106, %dma_start3A_211] : memref<1x128xi32, #tpu.memory_space<vmem>> -> memref<1x128xi32, #tpu.memory_space<vmem>>
      %dma_start3A_213 = tpu.memref_squeeze %dma_start3A_212 : memref<1x128xi32, #tpu.memory_space<vmem>> -> memref<128xi32, #tpu.memory_space<vmem>>
      %dma_start3A_214 = arith.constant 0 : i32
      %dma_start3A_215 = arith.constant 0 : i32
      %dma_start3A_216 = tpu.memref_slice %arg11[%dma_start3A_214, %dma_start3A_215] : memref<10128x128xf32, #tpu.memory_space<vmem_shared>> -> memref<10128x128xf32, #tpu.memory_space<vmem_shared>>
      tpu.enqueue_indirect_dma source(%arg7 : memref<128x128xf32, #tpu.memory_space<vmem>>) target(%dma_start3A_216 : memref<10128x128xf32, #tpu.memory_space<vmem_shared>>) offsets(%dma_start3A_213 : memref<128xi32, #tpu.memory_space<vmem>>) semaphore(%run_scoped3A_210 : memref<!tpu.dma_semaphore, #tpu.memory_space<semaphore_mem>>) {add = true}
      %dma_wait3A_217 = arith.constant 0 : i32
      %dma_wait3A_218 = tpu.memref_slice %arg10[%run_scoped3A_106, %dma_wait3A_217] : memref<1x128xi32, #tpu.memory_space<vmem>> -> memref<1x128xi32, #tpu.memory_space<vmem>>
      %dma_wait3A_219 = tpu.memref_squeeze %dma_wait3A_218 : memref<1x128xi32, #tpu.memory_space<vmem>> -> memref<128xi32, #tpu.memory_space<vmem>>
      %dma_wait3A_220 = arith.constant 0 : i32
      %dma_wait3A_221 = arith.constant 0 : i32
      %dma_wait3A_222 = tpu.memref_slice %arg11[%dma_wait3A_220, %dma_wait3A_221] : memref<10128x128xf32, #tpu.memory_space<vmem_shared>> -> memref<10128x128xf32, #tpu.memory_space<vmem_shared>>
      tpu.wait_indirect_dma semaphore(%run_scoped3A_210 : memref<!tpu.dma_semaphore, #tpu.memory_space<semaphore_mem>>) src(%arg7 : memref<128x128xf32, #tpu.memory_space<vmem>>) dst(%dma_wait3A_222 : memref<10128x128xf32, #tpu.memory_space<vmem_shared>>)
      tpu.yield
    }) : () -> ()
    %add3A_107 = arith.constant 40 : i32
    %add3A_108 = arith.addi %multiple_of3A, %add3A_107 : i32
    %multiple_of3A_109 = tpu.assume_multiple %add3A_108, 8 : i32
    "tpu.region"() ({
      %run_scoped3A_210 = tpu.sem_alloc : memref<!tpu.dma_semaphore, #tpu.memory_space<semaphore_mem>>
      %dma_start3A_211 = arith.constant 0 : i32
      %dma_start3A_212 = tpu.memref_slice %arg3[%multiple_of3A_109, %dma_start3A_211] : memref<2560x128xi32, #tpu.memory_space<hbm>> -> memref<40x128xi32, #tpu.memory_space<hbm>>
      %dma_start3A_213 = arith.constant 0 : i32
      %dma_start3A_214 = tpu.memref_slice %arg3[%multiple_of3A_109, %dma_start3A_213] : memref<2560x128xi32, #tpu.memory_space<hbm>> -> memref<40x128xi32, #tpu.memory_space<hbm>>
      tpu.enqueue_dma source(%dma_start3A_214 : memref<40x128xi32, #tpu.memory_space<hbm>>) target(%arg8 : memref<40x128xi32, #tpu.memory_space<vmem>>) target_semaphore(%run_scoped3A_210 : memref<!tpu.dma_semaphore, #tpu.memory_space<semaphore_mem>>)
      %dma_wait3A_215 = arith.constant 0 : i32
      %dma_wait3A_216 = tpu.memref_slice %arg3[%multiple_of3A_109, %dma_wait3A_215] : memref<2560x128xi32, #tpu.memory_space<hbm>> -> memref<40x128xi32, #tpu.memory_space<hbm>>
      %dma_wait3A_217 = arith.constant 0 : i32
      %dma_wait3A_218 = tpu.memref_slice %arg3[%multiple_of3A_109, %dma_wait3A_217] : memref<2560x128xi32, #tpu.memory_space<hbm>> -> memref<40x128xi32, #tpu.memory_space<hbm>>
      tpu.wait_dma2 semaphore(%run_scoped3A_210 : memref<!tpu.dma_semaphore, #tpu.memory_space<semaphore_mem>>) src(%dma_wait3A_218 : memref<40x128xi32, #tpu.memory_space<hbm>>) dst(%arg8 : memref<40x128xi32, #tpu.memory_space<vmem>>)
      tpu.yield
    }) : () -> ()
    "tpu.region"() ({
      %run_scoped3A_210 = tpu.sem_alloc : memref<!tpu.dma_semaphore, #tpu.memory_space<semaphore_mem>>
      %dma_start3A_211 = arith.constant 0 : i32
      %dma_start3A_212 = tpu.memref_slice %arg4[%multiple_of3A_109, %dma_start3A_211] : memref<2560x128xi32, #tpu.memory_space<hbm>> -> memref<40x128xi32, #tpu.memory_space<hbm>>
      %dma_start3A_213 = arith.constant 0 : i32
      %dma_start3A_214 = tpu.memref_slice %arg4[%multiple_of3A_109, %dma_start3A_213] : memref<2560x128xi32, #tpu.memory_space<hbm>> -> memref<40x128xi32, #tpu.memory_space<hbm>>
      tpu.enqueue_dma source(%dma_start3A_214 : memref<40x128xi32, #tpu.memory_space<hbm>>) target(%arg9 : memref<40x128xi32, #tpu.memory_space<vmem>>) target_semaphore(%run_scoped3A_210 : memref<!tpu.dma_semaphore, #tpu.memory_space<semaphore_mem>>)
      %dma_wait3A_215 = arith.constant 0 : i32
      %dma_wait3A_216 = tpu.memref_slice %arg4[%multiple_of3A_109, %dma_wait3A_215] : memref<2560x128xi32, #tpu.memory_space<hbm>> -> memref<40x128xi32, #tpu.memory_space<hbm>>
      %dma_wait3A_217 = arith.constant 0 : i32
      %dma_wait3A_218 = tpu.memref_slice %arg4[%multiple_of3A_109, %dma_wait3A_217] : memref<2560x128xi32, #tpu.memory_space<hbm>> -> memref<40x128xi32, #tpu.memory_space<hbm>>
      tpu.wait_dma2 semaphore(%run_scoped3A_210 : memref<!tpu.dma_semaphore, #tpu.memory_space<semaphore_mem>>) src(%dma_wait3A_218 : memref<40x128xi32, #tpu.memory_space<hbm>>) dst(%arg9 : memref<40x128xi32, #tpu.memory_space<vmem>>)
      tpu.yield
    }) : () -> ()
    %dma_start3A_110 = arith.constant 0 : i32
    %dma_start3A_111 = arith.constant 0 : i32
    %dma_start3A_112 = arith.constant 0 : i32
    %dma_start3A_113 = tpu.memref_slice %arg6[%dma_start3A_111, %dma_start3A_112] : memref<128x128xf32, #tpu.memory_space<vmem>> -> memref<64x128xf32, #tpu.memory_space<vmem>>
    %dma_start3A_114 = arith.constant 0 : i32
    %dma_start3A_115 = tpu.memref_slice %arg8[%dma_start3A_110, %dma_start3A_114] : memref<40x128xi32, #tpu.memory_space<vmem>> -> memref<1x64xi32, #tpu.memory_space<vmem>>
    %dma_start3A_116 = tpu.memref_squeeze %dma_start3A_115 : memref<1x64xi32, #tpu.memory_space<vmem>> -> memref<64xi32, #tpu.memory_space<vmem>>
    %dma_start3A_117 = arith.constant 0 : i32
    %dma_start3A_118 = arith.constant 0 : i32
    %dma_start3A_119 = tpu.memref_slice %arg2[%dma_start3A_117, %dma_start3A_118] : memref<10000x128xf32, #tpu.memory_space<hbm>> -> memref<10000x128xf32, #tpu.memory_space<hbm>>
    tpu.enqueue_indirect_dma source(%dma_start3A_119 : memref<10000x128xf32, #tpu.memory_space<hbm>>) target(%dma_start3A_113 : memref<64x128xf32, #tpu.memory_space<vmem>>) offsets(%dma_start3A_116 : memref<64xi32, #tpu.memory_space<vmem>>) semaphore(%arg12 : memref<!tpu.dma_semaphore, #tpu.memory_space<semaphore_mem>>)
    %dma_start3A_120 = arith.constant 0 : i32
    %dma_start3A_121 = arith.constant 64 : i32
    %dma_start3A_122 = arith.constant 0 : i32
    %dma_start3A_123 = tpu.memref_slice %arg6[%dma_start3A_121, %dma_start3A_122] : memref<128x128xf32, #tpu.memory_space<vmem>> -> memref<64x128xf32, #tpu.memory_space<vmem>>
    %dma_start3A_124 = arith.constant 64 : i32
    %dma_start3A_125 = tpu.memref_slice %arg8[%dma_start3A_120, %dma_start3A_124] : memref<40x128xi32, #tpu.memory_space<vmem>> -> memref<1x64xi32, #tpu.memory_space<vmem>>
    %dma_start3A_126 = tpu.memref_squeeze %dma_start3A_125 : memref<1x64xi32, #tpu.memory_space<vmem>> -> memref<64xi32, #tpu.memory_space<vmem>>
    %dma_start3A_127 = arith.constant 0 : i32
    %dma_start3A_128 = arith.constant 0 : i32
    %dma_start3A_129 = tpu.memref_slice %arg2[%dma_start3A_127, %dma_start3A_128] : memref<10000x128xf32, #tpu.memory_space<hbm>> -> memref<10000x128xf32, #tpu.memory_space<hbm>>
    tpu.enqueue_indirect_dma source(%dma_start3A_129 : memref<10000x128xf32, #tpu.memory_space<hbm>>) target(%dma_start3A_123 : memref<64x128xf32, #tpu.memory_space<vmem>>) offsets(%dma_start3A_126 : memref<64xi32, #tpu.memory_space<vmem>>) semaphore(%arg12 : memref<!tpu.dma_semaphore, #tpu.memory_space<semaphore_mem>>)
    %dma_start3A_130 = arith.constant 1 : i32
    %dma_start3A_131 = arith.constant 0 : i32
    %dma_start3A_132 = arith.constant 0 : i32
    %dma_start3A_133 = tpu.memref_slice %arg7[%dma_start3A_131, %dma_start3A_132] : memref<128x128xf32, #tpu.memory_space<vmem>> -> memref<64x128xf32, #tpu.memory_space<vmem>>
    %dma_start3A_134 = arith.constant 0 : i32
    %dma_start3A_135 = tpu.memref_slice %arg8[%dma_start3A_130, %dma_start3A_134] : memref<40x128xi32, #tpu.memory_space<vmem>> -> memref<1x64xi32, #tpu.memory_space<vmem>>
    %dma_start3A_136 = tpu.memref_squeeze %dma_start3A_135 : memref<1x64xi32, #tpu.memory_space<vmem>> -> memref<64xi32, #tpu.memory_space<vmem>>
    %dma_start3A_137 = arith.constant 0 : i32
    %dma_start3A_138 = arith.constant 0 : i32
    %dma_start3A_139 = tpu.memref_slice %arg2[%dma_start3A_137, %dma_start3A_138] : memref<10000x128xf32, #tpu.memory_space<hbm>> -> memref<10000x128xf32, #tpu.memory_space<hbm>>
    tpu.enqueue_indirect_dma source(%dma_start3A_139 : memref<10000x128xf32, #tpu.memory_space<hbm>>) target(%dma_start3A_133 : memref<64x128xf32, #tpu.memory_space<vmem>>) offsets(%dma_start3A_136 : memref<64xi32, #tpu.memory_space<vmem>>) semaphore(%arg13 : memref<!tpu.dma_semaphore, #tpu.memory_space<semaphore_mem>>)
    %dma_start3A_140 = arith.constant 1 : i32
    %dma_start3A_141 = arith.constant 64 : i32
    %dma_start3A_142 = arith.constant 0 : i32
    %dma_start3A_143 = tpu.memref_slice %arg7[%dma_start3A_141, %dma_start3A_142] : memref<128x128xf32, #tpu.memory_space<vmem>> -> memref<64x128xf32, #tpu.memory_space<vmem>>
    %dma_start3A_144 = arith.constant 64 : i32
    %dma_start3A_145 = tpu.memref_slice %arg8[%dma_start3A_140, %dma_start3A_144] : memref<40x128xi32, #tpu.memory_space<vmem>> -> memref<1x64xi32, #tpu.memory_space<vmem>>
    %dma_start3A_146 = tpu.memref_squeeze %dma_start3A_145 : memref<1x64xi32, #tpu.memory_space<vmem>> -> memref<64xi32, #tpu.memory_space<vmem>>
    %dma_start3A_147 = arith.constant 0 : i32
    %dma_start3A_148 = arith.constant 0 : i32
    %dma_start3A_149 = tpu.memref_slice %arg2[%dma_start3A_147, %dma_start3A_148] : memref<10000x128xf32, #tpu.memory_space<hbm>> -> memref<10000x128xf32, #tpu.memory_space<hbm>>
    tpu.enqueue_indirect_dma source(%dma_start3A_149 : memref<10000x128xf32, #tpu.memory_space<hbm>>) target(%dma_start3A_143 : memref<64x128xf32, #tpu.memory_space<vmem>>) offsets(%dma_start3A_146 : memref<64xi32, #tpu.memory_space<vmem>>) semaphore(%arg13 : memref<!tpu.dma_semaphore, #tpu.memory_space<semaphore_mem>>)
    %scan3A_150 = arith.constant 0 : i32
    %scan3A_151 = arith.constant 0 : i32
    %scan3A_152 = arith.constant 19 : i32
    %scan3A_153 = arith.addi %scan3A_151, %scan3A_152 : i32
    %scan3A_154 = arith.constant 1 : i32
    scf.for %scan3A_210 = %scan3A_151 to %scan3A_153 step %scan3A_154  : i32 {
      %mul3A_211 = arith.constant 2 : i32
      %mul3A_212 = arith.muli %scan3A_210, %mul3A_211 : i32
      %scan3A_213 = arith.constant 0 : i32
      %scan3A_214 = arith.constant 0 : i32
      %scan3A_215 = arith.constant 8 : i32
      %scan3A_216 = arith.addi %scan3A_214, %scan3A_215 : i32
      %scan3A_217 = arith.constant 1 : i32
      scf.for %scan3A_283 = %scan3A_214 to %scan3A_216 step %scan3A_217  : i32 {
        %mul3A_284 = arith.constant 16 : i32
        %mul3A_285 = arith.muli %scan3A_283, %mul3A_284 : i32
        %get3A = arith.index_cast %mul3A_212 : i32 to index
        %get3A_286 = arith.index_cast %mul3A_285 : i32 to index
        %get3A_287 = tpu.vector_load %arg9[%get3A, %get3A_286] {strides = array<i32>} : memref<40x128xi32, #tpu.memory_space<vmem>>, vector<16xi32>,
        %mul3A_288 = arith.constant 16 : i32
        %mul3A_289 = arith.muli %scan3A_283, %mul3A_288 : i32
        %swap3A = arith.constant 0 : i32
        %swap3A_290 = arith.index_cast %swap3A : i32 to index
        %swap3A_291 = arith.index_cast %mul3A_289 : i32 to index
        %swap3A_292 = tpu.vector_load %arg10[%swap3A_290, %swap3A_291] {strides = array<i32>} : memref<1x128xi32, #tpu.memory_space<vmem>>, vector<16xi32>,
        tpu.vector_store %arg10[%swap3A_290, %swap3A_291], %get3A_287 {strides = array<i32>} : memref<1x128xi32, #tpu.memory_space<vmem>>, vector<16xi32>,
      }
      %scan3A_218 = arith.constant 8 : i32
      %dma_wait3A_219 = arith.constant 0 : i32
      %dma_wait3A_220 = arith.constant 0 : i32
      %dma_wait3A_221 = tpu.memref_slice %arg8[%dma_wait3A_219, %dma_wait3A_220] : memref<40x128xi32, #tpu.memory_space<vmem>> -> memref<1x128xi32, #tpu.memory_space<vmem>>
      %dma_wait3A_222 = tpu.memref_squeeze %dma_wait3A_221 : memref<1x128xi32, #tpu.memory_space<vmem>> -> memref<128xi32, #tpu.memory_space<vmem>>
      %dma_wait3A_223 = arith.constant 0 : i32
      %dma_wait3A_224 = arith.constant 0 : i32
      %dma_wait3A_225 = tpu.memref_slice %arg2[%dma_wait3A_223, %dma_wait3A_224] : memref<10000x128xf32, #tpu.memory_space<hbm>> -> memref<10000x128xf32, #tpu.memory_space<hbm>>
      tpu.wait_indirect_dma semaphore(%arg12 : memref<!tpu.dma_semaphore, #tpu.memory_space<semaphore_mem>>) src(%dma_wait3A_225 : memref<10000x128xf32, #tpu.memory_space<hbm>>) dst(%arg6 : memref<128x128xf32, #tpu.memory_space<vmem>>)
      %run_scoped3A_226 = arith.constant 0 : i32
      "tpu.region"() ({
        %run_scoped3A_283 = tpu.sem_alloc : memref<!tpu.dma_semaphore, #tpu.memory_space<semaphore_mem>>
        %dma_start3A_284 = arith.constant 0 : i32
        %dma_start3A_285 = tpu.memref_slice %arg10[%run_scoped3A_226, %dma_start3A_284] : memref<1x128xi32, #tpu.memory_space<vmem>> -> memref<1x128xi32, #tpu.memory_space<vmem>>
        %dma_start3A_286 = tpu.memref_squeeze %dma_start3A_285 : memref<1x128xi32, #tpu.memory_space<vmem>> -> memref<128xi32, #tpu.memory_space<vmem>>
        %dma_start3A_287 = arith.constant 0 : i32
        %dma_start3A_288 = arith.constant 0 : i32
        %dma_start3A_289 = tpu.memref_slice %arg11[%dma_start3A_287, %dma_start3A_288] : memref<10128x128xf32, #tpu.memory_space<vmem_shared>> -> memref<10128x128xf32, #tpu.memory_space<vmem_shared>>
        tpu.enqueue_indirect_dma source(%arg6 : memref<128x128xf32, #tpu.memory_space<vmem>>) target(%dma_start3A_289 : memref<10128x128xf32, #tpu.memory_space<vmem_shared>>) offsets(%dma_start3A_286 : memref<128xi32, #tpu.memory_space<vmem>>) semaphore(%run_scoped3A_283 : memref<!tpu.dma_semaphore, #tpu.memory_space<semaphore_mem>>) {add = true}
        %dma_wait3A_290 = arith.constant 0 : i32
        %dma_wait3A_291 = tpu.memref_slice %arg10[%run_scoped3A_226, %dma_wait3A_290] : memref<1x128xi32, #tpu.memory_space<vmem>> -> memref<1x128xi32, #tpu.memory_space<vmem>>
        %dma_wait3A_292 = tpu.memref_squeeze %dma_wait3A_291 : memref<1x128xi32, #tpu.memory_space<vmem>> -> memref<128xi32, #tpu.memory_space<vmem>>
        %dma_wait3A_293 = arith.constant 0 : i32
        %dma_wait3A_294 = arith.constant 0 : i32
        %dma_wait3A_295 = tpu.memref_slice %arg11[%dma_wait3A_293, %dma_wait3A_294] : memref<10128x128xf32, #tpu.memory_space<vmem_shared>> -> memref<10128x128xf32, #tpu.memory_space<vmem_shared>>
        tpu.wait_indirect_dma semaphore(%run_scoped3A_283 : memref<!tpu.dma_semaphore, #tpu.memory_space<semaphore_mem>>) src(%arg6 : memref<128x128xf32, #tpu.memory_space<vmem>>) dst(%dma_wait3A_295 : memref<10128x128xf32, #tpu.memory_space<vmem_shared>>)
        tpu.yield
      }) : () -> ()
      %add3A_227 = arith.constant 2 : i32
      %add3A_228 = arith.addi %mul3A_212, %add3A_227 : i32
      %dma_start3A_229 = arith.constant 0 : i32
      %dma_start3A_230 = arith.constant 0 : i32
      %dma_start3A_231 = tpu.memref_slice %arg6[%dma_start3A_229, %dma_start3A_230] : memref<128x128xf32, #tpu.memory_space<vmem>> -> memref<64x128xf32, #tpu.memory_space<vmem>>
      %dma_start3A_232 = arith.constant 0 : i32
      %dma_start3A_233 = tpu.memref_slice %arg8[%add3A_228, %dma_start3A_232] : memref<40x128xi32, #tpu.memory_space<vmem>> -> memref<1x64xi32, #tpu.memory_space<vmem>>
      %dma_start3A_234 = tpu.memref_squeeze %dma_start3A_233 : memref<1x64xi32, #tpu.memory_space<vmem>> -> memref<64xi32, #tpu.memory_space<vmem>>
      %dma_start3A_235 = arith.constant 0 : i32
      %dma_start3A_236 = arith.constant 0 : i32
      %dma_start3A_237 = tpu.memref_slice %arg2[%dma_start3A_235, %dma_start3A_236] : memref<10000x128xf32, #tpu.memory_space<hbm>> -> memref<10000x128xf32, #tpu.memory_space<hbm>>
      tpu.enqueue_indirect_dma source(%dma_start3A_237 : memref<10000x128xf32, #tpu.memory_space<hbm>>) target(%dma_start3A_231 : memref<64x128xf32, #tpu.memory_space<vmem>>) offsets(%dma_start3A_234 : memref<64xi32, #tpu.memory_space<vmem>>) semaphore(%arg12 : memref<!tpu.dma_semaphore, #tpu.memory_space<semaphore_mem>>)
      %dma_start3A_238 = arith.constant 64 : i32
      %dma_start3A_239 = arith.constant 0 : i32
      %dma_start3A_240 = tpu.memref_slice %arg6[%dma_start3A_238, %dma_start3A_239] : memref<128x128xf32, #tpu.memory_space<vmem>> -> memref<64x128xf32, #tpu.memory_space<vmem>>
      %dma_start3A_241 = arith.constant 64 : i32
      %dma_start3A_242 = tpu.memref_slice %arg8[%add3A_228, %dma_start3A_241] : memref<40x128xi32, #tpu.memory_space<vmem>> -> memref<1x64xi32, #tpu.memory_space<vmem>>
      %dma_start3A_243 = tpu.memref_squeeze %dma_start3A_242 : memref<1x64xi32, #tpu.memory_space<vmem>> -> memref<64xi32, #tpu.memory_space<vmem>>
      %dma_start3A_244 = arith.constant 0 : i32
      %dma_start3A_245 = arith.constant 0 : i32
      %dma_start3A_246 = tpu.memref_slice %arg2[%dma_start3A_244, %dma_start3A_245] : memref<10000x128xf32, #tpu.memory_space<hbm>> -> memref<10000x128xf32, #tpu.memory_space<hbm>>
      tpu.enqueue_indirect_dma source(%dma_start3A_246 : memref<10000x128xf32, #tpu.memory_space<hbm>>) target(%dma_start3A_240 : memref<64x128xf32, #tpu.memory_space<vmem>>) offsets(%dma_start3A_243 : memref<64xi32, #tpu.memory_space<vmem>>) semaphore(%arg12 : memref<!tpu.dma_semaphore, #tpu.memory_space<semaphore_mem>>)
      %add3A_247 = arith.constant 1 : i32
      %add3A_248 = arith.addi %mul3A_212, %add3A_247 : i32
      %scan3A_249 = arith.constant 0 : i32
      %scan3A_250 = arith.constant 0 : i32
      %scan3A_251 = arith.constant 8 : i32
      %scan3A_252 = arith.addi %scan3A_250, %scan3A_251 : i32
      %scan3A_253 = arith.constant 1 : i32
      scf.for %scan3A_283 = %scan3A_250 to %scan3A_252 step %scan3A_253  : i32 {
        %mul3A_284 = arith.constant 16 : i32
        %mul3A_285 = arith.muli %scan3A_283, %mul3A_284 : i32
        %get3A = arith.index_cast %add3A_248 : i32 to index
        %get3A_286 = arith.index_cast %mul3A_285 : i32 to index
        %get3A_287 = tpu.vector_load %arg9[%get3A, %get3A_286] {strides = array<i32>} : memref<40x128xi32, #tpu.memory_space<vmem>>, vector<16xi32>,
        %mul3A_288 = arith.constant 16 : i32
        %mul3A_289 = arith.muli %scan3A_283, %mul3A_288 : i32
        %swap3A = arith.constant 0 : i32
        %swap3A_290 = arith.index_cast %swap3A : i32 to index
        %swap3A_291 = arith.index_cast %mul3A_289 : i32 to index
        %swap3A_292 = tpu.vector_load %arg10[%swap3A_290, %swap3A_291] {strides = array<i32>} : memref<1x128xi32, #tpu.memory_space<vmem>>, vector<16xi32>,
        tpu.vector_store %arg10[%swap3A_290, %swap3A_291], %get3A_287 {strides = array<i32>} : memref<1x128xi32, #tpu.memory_space<vmem>>, vector<16xi32>,
      }
      %scan3A_254 = arith.constant 8 : i32
      %dma_wait3A_255 = arith.constant 0 : i32
      %dma_wait3A_256 = arith.constant 0 : i32
      %dma_wait3A_257 = tpu.memref_slice %arg8[%dma_wait3A_255, %dma_wait3A_256] : memref<40x128xi32, #tpu.memory_space<vmem>> -> memref<1x128xi32, #tpu.memory_space<vmem>>
      %dma_wait3A_258 = tpu.memref_squeeze %dma_wait3A_257 : memref<1x128xi32, #tpu.memory_space<vmem>> -> memref<128xi32, #tpu.memory_space<vmem>>
      %dma_wait3A_259 = arith.constant 0 : i32
      %dma_wait3A_260 = arith.constant 0 : i32
      %dma_wait3A_261 = tpu.memref_slice %arg2[%dma_wait3A_259, %dma_wait3A_260] : memref<10000x128xf32, #tpu.memory_space<hbm>> -> memref<10000x128xf32, #tpu.memory_space<hbm>>
      tpu.wait_indirect_dma semaphore(%arg13 : memref<!tpu.dma_semaphore, #tpu.memory_space<semaphore_mem>>) src(%dma_wait3A_261 : memref<10000x128xf32, #tpu.memory_space<hbm>>) dst(%arg7 : memref<128x128xf32, #tpu.memory_space<vmem>>)
      %run_scoped3A_262 = arith.constant 0 : i32
      "tpu.region"() ({
        %run_scoped3A_283 = tpu.sem_alloc : memref<!tpu.dma_semaphore, #tpu.memory_space<semaphore_mem>>
        %dma_start3A_284 = arith.constant 0 : i32
        %dma_start3A_285 = tpu.memref_slice %arg10[%run_scoped3A_262, %dma_start3A_284] : memref<1x128xi32, #tpu.memory_space<vmem>> -> memref<1x128xi32, #tpu.memory_space<vmem>>
        %dma_start3A_286 = tpu.memref_squeeze %dma_start3A_285 : memref<1x128xi32, #tpu.memory_space<vmem>> -> memref<128xi32, #tpu.memory_space<vmem>>
        %dma_start3A_287 = arith.constant 0 : i32
        %dma_start3A_288 = arith.constant 0 : i32
        %dma_start3A_289 = tpu.memref_slice %arg11[%dma_start3A_287, %dma_start3A_288] : memref<10128x128xf32, #tpu.memory_space<vmem_shared>> -> memref<10128x128xf32, #tpu.memory_space<vmem_shared>>
        tpu.enqueue_indirect_dma source(%arg7 : memref<128x128xf32, #tpu.memory_space<vmem>>) target(%dma_start3A_289 : memref<10128x128xf32, #tpu.memory_space<vmem_shared>>) offsets(%dma_start3A_286 : memref<128xi32, #tpu.memory_space<vmem>>) semaphore(%run_scoped3A_283 : memref<!tpu.dma_semaphore, #tpu.memory_space<semaphore_mem>>) {add = true}
        %dma_wait3A_290 = arith.constant 0 : i32
        %dma_wait3A_291 = tpu.memref_slice %arg10[%run_scoped3A_262, %dma_wait3A_290] : memref<1x128xi32, #tpu.memory_space<vmem>> -> memref<1x128xi32, #tpu.memory_space<vmem>>
        %dma_wait3A_292 = tpu.memref_squeeze %dma_wait3A_291 : memref<1x128xi32, #tpu.memory_space<vmem>> -> memref<128xi32, #tpu.memory_space<vmem>>
        %dma_wait3A_293 = arith.constant 0 : i32
        %dma_wait3A_294 = arith.constant 0 : i32
        %dma_wait3A_295 = tpu.memref_slice %arg11[%dma_wait3A_293, %dma_wait3A_294] : memref<10128x128xf32, #tpu.memory_space<vmem_shared>> -> memref<10128x128xf32, #tpu.memory_space<vmem_shared>>
        tpu.wait_indirect_dma semaphore(%run_scoped3A_283 : memref<!tpu.dma_semaphore, #tpu.memory_space<semaphore_mem>>) src(%arg7 : memref<128x128xf32, #tpu.memory_space<vmem>>) dst(%dma_wait3A_295 : memref<10128x128xf32, #tpu.memory_space<vmem_shared>>)
        tpu.yield
      }) : () -> ()
      %add3A_263 = arith.constant 3 : i32
      %add3A_264 = arith.addi %mul3A_212, %add3A_263 : i32
      %dma_start3A_265 = arith.constant 0 : i32
      %dma_start3A_266 = arith.constant 0 : i32
      %dma_start3A_267 = tpu.memref_slice %arg7[%dma_start3A_265, %dma_start3A_266] : memref<128x128xf32, #tpu.memory_space<vmem>> -> memref<64x128xf32, #tpu.memory_space<vmem>>
      %dma_start3A_268 = arith.constant 0 : i32
      %dma_start3A_269 = tpu.memref_slice %arg8[%add3A_264, %dma_start3A_268] : memref<40x128xi32, #tpu.memory_space<vmem>> -> memref<1x64xi32, #tpu.memory_space<vmem>>
      %dma_start3A_270 = tpu.memref_squeeze %dma_start3A_269 : memref<1x64xi32, #tpu.memory_space<vmem>> -> memref<64xi32, #tpu.memory_space<vmem>>
      %dma_start3A_271 = arith.constant 0 : i32
      %dma_start3A_272 = arith.constant 0 : i32
      %dma_start3A_273 = tpu.memref_slice %arg2[%dma_start3A_271, %dma_start3A_272] : memref<10000x128xf32, #tpu.memory_space<hbm>> -> memref<10000x128xf32, #tpu.memory_space<hbm>>
      tpu.enqueue_indirect_dma source(%dma_start3A_273 : memref<10000x128xf32, #tpu.memory_space<hbm>>) target(%dma_start3A_267 : memref<64x128xf32, #tpu.memory_space<vmem>>) offsets(%dma_start3A_270 : memref<64xi32, #tpu.memory_space<vmem>>) semaphore(%arg13 : memref<!tpu.dma_semaphore, #tpu.memory_space<semaphore_mem>>)
      %dma_start3A_274 = arith.constant 64 : i32
      %dma_start3A_275 = arith.constant 0 : i32
      %dma_start3A_276 = tpu.memref_slice %arg7[%dma_start3A_274, %dma_start3A_275] : memref<128x128xf32, #tpu.memory_space<vmem>> -> memref<64x128xf32, #tpu.memory_space<vmem>>
      %dma_start3A_277 = arith.constant 64 : i32
      %dma_start3A_278 = tpu.memref_slice %arg8[%add3A_264, %dma_start3A_277] : memref<40x128xi32, #tpu.memory_space<vmem>> -> memref<1x64xi32, #tpu.memory_space<vmem>>
      %dma_start3A_279 = tpu.memref_squeeze %dma_start3A_278 : memref<1x64xi32, #tpu.memory_space<vmem>> -> memref<64xi32, #tpu.memory_space<vmem>>
      %dma_start3A_280 = arith.constant 0 : i32
      %dma_start3A_281 = arith.constant 0 : i32
      %dma_start3A_282 = tpu.memref_slice %arg2[%dma_start3A_280, %dma_start3A_281] : memref<10000x128xf32, #tpu.memory_space<hbm>> -> memref<10000x128xf32, #tpu.memory_space<hbm>>
      tpu.enqueue_indirect_dma source(%dma_start3A_282 : memref<10000x128xf32, #tpu.memory_space<hbm>>) target(%dma_start3A_276 : memref<64x128xf32, #tpu.memory_space<vmem>>) offsets(%dma_start3A_279 : memref<64xi32, #tpu.memory_space<vmem>>) semaphore(%arg13 : memref<!tpu.dma_semaphore, #tpu.memory_space<semaphore_mem>>)
    }
    %scan3A_155 = arith.constant 19 : i32
    %scan3A_156 = arith.constant 0 : i32
    %scan3A_157 = arith.constant 0 : i32
    %scan3A_158 = arith.constant 8 : i32
    %scan3A_159 = arith.addi %scan3A_157, %scan3A_158 : i32
    %scan3A_160 = arith.constant 1 : i32
    scf.for %scan3A_210 = %scan3A_157 to %scan3A_159 step %scan3A_160  : i32 {
      %mul3A_211 = arith.constant 16 : i32
      %mul3A_212 = arith.muli %scan3A_210, %mul3A_211 : i32
      %get3A = arith.constant 38 : i32
      %get3A_213 = arith.index_cast %get3A : i32 to index
      %get3A_214 = arith.index_cast %mul3A_212 : i32 to index
      %get3A_215 = tpu.vector_load %arg9[%get3A_213, %get3A_214] {strides = array<i32>} : memref<40x128xi32, #tpu.memory_space<vmem>>, vector<16xi32>,
      %mul3A_216 = arith.constant 16 : i32
      %mul3A_217 = arith.muli %scan3A_210, %mul3A_216 : i32
      %swap3A = arith.constant 0 : i32
      %swap3A_218 = arith.index_cast %swap3A : i32 to index
      %swap3A_219 = arith.index_cast %mul3A_217 : i32 to index
      %swap3A_220 = tpu.vector_load %arg10[%swap3A_218, %swap3A_219] {strides = array<i32>} : memref<1x128xi32, #tpu.memory_space<vmem>>, vector<16xi32>,
      tpu.vector_store %arg10[%swap3A_218, %swap3A_219], %get3A_215 {strides = array<i32>} : memref<1x128xi32, #tpu.memory_space<vmem>>, vector<16xi32>,
    }
    %scan3A_161 = arith.constant 8 : i32
    %dma_wait3A_162 = arith.constant 0 : i32
    %dma_wait3A_163 = arith.constant 0 : i32
    %dma_wait3A_164 = tpu.memref_slice %arg8[%dma_wait3A_162, %dma_wait3A_163] : memref<40x128xi32, #tpu.memory_space<vmem>> -> memref<1x128xi32, #tpu.memory_space<vmem>>
    %dma_wait3A_165 = tpu.memref_squeeze %dma_wait3A_164 : memref<1x128xi32, #tpu.memory_space<vmem>> -> memref<128xi32, #tpu.memory_space<vmem>>
    %dma_wait3A_166 = arith.constant 0 : i32
    %dma_wait3A_167 = arith.constant 0 : i32
    %dma_wait3A_168 = tpu.memref_slice %arg2[%dma_wait3A_166, %dma_wait3A_167] : memref<10000x128xf32, #tpu.memory_space<hbm>> -> memref<10000x128xf32, #tpu.memory_space<hbm>>
    tpu.wait_indirect_dma semaphore(%arg12 : memref<!tpu.dma_semaphore, #tpu.memory_space<semaphore_mem>>) src(%dma_wait3A_168 : memref<10000x128xf32, #tpu.memory_space<hbm>>) dst(%arg6 : memref<128x128xf32, #tpu.memory_space<vmem>>)
    %run_scoped3A_169 = arith.constant 0 : i32
    "tpu.region"() ({
      %run_scoped3A_210 = tpu.sem_alloc : memref<!tpu.dma_semaphore, #tpu.memory_space<semaphore_mem>>
      %dma_start3A_211 = arith.constant 0 : i32
      %dma_start3A_212 = tpu.memref_slice %arg10[%run_scoped3A_169, %dma_start3A_211] : memref<1x128xi32, #tpu.memory_space<vmem>> -> memref<1x128xi32, #tpu.memory_space<vmem>>
      %dma_start3A_213 = tpu.memref_squeeze %dma_start3A_212 : memref<1x128xi32, #tpu.memory_space<vmem>> -> memref<128xi32, #tpu.memory_space<vmem>>
      %dma_start3A_214 = arith.constant 0 : i32
      %dma_start3A_215 = arith.constant 0 : i32
      %dma_start3A_216 = tpu.memref_slice %arg11[%dma_start3A_214, %dma_start3A_215] : memref<10128x128xf32, #tpu.memory_space<vmem_shared>> -> memref<10128x128xf32, #tpu.memory_space<vmem_shared>>
      tpu.enqueue_indirect_dma source(%arg6 : memref<128x128xf32, #tpu.memory_space<vmem>>) target(%dma_start3A_216 : memref<10128x128xf32, #tpu.memory_space<vmem_shared>>) offsets(%dma_start3A_213 : memref<128xi32, #tpu.memory_space<vmem>>) semaphore(%run_scoped3A_210 : memref<!tpu.dma_semaphore, #tpu.memory_space<semaphore_mem>>) {add = true}
      %dma_wait3A_217 = arith.constant 0 : i32
      %dma_wait3A_218 = tpu.memref_slice %arg10[%run_scoped3A_169, %dma_wait3A_217] : memref<1x128xi32, #tpu.memory_space<vmem>> -> memref<1x128xi32, #tpu.memory_space<vmem>>
      %dma_wait3A_219 = tpu.memref_squeeze %dma_wait3A_218 : memref<1x128xi32, #tpu.memory_space<vmem>> -> memref<128xi32, #tpu.memory_space<vmem>>
      %dma_wait3A_220 = arith.constant 0 : i32
      %dma_wait3A_221 = arith.constant 0 : i32
      %dma_wait3A_222 = tpu.memref_slice %arg11[%dma_wait3A_220, %dma_wait3A_221] : memref<10128x128xf32, #tpu.memory_space<vmem_shared>> -> memref<10128x128xf32, #tpu.memory_space<vmem_shared>>
      tpu.wait_indirect_dma semaphore(%run_scoped3A_210 : memref<!tpu.dma_semaphore, #tpu.memory_space<semaphore_mem>>) src(%arg6 : memref<128x128xf32, #tpu.memory_space<vmem>>) dst(%dma_wait3A_222 : memref<10128x128xf32, #tpu.memory_space<vmem_shared>>)
      tpu.yield
    }) : () -> ()
    %scan3A_170 = arith.constant 0 : i32
    %scan3A_171 = arith.constant 0 : i32
    %scan3A_172 = arith.constant 8 : i32
    %scan3A_173 = arith.addi %scan3A_171, %scan3A_172 : i32
    %scan3A_174 = arith.constant 1 : i32
    scf.for %scan3A_210 = %scan3A_171 to %scan3A_173 step %scan3A_174  : i32 {
      %mul3A_211 = arith.constant 16 : i32
      %mul3A_212 = arith.muli %scan3A_210, %mul3A_211 : i32
      %get3A = arith.constant 39 : i32
      %get3A_213 = arith.index_cast %get3A : i32 to index
      %get3A_214 = arith.index_cast %mul3A_212 : i32 to index
      %get3A_215 = tpu.vector_load %arg9[%get3A_213, %get3A_214] {strides = array<i32>} : memref<40x128xi32, #tpu.memory_space<vmem>>, vector<16xi32>,
      %mul3A_216 = arith.constant 16 : i32
      %mul3A_217 = arith.muli %scan3A_210, %mul3A_216 : i32
      %swap3A = arith.constant 0 : i32
      %swap3A_218 = arith.index_cast %swap3A : i32 to index
      %swap3A_219 = arith.index_cast %mul3A_217 : i32 to index
      %swap3A_220 = tpu.vector_load %arg10[%swap3A_218, %swap3A_219] {strides = array<i32>} : memref<1x128xi32, #tpu.memory_space<vmem>>, vector<16xi32>,
      tpu.vector_store %arg10[%swap3A_218, %swap3A_219], %get3A_215 {strides = array<i32>} : memref<1x128xi32, #tpu.memory_space<vmem>>, vector<16xi32>,
    }
    %scan3A_175 = arith.constant 8 : i32
    %dma_wait3A_176 = arith.constant 0 : i32
    %dma_wait3A_177 = arith.constant 0 : i32
    %dma_wait3A_178 = tpu.memref_slice %arg8[%dma_wait3A_176, %dma_wait3A_177] : memref<40x128xi32, #tpu.memory_space<vmem>> -> memref<1x128xi32, #tpu.memory_space<vmem>>
    %dma_wait3A_179 = tpu.memref_squeeze %dma_wait3A_178 : memref<1x128xi32, #tpu.memory_space<vmem>> -> memref<128xi32, #tpu.memory_space<vmem>>
    %dma_wait3A_180 = arith.constant 0 : i32
    %dma_wait3A_181 = arith.constant 0 : i32
    %dma_wait3A_182 = tpu.memref_slice %arg2[%dma_wait3A_180, %dma_wait3A_181] : memref<10000x128xf32, #tpu.memory_space<hbm>> -> memref<10000x128xf32, #tpu.memory_space<hbm>>
    tpu.wait_indirect_dma semaphore(%arg13 : memref<!tpu.dma_semaphore, #tpu.memory_space<semaphore_mem>>) src(%dma_wait3A_182 : memref<10000x128xf32, #tpu.memory_space<hbm>>) dst(%arg7 : memref<128x128xf32, #tpu.memory_space<vmem>>)
    %run_scoped3A_183 = arith.constant 0 : i32
    "tpu.region"() ({
      %run_scoped3A_210 = tpu.sem_alloc : memref<!tpu.dma_semaphore, #tpu.memory_space<semaphore_mem>>
      %dma_start3A_211 = arith.constant 0 : i32
      %dma_start3A_212 = tpu.memref_slice %arg10[%run_scoped3A_183, %dma_start3A_211] : memref<1x128xi32, #tpu.memory_space<vmem>> -> memref<1x128xi32, #tpu.memory_space<vmem>>
      %dma_start3A_213 = tpu.memref_squeeze %dma_start3A_212 : memref<1x128xi32, #tpu.memory_space<vmem>> -> memref<128xi32, #tpu.memory_space<vmem>>
      %dma_start3A_214 = arith.constant 0 : i32
      %dma_start3A_215 = arith.constant 0 : i32
      %dma_start3A_216 = tpu.memref_slice %arg11[%dma_start3A_214, %dma_start3A_215] : memref<10128x128xf32, #tpu.memory_space<vmem_shared>> -> memref<10128x128xf32, #tpu.memory_space<vmem_shared>>
      tpu.enqueue_indirect_dma source(%arg7 : memref<128x128xf32, #tpu.memory_space<vmem>>) target(%dma_start3A_216 : memref<10128x128xf32, #tpu.memory_space<vmem_shared>>) offsets(%dma_start3A_213 : memref<128xi32, #tpu.memory_space<vmem>>) semaphore(%run_scoped3A_210 : memref<!tpu.dma_semaphore, #tpu.memory_space<semaphore_mem>>) {add = true}
      %dma_wait3A_217 = arith.constant 0 : i32
      %dma_wait3A_218 = tpu.memref_slice %arg10[%run_scoped3A_183, %dma_wait3A_217] : memref<1x128xi32, #tpu.memory_space<vmem>> -> memref<1x128xi32, #tpu.memory_space<vmem>>
      %dma_wait3A_219 = tpu.memref_squeeze %dma_wait3A_218 : memref<1x128xi32, #tpu.memory_space<vmem>> -> memref<128xi32, #tpu.memory_space<vmem>>
      %dma_wait3A_220 = arith.constant 0 : i32
      %dma_wait3A_221 = arith.constant 0 : i32
      %dma_wait3A_222 = tpu.memref_slice %arg11[%dma_wait3A_220, %dma_wait3A_221] : memref<10128x128xf32, #tpu.memory_space<vmem_shared>> -> memref<10128x128xf32, #tpu.memory_space<vmem_shared>>
      tpu.wait_indirect_dma semaphore(%run_scoped3A_210 : memref<!tpu.dma_semaphore, #tpu.memory_space<semaphore_mem>>) src(%arg7 : memref<128x128xf32, #tpu.memory_space<vmem>>) dst(%dma_wait3A_222 : memref<10128x128xf32, #tpu.memory_space<vmem_shared>>)
      tpu.yield
    }) : () -> ()
    %barrier3A_184 = arith.constant 0 : index
    tpu.barrier barrier_id(%barrier3A_184)
    %mul3A_185 = arith.constant 624 : i32
    %mul3A_186 = arith.muli %arg1, %mul3A_185 : i32
    %add3A_187 = arith.constant 0 : i32
    %add3A_188 = arith.addi %mul3A_186, %add3A_187 : i32
    %multiple_of3A_189 = tpu.assume_multiple %add3A_188, 8 : i32
    "tpu.region"() ({
      %run_scoped3A_210 = tpu.sem_alloc : memref<!tpu.dma_semaphore, #tpu.memory_space<semaphore_mem>>
      %dma_start3A_211 = arith.constant 0 : i32
      %dma_start3A_212 = tpu.memref_slice %arg5[%arg0, %multiple_of3A_189, %dma_start3A_211] : memref<2x10000x128xf32, #tpu.memory_space<hbm>> -> memref<1x128x128xf32, #tpu.memory_space<hbm>>
      %dma_start3A_213 = tpu.memref_squeeze %dma_start3A_212 : memref<1x128x128xf32, #tpu.memory_space<hbm>> -> memref<128x128xf32, #tpu.memory_space<hbm>>
      %dma_start3A_214 = arith.constant 0 : i32
      %dma_start3A_215 = tpu.memref_slice %arg11[%multiple_of3A_189, %dma_start3A_214] : memref<10128x128xf32, #tpu.memory_space<vmem_shared>> -> memref<128x128xf32, #tpu.memory_space<vmem_shared>>
      tpu.enqueue_dma source(%dma_start3A_215 : memref<128x128xf32, #tpu.memory_space<vmem_shared>>) target(%dma_start3A_213 : memref<128x128xf32, #tpu.memory_space<hbm>>) target_semaphore(%run_scoped3A_210 : memref<!tpu.dma_semaphore, #tpu.memory_space<semaphore_mem>>)
      %dma_wait3A_216 = arith.constant 0 : i32
      %dma_wait3A_217 = tpu.memref_slice %arg5[%arg0, %multiple_of3A_189, %dma_wait3A_216] : memref<2x10000x128xf32, #tpu.memory_space<hbm>> -> memref<1x128x128xf32, #tpu.memory_space<hbm>>
      %dma_wait3A_218 = tpu.memref_squeeze %dma_wait3A_217 : memref<1x128x128xf32, #tpu.memory_space<hbm>> -> memref<128x128xf32, #tpu.memory_space<hbm>>
      %dma_wait3A_219 = arith.constant 0 : i32
      %dma_wait3A_220 = tpu.memref_slice %arg11[%multiple_of3A_189, %dma_wait3A_219] : memref<10128x128xf32, #tpu.memory_space<vmem_shared>> -> memref<128x128xf32, #tpu.memory_space<vmem_shared>>
      tpu.wait_dma2 semaphore(%run_scoped3A_210 : memref<!tpu.dma_semaphore, #tpu.memory_space<semaphore_mem>>) src(%dma_wait3A_220 : memref<128x128xf32, #tpu.memory_space<vmem_shared>>) dst(%dma_wait3A_218 : memref<128x128xf32, #tpu.memory_space<hbm>>)
      tpu.yield
    }) : () -> ()
    %mul3A_190 = arith.constant 624 : i32
    %mul3A_191 = arith.muli %arg1, %mul3A_190 : i32
    %add3A_192 = arith.constant 128 : i32
    %add3A_193 = arith.addi %mul3A_191, %add3A_192 : i32
    %multiple_of3A_194 = tpu.assume_multiple %add3A_193, 8 : i32
    "tpu.region"() ({
      %run_scoped3A_210 = tpu.sem_alloc : memref<!tpu.dma_semaphore, #tpu.memory_space<semaphore_mem>>
      %dma_start3A_211 = arith.constant 0 : i32
      %dma_start3A_212 = tpu.memref_slice %arg5[%arg0, %multiple_of3A_194, %dma_start3A_211] : memref<2x10000x128xf32, #tpu.memory_space<hbm>> -> memref<1x128x128xf32, #tpu.memory_space<hbm>>
      %dma_start3A_213 = tpu.memref_squeeze %dma_start3A_212 : memref<1x128x128xf32, #tpu.memory_space<hbm>> -> memref<128x128xf32, #tpu.memory_space<hbm>>
      %dma_start3A_214 = arith.constant 0 : i32
      %dma_start3A_215 = tpu.memref_slice %arg11[%multiple_of3A_194, %dma_start3A_214] : memref<10128x128xf32, #tpu.memory_space<vmem_shared>> -> memref<128x128xf32, #tpu.memory_space<vmem_shared>>
      tpu.enqueue_dma source(%dma_start3A_215 : memref<128x128xf32, #tpu.memory_space<vmem_shared>>) target(%dma_start3A_213 : memref<128x128xf32, #tpu.memory_space<hbm>>) target_semaphore(%run_scoped3A_210 : memref<!tpu.dma_semaphore, #tpu.memory_space<semaphore_mem>>)
      %dma_wait3A_216 = arith.constant 0 : i32
      %dma_wait3A_217 = tpu.memref_slice %arg5[%arg0, %multiple_of3A_194, %dma_wait3A_216] : memref<2x10000x128xf32, #tpu.memory_space<hbm>> -> memref<1x128x128xf32, #tpu.memory_space<hbm>>
      %dma_wait3A_218 = tpu.memref_squeeze %dma_wait3A_217 : memref<1x128x128xf32, #tpu.memory_space<hbm>> -> memref<128x128xf32, #tpu.memory_space<hbm>>
      %dma_wait3A_219 = arith.constant 0 : i32
      %dma_wait3A_220 = tpu.memref_slice %arg11[%multiple_of3A_194, %dma_wait3A_219] : memref<10128x128xf32, #tpu.memory_space<vmem_shared>> -> memref<128x128xf32, #tpu.memory_space<vmem_shared>>
      tpu.wait_dma2 semaphore(%run_scoped3A_210 : memref<!tpu.dma_semaphore, #tpu.memory_space<semaphore_mem>>) src(%dma_wait3A_220 : memref<128x128xf32, #tpu.memory_space<vmem_shared>>) dst(%dma_wait3A_218 : memref<128x128xf32, #tpu.memory_space<hbm>>)
      tpu.yield
    }) : () -> ()
    %mul3A_195 = arith.constant 624 : i32
    %mul3A_196 = arith.muli %arg1, %mul3A_195 : i32
    %add3A_197 = arith.constant 256 : i32
    %add3A_198 = arith.addi %mul3A_196, %add3A_197 : i32
    %multiple_of3A_199 = tpu.assume_multiple %add3A_198, 8 : i32
    "tpu.region"() ({
      %run_scoped3A_210 = tpu.sem_alloc : memref<!tpu.dma_semaphore, #tpu.memory_space<semaphore_mem>>
      %dma_start3A_211 = arith.constant 0 : i32
      %dma_start3A_212 = tpu.memref_slice %arg5[%arg0, %multiple_of3A_199, %dma_start3A_211] : memref<2x10000x128xf32, #tpu.memory_space<hbm>> -> memref<1x128x128xf32, #tpu.memory_space<hbm>>
      %dma_start3A_213 = tpu.memref_squeeze %dma_start3A_212 : memref<1x128x128xf32, #tpu.memory_space<hbm>> -> memref<128x128xf32, #tpu.memory_space<hbm>>
      %dma_start3A_214 = arith.constant 0 : i32
      %dma_start3A_215 = tpu.memref_slice %arg11[%multiple_of3A_199, %dma_start3A_214] : memref<10128x128xf32, #tpu.memory_space<vmem_shared>> -> memref<128x128xf32, #tpu.memory_space<vmem_shared>>
      tpu.enqueue_dma source(%dma_start3A_215 : memref<128x128xf32, #tpu.memory_space<vmem_shared>>) target(%dma_start3A_213 : memref<128x128xf32, #tpu.memory_space<hbm>>) target_semaphore(%run_scoped3A_210 : memref<!tpu.dma_semaphore, #tpu.memory_space<semaphore_mem>>)
      %dma_wait3A_216 = arith.constant 0 : i32
      %dma_wait3A_217 = tpu.memref_slice %arg5[%arg0, %multiple_of3A_199, %dma_wait3A_216] : memref<2x10000x128xf32, #tpu.memory_space<hbm>> -> memref<1x128x128xf32, #tpu.memory_space<hbm>>
      %dma_wait3A_218 = tpu.memref_squeeze %dma_wait3A_217 : memref<1x128x128xf32, #tpu.memory_space<hbm>> -> memref<128x128xf32, #tpu.memory_space<hbm>>
      %dma_wait3A_219 = arith.constant 0 : i32
      %dma_wait3A_220 = tpu.memref_slice %arg11[%multiple_of3A_199, %dma_wait3A_219] : memref<10128x128xf32, #tpu.memory_space<vmem_shared>> -> memref<128x128xf32, #tpu.memory_space<vmem_shared>>
      tpu.wait_dma2 semaphore(%run_scoped3A_210 : memref<!tpu.dma_semaphore, #tpu.memory_space<semaphore_mem>>) src(%dma_wait3A_220 : memref<128x128xf32, #tpu.memory_space<vmem_shared>>) dst(%dma_wait3A_218 : memref<128x128xf32, #tpu.memory_space<hbm>>)
      tpu.yield
    }) : () -> ()
    %mul3A_200 = arith.constant 624 : i32
    %mul3A_201 = arith.muli %arg1, %mul3A_200 : i32
    %add3A_202 = arith.constant 384 : i32
    %add3A_203 = arith.addi %mul3A_201, %add3A_202 : i32
    %multiple_of3A_204 = tpu.assume_multiple %add3A_203, 8 : i32
    "tpu.region"() ({
      %run_scoped3A_210 = tpu.sem_alloc : memref<!tpu.dma_semaphore, #tpu.memory_space<semaphore_mem>>
      %dma_start3A_211 = arith.constant 0 : i32
      %dma_start3A_212 = tpu.memref_slice %arg5[%arg0, %multiple_of3A_204, %dma_start3A_211] : memref<2x10000x128xf32, #tpu.memory_space<hbm>> -> memref<1x128x128xf32, #tpu.memory_space<hbm>>
      %dma_start3A_213 = tpu.memref_squeeze %dma_start3A_212 : memref<1x128x128xf32, #tpu.memory_space<hbm>> -> memref<128x128xf32, #tpu.memory_space<hbm>>
      %dma_start3A_214 = arith.constant 0 : i32
      %dma_start3A_215 = tpu.memref_slice %arg11[%multiple_of3A_204, %dma_start3A_214] : memref<10128x128xf32, #tpu.memory_space<vmem_shared>> -> memref<128x128xf32, #tpu.memory_space<vmem_shared>>
      tpu.enqueue_dma source(%dma_start3A_215 : memref<128x128xf32, #tpu.memory_space<vmem_shared>>) target(%dma_start3A_213 : memref<128x128xf32, #tpu.memory_space<hbm>>) target_semaphore(%run_scoped3A_210 : memref<!tpu.dma_semaphore, #tpu.memory_space<semaphore_mem>>)
      %dma_wait3A_216 = arith.constant 0 : i32
      %dma_wait3A_217 = tpu.memref_slice %arg5[%arg0, %multiple_of3A_204, %dma_wait3A_216] : memref<2x10000x128xf32, #tpu.memory_space<hbm>> -> memref<1x128x128xf32, #tpu.memory_space<hbm>>
      %dma_wait3A_218 = tpu.memref_squeeze %dma_wait3A_217 : memref<1x128x128xf32, #tpu.memory_space<hbm>> -> memref<128x128xf32, #tpu.memory_space<hbm>>
      %dma_wait3A_219 = arith.constant 0 : i32
      %dma_wait3A_220 = tpu.memref_slice %arg11[%multiple_of3A_204, %dma_wait3A_219] : memref<10128x128xf32, #tpu.memory_space<vmem_shared>> -> memref<128x128xf32, #tpu.memory_space<vmem_shared>>
      tpu.wait_dma2 semaphore(%run_scoped3A_210 : memref<!tpu.dma_semaphore, #tpu.memory_space<semaphore_mem>>) src(%dma_wait3A_220 : memref<128x128xf32, #tpu.memory_space<vmem_shared>>) dst(%dma_wait3A_218 : memref<128x128xf32, #tpu.memory_space<hbm>>)
      tpu.yield
    }) : () -> ()
    %mul3A_205 = arith.constant 624 : i32
    %mul3A_206 = arith.muli %arg1, %mul3A_205 : i32
    %add3A_207 = arith.constant 512 : i32
    %add3A_208 = arith.addi %mul3A_206, %add3A_207 : i32
    %multiple_of3A_209 = tpu.assume_multiple %add3A_208, 8 : i32
    "tpu.region"() ({
      %run_scoped3A_210 = tpu.sem_alloc : memref<!tpu.dma_semaphore, #tpu.memory_space<semaphore_mem>>
      %dma_start3A_211 = arith.constant 0 : i32
      %dma_start3A_212 = tpu.memref_slice %arg5[%arg0, %multiple_of3A_209, %dma_start3A_211] : memref<2x10000x128xf32, #tpu.memory_space<hbm>> -> memref<1x128x128xf32, #tpu.memory_space<hbm>>
      %dma_start3A_213 = tpu.memref_squeeze %dma_start3A_212 : memref<1x128x128xf32, #tpu.memory_space<hbm>> -> memref<128x128xf32, #tpu.memory_space<hbm>>
      %dma_start3A_214 = arith.constant 0 : i32
      %dma_start3A_215 = tpu.memref_slice %arg11[%multiple_of3A_209, %dma_start3A_214] : memref<10128x128xf32, #tpu.memory_space<vmem_shared>> -> memref<128x128xf32, #tpu.memory_space<vmem_shared>>
      tpu.enqueue_dma source(%dma_start3A_215 : memref<128x128xf32, #tpu.memory_space<vmem_shared>>) target(%dma_start3A_213 : memref<128x128xf32, #tpu.memory_space<hbm>>) target_semaphore(%run_scoped3A_210 : memref<!tpu.dma_semaphore, #tpu.memory_space<semaphore_mem>>)
      %dma_wait3A_216 = arith.constant 0 : i32
      %dma_wait3A_217 = tpu.memref_slice %arg5[%arg0, %multiple_of3A_209, %dma_wait3A_216] : memref<2x10000x128xf32, #tpu.memory_space<hbm>> -> memref<1x128x128xf32, #tpu.memory_space<hbm>>
      %dma_wait3A_218 = tpu.memref_squeeze %dma_wait3A_217 : memref<1x128x128xf32, #tpu.memory_space<hbm>> -> memref<128x128xf32, #tpu.memory_space<hbm>>
      %dma_wait3A_219 = arith.constant 0 : i32
      %dma_wait3A_220 = tpu.memref_slice %arg11[%multiple_of3A_209, %dma_wait3A_219] : memref<10128x128xf32, #tpu.memory_space<vmem_shared>> -> memref<128x128xf32, #tpu.memory_space<vmem_shared>>
      tpu.wait_dma2 semaphore(%run_scoped3A_210 : memref<!tpu.dma_semaphore, #tpu.memory_space<semaphore_mem>>) src(%dma_wait3A_220 : memref<128x128xf32, #tpu.memory_space<vmem_shared>>) dst(%dma_wait3A_218 : memref<128x128xf32, #tpu.memory_space<hbm>>)
      tpu.yield
    }) : () -> ()
    return
  }
}

#map = affine_map<(d0, d1) -> (0, 0)>
#map1 = affine_map<(d0, d1) -> (0, 0, 0)>
module attributes {stable_mosaic.version = 14 : i64} {
  func.func @_agg(%arg0: i32, %arg1: i32, %arg2: memref<10000x128xf32, #tpu.memory_space<hbm>>, %arg3: memref<2560x128xi32, #tpu.memory_space<hbm>>, %arg4: memref<2560x128xi32, #tpu.memory_space<hbm>>, %arg5: memref<2x10000x128xf32, #tpu.memory_space<hbm>>, %arg6: memref<128x128xf32, #tpu.memory_space<vmem>>, %arg7: memref<128x128xf32, #tpu.memory_space<vmem>>, %arg8: memref<40x128xi32, #tpu.memory_space<vmem>>, %arg9: memref<40x128xi32, #tpu.memory_space<vmem>>, %arg10: memref<1x128xi32, #tpu.memory_space<vmem>>, %arg11: memref<10128x128xf32, #tpu.memory_space<vmem_shared>>, %arg12: memref<!tpu.dma_semaphore, #tpu.memory_space<semaphore_mem>>, %arg13: memref<!tpu.dma_semaphore, #tpu.memory_space<semaphore_mem>>) attributes {dimension_semantics = [#tpu.dimension_semantics<core_parallel>, #tpu.dimension_semantics<subcore_parallel>], iteration_bounds = array<i64: 2, 16>, scalar_prefetch = 0 : i64, scratch_operands = 8 : i64, tpu.core_type = #tpu.core_type<sc_vector_subcore>, window_params = [{transform_indices = #map}, {transform_indices = #map}, {transform_indices = #map}, {transform_indices = #map1}]} {
    %mul3A = arith.constant 16 : i32
    %mul3A_0 = arith.muli %arg0, %mul3A : i32
    %add3A = arith.addi %mul3A_0, %arg1 : i32
    %mul3A_1 = arith.constant 80 : i32
    %mul3A_2 = arith.muli %add3A, %mul3A_1 : i32
    %multiple_of3A = tpu.assume_multiple %mul3A_2, 8 : i32
    %scan3A = arith.constant 0 : i32
    %scan3A_3 = arith.constant 0 : i32
    %scan3A_4 = arith.constant 128 : i32
    %scan3A_5 = arith.addi %scan3A_3, %scan3A_4 : i32
    %scan3A_6 = arith.constant 1 : i32
    scf.for %scan3A_210 = %scan3A_3 to %scan3A_5 step %scan3A_6  : i32 {
      %scan3A_211 = arith.constant 0 : i32
      %scan3A_212 = arith.constant 8 : i32
      %scan3A_213 = arith.addi %scan3A_211, %scan3A_212 : i32
      %scan3A_214 = arith.constant 1 : i32
      scf.for %scan3A_216 = %scan3A_211 to %scan3A_213 step %scan3A_214  : i32 {
        %broadcast_in_dim3A = arith.constant 0.000000e+00 : f32
        %broadcast_in_dim3A_217 = vector.broadcast %broadcast_in_dim3A : f32 to vector<16xf32>
        %mul3A_218 = arith.constant 16 : i32
        %mul3A_219 = arith.muli %scan3A_216, %mul3A_218 : i32
        %swap3A = arith.index_cast %scan3A_210 : i32 to index
        %swap3A_220 = arith.index_cast %mul3A_219 : i32 to index
        %swap3A_221 = tpu.vector_load %arg6[%swap3A, %swap3A_220] {strides = array<i32>} : memref<128x128xf32, #tpu.memory_space<vmem>>, vector<16xf32>,
        tpu.vector_store %arg6[%swap3A, %swap3A_220], %broadcast_in_dim3A_217 {strides = array<i32>} : memref<128x128xf32, #tpu.memory_space<vmem>>, vector<16xf32>,
      }
      %scan3A_215 = arith.constant 8 : i32
    }
    %scan3A_7 = arith.constant 128 : i32
    %mul3A_8 = arith.constant 624 : i32
    %mul3A_9 = arith.muli %arg1, %mul3A_8 : i32
    %add3A_10 = arith.constant 0 : i32
    %add3A_11 = arith.addi %mul3A_9, %add3A_10 : i32
    %multiple_of3A_12 = tpu.assume_multiple %add3A_11, 8 : i32
    "tpu.region"() ({
      %run_scoped3A_210 = tpu.sem_alloc : memref<!tpu.dma_semaphore, #tpu.memory_space<semaphore_mem>>
      %dma_start3A_211 = arith.constant 0 : i32
      %dma_start3A_212 = tpu.memref_slice %arg11[%multiple_of3A_12, %dma_start3A_211] : memref<10128x128xf32, #tpu.memory_space<vmem_shared>> -> memref<128x128xf32, #tpu.memory_space<vmem_shared>>
      %dma_start3A_213 = arith.constant 0 : i32
      %dma_start3A_214 = tpu.memref_slice %arg11[%multiple_of3A_12, %dma_start3A_213] : memref<10128x128xf32, #tpu.memory_space<vmem_shared>> -> memref<128x128xf32, #tpu.memory_space<vmem_shared>>
      tpu.enqueue_dma source(%arg6 : memref<128x128xf32, #tpu.memory_space<vmem>>) target(%dma_start3A_214 : memref<128x128xf32, #tpu.memory_space<vmem_shared>>) target_semaphore(%run_scoped3A_210 : memref<!tpu.dma_semaphore, #tpu.memory_space<semaphore_mem>>)
      %dma_wait3A_215 = arith.constant 0 : i32
      %dma_wait3A_216 = tpu.memref_slice %arg11[%multiple_of3A_12, %dma_wait3A_215] : memref<10128x128xf32, #tpu.memory_space<vmem_shared>> -> memref<128x128xf32, #tpu.memory_space<vmem_shared>>
      %dma_wait3A_217 = arith.constant 0 : i32
      %dma_wait3A_218 = tpu.memref_slice %arg11[%multiple_of3A_12, %dma_wait3A_217] : memref<10128x128xf32, #tpu.memory_space<vmem_shared>> -> memref<128x128xf32, #tpu.memory_space<vmem_shared>>
      tpu.wait_dma2 semaphore(%run_scoped3A_210 : memref<!tpu.dma_semaphore, #tpu.memory_space<semaphore_mem>>) src(%arg6 : memref<128x128xf32, #tpu.memory_space<vmem>>) dst(%dma_wait3A_218 : memref<128x128xf32, #tpu.memory_space<vmem_shared>>)
      tpu.yield
    }) : () -> ()
    %mul3A_13 = arith.constant 624 : i32
    %mul3A_14 = arith.muli %arg1, %mul3A_13 : i32
    %add3A_15 = arith.constant 128 : i32
    %add3A_16 = arith.addi %mul3A_14, %add3A_15 : i32
    %multiple_of3A_17 = tpu.assume_multiple %add3A_16, 8 : i32
    "tpu.region"() ({
      %run_scoped3A_210 = tpu.sem_alloc : memref<!tpu.dma_semaphore, #tpu.memory_space<semaphore_mem>>
      %dma_start3A_211 = arith.constant 0 : i32
      %dma_start3A_212 = tpu.memref_slice %arg11[%multiple_of3A_17, %dma_start3A_211] : memref<10128x128xf32, #tpu.memory_space<vmem_shared>> -> memref<128x128xf32, #tpu.memory_space<vmem_shared>>
      %dma_start3A_213 = arith.constant 0 : i32
      %dma_start3A_214 = tpu.memref_slice %arg11[%multiple_of3A_17, %dma_start3A_213] : memref<10128x128xf32, #tpu.memory_space<vmem_shared>> -> memref<128x128xf32, #tpu.memory_space<vmem_shared>>
      tpu.enqueue_dma source(%arg6 : memref<128x128xf32, #tpu.memory_space<vmem>>) target(%dma_start3A_214 : memref<128x128xf32, #tpu.memory_space<vmem_shared>>) target_semaphore(%run_scoped3A_210 : memref<!tpu.dma_semaphore, #tpu.memory_space<semaphore_mem>>)
      %dma_wait3A_215 = arith.constant 0 : i32
      %dma_wait3A_216 = tpu.memref_slice %arg11[%multiple_of3A_17, %dma_wait3A_215] : memref<10128x128xf32, #tpu.memory_space<vmem_shared>> -> memref<128x128xf32, #tpu.memory_space<vmem_shared>>
      %dma_wait3A_217 = arith.constant 0 : i32
      %dma_wait3A_218 = tpu.memref_slice %arg11[%multiple_of3A_17, %dma_wait3A_217] : memref<10128x128xf32, #tpu.memory_space<vmem_shared>> -> memref<128x128xf32, #tpu.memory_space<vmem_shared>>
      tpu.wait_dma2 semaphore(%run_scoped3A_210 : memref<!tpu.dma_semaphore, #tpu.memory_space<semaphore_mem>>) src(%arg6 : memref<128x128xf32, #tpu.memory_space<vmem>>) dst(%dma_wait3A_218 : memref<128x128xf32, #tpu.memory_space<vmem_shared>>)
      tpu.yield
    }) : () -> ()
    %mul3A_18 = arith.constant 624 : i32
    %mul3A_19 = arith.muli %arg1, %mul3A_18 : i32
    %add3A_20 = arith.constant 256 : i32
    %add3A_21 = arith.addi %mul3A_19, %add3A_20 : i32
    %multiple_of3A_22 = tpu.assume_multiple %add3A_21, 8 : i32
    "tpu.region"() ({
      %run_scoped3A_210 = tpu.sem_alloc : memref<!tpu.dma_semaphore, #tpu.memory_space<semaphore_mem>>
      %dma_start3A_211 = arith.constant 0 : i32
      %dma_start3A_212 = tpu.memref_slice %arg11[%multiple_of3A_22, %dma_start3A_211] : memref<10128x128xf32, #tpu.memory_space<vmem_shared>> -> memref<128x128xf32, #tpu.memory_space<vmem_shared>>
      %dma_start3A_213 = arith.constant 0 : i32
      %dma_start3A_214 = tpu.memref_slice %arg11[%multiple_of3A_22, %dma_start3A_213] : memref<10128x128xf32, #tpu.memory_space<vmem_shared>> -> memref<128x128xf32, #tpu.memory_space<vmem_shared>>
      tpu.enqueue_dma source(%arg6 : memref<128x128xf32, #tpu.memory_space<vmem>>) target(%dma_start3A_214 : memref<128x128xf32, #tpu.memory_space<vmem_shared>>) target_semaphore(%run_scoped3A_210 : memref<!tpu.dma_semaphore, #tpu.memory_space<semaphore_mem>>)
      %dma_wait3A_215 = arith.constant 0 : i32
      %dma_wait3A_216 = tpu.memref_slice %arg11[%multiple_of3A_22, %dma_wait3A_215] : memref<10128x128xf32, #tpu.memory_space<vmem_shared>> -> memref<128x128xf32, #tpu.memory_space<vmem_shared>>
      %dma_wait3A_217 = arith.constant 0 : i32
      %dma_wait3A_218 = tpu.memref_slice %arg11[%multiple_of3A_22, %dma_wait3A_217] : memref<10128x128xf32, #tpu.memory_space<vmem_shared>> -> memref<128x128xf32, #tpu.memory_space<vmem_shared>>
      tpu.wait_dma2 semaphore(%run_scoped3A_210 : memref<!tpu.dma_semaphore, #tpu.memory_space<semaphore_mem>>) src(%arg6 : memref<128x128xf32, #tpu.memory_space<vmem>>) dst(%dma_wait3A_218 : memref<128x128xf32, #tpu.memory_space<vmem_shared>>)
      tpu.yield
    }) : () -> ()
    %mul3A_23 = arith.constant 624 : i32
    %mul3A_24 = arith.muli %arg1, %mul3A_23 : i32
    %add3A_25 = arith.constant 384 : i32
    %add3A_26 = arith.addi %mul3A_24, %add3A_25 : i32
    %multiple_of3A_27 = tpu.assume_multiple %add3A_26, 8 : i32
    "tpu.region"() ({
      %run_scoped3A_210 = tpu.sem_alloc : memref<!tpu.dma_semaphore, #tpu.memory_space<semaphore_mem>>
      %dma_start3A_211 = arith.constant 0 : i32
      %dma_start3A_212 = tpu.memref_slice %arg11[%multiple_of3A_27, %dma_start3A_211] : memref<10128x128xf32, #tpu.memory_space<vmem_shared>> -> memref<128x128xf32, #tpu.memory_space<vmem_shared>>
      %dma_start3A_213 = arith.constant 0 : i32
      %dma_start3A_214 = tpu.memref_slice %arg11[%multiple_of3A_27, %dma_start3A_213] : memref<10128x128xf32, #tpu.memory_space<vmem_shared>> -> memref<128x128xf32, #tpu.memory_space<vmem_shared>>
      tpu.enqueue_dma source(%arg6 : memref<128x128xf32, #tpu.memory_space<vmem>>) target(%dma_start3A_214 : memref<128x128xf32, #tpu.memory_space<vmem_shared>>) target_semaphore(%run_scoped3A_210 : memref<!tpu.dma_semaphore, #tpu.memory_space<semaphore_mem>>)
      %dma_wait3A_215 = arith.constant 0 : i32
      %dma_wait3A_216 = tpu.memref_slice %arg11[%multiple_of3A_27, %dma_wait3A_215] : memref<10128x128xf32, #tpu.memory_space<vmem_shared>> -> memref<128x128xf32, #tpu.memory_space<vmem_shared>>
      %dma_wait3A_217 = arith.constant 0 : i32
      %dma_wait3A_218 = tpu.memref_slice %arg11[%multiple_of3A_27, %dma_wait3A_217] : memref<10128x128xf32, #tpu.memory_space<vmem_shared>> -> memref<128x128xf32, #tpu.memory_space<vmem_shared>>
      tpu.wait_dma2 semaphore(%run_scoped3A_210 : memref<!tpu.dma_semaphore, #tpu.memory_space<semaphore_mem>>) src(%arg6 : memref<128x128xf32, #tpu.memory_space<vmem>>) dst(%dma_wait3A_218 : memref<128x128xf32, #tpu.memory_space<vmem_shared>>)
      tpu.yield
    }) : () -> ()
    %mul3A_28 = arith.constant 624 : i32
    %mul3A_29 = arith.muli %arg1, %mul3A_28 : i32
    %add3A_30 = arith.constant 512 : i32
    %add3A_31 = arith.addi %mul3A_29, %add3A_30 : i32
    %multiple_of3A_32 = tpu.assume_multiple %add3A_31, 8 : i32
    "tpu.region"() ({
      %run_scoped3A_210 = tpu.sem_alloc : memref<!tpu.dma_semaphore, #tpu.memory_space<semaphore_mem>>
      %dma_start3A_211 = arith.constant 0 : i32
      %dma_start3A_212 = tpu.memref_slice %arg11[%multiple_of3A_32, %dma_start3A_211] : memref<10128x128xf32, #tpu.memory_space<vmem_shared>> -> memref<128x128xf32, #tpu.memory_space<vmem_shared>>
      %dma_start3A_213 = arith.constant 0 : i32
      %dma_start3A_214 = tpu.memref_slice %arg11[%multiple_of3A_32, %dma_start3A_213] : memref<10128x128xf32, #tpu.memory_space<vmem_shared>> -> memref<128x128xf32, #tpu.memory_space<vmem_shared>>
      tpu.enqueue_dma source(%arg6 : memref<128x128xf32, #tpu.memory_space<vmem>>) target(%dma_start3A_214 : memref<128x128xf32, #tpu.memory_space<vmem_shared>>) target_semaphore(%run_scoped3A_210 : memref<!tpu.dma_semaphore, #tpu.memory_space<semaphore_mem>>)
      %dma_wait3A_215 = arith.constant 0 : i32
      %dma_wait3A_216 = tpu.memref_slice %arg11[%multiple_of3A_32, %dma_wait3A_215] : memref<10128x128xf32, #tpu.memory_space<vmem_shared>> -> memref<128x128xf32, #tpu.memory_space<vmem_shared>>
      %dma_wait3A_217 = arith.constant 0 : i32
      %dma_wait3A_218 = tpu.memref_slice %arg11[%multiple_of3A_32, %dma_wait3A_217] : memref<10128x128xf32, #tpu.memory_space<vmem_shared>> -> memref<128x128xf32, #tpu.memory_space<vmem_shared>>
      tpu.wait_dma2 semaphore(%run_scoped3A_210 : memref<!tpu.dma_semaphore, #tpu.memory_space<semaphore_mem>>) src(%arg6 : memref<128x128xf32, #tpu.memory_space<vmem>>) dst(%dma_wait3A_218 : memref<128x128xf32, #tpu.memory_space<vmem_shared>>)
      tpu.yield
    }) : () -> ()
    %barrier3A = arith.constant 0 : index
    tpu.barrier barrier_id(%barrier3A)
    %add3A_33 = arith.constant 0 : i32
    %add3A_34 = arith.addi %multiple_of3A, %add3A_33 : i32
    %multiple_of3A_35 = tpu.assume_multiple %add3A_34, 8 : i32
    "tpu.region"() ({
      %run_scoped3A_210 = tpu.sem_alloc : memref<!tpu.dma_semaphore, #tpu.memory_space<semaphore_mem>>
      %dma_start3A_211 = arith.constant 0 : i32
      %dma_start3A_212 = tpu.memref_slice %arg3[%multiple_of3A_35, %dma_start3A_211] : memref<2560x128xi32, #tpu.memory_space<hbm>> -> memref<40x128xi32, #tpu.memory_space<hbm>>
      %dma_start3A_213 = arith.constant 0 : i32
      %dma_start3A_214 = tpu.memref_slice %arg3[%multiple_of3A_35, %dma_start3A_213] : memref<2560x128xi32, #tpu.memory_space<hbm>> -> memref<40x128xi32, #tpu.memory_space<hbm>>
      tpu.enqueue_dma source(%dma_start3A_214 : memref<40x128xi32, #tpu.memory_space<hbm>>) target(%arg8 : memref<40x128xi32, #tpu.memory_space<vmem>>) target_semaphore(%run_scoped3A_210 : memref<!tpu.dma_semaphore, #tpu.memory_space<semaphore_mem>>)
      %dma_wait3A_215 = arith.constant 0 : i32
      %dma_wait3A_216 = tpu.memref_slice %arg3[%multiple_of3A_35, %dma_wait3A_215] : memref<2560x128xi32, #tpu.memory_space<hbm>> -> memref<40x128xi32, #tpu.memory_space<hbm>>
      %dma_wait3A_217 = arith.constant 0 : i32
      %dma_wait3A_218 = tpu.memref_slice %arg3[%multiple_of3A_35, %dma_wait3A_217] : memref<2560x128xi32, #tpu.memory_space<hbm>> -> memref<40x128xi32, #tpu.memory_space<hbm>>
      tpu.wait_dma2 semaphore(%run_scoped3A_210 : memref<!tpu.dma_semaphore, #tpu.memory_space<semaphore_mem>>) src(%dma_wait3A_218 : memref<40x128xi32, #tpu.memory_space<hbm>>) dst(%arg8 : memref<40x128xi32, #tpu.memory_space<vmem>>)
      tpu.yield
    }) : () -> ()
    "tpu.region"() ({
      %run_scoped3A_210 = tpu.sem_alloc : memref<!tpu.dma_semaphore, #tpu.memory_space<semaphore_mem>>
      %dma_start3A_211 = arith.constant 0 : i32
      %dma_start3A_212 = tpu.memref_slice %arg4[%multiple_of3A_35, %dma_start3A_211] : memref<2560x128xi32, #tpu.memory_space<hbm>> -> memref<40x128xi32, #tpu.memory_space<hbm>>
      %dma_start3A_213 = arith.constant 0 : i32
      %dma_start3A_214 = tpu.memref_slice %arg4[%multiple_of3A_35, %dma_start3A_213] : memref<2560x128xi32, #tpu.memory_space<hbm>> -> memref<40x128xi32, #tpu.memory_space<hbm>>
      tpu.enqueue_dma source(%dma_start3A_214 : memref<40x128xi32, #tpu.memory_space<hbm>>) target(%arg9 : memref<40x128xi32, #tpu.memory_space<vmem>>) target_semaphore(%run_scoped3A_210 : memref<!tpu.dma_semaphore, #tpu.memory_space<semaphore_mem>>)
      %dma_wait3A_215 = arith.constant 0 : i32
      %dma_wait3A_216 = tpu.memref_slice %arg4[%multiple_of3A_35, %dma_wait3A_215] : memref<2560x128xi32, #tpu.memory_space<hbm>> -> memref<40x128xi32, #tpu.memory_space<hbm>>
      %dma_wait3A_217 = arith.constant 0 : i32
      %dma_wait3A_218 = tpu.memref_slice %arg4[%multiple_of3A_35, %dma_wait3A_217] : memref<2560x128xi32, #tpu.memory_space<hbm>> -> memref<40x128xi32, #tpu.memory_space<hbm>>
      tpu.wait_dma2 semaphore(%run_scoped3A_210 : memref<!tpu.dma_semaphore, #tpu.memory_space<semaphore_mem>>) src(%dma_wait3A_218 : memref<40x128xi32, #tpu.memory_space<hbm>>) dst(%arg9 : memref<40x128xi32, #tpu.memory_space<vmem>>)
      tpu.yield
    }) : () -> ()
    %dma_start3A = arith.constant 0 : i32
    %dma_start3A_36 = arith.constant 0 : i32
    %dma_start3A_37 = arith.constant 0 : i32
    %dma_start3A_38 = tpu.memref_slice %arg6[%dma_start3A_36, %dma_start3A_37] : memref<128x128xf32, #tpu.memory_space<vmem>> -> memref<64x128xf32, #tpu.memory_space<vmem>>
    %dma_start3A_39 = arith.constant 0 : i32
    %dma_start3A_40 = tpu.memref_slice %arg8[%dma_start3A, %dma_start3A_39] : memref<40x128xi32, #tpu.memory_space<vmem>> -> memref<1x64xi32, #tpu.memory_space<vmem>>
    %dma_start3A_41 = tpu.memref_squeeze %dma_start3A_40 : memref<1x64xi32, #tpu.memory_space<vmem>> -> memref<64xi32, #tpu.memory_space<vmem>>
    %dma_start3A_42 = arith.constant 0 : i32
    %dma_start3A_43 = arith.constant 0 : i32
    %dma_start3A_44 = tpu.memref_slice %arg2[%dma_start3A_42, %dma_start3A_43] : memref<10000x128xf32, #tpu.memory_space<hbm>> -> memref<10000x128xf32, #tpu.memory_space<hbm>>
    tpu.enqueue_indirect_dma source(%dma_start3A_44 : memref<10000x128xf32, #tpu.memory_space<hbm>>) target(%dma_start3A_38 : memref<64x128xf32, #tpu.memory_space<vmem>>) offsets(%dma_start3A_41 : memref<64xi32, #tpu.memory_space<vmem>>) semaphore(%arg12 : memref<!tpu.dma_semaphore, #tpu.memory_space<semaphore_mem>>)
    %dma_start3A_45 = arith.constant 0 : i32
    %dma_start3A_46 = arith.constant 64 : i32
    %dma_start3A_47 = arith.constant 0 : i32
    %dma_start3A_48 = tpu.memref_slice %arg6[%dma_start3A_46, %dma_start3A_47] : memref<128x128xf32, #tpu.memory_space<vmem>> -> memref<64x128xf32, #tpu.memory_space<vmem>>
    %dma_start3A_49 = arith.constant 64 : i32
    %dma_start3A_50 = tpu.memref_slice %arg8[%dma_start3A_45, %dma_start3A_49] : memref<40x128xi32, #tpu.memory_space<vmem>> -> memref<1x64xi32, #tpu.memory_space<vmem>>
    %dma_start3A_51 = tpu.memref_squeeze %dma_start3A_50 : memref<1x64xi32, #tpu.memory_space<vmem>> -> memref<64xi32, #tpu.memory_space<vmem>>
    %dma_start3A_52 = arith.constant 0 : i32
    %dma_start3A_53 = arith.constant 0 : i32
    %dma_start3A_54 = tpu.memref_slice %arg2[%dma_start3A_52, %dma_start3A_53] : memref<10000x128xf32, #tpu.memory_space<hbm>> -> memref<10000x128xf32, #tpu.memory_space<hbm>>
    tpu.enqueue_indirect_dma source(%dma_start3A_54 : memref<10000x128xf32, #tpu.memory_space<hbm>>) target(%dma_start3A_48 : memref<64x128xf32, #tpu.memory_space<vmem>>) offsets(%dma_start3A_51 : memref<64xi32, #tpu.memory_space<vmem>>) semaphore(%arg12 : memref<!tpu.dma_semaphore, #tpu.memory_space<semaphore_mem>>)
    %dma_start3A_55 = arith.constant 1 : i32
    %dma_start3A_56 = arith.constant 0 : i32
    %dma_start3A_57 = arith.constant 0 : i32
    %dma_start3A_58 = tpu.memref_slice %arg7[%dma_start3A_56, %dma_start3A_57] : memref<128x128xf32, #tpu.memory_space<vmem>> -> memref<64x128xf32, #tpu.memory_space<vmem>>
    %dma_start3A_59 = arith.constant 0 : i32
    %dma_start3A_60 = tpu.memref_slice %arg8[%dma_start3A_55, %dma_start3A_59] : memref<40x128xi32, #tpu.memory_space<vmem>> -> memref<1x64xi32, #tpu.memory_space<vmem>>
    %dma_start3A_61 = tpu.memref_squeeze %dma_start3A_60 : memref<1x64xi32, #tpu.memory_space<vmem>> -> memref<64xi32, #tpu.memory_space<vmem>>
    %dma_start3A_62 = arith.constant 0 : i32
    %dma_start3A_63 = arith.constant 0 : i32
    %dma_start3A_64 = tpu.memref_slice %arg2[%dma_start3A_62, %dma_start3A_63] : memref<10000x128xf32, #tpu.memory_space<hbm>> -> memref<10000x128xf32, #tpu.memory_space<hbm>>
    tpu.enqueue_indirect_dma source(%dma_start3A_64 : memref<10000x128xf32, #tpu.memory_space<hbm>>) target(%dma_start3A_58 : memref<64x128xf32, #tpu.memory_space<vmem>>) offsets(%dma_start3A_61 : memref<64xi32, #tpu.memory_space<vmem>>) semaphore(%arg13 : memref<!tpu.dma_semaphore, #tpu.memory_space<semaphore_mem>>)
    %dma_start3A_65 = arith.constant 1 : i32
    %dma_start3A_66 = arith.constant 64 : i32
    %dma_start3A_67 = arith.constant 0 : i32
    %dma_start3A_68 = tpu.memref_slice %arg7[%dma_start3A_66, %dma_start3A_67] : memref<128x128xf32, #tpu.memory_space<vmem>> -> memref<64x128xf32, #tpu.memory_space<vmem>>
    %dma_start3A_69 = arith.constant 64 : i32
    %dma_start3A_70 = tpu.memref_slice %arg8[%dma_start3A_65, %dma_start3A_69] : memref<40x128xi32, #tpu.memory_space<vmem>> -> memref<1x64xi32, #tpu.memory_space<vmem>>
    %dma_start3A_71 = tpu.memref_squeeze %dma_start3A_70 : memref<1x64xi32, #tpu.memory_space<vmem>> -> memref<64xi32, #tpu.memory_space<vmem>>
    %dma_start3A_72 = arith.constant 0 : i32
    %dma_start3A_73 = arith.constant 0 : i32
    %dma_start3A_74 = tpu.memref_slice %arg2[%dma_start3A_72, %dma_start3A_73] : memref<10000x128xf32, #tpu.memory_space<hbm>> -> memref<10000x128xf32, #tpu.memory_space<hbm>>
    tpu.enqueue_indirect_dma source(%dma_start3A_74 : memref<10000x128xf32, #tpu.memory_space<hbm>>) target(%dma_start3A_68 : memref<64x128xf32, #tpu.memory_space<vmem>>) offsets(%dma_start3A_71 : memref<64xi32, #tpu.memory_space<vmem>>) semaphore(%arg13 : memref<!tpu.dma_semaphore, #tpu.memory_space<semaphore_mem>>)
    %scan3A_75 = arith.constant 0 : i32
    %scan3A_76 = arith.constant 0 : i32
    %scan3A_77 = arith.constant 19 : i32
    %scan3A_78 = arith.addi %scan3A_76, %scan3A_77 : i32
    %scan3A_79 = arith.constant 1 : i32
    scf.for %scan3A_210 = %scan3A_76 to %scan3A_78 step %scan3A_79  : i32 {
      %mul3A_211 = arith.constant 2 : i32
      %mul3A_212 = arith.muli %scan3A_210, %mul3A_211 : i32
      %scan3A_213 = arith.constant 0 : i32
      %scan3A_214 = arith.constant 0 : i32
      %scan3A_215 = arith.constant 8 : i32
      %scan3A_216 = arith.addi %scan3A_214, %scan3A_215 : i32
      %scan3A_217 = arith.constant 1 : i32
      scf.for %scan3A_283 = %scan3A_214 to %scan3A_216 step %scan3A_217  : i32 {
        %mul3A_284 = arith.constant 16 : i32
        %mul3A_285 = arith.muli %scan3A_283, %mul3A_284 : i32
        %get3A = arith.index_cast %mul3A_212 : i32 to index
        %get3A_286 = arith.index_cast %mul3A_285 : i32 to index
        %get3A_287 = tpu.vector_load %arg9[%get3A, %get3A_286] {strides = array<i32>} : memref<40x128xi32, #tpu.memory_space<vmem>>, vector<16xi32>,
        %mul3A_288 = arith.constant 16 : i32
        %mul3A_289 = arith.muli %scan3A_283, %mul3A_288 : i32
        %swap3A = arith.constant 0 : i32
        %swap3A_290 = arith.index_cast %swap3A : i32 to index
        %swap3A_291 = arith.index_cast %mul3A_289 : i32 to index
        %swap3A_292 = tpu.vector_load %arg10[%swap3A_290, %swap3A_291] {strides = array<i32>} : memref<1x128xi32, #tpu.memory_space<vmem>>, vector<16xi32>,
        tpu.vector_store %arg10[%swap3A_290, %swap3A_291], %get3A_287 {strides = array<i32>} : memref<1x128xi32, #tpu.memory_space<vmem>>, vector<16xi32>,
      }
      %scan3A_218 = arith.constant 8 : i32
      %dma_wait3A_219 = arith.constant 0 : i32
      %dma_wait3A_220 = arith.constant 0 : i32
      %dma_wait3A_221 = tpu.memref_slice %arg8[%dma_wait3A_219, %dma_wait3A_220] : memref<40x128xi32, #tpu.memory_space<vmem>> -> memref<1x128xi32, #tpu.memory_space<vmem>>
      %dma_wait3A_222 = tpu.memref_squeeze %dma_wait3A_221 : memref<1x128xi32, #tpu.memory_space<vmem>> -> memref<128xi32, #tpu.memory_space<vmem>>
      %dma_wait3A_223 = arith.constant 0 : i32
      %dma_wait3A_224 = arith.constant 0 : i32
      %dma_wait3A_225 = tpu.memref_slice %arg2[%dma_wait3A_223, %dma_wait3A_224] : memref<10000x128xf32, #tpu.memory_space<hbm>> -> memref<10000x128xf32, #tpu.memory_space<hbm>>
      tpu.wait_indirect_dma semaphore(%arg12 : memref<!tpu.dma_semaphore, #tpu.memory_space<semaphore_mem>>) src(%dma_wait3A_225 : memref<10000x128xf32, #tpu.memory_space<hbm>>) dst(%arg6 : memref<128x128xf32, #tpu.memory_space<vmem>>)
      %run_scoped3A_226 = arith.constant 0 : i32
      "tpu.region"() ({
        %run_scoped3A_283 = tpu.sem_alloc : memref<!tpu.dma_semaphore, #tpu.memory_space<semaphore_mem>>
        %dma_start3A_284 = arith.constant 0 : i32
        %dma_start3A_285 = tpu.memref_slice %arg10[%run_scoped3A_226, %dma_start3A_284] : memref<1x128xi32, #tpu.memory_space<vmem>> -> memref<1x128xi32, #tpu.memory_space<vmem>>
        %dma_start3A_286 = tpu.memref_squeeze %dma_start3A_285 : memref<1x128xi32, #tpu.memory_space<vmem>> -> memref<128xi32, #tpu.memory_space<vmem>>
        %dma_start3A_287 = arith.constant 0 : i32
        %dma_start3A_288 = arith.constant 0 : i32
        %dma_start3A_289 = tpu.memref_slice %arg11[%dma_start3A_287, %dma_start3A_288] : memref<10128x128xf32, #tpu.memory_space<vmem_shared>> -> memref<10128x128xf32, #tpu.memory_space<vmem_shared>>
        tpu.enqueue_indirect_dma source(%arg6 : memref<128x128xf32, #tpu.memory_space<vmem>>) target(%dma_start3A_289 : memref<10128x128xf32, #tpu.memory_space<vmem_shared>>) offsets(%dma_start3A_286 : memref<128xi32, #tpu.memory_space<vmem>>) semaphore(%run_scoped3A_283 : memref<!tpu.dma_semaphore, #tpu.memory_space<semaphore_mem>>) {add = true}
        %dma_wait3A_290 = arith.constant 0 : i32
        %dma_wait3A_291 = tpu.memref_slice %arg10[%run_scoped3A_226, %dma_wait3A_290] : memref<1x128xi32, #tpu.memory_space<vmem>> -> memref<1x128xi32, #tpu.memory_space<vmem>>
        %dma_wait3A_292 = tpu.memref_squeeze %dma_wait3A_291 : memref<1x128xi32, #tpu.memory_space<vmem>> -> memref<128xi32, #tpu.memory_space<vmem>>
        %dma_wait3A_293 = arith.constant 0 : i32
        %dma_wait3A_294 = arith.constant 0 : i32
        %dma_wait3A_295 = tpu.memref_slice %arg11[%dma_wait3A_293, %dma_wait3A_294] : memref<10128x128xf32, #tpu.memory_space<vmem_shared>> -> memref<10128x128xf32, #tpu.memory_space<vmem_shared>>
        tpu.wait_indirect_dma semaphore(%run_scoped3A_283 : memref<!tpu.dma_semaphore, #tpu.memory_space<semaphore_mem>>) src(%arg6 : memref<128x128xf32, #tpu.memory_space<vmem>>) dst(%dma_wait3A_295 : memref<10128x128xf32, #tpu.memory_space<vmem_shared>>)
        tpu.yield
      }) : () -> ()
      %add3A_227 = arith.constant 2 : i32
      %add3A_228 = arith.addi %mul3A_212, %add3A_227 : i32
      %dma_start3A_229 = arith.constant 0 : i32
      %dma_start3A_230 = arith.constant 0 : i32
      %dma_start3A_231 = tpu.memref_slice %arg6[%dma_start3A_229, %dma_start3A_230] : memref<128x128xf32, #tpu.memory_space<vmem>> -> memref<64x128xf32, #tpu.memory_space<vmem>>
      %dma_start3A_232 = arith.constant 0 : i32
      %dma_start3A_233 = tpu.memref_slice %arg8[%add3A_228, %dma_start3A_232] : memref<40x128xi32, #tpu.memory_space<vmem>> -> memref<1x64xi32, #tpu.memory_space<vmem>>
      %dma_start3A_234 = tpu.memref_squeeze %dma_start3A_233 : memref<1x64xi32, #tpu.memory_space<vmem>> -> memref<64xi32, #tpu.memory_space<vmem>>
      %dma_start3A_235 = arith.constant 0 : i32
      %dma_start3A_236 = arith.constant 0 : i32
      %dma_start3A_237 = tpu.memref_slice %arg2[%dma_start3A_235, %dma_start3A_236] : memref<10000x128xf32, #tpu.memory_space<hbm>> -> memref<10000x128xf32, #tpu.memory_space<hbm>>
      tpu.enqueue_indirect_dma source(%dma_start3A_237 : memref<10000x128xf32, #tpu.memory_space<hbm>>) target(%dma_start3A_231 : memref<64x128xf32, #tpu.memory_space<vmem>>) offsets(%dma_start3A_234 : memref<64xi32, #tpu.memory_space<vmem>>) semaphore(%arg12 : memref<!tpu.dma_semaphore, #tpu.memory_space<semaphore_mem>>)
      %dma_start3A_238 = arith.constant 64 : i32
      %dma_start3A_239 = arith.constant 0 : i32
      %dma_start3A_240 = tpu.memref_slice %arg6[%dma_start3A_238, %dma_start3A_239] : memref<128x128xf32, #tpu.memory_space<vmem>> -> memref<64x128xf32, #tpu.memory_space<vmem>>
      %dma_start3A_241 = arith.constant 64 : i32
      %dma_start3A_242 = tpu.memref_slice %arg8[%add3A_228, %dma_start3A_241] : memref<40x128xi32, #tpu.memory_space<vmem>> -> memref<1x64xi32, #tpu.memory_space<vmem>>
      %dma_start3A_243 = tpu.memref_squeeze %dma_start3A_242 : memref<1x64xi32, #tpu.memory_space<vmem>> -> memref<64xi32, #tpu.memory_space<vmem>>
      %dma_start3A_244 = arith.constant 0 : i32
      %dma_start3A_245 = arith.constant 0 : i32
      %dma_start3A_246 = tpu.memref_slice %arg2[%dma_start3A_244, %dma_start3A_245] : memref<10000x128xf32, #tpu.memory_space<hbm>> -> memref<10000x128xf32, #tpu.memory_space<hbm>>
      tpu.enqueue_indirect_dma source(%dma_start3A_246 : memref<10000x128xf32, #tpu.memory_space<hbm>>) target(%dma_start3A_240 : memref<64x128xf32, #tpu.memory_space<vmem>>) offsets(%dma_start3A_243 : memref<64xi32, #tpu.memory_space<vmem>>) semaphore(%arg12 : memref<!tpu.dma_semaphore, #tpu.memory_space<semaphore_mem>>)
      %add3A_247 = arith.constant 1 : i32
      %add3A_248 = arith.addi %mul3A_212, %add3A_247 : i32
      %scan3A_249 = arith.constant 0 : i32
      %scan3A_250 = arith.constant 0 : i32
      %scan3A_251 = arith.constant 8 : i32
      %scan3A_252 = arith.addi %scan3A_250, %scan3A_251 : i32
      %scan3A_253 = arith.constant 1 : i32
      scf.for %scan3A_283 = %scan3A_250 to %scan3A_252 step %scan3A_253  : i32 {
        %mul3A_284 = arith.constant 16 : i32
        %mul3A_285 = arith.muli %scan3A_283, %mul3A_284 : i32
        %get3A = arith.index_cast %add3A_248 : i32 to index
        %get3A_286 = arith.index_cast %mul3A_285 : i32 to index
        %get3A_287 = tpu.vector_load %arg9[%get3A, %get3A_286] {strides = array<i32>} : memref<40x128xi32, #tpu.memory_space<vmem>>, vector<16xi32>,
        %mul3A_288 = arith.constant 16 : i32
        %mul3A_289 = arith.muli %scan3A_283, %mul3A_288 : i32
        %swap3A = arith.constant 0 : i32
        %swap3A_290 = arith.index_cast %swap3A : i32 to index
        %swap3A_291 = arith.index_cast %mul3A_289 : i32 to index
        %swap3A_292 = tpu.vector_load %arg10[%swap3A_290, %swap3A_291] {strides = array<i32>} : memref<1x128xi32, #tpu.memory_space<vmem>>, vector<16xi32>,
        tpu.vector_store %arg10[%swap3A_290, %swap3A_291], %get3A_287 {strides = array<i32>} : memref<1x128xi32, #tpu.memory_space<vmem>>, vector<16xi32>,
      }
      %scan3A_254 = arith.constant 8 : i32
      %dma_wait3A_255 = arith.constant 0 : i32
      %dma_wait3A_256 = arith.constant 0 : i32
      %dma_wait3A_257 = tpu.memref_slice %arg8[%dma_wait3A_255, %dma_wait3A_256] : memref<40x128xi32, #tpu.memory_space<vmem>> -> memref<1x128xi32, #tpu.memory_space<vmem>>
      %dma_wait3A_258 = tpu.memref_squeeze %dma_wait3A_257 : memref<1x128xi32, #tpu.memory_space<vmem>> -> memref<128xi32, #tpu.memory_space<vmem>>
      %dma_wait3A_259 = arith.constant 0 : i32
      %dma_wait3A_260 = arith.constant 0 : i32
      %dma_wait3A_261 = tpu.memref_slice %arg2[%dma_wait3A_259, %dma_wait3A_260] : memref<10000x128xf32, #tpu.memory_space<hbm>> -> memref<10000x128xf32, #tpu.memory_space<hbm>>
      tpu.wait_indirect_dma semaphore(%arg13 : memref<!tpu.dma_semaphore, #tpu.memory_space<semaphore_mem>>) src(%dma_wait3A_261 : memref<10000x128xf32, #tpu.memory_space<hbm>>) dst(%arg7 : memref<128x128xf32, #tpu.memory_space<vmem>>)
      %run_scoped3A_262 = arith.constant 0 : i32
      "tpu.region"() ({
        %run_scoped3A_283 = tpu.sem_alloc : memref<!tpu.dma_semaphore, #tpu.memory_space<semaphore_mem>>
        %dma_start3A_284 = arith.constant 0 : i32
        %dma_start3A_285 = tpu.memref_slice %arg10[%run_scoped3A_262, %dma_start3A_284] : memref<1x128xi32, #tpu.memory_space<vmem>> -> memref<1x128xi32, #tpu.memory_space<vmem>>
        %dma_start3A_286 = tpu.memref_squeeze %dma_start3A_285 : memref<1x128xi32, #tpu.memory_space<vmem>> -> memref<128xi32, #tpu.memory_space<vmem>>
        %dma_start3A_287 = arith.constant 0 : i32
        %dma_start3A_288 = arith.constant 0 : i32
        %dma_start3A_289 = tpu.memref_slice %arg11[%dma_start3A_287, %dma_start3A_288] : memref<10128x128xf32, #tpu.memory_space<vmem_shared>> -> memref<10128x128xf32, #tpu.memory_space<vmem_shared>>
        tpu.enqueue_indirect_dma source(%arg7 : memref<128x128xf32, #tpu.memory_space<vmem>>) target(%dma_start3A_289 : memref<10128x128xf32, #tpu.memory_space<vmem_shared>>) offsets(%dma_start3A_286 : memref<128xi32, #tpu.memory_space<vmem>>) semaphore(%run_scoped3A_283 : memref<!tpu.dma_semaphore, #tpu.memory_space<semaphore_mem>>) {add = true}
        %dma_wait3A_290 = arith.constant 0 : i32
        %dma_wait3A_291 = tpu.memref_slice %arg10[%run_scoped3A_262, %dma_wait3A_290] : memref<1x128xi32, #tpu.memory_space<vmem>> -> memref<1x128xi32, #tpu.memory_space<vmem>>
        %dma_wait3A_292 = tpu.memref_squeeze %dma_wait3A_291 : memref<1x128xi32, #tpu.memory_space<vmem>> -> memref<128xi32, #tpu.memory_space<vmem>>
        %dma_wait3A_293 = arith.constant 0 : i32
        %dma_wait3A_294 = arith.constant 0 : i32
        %dma_wait3A_295 = tpu.memref_slice %arg11[%dma_wait3A_293, %dma_wait3A_294] : memref<10128x128xf32, #tpu.memory_space<vmem_shared>> -> memref<10128x128xf32, #tpu.memory_space<vmem_shared>>
        tpu.wait_indirect_dma semaphore(%run_scoped3A_283 : memref<!tpu.dma_semaphore, #tpu.memory_space<semaphore_mem>>) src(%arg7 : memref<128x128xf32, #tpu.memory_space<vmem>>) dst(%dma_wait3A_295 : memref<10128x128xf32, #tpu.memory_space<vmem_shared>>)
        tpu.yield
      }) : () -> ()
      %add3A_263 = arith.constant 3 : i32
      %add3A_264 = arith.addi %mul3A_212, %add3A_263 : i32
      %dma_start3A_265 = arith.constant 0 : i32
      %dma_start3A_266 = arith.constant 0 : i32
      %dma_start3A_267 = tpu.memref_slice %arg7[%dma_start3A_265, %dma_start3A_266] : memref<128x128xf32, #tpu.memory_space<vmem>> -> memref<64x128xf32, #tpu.memory_space<vmem>>
      %dma_start3A_268 = arith.constant 0 : i32
      %dma_start3A_269 = tpu.memref_slice %arg8[%add3A_264, %dma_start3A_268] : memref<40x128xi32, #tpu.memory_space<vmem>> -> memref<1x64xi32, #tpu.memory_space<vmem>>
      %dma_start3A_270 = tpu.memref_squeeze %dma_start3A_269 : memref<1x64xi32, #tpu.memory_space<vmem>> -> memref<64xi32, #tpu.memory_space<vmem>>
      %dma_start3A_271 = arith.constant 0 : i32
      %dma_start3A_272 = arith.constant 0 : i32
      %dma_start3A_273 = tpu.memref_slice %arg2[%dma_start3A_271, %dma_start3A_272] : memref<10000x128xf32, #tpu.memory_space<hbm>> -> memref<10000x128xf32, #tpu.memory_space<hbm>>
      tpu.enqueue_indirect_dma source(%dma_start3A_273 : memref<10000x128xf32, #tpu.memory_space<hbm>>) target(%dma_start3A_267 : memref<64x128xf32, #tpu.memory_space<vmem>>) offsets(%dma_start3A_270 : memref<64xi32, #tpu.memory_space<vmem>>) semaphore(%arg13 : memref<!tpu.dma_semaphore, #tpu.memory_space<semaphore_mem>>)
      %dma_start3A_274 = arith.constant 64 : i32
      %dma_start3A_275 = arith.constant 0 : i32
      %dma_start3A_276 = tpu.memref_slice %arg7[%dma_start3A_274, %dma_start3A_275] : memref<128x128xf32, #tpu.memory_space<vmem>> -> memref<64x128xf32, #tpu.memory_space<vmem>>
      %dma_start3A_277 = arith.constant 64 : i32
      %dma_start3A_278 = tpu.memref_slice %arg8[%add3A_264, %dma_start3A_277] : memref<40x128xi32, #tpu.memory_space<vmem>> -> memref<1x64xi32, #tpu.memory_space<vmem>>
      %dma_start3A_279 = tpu.memref_squeeze %dma_start3A_278 : memref<1x64xi32, #tpu.memory_space<vmem>> -> memref<64xi32, #tpu.memory_space<vmem>>
      %dma_start3A_280 = arith.constant 0 : i32
      %dma_start3A_281 = arith.constant 0 : i32
      %dma_start3A_282 = tpu.memref_slice %arg2[%dma_start3A_280, %dma_start3A_281] : memref<10000x128xf32, #tpu.memory_space<hbm>> -> memref<10000x128xf32, #tpu.memory_space<hbm>>
      tpu.enqueue_indirect_dma source(%dma_start3A_282 : memref<10000x128xf32, #tpu.memory_space<hbm>>) target(%dma_start3A_276 : memref<64x128xf32, #tpu.memory_space<vmem>>) offsets(%dma_start3A_279 : memref<64xi32, #tpu.memory_space<vmem>>) semaphore(%arg13 : memref<!tpu.dma_semaphore, #tpu.memory_space<semaphore_mem>>)
    }
    %scan3A_80 = arith.constant 19 : i32
    %scan3A_81 = arith.constant 0 : i32
    %scan3A_82 = arith.constant 0 : i32
    %scan3A_83 = arith.constant 8 : i32
    %scan3A_84 = arith.addi %scan3A_82, %scan3A_83 : i32
    %scan3A_85 = arith.constant 1 : i32
    scf.for %scan3A_210 = %scan3A_82 to %scan3A_84 step %scan3A_85  : i32 {
      %mul3A_211 = arith.constant 16 : i32
      %mul3A_212 = arith.muli %scan3A_210, %mul3A_211 : i32
      %get3A = arith.constant 38 : i32
      %get3A_213 = arith.index_cast %get3A : i32 to index
      %get3A_214 = arith.index_cast %mul3A_212 : i32 to index
      %get3A_215 = tpu.vector_load %arg9[%get3A_213, %get3A_214] {strides = array<i32>} : memref<40x128xi32, #tpu.memory_space<vmem>>, vector<16xi32>,
      %mul3A_216 = arith.constant 16 : i32
      %mul3A_217 = arith.muli %scan3A_210, %mul3A_216 : i32
      %swap3A = arith.constant 0 : i32
      %swap3A_218 = arith.index_cast %swap3A : i32 to index
      %swap3A_219 = arith.index_cast %mul3A_217 : i32 to index
      %swap3A_220 = tpu.vector_load %arg10[%swap3A_218, %swap3A_219] {strides = array<i32>} : memref<1x128xi32, #tpu.memory_space<vmem>>, vector<16xi32>,
      tpu.vector_store %arg10[%swap3A_218, %swap3A_219], %get3A_215 {strides = array<i32>} : memref<1x128xi32, #tpu.memory_space<vmem>>, vector<16xi32>,
    }
    %scan3A_86 = arith.constant 8 : i32
    %dma_wait3A = arith.constant 0 : i32
    %dma_wait3A_87 = arith.constant 0 : i32
    %dma_wait3A_88 = tpu.memref_slice %arg8[%dma_wait3A, %dma_wait3A_87] : memref<40x128xi32, #tpu.memory_space<vmem>> -> memref<1x128xi32, #tpu.memory_space<vmem>>
    %dma_wait3A_89 = tpu.memref_squeeze %dma_wait3A_88 : memref<1x128xi32, #tpu.memory_space<vmem>> -> memref<128xi32, #tpu.memory_space<vmem>>
    %dma_wait3A_90 = arith.constant 0 : i32
    %dma_wait3A_91 = arith.constant 0 : i32
    %dma_wait3A_92 = tpu.memref_slice %arg2[%dma_wait3A_90, %dma_wait3A_91] : memref<10000x128xf32, #tpu.memory_space<hbm>> -> memref<10000x128xf32, #tpu.memory_space<hbm>>
    tpu.wait_indirect_dma semaphore(%arg12 : memref<!tpu.dma_semaphore, #tpu.memory_space<semaphore_mem>>) src(%dma_wait3A_92 : memref<10000x128xf32, #tpu.memory_space<hbm>>) dst(%arg6 : memref<128x128xf32, #tpu.memory_space<vmem>>)
    %run_scoped3A = arith.constant 0 : i32
    "tpu.region"() ({
      %run_scoped3A_210 = tpu.sem_alloc : memref<!tpu.dma_semaphore, #tpu.memory_space<semaphore_mem>>
      %dma_start3A_211 = arith.constant 0 : i32
      %dma_start3A_212 = tpu.memref_slice %arg10[%run_scoped3A, %dma_start3A_211] : memref<1x128xi32, #tpu.memory_space<vmem>> -> memref<1x128xi32, #tpu.memory_space<vmem>>
      %dma_start3A_213 = tpu.memref_squeeze %dma_start3A_212 : memref<1x128xi32, #tpu.memory_space<vmem>> -> memref<128xi32, #tpu.memory_space<vmem>>
      %dma_start3A_214 = arith.constant 0 : i32
      %dma_start3A_215 = arith.constant 0 : i32
      %dma_start3A_216 = tpu.memref_slice %arg11[%dma_start3A_214, %dma_start3A_215] : memref<10128x128xf32, #tpu.memory_space<vmem_shared>> -> memref<10128x128xf32, #tpu.memory_space<vmem_shared>>
      tpu.enqueue_indirect_dma source(%arg6 : memref<128x128xf32, #tpu.memory_space<vmem>>) target(%dma_start3A_216 : memref<10128x128xf32, #tpu.memory_space<vmem_shared>>) offsets(%dma_start3A_213 : memref<128xi32, #tpu.memory_space<vmem>>) semaphore(%run_scoped3A_210 : memref<!tpu.dma_semaphore, #tpu.memory_space<semaphore_mem>>) {add = true}
      %dma_wait3A_217 = arith.constant 0 : i32
      %dma_wait3A_218 = tpu.memref_slice %arg10[%run_scoped3A, %dma_wait3A_217] : memref<1x128xi32, #tpu.memory_space<vmem>> -> memref<1x128xi32, #tpu.memory_space<vmem>>
      %dma_wait3A_219 = tpu.memref_squeeze %dma_wait3A_218 : memref<1x128xi32, #tpu.memory_space<vmem>> -> memref<128xi32, #tpu.memory_space<vmem>>
      %dma_wait3A_220 = arith.constant 0 : i32
      %dma_wait3A_221 = arith.constant 0 : i32
      %dma_wait3A_222 = tpu.memref_slice %arg11[%dma_wait3A_220, %dma_wait3A_221] : memref<10128x128xf32, #tpu.memory_space<vmem_shared>> -> memref<10128x128xf32, #tpu.memory_space<vmem_shared>>
      tpu.wait_indirect_dma semaphore(%run_scoped3A_210 : memref<!tpu.dma_semaphore, #tpu.memory_space<semaphore_mem>>) src(%arg6 : memref<128x128xf32, #tpu.memory_space<vmem>>) dst(%dma_wait3A_222 : memref<10128x128xf32, #tpu.memory_space<vmem_shared>>)
      tpu.yield
    }) : () -> ()
    %scan3A_93 = arith.constant 0 : i32
    %scan3A_94 = arith.constant 0 : i32
    %scan3A_95 = arith.constant 8 : i32
    %scan3A_96 = arith.addi %scan3A_94, %scan3A_95 : i32
    %scan3A_97 = arith.constant 1 : i32
    scf.for %scan3A_210 = %scan3A_94 to %scan3A_96 step %scan3A_97  : i32 {
      %mul3A_211 = arith.constant 16 : i32
      %mul3A_212 = arith.muli %scan3A_210, %mul3A_211 : i32
      %get3A = arith.constant 39 : i32
      %get3A_213 = arith.index_cast %get3A : i32 to index
      %get3A_214 = arith.index_cast %mul3A_212 : i32 to index
      %get3A_215 = tpu.vector_load %arg9[%get3A_213, %get3A_214] {strides = array<i32>} : memref<40x128xi32, #tpu.memory_space<vmem>>, vector<16xi32>,
      %mul3A_216 = arith.constant 16 : i32
      %mul3A_217 = arith.muli %scan3A_210, %mul3A_216 : i32
      %swap3A = arith.constant 0 : i32
      %swap3A_218 = arith.index_cast %swap3A : i32 to index
      %swap3A_219 = arith.index_cast %mul3A_217 : i32 to index
      %swap3A_220 = tpu.vector_load %arg10[%swap3A_218, %swap3A_219] {strides = array<i32>} : memref<1x128xi32, #tpu.memory_space<vmem>>, vector<16xi32>,
      tpu.vector_store %arg10[%swap3A_218, %swap3A_219], %get3A_215 {strides = array<i32>} : memref<1x128xi32, #tpu.memory_space<vmem>>, vector<16xi32>,
    }
    %scan3A_98 = arith.constant 8 : i32
    %dma_wait3A_99 = arith.constant 0 : i32
    %dma_wait3A_100 = arith.constant 0 : i32
    %dma_wait3A_101 = tpu.memref_slice %arg8[%dma_wait3A_99, %dma_wait3A_100] : memref<40x128xi32, #tpu.memory_space<vmem>> -> memref<1x128xi32, #tpu.memory_space<vmem>>
    %dma_wait3A_102 = tpu.memref_squeeze %dma_wait3A_101 : memref<1x128xi32, #tpu.memory_space<vmem>> -> memref<128xi32, #tpu.memory_space<vmem>>
    %dma_wait3A_103 = arith.constant 0 : i32
    %dma_wait3A_104 = arith.constant 0 : i32
    %dma_wait3A_105 = tpu.memref_slice %arg2[%dma_wait3A_103, %dma_wait3A_104] : memref<10000x128xf32, #tpu.memory_space<hbm>> -> memref<10000x128xf32, #tpu.memory_space<hbm>>
    tpu.wait_indirect_dma semaphore(%arg13 : memref<!tpu.dma_semaphore, #tpu.memory_space<semaphore_mem>>) src(%dma_wait3A_105 : memref<10000x128xf32, #tpu.memory_space<hbm>>) dst(%arg7 : memref<128x128xf32, #tpu.memory_space<vmem>>)
    %run_scoped3A_106 = arith.constant 0 : i32
    "tpu.region"() ({
      %run_scoped3A_210 = tpu.sem_alloc : memref<!tpu.dma_semaphore, #tpu.memory_space<semaphore_mem>>
      %dma_start3A_211 = arith.constant 0 : i32
      %dma_start3A_212 = tpu.memref_slice %arg10[%run_scoped3A_106, %dma_start3A_211] : memref<1x128xi32, #tpu.memory_space<vmem>> -> memref<1x128xi32, #tpu.memory_space<vmem>>
      %dma_start3A_213 = tpu.memref_squeeze %dma_start3A_212 : memref<1x128xi32, #tpu.memory_space<vmem>> -> memref<128xi32, #tpu.memory_space<vmem>>
      %dma_start3A_214 = arith.constant 0 : i32
      %dma_start3A_215 = arith.constant 0 : i32
      %dma_start3A_216 = tpu.memref_slice %arg11[%dma_start3A_214, %dma_start3A_215] : memref<10128x128xf32, #tpu.memory_space<vmem_shared>> -> memref<10128x128xf32, #tpu.memory_space<vmem_shared>>
      tpu.enqueue_indirect_dma source(%arg7 : memref<128x128xf32, #tpu.memory_space<vmem>>) target(%dma_start3A_216 : memref<10128x128xf32, #tpu.memory_space<vmem_shared>>) offsets(%dma_start3A_213 : memref<128xi32, #tpu.memory_space<vmem>>) semaphore(%run_scoped3A_210 : memref<!tpu.dma_semaphore, #tpu.memory_space<semaphore_mem>>) {add = true}
      %dma_wait3A_217 = arith.constant 0 : i32
      %dma_wait3A_218 = tpu.memref_slice %arg10[%run_scoped3A_106, %dma_wait3A_217] : memref<1x128xi32, #tpu.memory_space<vmem>> -> memref<1x128xi32, #tpu.memory_space<vmem>>
      %dma_wait3A_219 = tpu.memref_squeeze %dma_wait3A_218 : memref<1x128xi32, #tpu.memory_space<vmem>> -> memref<128xi32, #tpu.memory_space<vmem>>
      %dma_wait3A_220 = arith.constant 0 : i32
      %dma_wait3A_221 = arith.constant 0 : i32
      %dma_wait3A_222 = tpu.memref_slice %arg11[%dma_wait3A_220, %dma_wait3A_221] : memref<10128x128xf32, #tpu.memory_space<vmem_shared>> -> memref<10128x128xf32, #tpu.memory_space<vmem_shared>>
      tpu.wait_indirect_dma semaphore(%run_scoped3A_210 : memref<!tpu.dma_semaphore, #tpu.memory_space<semaphore_mem>>) src(%arg7 : memref<128x128xf32, #tpu.memory_space<vmem>>) dst(%dma_wait3A_222 : memref<10128x128xf32, #tpu.memory_space<vmem_shared>>)
      tpu.yield
    }) : () -> ()
    %add3A_107 = arith.constant 40 : i32
    %add3A_108 = arith.addi %multiple_of3A, %add3A_107 : i32
    %multiple_of3A_109 = tpu.assume_multiple %add3A_108, 8 : i32
    "tpu.region"() ({
      %run_scoped3A_210 = tpu.sem_alloc : memref<!tpu.dma_semaphore, #tpu.memory_space<semaphore_mem>>
      %dma_start3A_211 = arith.constant 0 : i32
      %dma_start3A_212 = tpu.memref_slice %arg3[%multiple_of3A_109, %dma_start3A_211] : memref<2560x128xi32, #tpu.memory_space<hbm>> -> memref<40x128xi32, #tpu.memory_space<hbm>>
      %dma_start3A_213 = arith.constant 0 : i32
      %dma_start3A_214 = tpu.memref_slice %arg3[%multiple_of3A_109, %dma_start3A_213] : memref<2560x128xi32, #tpu.memory_space<hbm>> -> memref<40x128xi32, #tpu.memory_space<hbm>>
      tpu.enqueue_dma source(%dma_start3A_214 : memref<40x128xi32, #tpu.memory_space<hbm>>) target(%arg8 : memref<40x128xi32, #tpu.memory_space<vmem>>) target_semaphore(%run_scoped3A_210 : memref<!tpu.dma_semaphore, #tpu.memory_space<semaphore_mem>>)
      %dma_wait3A_215 = arith.constant 0 : i32
      %dma_wait3A_216 = tpu.memref_slice %arg3[%multiple_of3A_109, %dma_wait3A_215] : memref<2560x128xi32, #tpu.memory_space<hbm>> -> memref<40x128xi32, #tpu.memory_space<hbm>>
      %dma_wait3A_217 = arith.constant 0 : i32
      %dma_wait3A_218 = tpu.memref_slice %arg3[%multiple_of3A_109, %dma_wait3A_217] : memref<2560x128xi32, #tpu.memory_space<hbm>> -> memref<40x128xi32, #tpu.memory_space<hbm>>
      tpu.wait_dma2 semaphore(%run_scoped3A_210 : memref<!tpu.dma_semaphore, #tpu.memory_space<semaphore_mem>>) src(%dma_wait3A_218 : memref<40x128xi32, #tpu.memory_space<hbm>>) dst(%arg8 : memref<40x128xi32, #tpu.memory_space<vmem>>)
      tpu.yield
    }) : () -> ()
    "tpu.region"() ({
      %run_scoped3A_210 = tpu.sem_alloc : memref<!tpu.dma_semaphore, #tpu.memory_space<semaphore_mem>>
      %dma_start3A_211 = arith.constant 0 : i32
      %dma_start3A_212 = tpu.memref_slice %arg4[%multiple_of3A_109, %dma_start3A_211] : memref<2560x128xi32, #tpu.memory_space<hbm>> -> memref<40x128xi32, #tpu.memory_space<hbm>>
      %dma_start3A_213 = arith.constant 0 : i32
      %dma_start3A_214 = tpu.memref_slice %arg4[%multiple_of3A_109, %dma_start3A_213] : memref<2560x128xi32, #tpu.memory_space<hbm>> -> memref<40x128xi32, #tpu.memory_space<hbm>>
      tpu.enqueue_dma source(%dma_start3A_214 : memref<40x128xi32, #tpu.memory_space<hbm>>) target(%arg9 : memref<40x128xi32, #tpu.memory_space<vmem>>) target_semaphore(%run_scoped3A_210 : memref<!tpu.dma_semaphore, #tpu.memory_space<semaphore_mem>>)
      %dma_wait3A_215 = arith.constant 0 : i32
      %dma_wait3A_216 = tpu.memref_slice %arg4[%multiple_of3A_109, %dma_wait3A_215] : memref<2560x128xi32, #tpu.memory_space<hbm>> -> memref<40x128xi32, #tpu.memory_space<hbm>>
      %dma_wait3A_217 = arith.constant 0 : i32
      %dma_wait3A_218 = tpu.memref_slice %arg4[%multiple_of3A_109, %dma_wait3A_217] : memref<2560x128xi32, #tpu.memory_space<hbm>> -> memref<40x128xi32, #tpu.memory_space<hbm>>
      tpu.wait_dma2 semaphore(%run_scoped3A_210 : memref<!tpu.dma_semaphore, #tpu.memory_space<semaphore_mem>>) src(%dma_wait3A_218 : memref<40x128xi32, #tpu.memory_space<hbm>>) dst(%arg9 : memref<40x128xi32, #tpu.memory_space<vmem>>)
      tpu.yield
    }) : () -> ()
    %dma_start3A_110 = arith.constant 0 : i32
    %dma_start3A_111 = arith.constant 0 : i32
    %dma_start3A_112 = arith.constant 0 : i32
    %dma_start3A_113 = tpu.memref_slice %arg6[%dma_start3A_111, %dma_start3A_112] : memref<128x128xf32, #tpu.memory_space<vmem>> -> memref<64x128xf32, #tpu.memory_space<vmem>>
    %dma_start3A_114 = arith.constant 0 : i32
    %dma_start3A_115 = tpu.memref_slice %arg8[%dma_start3A_110, %dma_start3A_114] : memref<40x128xi32, #tpu.memory_space<vmem>> -> memref<1x64xi32, #tpu.memory_space<vmem>>
    %dma_start3A_116 = tpu.memref_squeeze %dma_start3A_115 : memref<1x64xi32, #tpu.memory_space<vmem>> -> memref<64xi32, #tpu.memory_space<vmem>>
    %dma_start3A_117 = arith.constant 0 : i32
    %dma_start3A_118 = arith.constant 0 : i32
    %dma_start3A_119 = tpu.memref_slice %arg2[%dma_start3A_117, %dma_start3A_118] : memref<10000x128xf32, #tpu.memory_space<hbm>> -> memref<10000x128xf32, #tpu.memory_space<hbm>>
    tpu.enqueue_indirect_dma source(%dma_start3A_119 : memref<10000x128xf32, #tpu.memory_space<hbm>>) target(%dma_start3A_113 : memref<64x128xf32, #tpu.memory_space<vmem>>) offsets(%dma_start3A_116 : memref<64xi32, #tpu.memory_space<vmem>>) semaphore(%arg12 : memref<!tpu.dma_semaphore, #tpu.memory_space<semaphore_mem>>)
    %dma_start3A_120 = arith.constant 0 : i32
    %dma_start3A_121 = arith.constant 64 : i32
    %dma_start3A_122 = arith.constant 0 : i32
    %dma_start3A_123 = tpu.memref_slice %arg6[%dma_start3A_121, %dma_start3A_122] : memref<128x128xf32, #tpu.memory_space<vmem>> -> memref<64x128xf32, #tpu.memory_space<vmem>>
    %dma_start3A_124 = arith.constant 64 : i32
    %dma_start3A_125 = tpu.memref_slice %arg8[%dma_start3A_120, %dma_start3A_124] : memref<40x128xi32, #tpu.memory_space<vmem>> -> memref<1x64xi32, #tpu.memory_space<vmem>>
    %dma_start3A_126 = tpu.memref_squeeze %dma_start3A_125 : memref<1x64xi32, #tpu.memory_space<vmem>> -> memref<64xi32, #tpu.memory_space<vmem>>
    %dma_start3A_127 = arith.constant 0 : i32
    %dma_start3A_128 = arith.constant 0 : i32
    %dma_start3A_129 = tpu.memref_slice %arg2[%dma_start3A_127, %dma_start3A_128] : memref<10000x128xf32, #tpu.memory_space<hbm>> -> memref<10000x128xf32, #tpu.memory_space<hbm>>
    tpu.enqueue_indirect_dma source(%dma_start3A_129 : memref<10000x128xf32, #tpu.memory_space<hbm>>) target(%dma_start3A_123 : memref<64x128xf32, #tpu.memory_space<vmem>>) offsets(%dma_start3A_126 : memref<64xi32, #tpu.memory_space<vmem>>) semaphore(%arg12 : memref<!tpu.dma_semaphore, #tpu.memory_space<semaphore_mem>>)
    %dma_start3A_130 = arith.constant 1 : i32
    %dma_start3A_131 = arith.constant 0 : i32
    %dma_start3A_132 = arith.constant 0 : i32
    %dma_start3A_133 = tpu.memref_slice %arg7[%dma_start3A_131, %dma_start3A_132] : memref<128x128xf32, #tpu.memory_space<vmem>> -> memref<64x128xf32, #tpu.memory_space<vmem>>
    %dma_start3A_134 = arith.constant 0 : i32
    %dma_start3A_135 = tpu.memref_slice %arg8[%dma_start3A_130, %dma_start3A_134] : memref<40x128xi32, #tpu.memory_space<vmem>> -> memref<1x64xi32, #tpu.memory_space<vmem>>
    %dma_start3A_136 = tpu.memref_squeeze %dma_start3A_135 : memref<1x64xi32, #tpu.memory_space<vmem>> -> memref<64xi32, #tpu.memory_space<vmem>>
    %dma_start3A_137 = arith.constant 0 : i32
    %dma_start3A_138 = arith.constant 0 : i32
    %dma_start3A_139 = tpu.memref_slice %arg2[%dma_start3A_137, %dma_start3A_138] : memref<10000x128xf32, #tpu.memory_space<hbm>> -> memref<10000x128xf32, #tpu.memory_space<hbm>>
    tpu.enqueue_indirect_dma source(%dma_start3A_139 : memref<10000x128xf32, #tpu.memory_space<hbm>>) target(%dma_start3A_133 : memref<64x128xf32, #tpu.memory_space<vmem>>) offsets(%dma_start3A_136 : memref<64xi32, #tpu.memory_space<vmem>>) semaphore(%arg13 : memref<!tpu.dma_semaphore, #tpu.memory_space<semaphore_mem>>)
    %dma_start3A_140 = arith.constant 1 : i32
    %dma_start3A_141 = arith.constant 64 : i32
    %dma_start3A_142 = arith.constant 0 : i32
    %dma_start3A_143 = tpu.memref_slice %arg7[%dma_start3A_141, %dma_start3A_142] : memref<128x128xf32, #tpu.memory_space<vmem>> -> memref<64x128xf32, #tpu.memory_space<vmem>>
    %dma_start3A_144 = arith.constant 64 : i32
    %dma_start3A_145 = tpu.memref_slice %arg8[%dma_start3A_140, %dma_start3A_144] : memref<40x128xi32, #tpu.memory_space<vmem>> -> memref<1x64xi32, #tpu.memory_space<vmem>>
    %dma_start3A_146 = tpu.memref_squeeze %dma_start3A_145 : memref<1x64xi32, #tpu.memory_space<vmem>> -> memref<64xi32, #tpu.memory_space<vmem>>
    %dma_start3A_147 = arith.constant 0 : i32
    %dma_start3A_148 = arith.constant 0 : i32
    %dma_start3A_149 = tpu.memref_slice %arg2[%dma_start3A_147, %dma_start3A_148] : memref<10000x128xf32, #tpu.memory_space<hbm>> -> memref<10000x128xf32, #tpu.memory_space<hbm>>
    tpu.enqueue_indirect_dma source(%dma_start3A_149 : memref<10000x128xf32, #tpu.memory_space<hbm>>) target(%dma_start3A_143 : memref<64x128xf32, #tpu.memory_space<vmem>>) offsets(%dma_start3A_146 : memref<64xi32, #tpu.memory_space<vmem>>) semaphore(%arg13 : memref<!tpu.dma_semaphore, #tpu.memory_space<semaphore_mem>>)
    %scan3A_150 = arith.constant 0 : i32
    %scan3A_151 = arith.constant 0 : i32
    %scan3A_152 = arith.constant 19 : i32
    %scan3A_153 = arith.addi %scan3A_151, %scan3A_152 : i32
    %scan3A_154 = arith.constant 1 : i32
    scf.for %scan3A_210 = %scan3A_151 to %scan3A_153 step %scan3A_154  : i32 {
      %mul3A_211 = arith.constant 2 : i32
      %mul3A_212 = arith.muli %scan3A_210, %mul3A_211 : i32
      %scan3A_213 = arith.constant 0 : i32
      %scan3A_214 = arith.constant 0 : i32
      %scan3A_215 = arith.constant 8 : i32
      %scan3A_216 = arith.addi %scan3A_214, %scan3A_215 : i32
      %scan3A_217 = arith.constant 1 : i32
      scf.for %scan3A_283 = %scan3A_214 to %scan3A_216 step %scan3A_217  : i32 {
        %mul3A_284 = arith.constant 16 : i32
        %mul3A_285 = arith.muli %scan3A_283, %mul3A_284 : i32
        %get3A = arith.index_cast %mul3A_212 : i32 to index
        %get3A_286 = arith.index_cast %mul3A_285 : i32 to index
        %get3A_287 = tpu.vector_load %arg9[%get3A, %get3A_286] {strides = array<i32>} : memref<40x128xi32, #tpu.memory_space<vmem>>, vector<16xi32>,
        %mul3A_288 = arith.constant 16 : i32
        %mul3A_289 = arith.muli %scan3A_283, %mul3A_288 : i32
        %swap3A = arith.constant 0 : i32
        %swap3A_290 = arith.index_cast %swap3A : i32 to index
        %swap3A_291 = arith.index_cast %mul3A_289 : i32 to index
        %swap3A_292 = tpu.vector_load %arg10[%swap3A_290, %swap3A_291] {strides = array<i32>} : memref<1x128xi32, #tpu.memory_space<vmem>>, vector<16xi32>,
        tpu.vector_store %arg10[%swap3A_290, %swap3A_291], %get3A_287 {strides = array<i32>} : memref<1x128xi32, #tpu.memory_space<vmem>>, vector<16xi32>,
      }
      %scan3A_218 = arith.constant 8 : i32
      %dma_wait3A_219 = arith.constant 0 : i32
      %dma_wait3A_220 = arith.constant 0 : i32
      %dma_wait3A_221 = tpu.memref_slice %arg8[%dma_wait3A_219, %dma_wait3A_220] : memref<40x128xi32, #tpu.memory_space<vmem>> -> memref<1x128xi32, #tpu.memory_space<vmem>>
      %dma_wait3A_222 = tpu.memref_squeeze %dma_wait3A_221 : memref<1x128xi32, #tpu.memory_space<vmem>> -> memref<128xi32, #tpu.memory_space<vmem>>
      %dma_wait3A_223 = arith.constant 0 : i32
      %dma_wait3A_224 = arith.constant 0 : i32
      %dma_wait3A_225 = tpu.memref_slice %arg2[%dma_wait3A_223, %dma_wait3A_224] : memref<10000x128xf32, #tpu.memory_space<hbm>> -> memref<10000x128xf32, #tpu.memory_space<hbm>>
      tpu.wait_indirect_dma semaphore(%arg12 : memref<!tpu.dma_semaphore, #tpu.memory_space<semaphore_mem>>) src(%dma_wait3A_225 : memref<10000x128xf32, #tpu.memory_space<hbm>>) dst(%arg6 : memref<128x128xf32, #tpu.memory_space<vmem>>)
      %run_scoped3A_226 = arith.constant 0 : i32
      "tpu.region"() ({
        %run_scoped3A_283 = tpu.sem_alloc : memref<!tpu.dma_semaphore, #tpu.memory_space<semaphore_mem>>
        %dma_start3A_284 = arith.constant 0 : i32
        %dma_start3A_285 = tpu.memref_slice %arg10[%run_scoped3A_226, %dma_start3A_284] : memref<1x128xi32, #tpu.memory_space<vmem>> -> memref<1x128xi32, #tpu.memory_space<vmem>>
        %dma_start3A_286 = tpu.memref_squeeze %dma_start3A_285 : memref<1x128xi32, #tpu.memory_space<vmem>> -> memref<128xi32, #tpu.memory_space<vmem>>
        %dma_start3A_287 = arith.constant 0 : i32
        %dma_start3A_288 = arith.constant 0 : i32
        %dma_start3A_289 = tpu.memref_slice %arg11[%dma_start3A_287, %dma_start3A_288] : memref<10128x128xf32, #tpu.memory_space<vmem_shared>> -> memref<10128x128xf32, #tpu.memory_space<vmem_shared>>
        tpu.enqueue_indirect_dma source(%arg6 : memref<128x128xf32, #tpu.memory_space<vmem>>) target(%dma_start3A_289 : memref<10128x128xf32, #tpu.memory_space<vmem_shared>>) offsets(%dma_start3A_286 : memref<128xi32, #tpu.memory_space<vmem>>) semaphore(%run_scoped3A_283 : memref<!tpu.dma_semaphore, #tpu.memory_space<semaphore_mem>>) {add = true}
        %dma_wait3A_290 = arith.constant 0 : i32
        %dma_wait3A_291 = tpu.memref_slice %arg10[%run_scoped3A_226, %dma_wait3A_290] : memref<1x128xi32, #tpu.memory_space<vmem>> -> memref<1x128xi32, #tpu.memory_space<vmem>>
        %dma_wait3A_292 = tpu.memref_squeeze %dma_wait3A_291 : memref<1x128xi32, #tpu.memory_space<vmem>> -> memref<128xi32, #tpu.memory_space<vmem>>
        %dma_wait3A_293 = arith.constant 0 : i32
        %dma_wait3A_294 = arith.constant 0 : i32
        %dma_wait3A_295 = tpu.memref_slice %arg11[%dma_wait3A_293, %dma_wait3A_294] : memref<10128x128xf32, #tpu.memory_space<vmem_shared>> -> memref<10128x128xf32, #tpu.memory_space<vmem_shared>>
        tpu.wait_indirect_dma semaphore(%run_scoped3A_283 : memref<!tpu.dma_semaphore, #tpu.memory_space<semaphore_mem>>) src(%arg6 : memref<128x128xf32, #tpu.memory_space<vmem>>) dst(%dma_wait3A_295 : memref<10128x128xf32, #tpu.memory_space<vmem_shared>>)
        tpu.yield
      }) : () -> ()
      %add3A_227 = arith.constant 2 : i32
      %add3A_228 = arith.addi %mul3A_212, %add3A_227 : i32
      %dma_start3A_229 = arith.constant 0 : i32
      %dma_start3A_230 = arith.constant 0 : i32
      %dma_start3A_231 = tpu.memref_slice %arg6[%dma_start3A_229, %dma_start3A_230] : memref<128x128xf32, #tpu.memory_space<vmem>> -> memref<64x128xf32, #tpu.memory_space<vmem>>
      %dma_start3A_232 = arith.constant 0 : i32
      %dma_start3A_233 = tpu.memref_slice %arg8[%add3A_228, %dma_start3A_232] : memref<40x128xi32, #tpu.memory_space<vmem>> -> memref<1x64xi32, #tpu.memory_space<vmem>>
      %dma_start3A_234 = tpu.memref_squeeze %dma_start3A_233 : memref<1x64xi32, #tpu.memory_space<vmem>> -> memref<64xi32, #tpu.memory_space<vmem>>
      %dma_start3A_235 = arith.constant 0 : i32
      %dma_start3A_236 = arith.constant 0 : i32
      %dma_start3A_237 = tpu.memref_slice %arg2[%dma_start3A_235, %dma_start3A_236] : memref<10000x128xf32, #tpu.memory_space<hbm>> -> memref<10000x128xf32, #tpu.memory_space<hbm>>
      tpu.enqueue_indirect_dma source(%dma_start3A_237 : memref<10000x128xf32, #tpu.memory_space<hbm>>) target(%dma_start3A_231 : memref<64x128xf32, #tpu.memory_space<vmem>>) offsets(%dma_start3A_234 : memref<64xi32, #tpu.memory_space<vmem>>) semaphore(%arg12 : memref<!tpu.dma_semaphore, #tpu.memory_space<semaphore_mem>>)
      %dma_start3A_238 = arith.constant 64 : i32
      %dma_start3A_239 = arith.constant 0 : i32
      %dma_start3A_240 = tpu.memref_slice %arg6[%dma_start3A_238, %dma_start3A_239] : memref<128x128xf32, #tpu.memory_space<vmem>> -> memref<64x128xf32, #tpu.memory_space<vmem>>
      %dma_start3A_241 = arith.constant 64 : i32
      %dma_start3A_242 = tpu.memref_slice %arg8[%add3A_228, %dma_start3A_241] : memref<40x128xi32, #tpu.memory_space<vmem>> -> memref<1x64xi32, #tpu.memory_space<vmem>>
      %dma_start3A_243 = tpu.memref_squeeze %dma_start3A_242 : memref<1x64xi32, #tpu.memory_space<vmem>> -> memref<64xi32, #tpu.memory_space<vmem>>
      %dma_start3A_244 = arith.constant 0 : i32
      %dma_start3A_245 = arith.constant 0 : i32
      %dma_start3A_246 = tpu.memref_slice %arg2[%dma_start3A_244, %dma_start3A_245] : memref<10000x128xf32, #tpu.memory_space<hbm>> -> memref<10000x128xf32, #tpu.memory_space<hbm>>
      tpu.enqueue_indirect_dma source(%dma_start3A_246 : memref<10000x128xf32, #tpu.memory_space<hbm>>) target(%dma_start3A_240 : memref<64x128xf32, #tpu.memory_space<vmem>>) offsets(%dma_start3A_243 : memref<64xi32, #tpu.memory_space<vmem>>) semaphore(%arg12 : memref<!tpu.dma_semaphore, #tpu.memory_space<semaphore_mem>>)
      %add3A_247 = arith.constant 1 : i32
      %add3A_248 = arith.addi %mul3A_212, %add3A_247 : i32
      %scan3A_249 = arith.constant 0 : i32
      %scan3A_250 = arith.constant 0 : i32
      %scan3A_251 = arith.constant 8 : i32
      %scan3A_252 = arith.addi %scan3A_250, %scan3A_251 : i32
      %scan3A_253 = arith.constant 1 : i32
      scf.for %scan3A_283 = %scan3A_250 to %scan3A_252 step %scan3A_253  : i32 {
        %mul3A_284 = arith.constant 16 : i32
        %mul3A_285 = arith.muli %scan3A_283, %mul3A_284 : i32
        %get3A = arith.index_cast %add3A_248 : i32 to index
        %get3A_286 = arith.index_cast %mul3A_285 : i32 to index
        %get3A_287 = tpu.vector_load %arg9[%get3A, %get3A_286] {strides = array<i32>} : memref<40x128xi32, #tpu.memory_space<vmem>>, vector<16xi32>,
        %mul3A_288 = arith.constant 16 : i32
        %mul3A_289 = arith.muli %scan3A_283, %mul3A_288 : i32
        %swap3A = arith.constant 0 : i32
        %swap3A_290 = arith.index_cast %swap3A : i32 to index
        %swap3A_291 = arith.index_cast %mul3A_289 : i32 to index
        %swap3A_292 = tpu.vector_load %arg10[%swap3A_290, %swap3A_291] {strides = array<i32>} : memref<1x128xi32, #tpu.memory_space<vmem>>, vector<16xi32>,
        tpu.vector_store %arg10[%swap3A_290, %swap3A_291], %get3A_287 {strides = array<i32>} : memref<1x128xi32, #tpu.memory_space<vmem>>, vector<16xi32>,
      }
      %scan3A_254 = arith.constant 8 : i32
      %dma_wait3A_255 = arith.constant 0 : i32
      %dma_wait3A_256 = arith.constant 0 : i32
      %dma_wait3A_257 = tpu.memref_slice %arg8[%dma_wait3A_255, %dma_wait3A_256] : memref<40x128xi32, #tpu.memory_space<vmem>> -> memref<1x128xi32, #tpu.memory_space<vmem>>
      %dma_wait3A_258 = tpu.memref_squeeze %dma_wait3A_257 : memref<1x128xi32, #tpu.memory_space<vmem>> -> memref<128xi32, #tpu.memory_space<vmem>>
      %dma_wait3A_259 = arith.constant 0 : i32
      %dma_wait3A_260 = arith.constant 0 : i32
      %dma_wait3A_261 = tpu.memref_slice %arg2[%dma_wait3A_259, %dma_wait3A_260] : memref<10000x128xf32, #tpu.memory_space<hbm>> -> memref<10000x128xf32, #tpu.memory_space<hbm>>
      tpu.wait_indirect_dma semaphore(%arg13 : memref<!tpu.dma_semaphore, #tpu.memory_space<semaphore_mem>>) src(%dma_wait3A_261 : memref<10000x128xf32, #tpu.memory_space<hbm>>) dst(%arg7 : memref<128x128xf32, #tpu.memory_space<vmem>>)
      %run_scoped3A_262 = arith.constant 0 : i32
      "tpu.region"() ({
        %run_scoped3A_283 = tpu.sem_alloc : memref<!tpu.dma_semaphore, #tpu.memory_space<semaphore_mem>>
        %dma_start3A_284 = arith.constant 0 : i32
        %dma_start3A_285 = tpu.memref_slice %arg10[%run_scoped3A_262, %dma_start3A_284] : memref<1x128xi32, #tpu.memory_space<vmem>> -> memref<1x128xi32, #tpu.memory_space<vmem>>
        %dma_start3A_286 = tpu.memref_squeeze %dma_start3A_285 : memref<1x128xi32, #tpu.memory_space<vmem>> -> memref<128xi32, #tpu.memory_space<vmem>>
        %dma_start3A_287 = arith.constant 0 : i32
        %dma_start3A_288 = arith.constant 0 : i32
        %dma_start3A_289 = tpu.memref_slice %arg11[%dma_start3A_287, %dma_start3A_288] : memref<10128x128xf32, #tpu.memory_space<vmem_shared>> -> memref<10128x128xf32, #tpu.memory_space<vmem_shared>>
        tpu.enqueue_indirect_dma source(%arg7 : memref<128x128xf32, #tpu.memory_space<vmem>>) target(%dma_start3A_289 : memref<10128x128xf32, #tpu.memory_space<vmem_shared>>) offsets(%dma_start3A_286 : memref<128xi32, #tpu.memory_space<vmem>>) semaphore(%run_scoped3A_283 : memref<!tpu.dma_semaphore, #tpu.memory_space<semaphore_mem>>) {add = true}
        %dma_wait3A_290 = arith.constant 0 : i32
        %dma_wait3A_291 = tpu.memref_slice %arg10[%run_scoped3A_262, %dma_wait3A_290] : memref<1x128xi32, #tpu.memory_space<vmem>> -> memref<1x128xi32, #tpu.memory_space<vmem>>
        %dma_wait3A_292 = tpu.memref_squeeze %dma_wait3A_291 : memref<1x128xi32, #tpu.memory_space<vmem>> -> memref<128xi32, #tpu.memory_space<vmem>>
        %dma_wait3A_293 = arith.constant 0 : i32
        %dma_wait3A_294 = arith.constant 0 : i32
        %dma_wait3A_295 = tpu.memref_slice %arg11[%dma_wait3A_293, %dma_wait3A_294] : memref<10128x128xf32, #tpu.memory_space<vmem_shared>> -> memref<10128x128xf32, #tpu.memory_space<vmem_shared>>
        tpu.wait_indirect_dma semaphore(%run_scoped3A_283 : memref<!tpu.dma_semaphore, #tpu.memory_space<semaphore_mem>>) src(%arg7 : memref<128x128xf32, #tpu.memory_space<vmem>>) dst(%dma_wait3A_295 : memref<10128x128xf32, #tpu.memory_space<vmem_shared>>)
        tpu.yield
      }) : () -> ()
      %add3A_263 = arith.constant 3 : i32
      %add3A_264 = arith.addi %mul3A_212, %add3A_263 : i32
      %dma_start3A_265 = arith.constant 0 : i32
      %dma_start3A_266 = arith.constant 0 : i32
      %dma_start3A_267 = tpu.memref_slice %arg7[%dma_start3A_265, %dma_start3A_266] : memref<128x128xf32, #tpu.memory_space<vmem>> -> memref<64x128xf32, #tpu.memory_space<vmem>>
      %dma_start3A_268 = arith.constant 0 : i32
      %dma_start3A_269 = tpu.memref_slice %arg8[%add3A_264, %dma_start3A_268] : memref<40x128xi32, #tpu.memory_space<vmem>> -> memref<1x64xi32, #tpu.memory_space<vmem>>
      %dma_start3A_270 = tpu.memref_squeeze %dma_start3A_269 : memref<1x64xi32, #tpu.memory_space<vmem>> -> memref<64xi32, #tpu.memory_space<vmem>>
      %dma_start3A_271 = arith.constant 0 : i32
      %dma_start3A_272 = arith.constant 0 : i32
      %dma_start3A_273 = tpu.memref_slice %arg2[%dma_start3A_271, %dma_start3A_272] : memref<10000x128xf32, #tpu.memory_space<hbm>> -> memref<10000x128xf32, #tpu.memory_space<hbm>>
      tpu.enqueue_indirect_dma source(%dma_start3A_273 : memref<10000x128xf32, #tpu.memory_space<hbm>>) target(%dma_start3A_267 : memref<64x128xf32, #tpu.memory_space<vmem>>) offsets(%dma_start3A_270 : memref<64xi32, #tpu.memory_space<vmem>>) semaphore(%arg13 : memref<!tpu.dma_semaphore, #tpu.memory_space<semaphore_mem>>)
      %dma_start3A_274 = arith.constant 64 : i32
      %dma_start3A_275 = arith.constant 0 : i32
      %dma_start3A_276 = tpu.memref_slice %arg7[%dma_start3A_274, %dma_start3A_275] : memref<128x128xf32, #tpu.memory_space<vmem>> -> memref<64x128xf32, #tpu.memory_space<vmem>>
      %dma_start3A_277 = arith.constant 64 : i32
      %dma_start3A_278 = tpu.memref_slice %arg8[%add3A_264, %dma_start3A_277] : memref<40x128xi32, #tpu.memory_space<vmem>> -> memref<1x64xi32, #tpu.memory_space<vmem>>
      %dma_start3A_279 = tpu.memref_squeeze %dma_start3A_278 : memref<1x64xi32, #tpu.memory_space<vmem>> -> memref<64xi32, #tpu.memory_space<vmem>>
      %dma_start3A_280 = arith.constant 0 : i32
      %dma_start3A_281 = arith.constant 0 : i32
      %dma_start3A_282 = tpu.memref_slice %arg2[%dma_start3A_280, %dma_start3A_281] : memref<10000x128xf32, #tpu.memory_space<hbm>> -> memref<10000x128xf32, #tpu.memory_space<hbm>>
      tpu.enqueue_indirect_dma source(%dma_start3A_282 : memref<10000x128xf32, #tpu.memory_space<hbm>>) target(%dma_start3A_276 : memref<64x128xf32, #tpu.memory_space<vmem>>) offsets(%dma_start3A_279 : memref<64xi32, #tpu.memory_space<vmem>>) semaphore(%arg13 : memref<!tpu.dma_semaphore, #tpu.memory_space<semaphore_mem>>)
    }
    %scan3A_155 = arith.constant 19 : i32
    %scan3A_156 = arith.constant 0 : i32
    %scan3A_157 = arith.constant 0 : i32
    %scan3A_158 = arith.constant 8 : i32
    %scan3A_159 = arith.addi %scan3A_157, %scan3A_158 : i32
    %scan3A_160 = arith.constant 1 : i32
    scf.for %scan3A_210 = %scan3A_157 to %scan3A_159 step %scan3A_160  : i32 {
      %mul3A_211 = arith.constant 16 : i32
      %mul3A_212 = arith.muli %scan3A_210, %mul3A_211 : i32
      %get3A = arith.constant 38 : i32
      %get3A_213 = arith.index_cast %get3A : i32 to index
      %get3A_214 = arith.index_cast %mul3A_212 : i32 to index
      %get3A_215 = tpu.vector_load %arg9[%get3A_213, %get3A_214] {strides = array<i32>} : memref<40x128xi32, #tpu.memory_space<vmem>>, vector<16xi32>,
      %mul3A_216 = arith.constant 16 : i32
      %mul3A_217 = arith.muli %scan3A_210, %mul3A_216 : i32
      %swap3A = arith.constant 0 : i32
      %swap3A_218 = arith.index_cast %swap3A : i32 to index
      %swap3A_219 = arith.index_cast %mul3A_217 : i32 to index
      %swap3A_220 = tpu.vector_load %arg10[%swap3A_218, %swap3A_219] {strides = array<i32>} : memref<1x128xi32, #tpu.memory_space<vmem>>, vector<16xi32>,
      tpu.vector_store %arg10[%swap3A_218, %swap3A_219], %get3A_215 {strides = array<i32>} : memref<1x128xi32, #tpu.memory_space<vmem>>, vector<16xi32>,
    }
    %scan3A_161 = arith.constant 8 : i32
    %dma_wait3A_162 = arith.constant 0 : i32
    %dma_wait3A_163 = arith.constant 0 : i32
    %dma_wait3A_164 = tpu.memref_slice %arg8[%dma_wait3A_162, %dma_wait3A_163] : memref<40x128xi32, #tpu.memory_space<vmem>> -> memref<1x128xi32, #tpu.memory_space<vmem>>
    %dma_wait3A_165 = tpu.memref_squeeze %dma_wait3A_164 : memref<1x128xi32, #tpu.memory_space<vmem>> -> memref<128xi32, #tpu.memory_space<vmem>>
    %dma_wait3A_166 = arith.constant 0 : i32
    %dma_wait3A_167 = arith.constant 0 : i32
    %dma_wait3A_168 = tpu.memref_slice %arg2[%dma_wait3A_166, %dma_wait3A_167] : memref<10000x128xf32, #tpu.memory_space<hbm>> -> memref<10000x128xf32, #tpu.memory_space<hbm>>
    tpu.wait_indirect_dma semaphore(%arg12 : memref<!tpu.dma_semaphore, #tpu.memory_space<semaphore_mem>>) src(%dma_wait3A_168 : memref<10000x128xf32, #tpu.memory_space<hbm>>) dst(%arg6 : memref<128x128xf32, #tpu.memory_space<vmem>>)
    %run_scoped3A_169 = arith.constant 0 : i32
    "tpu.region"() ({
      %run_scoped3A_210 = tpu.sem_alloc : memref<!tpu.dma_semaphore, #tpu.memory_space<semaphore_mem>>
      %dma_start3A_211 = arith.constant 0 : i32
      %dma_start3A_212 = tpu.memref_slice %arg10[%run_scoped3A_169, %dma_start3A_211] : memref<1x128xi32, #tpu.memory_space<vmem>> -> memref<1x128xi32, #tpu.memory_space<vmem>>
      %dma_start3A_213 = tpu.memref_squeeze %dma_start3A_212 : memref<1x128xi32, #tpu.memory_space<vmem>> -> memref<128xi32, #tpu.memory_space<vmem>>
      %dma_start3A_214 = arith.constant 0 : i32
      %dma_start3A_215 = arith.constant 0 : i32
      %dma_start3A_216 = tpu.memref_slice %arg11[%dma_start3A_214, %dma_start3A_215] : memref<10128x128xf32, #tpu.memory_space<vmem_shared>> -> memref<10128x128xf32, #tpu.memory_space<vmem_shared>>
      tpu.enqueue_indirect_dma source(%arg6 : memref<128x128xf32, #tpu.memory_space<vmem>>) target(%dma_start3A_216 : memref<10128x128xf32, #tpu.memory_space<vmem_shared>>) offsets(%dma_start3A_213 : memref<128xi32, #tpu.memory_space<vmem>>) semaphore(%run_scoped3A_210 : memref<!tpu.dma_semaphore, #tpu.memory_space<semaphore_mem>>) {add = true}
      %dma_wait3A_217 = arith.constant 0 : i32
      %dma_wait3A_218 = tpu.memref_slice %arg10[%run_scoped3A_169, %dma_wait3A_217] : memref<1x128xi32, #tpu.memory_space<vmem>> -> memref<1x128xi32, #tpu.memory_space<vmem>>
      %dma_wait3A_219 = tpu.memref_squeeze %dma_wait3A_218 : memref<1x128xi32, #tpu.memory_space<vmem>> -> memref<128xi32, #tpu.memory_space<vmem>>
      %dma_wait3A_220 = arith.constant 0 : i32
      %dma_wait3A_221 = arith.constant 0 : i32
      %dma_wait3A_222 = tpu.memref_slice %arg11[%dma_wait3A_220, %dma_wait3A_221] : memref<10128x128xf32, #tpu.memory_space<vmem_shared>> -> memref<10128x128xf32, #tpu.memory_space<vmem_shared>>
      tpu.wait_indirect_dma semaphore(%run_scoped3A_210 : memref<!tpu.dma_semaphore, #tpu.memory_space<semaphore_mem>>) src(%arg6 : memref<128x128xf32, #tpu.memory_space<vmem>>) dst(%dma_wait3A_222 : memref<10128x128xf32, #tpu.memory_space<vmem_shared>>)
      tpu.yield
    }) : () -> ()
    %scan3A_170 = arith.constant 0 : i32
    %scan3A_171 = arith.constant 0 : i32
    %scan3A_172 = arith.constant 8 : i32
    %scan3A_173 = arith.addi %scan3A_171, %scan3A_172 : i32
    %scan3A_174 = arith.constant 1 : i32
    scf.for %scan3A_210 = %scan3A_171 to %scan3A_173 step %scan3A_174  : i32 {
      %mul3A_211 = arith.constant 16 : i32
      %mul3A_212 = arith.muli %scan3A_210, %mul3A_211 : i32
      %get3A = arith.constant 39 : i32
      %get3A_213 = arith.index_cast %get3A : i32 to index
      %get3A_214 = arith.index_cast %mul3A_212 : i32 to index
      %get3A_215 = tpu.vector_load %arg9[%get3A_213, %get3A_214] {strides = array<i32>} : memref<40x128xi32, #tpu.memory_space<vmem>>, vector<16xi32>,
      %mul3A_216 = arith.constant 16 : i32
      %mul3A_217 = arith.muli %scan3A_210, %mul3A_216 : i32
      %swap3A = arith.constant 0 : i32
      %swap3A_218 = arith.index_cast %swap3A : i32 to index
      %swap3A_219 = arith.index_cast %mul3A_217 : i32 to index
      %swap3A_220 = tpu.vector_load %arg10[%swap3A_218, %swap3A_219] {strides = array<i32>} : memref<1x128xi32, #tpu.memory_space<vmem>>, vector<16xi32>,
      tpu.vector_store %arg10[%swap3A_218, %swap3A_219], %get3A_215 {strides = array<i32>} : memref<1x128xi32, #tpu.memory_space<vmem>>, vector<16xi32>,
    }
    %scan3A_175 = arith.constant 8 : i32
    %dma_wait3A_176 = arith.constant 0 : i32
    %dma_wait3A_177 = arith.constant 0 : i32
    %dma_wait3A_178 = tpu.memref_slice %arg8[%dma_wait3A_176, %dma_wait3A_177] : memref<40x128xi32, #tpu.memory_space<vmem>> -> memref<1x128xi32, #tpu.memory_space<vmem>>
    %dma_wait3A_179 = tpu.memref_squeeze %dma_wait3A_178 : memref<1x128xi32, #tpu.memory_space<vmem>> -> memref<128xi32, #tpu.memory_space<vmem>>
    %dma_wait3A_180 = arith.constant 0 : i32
    %dma_wait3A_181 = arith.constant 0 : i32
    %dma_wait3A_182 = tpu.memref_slice %arg2[%dma_wait3A_180, %dma_wait3A_181] : memref<10000x128xf32, #tpu.memory_space<hbm>> -> memref<10000x128xf32, #tpu.memory_space<hbm>>
    tpu.wait_indirect_dma semaphore(%arg13 : memref<!tpu.dma_semaphore, #tpu.memory_space<semaphore_mem>>) src(%dma_wait3A_182 : memref<10000x128xf32, #tpu.memory_space<hbm>>) dst(%arg7 : memref<128x128xf32, #tpu.memory_space<vmem>>)
    %run_scoped3A_183 = arith.constant 0 : i32
    "tpu.region"() ({
      %run_scoped3A_210 = tpu.sem_alloc : memref<!tpu.dma_semaphore, #tpu.memory_space<semaphore_mem>>
      %dma_start3A_211 = arith.constant 0 : i32
      %dma_start3A_212 = tpu.memref_slice %arg10[%run_scoped3A_183, %dma_start3A_211] : memref<1x128xi32, #tpu.memory_space<vmem>> -> memref<1x128xi32, #tpu.memory_space<vmem>>
      %dma_start3A_213 = tpu.memref_squeeze %dma_start3A_212 : memref<1x128xi32, #tpu.memory_space<vmem>> -> memref<128xi32, #tpu.memory_space<vmem>>
      %dma_start3A_214 = arith.constant 0 : i32
      %dma_start3A_215 = arith.constant 0 : i32
      %dma_start3A_216 = tpu.memref_slice %arg11[%dma_start3A_214, %dma_start3A_215] : memref<10128x128xf32, #tpu.memory_space<vmem_shared>> -> memref<10128x128xf32, #tpu.memory_space<vmem_shared>>
      tpu.enqueue_indirect_dma source(%arg7 : memref<128x128xf32, #tpu.memory_space<vmem>>) target(%dma_start3A_216 : memref<10128x128xf32, #tpu.memory_space<vmem_shared>>) offsets(%dma_start3A_213 : memref<128xi32, #tpu.memory_space<vmem>>) semaphore(%run_scoped3A_210 : memref<!tpu.dma_semaphore, #tpu.memory_space<semaphore_mem>>) {add = true}
      %dma_wait3A_217 = arith.constant 0 : i32
      %dma_wait3A_218 = tpu.memref_slice %arg10[%run_scoped3A_183, %dma_wait3A_217] : memref<1x128xi32, #tpu.memory_space<vmem>> -> memref<1x128xi32, #tpu.memory_space<vmem>>
      %dma_wait3A_219 = tpu.memref_squeeze %dma_wait3A_218 : memref<1x128xi32, #tpu.memory_space<vmem>> -> memref<128xi32, #tpu.memory_space<vmem>>
      %dma_wait3A_220 = arith.constant 0 : i32
      %dma_wait3A_221 = arith.constant 0 : i32
      %dma_wait3A_222 = tpu.memref_slice %arg11[%dma_wait3A_220, %dma_wait3A_221] : memref<10128x128xf32, #tpu.memory_space<vmem_shared>> -> memref<10128x128xf32, #tpu.memory_space<vmem_shared>>
      tpu.wait_indirect_dma semaphore(%run_scoped3A_210 : memref<!tpu.dma_semaphore, #tpu.memory_space<semaphore_mem>>) src(%arg7 : memref<128x128xf32, #tpu.memory_space<vmem>>) dst(%dma_wait3A_222 : memref<10128x128xf32, #tpu.memory_space<vmem_shared>>)
      tpu.yield
    }) : () -> ()
    %barrier3A_184 = arith.constant 0 : index
    tpu.barrier barrier_id(%barrier3A_184)
    %mul3A_185 = arith.constant 624 : i32
    %mul3A_186 = arith.muli %arg1, %mul3A_185 : i32
    %add3A_187 = arith.constant 0 : i32
    %add3A_188 = arith.addi %mul3A_186, %add3A_187 : i32
    %multiple_of3A_189 = tpu.assume_multiple %add3A_188, 8 : i32
    "tpu.region"() ({
      %run_scoped3A_210 = tpu.sem_alloc : memref<!tpu.dma_semaphore, #tpu.memory_space<semaphore_mem>>
      %dma_start3A_211 = arith.constant 0 : i32
      %dma_start3A_212 = tpu.memref_slice %arg5[%arg0, %multiple_of3A_189, %dma_start3A_211] : memref<2x10000x128xf32, #tpu.memory_space<hbm>> -> memref<1x128x128xf32, #tpu.memory_space<hbm>>
      %dma_start3A_213 = tpu.memref_squeeze %dma_start3A_212 : memref<1x128x128xf32, #tpu.memory_space<hbm>> -> memref<128x128xf32, #tpu.memory_space<hbm>>
      %dma_start3A_214 = arith.constant 0 : i32
      %dma_start3A_215 = tpu.memref_slice %arg11[%multiple_of3A_189, %dma_start3A_214] : memref<10128x128xf32, #tpu.memory_space<vmem_shared>> -> memref<128x128xf32, #tpu.memory_space<vmem_shared>>
      tpu.enqueue_dma source(%dma_start3A_215 : memref<128x128xf32, #tpu.memory_space<vmem_shared>>) target(%dma_start3A_213 : memref<128x128xf32, #tpu.memory_space<hbm>>) target_semaphore(%run_scoped3A_210 : memref<!tpu.dma_semaphore, #tpu.memory_space<semaphore_mem>>)
      %dma_wait3A_216 = arith.constant 0 : i32
      %dma_wait3A_217 = tpu.memref_slice %arg5[%arg0, %multiple_of3A_189, %dma_wait3A_216] : memref<2x10000x128xf32, #tpu.memory_space<hbm>> -> memref<1x128x128xf32, #tpu.memory_space<hbm>>
      %dma_wait3A_218 = tpu.memref_squeeze %dma_wait3A_217 : memref<1x128x128xf32, #tpu.memory_space<hbm>> -> memref<128x128xf32, #tpu.memory_space<hbm>>
      %dma_wait3A_219 = arith.constant 0 : i32
      %dma_wait3A_220 = tpu.memref_slice %arg11[%multiple_of3A_189, %dma_wait3A_219] : memref<10128x128xf32, #tpu.memory_space<vmem_shared>> -> memref<128x128xf32, #tpu.memory_space<vmem_shared>>
      tpu.wait_dma2 semaphore(%run_scoped3A_210 : memref<!tpu.dma_semaphore, #tpu.memory_space<semaphore_mem>>) src(%dma_wait3A_220 : memref<128x128xf32, #tpu.memory_space<vmem_shared>>) dst(%dma_wait3A_218 : memref<128x128xf32, #tpu.memory_space<hbm>>)
      tpu.yield
    }) : () -> ()
    %mul3A_190 = arith.constant 624 : i32
    %mul3A_191 = arith.muli %arg1, %mul3A_190 : i32
    %add3A_192 = arith.constant 128 : i32
    %add3A_193 = arith.addi %mul3A_191, %add3A_192 : i32
    %multiple_of3A_194 = tpu.assume_multiple %add3A_193, 8 : i32
    "tpu.region"() ({
      %run_scoped3A_210 = tpu.sem_alloc : memref<!tpu.dma_semaphore, #tpu.memory_space<semaphore_mem>>
      %dma_start3A_211 = arith.constant 0 : i32
      %dma_start3A_212 = tpu.memref_slice %arg5[%arg0, %multiple_of3A_194, %dma_start3A_211] : memref<2x10000x128xf32, #tpu.memory_space<hbm>> -> memref<1x128x128xf32, #tpu.memory_space<hbm>>
      %dma_start3A_213 = tpu.memref_squeeze %dma_start3A_212 : memref<1x128x128xf32, #tpu.memory_space<hbm>> -> memref<128x128xf32, #tpu.memory_space<hbm>>
      %dma_start3A_214 = arith.constant 0 : i32
      %dma_start3A_215 = tpu.memref_slice %arg11[%multiple_of3A_194, %dma_start3A_214] : memref<10128x128xf32, #tpu.memory_space<vmem_shared>> -> memref<128x128xf32, #tpu.memory_space<vmem_shared>>
      tpu.enqueue_dma source(%dma_start3A_215 : memref<128x128xf32, #tpu.memory_space<vmem_shared>>) target(%dma_start3A_213 : memref<128x128xf32, #tpu.memory_space<hbm>>) target_semaphore(%run_scoped3A_210 : memref<!tpu.dma_semaphore, #tpu.memory_space<semaphore_mem>>)
      %dma_wait3A_216 = arith.constant 0 : i32
      %dma_wait3A_217 = tpu.memref_slice %arg5[%arg0, %multiple_of3A_194, %dma_wait3A_216] : memref<2x10000x128xf32, #tpu.memory_space<hbm>> -> memref<1x128x128xf32, #tpu.memory_space<hbm>>
      %dma_wait3A_218 = tpu.memref_squeeze %dma_wait3A_217 : memref<1x128x128xf32, #tpu.memory_space<hbm>> -> memref<128x128xf32, #tpu.memory_space<hbm>>
      %dma_wait3A_219 = arith.constant 0 : i32
      %dma_wait3A_220 = tpu.memref_slice %arg11[%multiple_of3A_194, %dma_wait3A_219] : memref<10128x128xf32, #tpu.memory_space<vmem_shared>> -> memref<128x128xf32, #tpu.memory_space<vmem_shared>>
      tpu.wait_dma2 semaphore(%run_scoped3A_210 : memref<!tpu.dma_semaphore, #tpu.memory_space<semaphore_mem>>) src(%dma_wait3A_220 : memref<128x128xf32, #tpu.memory_space<vmem_shared>>) dst(%dma_wait3A_218 : memref<128x128xf32, #tpu.memory_space<hbm>>)
      tpu.yield
    }) : () -> ()
    %mul3A_195 = arith.constant 624 : i32
    %mul3A_196 = arith.muli %arg1, %mul3A_195 : i32
    %add3A_197 = arith.constant 256 : i32
    %add3A_198 = arith.addi %mul3A_196, %add3A_197 : i32
    %multiple_of3A_199 = tpu.assume_multiple %add3A_198, 8 : i32
    "tpu.region"() ({
      %run_scoped3A_210 = tpu.sem_alloc : memref<!tpu.dma_semaphore, #tpu.memory_space<semaphore_mem>>
      %dma_start3A_211 = arith.constant 0 : i32
      %dma_start3A_212 = tpu.memref_slice %arg5[%arg0, %multiple_of3A_199, %dma_start3A_211] : memref<2x10000x128xf32, #tpu.memory_space<hbm>> -> memref<1x128x128xf32, #tpu.memory_space<hbm>>
      %dma_start3A_213 = tpu.memref_squeeze %dma_start3A_212 : memref<1x128x128xf32, #tpu.memory_space<hbm>> -> memref<128x128xf32, #tpu.memory_space<hbm>>
      %dma_start3A_214 = arith.constant 0 : i32
      %dma_start3A_215 = tpu.memref_slice %arg11[%multiple_of3A_199, %dma_start3A_214] : memref<10128x128xf32, #tpu.memory_space<vmem_shared>> -> memref<128x128xf32, #tpu.memory_space<vmem_shared>>
      tpu.enqueue_dma source(%dma_start3A_215 : memref<128x128xf32, #tpu.memory_space<vmem_shared>>) target(%dma_start3A_213 : memref<128x128xf32, #tpu.memory_space<hbm>>) target_semaphore(%run_scoped3A_210 : memref<!tpu.dma_semaphore, #tpu.memory_space<semaphore_mem>>)
      %dma_wait3A_216 = arith.constant 0 : i32
      %dma_wait3A_217 = tpu.memref_slice %arg5[%arg0, %multiple_of3A_199, %dma_wait3A_216] : memref<2x10000x128xf32, #tpu.memory_space<hbm>> -> memref<1x128x128xf32, #tpu.memory_space<hbm>>
      %dma_wait3A_218 = tpu.memref_squeeze %dma_wait3A_217 : memref<1x128x128xf32, #tpu.memory_space<hbm>> -> memref<128x128xf32, #tpu.memory_space<hbm>>
      %dma_wait3A_219 = arith.constant 0 : i32
      %dma_wait3A_220 = tpu.memref_slice %arg11[%multiple_of3A_199, %dma_wait3A_219] : memref<10128x128xf32, #tpu.memory_space<vmem_shared>> -> memref<128x128xf32, #tpu.memory_space<vmem_shared>>
      tpu.wait_dma2 semaphore(%run_scoped3A_210 : memref<!tpu.dma_semaphore, #tpu.memory_space<semaphore_mem>>) src(%dma_wait3A_220 : memref<128x128xf32, #tpu.memory_space<vmem_shared>>) dst(%dma_wait3A_218 : memref<128x128xf32, #tpu.memory_space<hbm>>)
      tpu.yield
    }) : () -> ()
    %mul3A_200 = arith.constant 624 : i32
    %mul3A_201 = arith.muli %arg1, %mul3A_200 : i32
    %add3A_202 = arith.constant 384 : i32
    %add3A_203 = arith.addi %mul3A_201, %add3A_202 : i32
    %multiple_of3A_204 = tpu.assume_multiple %add3A_203, 8 : i32
    "tpu.region"() ({
      %run_scoped3A_210 = tpu.sem_alloc : memref<!tpu.dma_semaphore, #tpu.memory_space<semaphore_mem>>
      %dma_start3A_211 = arith.constant 0 : i32
      %dma_start3A_212 = tpu.memref_slice %arg5[%arg0, %multiple_of3A_204, %dma_start3A_211] : memref<2x10000x128xf32, #tpu.memory_space<hbm>> -> memref<1x128x128xf32, #tpu.memory_space<hbm>>
      %dma_start3A_213 = tpu.memref_squeeze %dma_start3A_212 : memref<1x128x128xf32, #tpu.memory_space<hbm>> -> memref<128x128xf32, #tpu.memory_space<hbm>>
      %dma_start3A_214 = arith.constant 0 : i32
      %dma_start3A_215 = tpu.memref_slice %arg11[%multiple_of3A_204, %dma_start3A_214] : memref<10128x128xf32, #tpu.memory_space<vmem_shared>> -> memref<128x128xf32, #tpu.memory_space<vmem_shared>>
      tpu.enqueue_dma source(%dma_start3A_215 : memref<128x128xf32, #tpu.memory_space<vmem_shared>>) target(%dma_start3A_213 : memref<128x128xf32, #tpu.memory_space<hbm>>) target_semaphore(%run_scoped3A_210 : memref<!tpu.dma_semaphore, #tpu.memory_space<semaphore_mem>>)
      %dma_wait3A_216 = arith.constant 0 : i32
      %dma_wait3A_217 = tpu.memref_slice %arg5[%arg0, %multiple_of3A_204, %dma_wait3A_216] : memref<2x10000x128xf32, #tpu.memory_space<hbm>> -> memref<1x128x128xf32, #tpu.memory_space<hbm>>
      %dma_wait3A_218 = tpu.memref_squeeze %dma_wait3A_217 : memref<1x128x128xf32, #tpu.memory_space<hbm>> -> memref<128x128xf32, #tpu.memory_space<hbm>>
      %dma_wait3A_219 = arith.constant 0 : i32
      %dma_wait3A_220 = tpu.memref_slice %arg11[%multiple_of3A_204, %dma_wait3A_219] : memref<10128x128xf32, #tpu.memory_space<vmem_shared>> -> memref<128x128xf32, #tpu.memory_space<vmem_shared>>
      tpu.wait_dma2 semaphore(%run_scoped3A_210 : memref<!tpu.dma_semaphore, #tpu.memory_space<semaphore_mem>>) src(%dma_wait3A_220 : memref<128x128xf32, #tpu.memory_space<vmem_shared>>) dst(%dma_wait3A_218 : memref<128x128xf32, #tpu.memory_space<hbm>>)
      tpu.yield
    }) : () -> ()
    %mul3A_205 = arith.constant 624 : i32
    %mul3A_206 = arith.muli %arg1, %mul3A_205 : i32
    %add3A_207 = arith.constant 512 : i32
    %add3A_208 = arith.addi %mul3A_206, %add3A_207 : i32
    %multiple_of3A_209 = tpu.assume_multiple %add3A_208, 8 : i32
    "tpu.region"() ({
      %run_scoped3A_210 = tpu.sem_alloc : memref<!tpu.dma_semaphore, #tpu.memory_space<semaphore_mem>>
      %dma_start3A_211 = arith.constant 0 : i32
      %dma_start3A_212 = tpu.memref_slice %arg5[%arg0, %multiple_of3A_209, %dma_start3A_211] : memref<2x10000x128xf32, #tpu.memory_space<hbm>> -> memref<1x128x128xf32, #tpu.memory_space<hbm>>
      %dma_start3A_213 = tpu.memref_squeeze %dma_start3A_212 : memref<1x128x128xf32, #tpu.memory_space<hbm>> -> memref<128x128xf32, #tpu.memory_space<hbm>>
      %dma_start3A_214 = arith.constant 0 : i32
      %dma_start3A_215 = tpu.memref_slice %arg11[%multiple_of3A_209, %dma_start3A_214] : memref<10128x128xf32, #tpu.memory_space<vmem_shared>> -> memref<128x128xf32, #tpu.memory_space<vmem_shared>>
      tpu.enqueue_dma source(%dma_start3A_215 : memref<128x128xf32, #tpu.memory_space<vmem_shared>>) target(%dma_start3A_213 : memref<128x128xf32, #tpu.memory_space<hbm>>) target_semaphore(%run_scoped3A_210 : memref<!tpu.dma_semaphore, #tpu.memory_space<semaphore_mem>>)
      %dma_wait3A_216 = arith.constant 0 : i32
      %dma_wait3A_217 = tpu.memref_slice %arg5[%arg0, %multiple_of3A_209, %dma_wait3A_216] : memref<2x10000x128xf32, #tpu.memory_space<hbm>> -> memref<1x128x128xf32, #tpu.memory_space<hbm>>
      %dma_wait3A_218 = tpu.memref_squeeze %dma_wait3A_217 : memref<1x128x128xf32, #tpu.memory_space<hbm>> -> memref<128x128xf32, #tpu.memory_space<hbm>>
      %dma_wait3A_219 = arith.constant 0 : i32
      %dma_wait3A_220 = tpu.memref_slice %arg11[%multiple_of3A_209, %dma_wait3A_219] : memref<10128x128xf32, #tpu.memory_space<vmem_shared>> -> memref<128x128xf32, #tpu.memory_space<vmem_shared>>
      tpu.wait_dma2 semaphore(%run_scoped3A_210 : memref<!tpu.dma_semaphore, #tpu.memory_space<semaphore_mem>>) src(%dma_wait3A_220 : memref<128x128xf32, #tpu.memory_space<vmem_shared>>) dst(%dma_wait3A_218 : memref<128x128xf32, #tpu.memory_space<hbm>>)
      tpu.yield
    }) : () -> ()
    return
  }
}

module attributes {stable_mosaic.version = 14 : i64} {
  func.func @_u1_body(%arg0: i32, %arg1: memref<2000x128xf32, #tpu.memory_space<vmem>>, %arg2: memref<128x128xf32, #tpu.memory_space<vmem>>, %arg3: memref<1x2000x32xf32, #tpu.memory_space<vmem>>, %arg4: memref<2000x128xf32, #tpu.memory_space<vmem>>) attributes {dimension_semantics = [#tpu.dimension_semantics<arbitrary>], iteration_bounds = array<i64: 5>, scalar_prefetch = 0 : i64, scratch_operands = 0 : i64, tpu.core_type = #tpu.core_type<tc>, window_params = [{transform_indices = @transform_0, window_bounds = array<i64: 2000, 128>}, {pipeline_mode = #tpu.pipeline_mode<synchronous>, transform_indices = @transform_1, window_bounds = array<i64: 128, 128>}, {transform_indices = @transform_2, window_bounds = array<i64: 1, 2000, 32>}, {transform_indices = @transform_3, window_bounds = array<i64: 2000, 128>}]} {
    %get3A = arith.constant 0 : index
    %get3A_0 = arith.constant 0 : index
    %get3A_1 = arith.constant 0 : index
    %get3A_2 = vector.load %arg3[%get3A, %get3A_0, %get3A_1] : memref<1x2000x32xf32, #tpu.memory_space<vmem>>, vector<1x2000x32xf32>
    %squeeze3A = vector.shape_cast %get3A_2 : vector<1x2000x32xf32> to vector<2000x32xf32>
    %reduce_sum3A = arith.constant dense<0.000000e+00> : vector<2000xf32>
    %reduce_sum3A_3 = vector.multi_reduction <add>, %squeeze3A, %reduce_sum3A [1] : vector<2000x32xf32> to vector<2000xf32>
    %add3A = arith.constant 1.000000e+00 : f32
    %add3A_4 = vector.broadcast %add3A : f32 to vector<2000xf32>
    %add3A_5 = arith.addf %add3A_4, %reduce_sum3A_3 : vector<2000xf32>
    %rsqrt3A = math.rsqrt %add3A_5 : vector<2000xf32>
    %broadcast_in_dim3A = vector.shape_cast %rsqrt3A : vector<2000xf32> to vector<2000x1xf32>
    %get3A_6 = arith.constant 0 : index
    %get3A_7 = arith.constant 0 : index
    %get3A_8 = vector.load %arg1[%get3A_6, %get3A_7] : memref<2000x128xf32, #tpu.memory_space<vmem>>, vector<2000x128xf32>
    %get3A_9 = arith.constant 0 : index
    %get3A_10 = arith.constant 0 : index
    %get3A_11 = vector.load %arg2[%get3A_9, %get3A_10] : memref<128x128xf32, #tpu.memory_space<vmem>>, vector<128x128xf32>
    %dot_general3A = arith.constant dense<0.000000e+00> : vector<2000x128xf32>
    %dot_general3A_12 = tpu.matmul %get3A_8, %get3A_11, %dot_general3A {dimension_numbers = #tpu.dot_dimension_numbers<[1], [0], [0], [1], [0, 0, 1, 1], [], []>, transpose_lhs_hint = false} : vector<2000x128xf32>, vector<128x128xf32>, vector<2000x128xf32> -> vector<2000x128xf32>
    %mul3A = vector.broadcast %broadcast_in_dim3A : vector<2000x1xf32> to vector<2000x128xf32>
    %mul3A_13 = arith.mulf %dot_general3A_12, %mul3A : vector<2000x128xf32>
    %swap3A = arith.constant 0 : index
    %swap3A_14 = arith.constant 0 : index
    %swap3A_15 = vector.load %arg4[%swap3A, %swap3A_14] : memref<2000x128xf32, #tpu.memory_space<vmem>>, vector<2000x128xf32>
    tpu.vector_store %arg4[%swap3A, %swap3A_14], %mul3A_13 {strides = array<i32>} : memref<2000x128xf32, #tpu.memory_space<vmem>>, vector<2000x128xf32>,
    return
  }
  func.func @transform_0(%arg0: i32) -> (i32, i32) {
    %c0_i32 = arith.constant 0 : i32
    %c0_i32_0 = arith.constant 0 : i32
    return %arg0, %c0_i32 : i32, i32
  }
  func.func @transform_1(%arg0: i32) -> (i32, i32) {
    %c0_i32 = arith.constant 0 : i32
    %c0_i32_0 = arith.constant 0 : i32
    %c0_i32_1 = arith.constant 0 : i32
    return %c0_i32, %c0_i32_0 : i32, i32
  }
  func.func @transform_2(%arg0: i32) -> (i32, i32, i32) {
    %c0_i32 = arith.constant 0 : i32
    %c0_i32_0 = arith.constant 0 : i32
    %c0_i32_1 = arith.constant 0 : i32
    return %arg0, %c0_i32, %c0_i32_0 : i32, i32, i32
  }
  func.func @transform_3(%arg0: i32) -> (i32, i32) {
    %c0_i32 = arith.constant 0 : i32
    %c0_i32_0 = arith.constant 0 : i32
    return %arg0, %c0_i32 : i32, i32
  }
}

module attributes {stable_mosaic.version = 14 : i64} {
  func.func @_v_body(%arg0: i32, %arg1: memref<2000x128xf32, #tpu.memory_space<vmem>>, %arg2: memref<2000x128xf32, #tpu.memory_space<vmem>>, %arg3: memref<2000x128xf32, #tpu.memory_space<vmem>>, %arg4: memref<1x2000x32xf32, #tpu.memory_space<vmem>>, %arg5: memref<1x128xf32, #tpu.memory_space<vmem>>, %arg6: memref<2000x128xf32, #tpu.memory_space<vmem>>) attributes {dimension_semantics = [#tpu.dimension_semantics<arbitrary>], iteration_bounds = array<i64: 5>, scalar_prefetch = 0 : i64, scratch_operands = 0 : i64, tpu.core_type = #tpu.core_type<tc>, window_params = [{transform_indices = @transform_0, window_bounds = array<i64: 2000, 128>}, {transform_indices = @transform_1, window_bounds = array<i64: 2000, 128>}, {transform_indices = @transform_2, window_bounds = array<i64: 2000, 128>}, {transform_indices = @transform_3, window_bounds = array<i64: 1, 2000, 32>}, {pipeline_mode = #tpu.pipeline_mode<synchronous>, transform_indices = @transform_4, window_bounds = array<i64: 1, 128>}, {transform_indices = @transform_5, window_bounds = array<i64: 2000, 128>}]} {
    %get3A = arith.constant 0 : index
    %get3A_0 = arith.constant 0 : index
    %get3A_1 = arith.constant 0 : index
    %get3A_2 = vector.load %arg4[%get3A, %get3A_0, %get3A_1] : memref<1x2000x32xf32, #tpu.memory_space<vmem>>, vector<1x2000x32xf32>
    %squeeze3A = vector.shape_cast %get3A_2 : vector<1x2000x32xf32> to vector<2000x32xf32>
    %reduce_sum3A = arith.constant dense<0.000000e+00> : vector<2000xf32>
    %reduce_sum3A_3 = vector.multi_reduction <add>, %squeeze3A, %reduce_sum3A [1] : vector<2000x32xf32> to vector<2000xf32>
    %add3A = arith.constant 1.000000e+00 : f32
    %add3A_4 = vector.broadcast %add3A : f32 to vector<2000xf32>
    %add3A_5 = arith.addf %add3A_4, %reduce_sum3A_3 : vector<2000xf32>
    %rsqrt3A = math.rsqrt %add3A_5 : vector<2000xf32>
    %broadcast_in_dim3A = vector.shape_cast %rsqrt3A : vector<2000xf32> to vector<2000x1xf32>
    %get3A_6 = arith.constant 0 : index
    %get3A_7 = arith.constant 0 : index
    %get3A_8 = vector.load %arg1[%get3A_6, %get3A_7] : memref<2000x128xf32, #tpu.memory_space<vmem>>, vector<2000x128xf32>
    %get3A_9 = arith.constant 0 : index
    %get3A_10 = arith.constant 0 : index
    %get3A_11 = vector.load %arg2[%get3A_9, %get3A_10] : memref<2000x128xf32, #tpu.memory_space<vmem>>, vector<2000x128xf32>
    %add3A_12 = arith.addf %get3A_8, %get3A_11 : vector<2000x128xf32>
    %get3A_13 = arith.constant 0 : index
    %get3A_14 = arith.constant 0 : index
    %get3A_15 = vector.load %arg3[%get3A_13, %get3A_14] : memref<2000x128xf32, #tpu.memory_space<vmem>>, vector<2000x128xf32>
    %add3A_16 = arith.addf %add3A_12, %get3A_15 : vector<2000x128xf32>
    %mul3A = vector.broadcast %broadcast_in_dim3A : vector<2000x1xf32> to vector<2000x128xf32>
    %mul3A_17 = arith.mulf %mul3A, %add3A_16 : vector<2000x128xf32>
    %get3A_18 = arith.constant 0 : index
    %get3A_19 = arith.constant 0 : index
    %get3A_20 = vector.load %arg5[%get3A_18, %get3A_19] : memref<1x128xf32, #tpu.memory_space<vmem>>, vector<1x128xf32>
    %add3A_21 = vector.broadcast %get3A_20 : vector<1x128xf32> to vector<2000x128xf32>
    %add3A_22 = arith.addf %mul3A_17, %add3A_21 : vector<2000x128xf32>
    %max3A = arith.constant 0.000000e+00 : f32
    %max3A_23 = vector.broadcast %max3A : f32 to vector<2000x128xf32>
    %max3A_24 = arith.maximumf %add3A_22, %max3A_23 : vector<2000x128xf32>
    %mul3A_25 = vector.broadcast %broadcast_in_dim3A : vector<2000x1xf32> to vector<2000x128xf32>
    %mul3A_26 = arith.mulf %max3A_24, %mul3A_25 : vector<2000x128xf32>
    %swap3A = arith.constant 0 : index
    %swap3A_27 = arith.constant 0 : index
    %swap3A_28 = vector.load %arg6[%swap3A, %swap3A_27] : memref<2000x128xf32, #tpu.memory_space<vmem>>, vector<2000x128xf32>
    tpu.vector_store %arg6[%swap3A, %swap3A_27], %mul3A_26 {strides = array<i32>} : memref<2000x128xf32, #tpu.memory_space<vmem>>, vector<2000x128xf32>,
    return
  }
  func.func @transform_0(%arg0: i32) -> (i32, i32) {
    %c0_i32 = arith.constant 0 : i32
    %c0_i32_0 = arith.constant 0 : i32
    return %arg0, %c0_i32 : i32, i32
  }
  func.func @transform_1(%arg0: i32) -> (i32, i32) {
    %c0_i32 = arith.constant 0 : i32
    %c0_i32_0 = arith.constant 0 : i32
    return %arg0, %c0_i32 : i32, i32
  }
  func.func @transform_2(%arg0: i32) -> (i32, i32) {
    %c0_i32 = arith.constant 0 : i32
    %c0_i32_0 = arith.constant 0 : i32
    return %arg0, %c0_i32 : i32, i32
  }
  func.func @transform_3(%arg0: i32) -> (i32, i32, i32) {
    %c0_i32 = arith.constant 0 : i32
    %c0_i32_0 = arith.constant 0 : i32
    %c0_i32_1 = arith.constant 0 : i32
    return %arg0, %c0_i32, %c0_i32_0 : i32, i32, i32
  }
  func.func @transform_4(%arg0: i32) -> (i32, i32) {
    %c0_i32 = arith.constant 0 : i32
    %c0_i32_0 = arith.constant 0 : i32
    %c0_i32_1 = arith.constant 0 : i32
    return %c0_i32, %c0_i32_0 : i32, i32
  }
  func.func @transform_5(%arg0: i32) -> (i32, i32) {
    %c0_i32 = arith.constant 0 : i32
    %c0_i32_0 = arith.constant 0 : i32
    return %arg0, %c0_i32 : i32, i32
  }
}

module attributes {stable_mosaic.version = 14 : i64} {
  func.func @_z_body(%arg0: i32, %arg1: memref<2000x128xf32, #tpu.memory_space<vmem>>, %arg2: memref<2000x128xf32, #tpu.memory_space<vmem>>, %arg3: memref<2000x128xf32, #tpu.memory_space<vmem>>, %arg4: memref<1x2000x32xf32, #tpu.memory_space<vmem>>, %arg5: memref<1x64xf32, #tpu.memory_space<vmem>>, %arg6: memref<128x64xf32, #tpu.memory_space<vmem>>, %arg7: memref<2000x64xf32, #tpu.memory_space<vmem>>) attributes {dimension_semantics = [#tpu.dimension_semantics<arbitrary>], iteration_bounds = array<i64: 5>, scalar_prefetch = 0 : i64, scratch_operands = 0 : i64, tpu.core_type = #tpu.core_type<tc>, window_params = [{transform_indices = @transform_0, window_bounds = array<i64: 2000, 128>}, {transform_indices = @transform_1, window_bounds = array<i64: 2000, 128>}, {transform_indices = @transform_2, window_bounds = array<i64: 2000, 128>}, {transform_indices = @transform_3, window_bounds = array<i64: 1, 2000, 32>}, {pipeline_mode = #tpu.pipeline_mode<synchronous>, transform_indices = @transform_4, window_bounds = array<i64: 1, 64>}, {pipeline_mode = #tpu.pipeline_mode<synchronous>, transform_indices = @transform_5, window_bounds = array<i64: 128, 64>}, {transform_indices = @transform_6, window_bounds = array<i64: 2000, 64>}]} {
    %get3A = arith.constant 0 : index
    %get3A_0 = arith.constant 0 : index
    %get3A_1 = arith.constant 0 : index
    %get3A_2 = vector.load %arg4[%get3A, %get3A_0, %get3A_1] : memref<1x2000x32xf32, #tpu.memory_space<vmem>>, vector<1x2000x32xf32>
    %squeeze3A = vector.shape_cast %get3A_2 : vector<1x2000x32xf32> to vector<2000x32xf32>
    %reduce_sum3A = arith.constant dense<0.000000e+00> : vector<2000xf32>
    %reduce_sum3A_3 = vector.multi_reduction <add>, %squeeze3A, %reduce_sum3A [1] : vector<2000x32xf32> to vector<2000xf32>
    %add3A = arith.constant 1.000000e+00 : f32
    %add3A_4 = vector.broadcast %add3A : f32 to vector<2000xf32>
    %add3A_5 = arith.addf %add3A_4, %reduce_sum3A_3 : vector<2000xf32>
    %rsqrt3A = math.rsqrt %add3A_5 : vector<2000xf32>
    %broadcast_in_dim3A = vector.shape_cast %rsqrt3A : vector<2000xf32> to vector<2000x1xf32>
    %get3A_6 = arith.constant 0 : index
    %get3A_7 = arith.constant 0 : index
    %get3A_8 = vector.load %arg1[%get3A_6, %get3A_7] : memref<2000x128xf32, #tpu.memory_space<vmem>>, vector<2000x128xf32>
    %get3A_9 = arith.constant 0 : index
    %get3A_10 = arith.constant 0 : index
    %get3A_11 = vector.load %arg2[%get3A_9, %get3A_10] : memref<2000x128xf32, #tpu.memory_space<vmem>>, vector<2000x128xf32>
    %add3A_12 = arith.addf %get3A_8, %get3A_11 : vector<2000x128xf32>
    %get3A_13 = arith.constant 0 : index
    %get3A_14 = arith.constant 0 : index
    %get3A_15 = vector.load %arg3[%get3A_13, %get3A_14] : memref<2000x128xf32, #tpu.memory_space<vmem>>, vector<2000x128xf32>
    %add3A_16 = arith.addf %add3A_12, %get3A_15 : vector<2000x128xf32>
    %get3A_17 = arith.constant 0 : index
    %get3A_18 = arith.constant 0 : index
    %get3A_19 = vector.load %arg6[%get3A_17, %get3A_18] : memref<128x64xf32, #tpu.memory_space<vmem>>, vector<128x64xf32>
    %dot_general3A = arith.constant dense<0.000000e+00> : vector<2000x64xf32>
    %dot_general3A_20 = tpu.matmul %add3A_16, %get3A_19, %dot_general3A {dimension_numbers = #tpu.dot_dimension_numbers<[1], [0], [0], [1], [0, 0, 1, 1], [], []>, transpose_lhs_hint = false} : vector<2000x128xf32>, vector<128x64xf32>, vector<2000x64xf32> -> vector<2000x64xf32>
    %mul3A = vector.broadcast %broadcast_in_dim3A : vector<2000x1xf32> to vector<2000x64xf32>
    %mul3A_21 = arith.mulf %mul3A, %dot_general3A_20 : vector<2000x64xf32>
    %get3A_22 = arith.constant 0 : index
    %get3A_23 = arith.constant 0 : index
    %get3A_24 = vector.load %arg5[%get3A_22, %get3A_23] : memref<1x64xf32, #tpu.memory_space<vmem>>, vector<1x64xf32>
    %add3A_25 = vector.broadcast %get3A_24 : vector<1x64xf32> to vector<2000x64xf32>
    %add3A_26 = arith.addf %mul3A_21, %add3A_25 : vector<2000x64xf32>
    %max3A = arith.constant 0.000000e+00 : f32
    %max3A_27 = vector.broadcast %max3A : f32 to vector<2000x64xf32>
    %max3A_28 = arith.maximumf %add3A_26, %max3A_27 : vector<2000x64xf32>
    %swap3A = arith.constant 0 : index
    %swap3A_29 = arith.constant 0 : index
    %swap3A_30 = vector.load %arg7[%swap3A, %swap3A_29] : memref<2000x64xf32, #tpu.memory_space<vmem>>, vector<2000x64xf32>
    tpu.vector_store %arg7[%swap3A, %swap3A_29], %max3A_28 {strides = array<i32>} : memref<2000x64xf32, #tpu.memory_space<vmem>>, vector<2000x64xf32>,
    return
  }
  func.func @transform_0(%arg0: i32) -> (i32, i32) {
    %c0_i32 = arith.constant 0 : i32
    %c0_i32_0 = arith.constant 0 : i32
    return %arg0, %c0_i32 : i32, i32
  }
  func.func @transform_1(%arg0: i32) -> (i32, i32) {
    %c0_i32 = arith.constant 0 : i32
    %c0_i32_0 = arith.constant 0 : i32
    return %arg0, %c0_i32 : i32, i32
  }
  func.func @transform_2(%arg0: i32) -> (i32, i32) {
    %c0_i32 = arith.constant 0 : i32
    %c0_i32_0 = arith.constant 0 : i32
    return %arg0, %c0_i32 : i32, i32
  }
  func.func @transform_3(%arg0: i32) -> (i32, i32, i32) {
    %c0_i32 = arith.constant 0 : i32
    %c0_i32_0 = arith.constant 0 : i32
    %c0_i32_1 = arith.constant 0 : i32
    return %arg0, %c0_i32, %c0_i32_0 : i32, i32, i32
  }
  func.func @transform_4(%arg0: i32) -> (i32, i32) {
    %c0_i32 = arith.constant 0 : i32
    %c0_i32_0 = arith.constant 0 : i32
    %c0_i32_1 = arith.constant 0 : i32
    return %c0_i32, %c0_i32_0 : i32, i32
  }
  func.func @transform_5(%arg0: i32) -> (i32, i32) {
    %c0_i32 = arith.constant 0 : i32
    %c0_i32_0 = arith.constant 0 : i32
    %c0_i32_1 = arith.constant 0 : i32
    return %c0_i32, %c0_i32_0 : i32, i32
  }
  func.func @transform_6(%arg0: i32) -> (i32, i32) {
    %c0_i32 = arith.constant 0 : i32
    %c0_i32_0 = arith.constant 0 : i32
    return %arg0, %c0_i32 : i32, i32
  }
}

</mosaic_0001>

<sc_bundles>
// kernel: kernel.11.cloned.1.call-start
scs
__scs_entry_jumppad:
0x0: {  	(pc) =	sbr.rel $0x88, $3  }
0x1: {  	(tag) =	ssettag $0x0;
	lr =	simm.s32 $0x1  }
0x2: {  	[smem:$0x3F9B] =	sst lr;
	_ =	strace $0xD0000000  }
0x3: {  	_ = 	snop  }
0x4: {  	_ = 	snop  }
0x5: {  	_ = 	snop  }
0x6: {  	_ = 	snop  }
0x7: {  	_ = 	snop  }
__scs_overlays_trampoline_lowered:
0x8: {  	[smem:$0x3FAA] =	sst s0  }
0x9: {  	[smem:$0x3FAB] =	sst s1  }
0xa: {  	[smem:$0x3FAC] =	sst s2  }
0xb: {  	[smem:$0x3FAD] =	sst s3  }
0xc: {  	[smem:$0x3FAE] =	sst s4  }
0xd: {  	[smem:$0x3FAF] =	sst s5  }
0xe: {  	[smem:$0x3FB0] =	sst s6  }
0xf: {  	[smem:$0x3FB1] =	sst s7  }
0x10: {  	[smem:$0x3FB2] =	sst s8  }
0x11: {  	[smem:$0x3FB3] =	sst s9;
	s0 =	simm.s32 @!p0 $0x0  }
0x12: {  	s1 =	sld [smem:$0x3F99];
	s0 =	simm.s32 @p0 $0x1  }
0x13: {  	[smem:$0x3FB4] =	sst s0;
	s0 =	simm.s32 @!p1 $0x0  }
0x14: {  	s2 =	sld [smem:$0x3F98];
	s0 =	simm.s32 @p1 $0x1  }
0x15: {  	[smem:$0x3FB5] =	sst s0;
	s0 =	simm.s32 @!p2 $0x0  }
0x16: {  	s3 =	sld [smem:$0x3FDB];
	s0 =	simm.s32 @p2 $0x1  }
0x17: {  	s4 =	simm.s32 $0x1BF5;
	[smem:$0x3FB7] =	sst s0  }
0x18: {  	s0 =	sld [smem:$0x3F9A];
	_ =	swait.ge [sflag:s4], $0x0  }
0x19: {  	s7 =	sld [smem:$0x3F9B]  }
0x1a: {  	s8 =	sadd.s32 $0xFFFFE003, lr  }
0x1b: {  	s9 =	sadd.s32 $0xFFFFFEF7, lr;
	s5 =	simm.s32 $0xFFFFFFFF;
	p2 =	slt.u32 s8, $0xFFFFF086  }
0x1c: {  	p1 =	slt.u32 s9, $0xF7A;
	s5 =	simm.s32 @!p2 $0x0  }
0x1d: {  	s5 =	simm.s32 @p1 $0x1;
	p0 =	seq.s32 s7, s2  }
0x1e: {  	s7 =	smul.u32 @!p0 $0xF7A, s2;
	p2 =	seq.s32 @!p0 s5, $0x0  }
0x1f: {  	s9 =	smul.u32 $0xF7A, s1;
	s8 =	simm.s32 @!p0 $0x1BF5;
	p2 =	por !p2, p0  }
0x20: {  	[sflag:s8] =	ssyncset.s32 @!p0 $0xFFFFF086;
	s6 =	sadd.s32 @!p0 s3, s7;
	s7 =	simm.s32 @!p0 $0x108  }
0x21: {  	s3 =	sadd.s32 s3, s9;
	s6 =	sadd.s32 @!p0 $0x88, s6;
	s7 =	simm.s32 @p2 $0x1082  }
0x22: {  	[simem:s7], [sflag:s8] =	dma.local @!p0 [hbm:s6], $0xF7A  }
0x23: {  	s9 =	sor.u32 $0xD0000000, s2;
	s6 =	simm.s32 $0x108;
	_ =	swait.ge @!p0 [sflag:s8], $0x0  }
0x24: {  	s3 =	sadd.s32 $0x88, s3;
	s6 =	simm.s32 @!p1 $0x1082;
	[sflag:s4] =	ssyncset.s32 $0xFFFFF086  }
0x25: {  	[simem:s6], [sflag:s4] =	dma.local [hbm:s3], $0xF7A  }
0x26: {  	[smem:$0x3F9B] =	sst s1;
	(tag) =	ssettag s2;
	_ =	strace s9  }
0x27: {  	s1 =	sld [smem:$0x3FAB]  }
0x28: {  	s2 =	sld [smem:$0x3FAC]  }
0x29: {  	s4 =	sld [smem:$0x3FAE]  }
0x2a: {  	p0 =	seq.s32 s5, $0x0;
	s5 =	sld [smem:$0x3FAF]  }
0x2b: {  	s6 =	sld [smem:$0x3FB0]  }
0x2c: {  	s7 =	sld [smem:$0x3FB1]  }
0x2d: {  	s3 =	simm.s32 $0x108;
	s8 =	sld [smem:$0x3FB2]  }
0x2e: {  	s3 =	simm.s32 @!p0 $0x1082;
	s9 =	sld [smem:$0x3FB3]  }
0x2f: {  	lr =	sadd.s32 s0, s3;
	s0 =	sld [smem:$0x3FAA]  }
0x30: {  	s3 =	sld [smem:$0x3FAD]  }
0x31: {  	[smem:$0x3FB6] =	sst s10  }
0x32: {  	s10 =	sld [smem:$0x3FB4];
	_ =	sdelay $0x3  }
0x33: {  	p0 =	seq.s32 s10, $0x1;
	s10 =	sld [smem:$0x3FB6];
	_ =	sdelay $0x3  }
0x34: {  	[smem:$0x3FB6] =	sst s10  }
0x35: {  	s10 =	sld [smem:$0x3FB5];
	_ =	sdelay $0x3  }
0x36: {  	p1 =	seq.s32 s10, $0x1;
	s10 =	sld [smem:$0x3FB6];
	_ =	sdelay $0x3  }
0x37: {  	[smem:$0x3FB6] =	sst s10  }
0x38: {  	s10 =	sld [smem:$0x3FB7]  }
0x39: {  	_ = 	snop;
	(pc) =	sbr.ind lr, $3  }
0x3a: {  	_ = 	snop  }
0x3b: {  	_ = 	snop  }
0x3c: {  	p2 =	seq.s32 s10, $0x1;
	s10 =	sld [smem:$0x3FB6]  }
0x3d: {  	_ =	shalt  }
0x3e: {  	_ =	shalt  }
0x3f: {  	_ =	shalt  }
0x40: {  	_ =	shalt  }
0x41: {  	_ =	shalt  }
0x42: {  	_ =	shalt  }
0x43: {  	_ =	shalt  }
0x44: {  	_ =	shalt  }
0x45: {  	_ =	shalt  }
0x46: {  	_ =	shalt  }
0x47: {  	_ =	shalt  }
0x48: {  	_ =	shalt  }
0x49: {  	_ =	shalt  }
0x4a: {  	_ =	shalt  }
0x4b: {  	_ =	shalt  }
0x4c: {  	_ =	shalt  }
0x4d: {  	_ =	shalt  }
0x4e: {  	_ =	shalt  }
0x4f: {  	_ =	shalt  }
0x50: {  	_ =	shalt  }
0x51: {  	_ =	shalt  }
0x52: {  	_ =	shalt  }
0x53: {  	_ =	shalt  }
0x54: {  	_ =	shalt  }
0x55: {  	_ =	shalt  }
0x56: {  	_ =	shalt  }
0x57: {  	_ =	shalt  }
0x58: {  	_ =	shalt  }
0x59: {  	_ =	shalt  }
0x5a: {  	_ =	shalt  }
0x5b: {  	_ =	shalt  }
0x5c: {  	_ =	shalt  }
0x5d: {  	_ =	shalt  }
0x5e: {  	_ =	shalt  }
0x5f: {  	_ =	shalt  }
0x60: {  	_ =	shalt  }
0x61: {  	_ =	shalt  }
0x62: {  	_ =	shalt  }
0x63: {  	_ =	shalt  }
0x64: {  	_ =	shalt  }
0x65: {  	_ =	shalt  }
0x66: {  	_ =	shalt  }
0x67: {  	_ =	shalt  }
0x68: {  	_ =	shalt  }
0x69: {  	_ =	shalt  }
0x6a: {  	_ =	shalt  }
0x6b: {  	_ =	shalt  }
0x6c: {  	_ =	shalt  }
0x6d: {  	_ =	shalt  }
0x6e: {  	_ =	shalt  }
0x6f: {  	_ =	shalt  }
0x70: {  	_ =	shalt  }
0x71: {  	_ =	shalt  }
0x72: {  	_ =	shalt  }
0x73: {  	_ =	shalt  }
0x74: {  	_ =	shalt  }
0x75: {  	_ =	shalt  }
0x76: {  	_ =	shalt  }
0x77: {  	_ =	shalt  }
0x78: {  	_ =	shalt  }
0x79: {  	_ =	shalt  }
0x7a: {  	_ =	shalt  }
0x7b: {  	_ =	shalt  }
0x7c: {  	_ =	shalt  }
0x7d: {  	_ =	shalt  }
0x7e: {  	_ =	shalt  }
0x7f: {  	_ =	shalt  }
0x80: {  	_ =	shalt  }
0x81: {  	_ =	shalt  }
0x82: {  	_ =	shalt  }
0x83: {  	_ =	shalt  }
0x84: {  	_ =	shalt  }
0x85: {  	_ =	shalt  }
0x86: {  	_ =	shalt  }
0x87: {  	_ =	shalt  }
.Lfunc_end0:
.L_simem_size_0:
called_computation.1_lowered:
.L_overlay_start_0:
0x88: {  	s2 =	sld [smem:$0x3FD9]  }
0x89: {  	s3 =	sld [smem:$0x3FFE];
	_ =	sdelay $0x1  }
0x8a: {  	s1 =	srdreg.scid  }
0x8b: {  	s0 =	sand.u32 $0x1, s1  }
0x8c: {  	s17 =	sshll.u32 s0, $0xA;
	s2 =	sadd.s32 s3, s2  }
0x8d: {  	s2 =	sadd.s32 s2, s17  }
0x8e: {  	[smem:$0x3FC2] =	sst s2  }
0x8f: {  	_ = 	snop  }
0x90: {  	s2 =	sld [smem:$0x3FD0];
	(tm) =	ssettm $0x1  }
0x91: {  	s18 =	sld [smem:$0x3FFB];
	_ =	sdelay $0x3  }
0x92: {  	_ =	strace s18  }
0x93: {  	s3 =	sld [smem:$0x3FFC];
	_ =	sdelay $0x3  }
0x94: {  	_ =	strace s3  }
0x95: {  	s3 =	sld [smem:$0x3FFD];
	_ =	sdelay $0x3  }
0x96: {  	_ =	strace s3  }
0x97: {  	_ =	strace $0x8FFFFFFF  }
0x98: {  	s19 =	sld [smem:$0x3FDB];
	_ =	sdelay $0x1  }
0x99: {  	s4 =	simm.s32 $_scs_section_size  }
0x9a: {  	s5 =	simm.s32 $_size__tile_overlayer_lowered;
	s6 =	simm.s32 $_tile_overlayer_lowered  }
0x9b: {  	s22 =	simm.s32 $0x1BFF;
	s21 =	sshll.u32 s6, $0x1;
	s3 =	sadd.s32 s4, s19  }
0x9c: {  	s7 =	simm.s32 $0x0;
	s20 =	sshll.u32 s5, $0x1;
	s5 =	sadd.s32 s21, s3  }
0x9d: {  	[timem:s7], [sflag:s22] =	dma.local [hbm:s5], s20  }
0x9e: {  	_ =	swait.ge [sflag:s22], s20  }
0x9f: {  	s4 =	ssub.s32 $0x0, s20;
	[sflag:s22] =	ssyncset.done $0x0  }
0xa0: {  	[sflag:s22] =	ssyncadd.s32 s4;
	_ =	sdelay $0x1  }
0xa1: {  	s23 =	simm.s32 $0x1B8B  }
0xa2: {  	_ =	swait.ge [sflag:s23], $0x1  }
0xa3: {  	[sflag:s23] =	ssyncset.done $0x0  }
0xa4: {  	s25 =	simm.s32 $0x1B8E;
	s24 =	sld [smem:$0x3FFE];
	[sflag:s23] =	ssyncadd.s32 $0xFFFFFFFF  }
0xa5: {  	s26 =	simm.s32 $execute0_lowered;
	[smem:$0x3FD2] =	sst s25  }
0xa6: {  	s5 =	sshll.u32 s26, $0x1;
	_ =	strace $0x80000049;
	[dreg:$0x1] =	wrdreg $0xFFFFFFFF  }
0xa7: {  	s28 =	simm.s32 $_size_execute0_lowered;
	s3 =	sadd.s32 s3, s5;
	[dreg:$0x0] =	wrdreg $0x0  }
0xa8: {  	s5 =	sshll.u32 s28, $0x1;
	[dreg:$0x2] =	wrdreg s3  }
0xa9: {  	[dreg:$0x3] =	wrdreg s5  }
0xaa: {  	[dreg:$0x4] =	wrdreg $0xC0  }
0xab: {  	_ =	task [dreg:s7], $0x5FFFF  }
0xac: {  	[dreg:$0x1] =	wrdreg $0xFFFFFFFF  }
0xad: {  	[dreg:$0x0] =	wrdreg $0x60  }
0xae: {  	[dreg:$0x2] =	wrdreg s24  }
0xaf: {  	[dreg:$0x3] =	wrdreg s2  }
0xb0: {  	[dreg:$0x4] =	wrdreg $0xA8800  }
0xb1: {  	[dreg:$0x5] =	wrdreg $0x9  }
0xb2: {  	_ =	task.clear_ibuf [dreg:s7], $0x6FFFF;
	_ =	strace $0x90000049  }
0xb3: {  	s29 =	simm.s32 $0x9;
	_ =	strace $0x8000004B  }
0xb4: {  	_ =	swait.ge [sflag:s29], $0x1  }
0xb5: {  	[sflag:s29] =	ssyncadd.s32 $0xFFFFFFFF  }
0xb6: {  	_ =	strace $0x9000004B  }
0xb7: {  	_ =	sfence  }
0xb8: {  	s30 =	sld [smem:$0x0];
	_ =	sdelay $0x2  }
0xb9: {  	s31 =	sshll.u32 s1, $0xD;
	s1 =	sshrl.u32 s1, $0x2  }
0xba: {  	s3 =	sand.u32 $0x4000, s31;
	s1 =	sadd.s32 s1, s30  }
0xbb: {  	s0 =	sor.u32 s3, s0;
	s1 =	sshll.u32 s1, $0x11  }
0xbc: {  	s0 =	sor.u32 s1, s0  }
0xbd: {  	s0 =	sadd.s32 $0x8F2B, s0  }
0xbe: {  	[sflag:s0] =	ssyncadd.remote.s32 $0x1  }
0xbf: {  	_ =	sfence.sel $0xFFFF  }
0xc0: {  	[dreg:$0x0] =	wrdreg $0xFFFFFFFF;
	(pc) =	sbr.abs _section_cstart, $3  }
0xc1: {  	[dreg:$0x1] =	wrdreg $0xFFFFFFFF  }
0xc2: {  	_ =	task.clear_ibuf [dreg:s7], $0x2FFFF;
	_ =	strace $0x9FFFFFFF  }
0xc3: {  	(tm) =	ssettm $0x7FFFFFFF  }
tec
execute0_lowered:
.L_overlay_start_1:
0x0: {  	(tag) =	ssettag $0x1  }
0x1: {  	s0 =	rddreg [dreg:$0x0]  }
0x2: {  	s2 =	rddreg [dreg:$0x1]  }
0x3: {  	s1 =	rddreg [dreg:$0x2]  }
0x4: {  	s3 =	simm.s32 $0x0;
	s4 =	srdreg.scid;
	s8 =	stileid.u32  }
0x5: {  	s28 =	simm.s32 $0x4000;
	s29 =	simm.s32 $0x80C0;
	s30 =	simm.s32 $0x6000  }
0x6: {  	s31 =	simm.s32 $0x1;
	[smem:$0x7FF] =	sst s3;
	s10 =	sand.u32 $0x1, s4  }
0x7: {  	s4 =	sadd.s32 $0x34200, s0;
	s6 =	smul.u32 $0x4E000, s8;
	s11 =	sadd.s32 $0x3000, s0  }
0x8: {  	s12 =	smul.u32 $0x13800, s8;
	s0 =	sadd.s32 $0x5B400, s0;
	_ =	strace $0x8000004A  }
0x9: {  	s5 =	ssub.s32 $0x2, s10;
	s17 =	sshll.u32 s10, $0x4;
	s10 =	smul.u32 $0x138800, s10  }
0xa: {  	s7 =	sshrl.u32 s5, $0x1;
	s9 =	sor.u32 s8, s17;
	s18 =	sshrl.u32 s6, $0x2  }
0xb: {  	s14 =	sadd.s32 $0x4000, s12;
	s15 =	sadd.s32 $0x8000, s12;
	s16 =	sadd.s32 $0xC000, s12  }
0xc: {  	s13 =	ssub.s32 s5, s7;
	s5 =	sadd.s32 s18, s1;
	s17 =	smul.u32 $0x2800, s9  }
0xd: {  	s6 =	sadd.s32 s14, s1;
	s7 =	sadd.s32 s15, s1;
	s19 =	smul.u32 $0x500, s9  }
0xe: {  	s8 =	sadd.s32 s16, s1;
	s18 =	sadd.s32 $0x10000, s12;
	s24 =	sadd.s32 s10, s15  }
0xf: {  	s25 =	sadd.s32 s10, s16;
	s9 =	sadd.s32 s18, s1;
	s20 =	sadd.s32 s11, s19  }
0x10: {  	s26 =	sshrl.u32 s25, $0x3;
	s19 =	sadd.s32 s2, s19;
	[dreg:$0x4] =	wrdreg s20  }
0x11: {  	s25 =	simm.s32 $0x2000;
	s17 =	sshrl.u32 s17, $0x3;
	[dreg:$0x5] =	wrdreg s19  }
0x12: {  	s17 =	sadd.s32 $0x280, s17;
	s19 =	sadd.s32 s12, s10;
	s20 =	sadd.s32 s10, s14  }
0x13: {  	s10 =	sadd.s32 s10, s18;
	s11 =	sadd.s32 s11, s17;
	s2 =	sadd.s32 s2, s17  }
0x14: {  	s21 =	sshrl.u32 s19, $0x3;
	s22 =	sshrl.u32 s20, $0x3;
	s10 =	sshrl.u32 s10, $0x3  }
0x15: {  	s17 =	sadd.s32 s0, s26;
	s19 =	smax.u32 s13, $0x1;
	[dreg:$0x6] =	wrdreg s11  }
0x16: {  	s20 =	simm.s32 $0x3;
	s26 =	simm.s32 $0x8080;
	[dreg:$0x7] =	wrdreg s2  }
0x17: {  	s2 =	sadd.s32 s0, s21;
	s23 =	sadd.s32 s0, s22;
	s18 =	sadd.s32 s0, s10  }
0x18: {  	s21 =	simm.s32 $0x8000;
	s22 =	simm.s32 $0x9400;
	[dreg:$0x8] =	wrdreg s2  }
0x19: {  	s10 =	simm.s32 $0x2;
	s11 =	simm.s32 $0x0;
	[dreg:$0x9] =	wrdreg s23  }
0x1a: {  	s2 =	sshrl.u32 s24, $0x3;
	s23 =	simm.s32 $0x40;
	s24 =	simm.s32 $0x8040  }
0x1b: {  	v0 =	vimm.f32 $0.0e+00;
	s16 =	sadd.s32 s0, s2;
	s0 =	simm.s32 $0x80;
	s2 =	simm.s32 $0xA800  }
.LBB2_1:
0x1c: {  	s12 =	simm.s32 $0x0;
	s13 =	simm.s32 $0x200  }
.LBB2_2:
0x1d: {  	p0 =	sne.s32 s13, $0xFE00;
	[tilespmem:s12+$0x70] =	vst v0  }
0x1e: {  	[tilespmem:s12+$0x0] =	vst v0  }
0x1f: {  	[tilespmem:s12+$0x10] =	vst v0  }
.Ltmp0:
0x20: {  	[tilespmem:s12+$0x20] =	vst v0;
	(pc) =	sbr.rel @p0 .LBB2_2-.Ltmp0, $4  }
0x21: {  	[tilespmem:s12+$0x30] =	vst v0  }
0x22: {  	[tilespmem:s12+$0x40] =	vst v0  }
0x23: {  	[tilespmem:s12+$0x50] =	vst v0  }
0x24: {  	[tilespmem:s12+$0x60] =	vst v0;
	s12 =	sshra.s32 s13, $0x2;
	s13 =	sadd.s32 $0x200, s13  }
0x25: {  	[tilespmem:s12+$0x70] =	vst v0  }
0x26: {  	[tilespmem:s12+$0x0] =	vst v0  }
0x27: {  	[tilespmem:s12+$0x10] =	vst v0  }
0x28: {  	[tilespmem:s12+$0x20] =	vst v0  }
0x29: {  	[tilespmem:s12+$0x30] =	vst v0  }
0x2a: {  	[tilespmem:s12+$0x40] =	vst v0  }
0x2b: {  	[tilespmem:s12+$0x50] =	vst v0  }
0x2c: {  	[tilespmem:s12+$0x60] =	vst v0;
	s15 =	simm.s32 $0x0  }
0x2d: {  	[spmem:s5] =	stream.linear.scatter [tilespmem:s15], [sflag:$0x3], $0x4000, $0x38;
	[tilespmem:$0x1E500] =	vst v63  }
0x2e: {  	_ =	swait.ge [sflag:s20], $0x4000  }
0x2f: {  	[sflag:s20] =	ssyncset.done $0x0  }
0x30: {  	[sflag:s20] =	ssyncadd.s32 $0xFFFFC000  }
0x31: {  	[spmem:s6] =	stream.linear.scatter [tilespmem:s15], [sflag:$0x3], $0x4000, $0x38;
	[tilespmem:$0x1E500] =	vst v63  }
0x32: {  	_ =	swait.ge [sflag:s20], $0x4000  }
0x33: {  	[sflag:s20] =	ssyncset.done $0x0  }
0x34: {  	[sflag:s20] =	ssyncadd.s32 $0xFFFFC000  }
0x35: {  	[spmem:s7] =	stream.linear.scatter [tilespmem:s15], [sflag:$0x3], $0x4000, $0x38;
	[tilespmem:$0x1E500] =	vst v63  }
0x36: {  	_ =	swait.ge [sflag:s20], $0x4000  }
0x37: {  	[sflag:s20] =	ssyncset.done $0x0  }
0x38: {  	[sflag:s20] =	ssyncadd.s32 $0xFFFFC000  }
0x39: {  	[spmem:s8] =	stream.linear.scatter [tilespmem:s15], [sflag:$0x3], $0x4000, $0x38;
	[tilespmem:$0x1E500] =	vst v63  }
0x3a: {  	_ =	swait.ge [sflag:s20], $0x4000  }
0x3b: {  	[sflag:s20] =	ssyncset.done $0x0  }
0x3c: {  	[sflag:s20] =	ssyncadd.s32 $0xFFFFC000  }
0x3d: {  	[spmem:s9] =	stream.linear.scatter [tilespmem:s15], [sflag:$0x3], $0x4000, $0x38;
	[tilespmem:$0x1E500] =	vst v63  }
0x3e: {  	_ =	swait.ge [sflag:s20], $0x4000  }
0x3f: {  	[sflag:s20] =	ssyncset.done $0x0  }
0x40: {  	[sflag:s20] =	ssyncadd.s32 $0xFFFFC000  }
0x41: {  	[bflag:$0x0] =	sbarrier.arrive $0xFFFF  }
0x42: {  	s13 =	rddreg [dreg:$0x4]  }
0x43: {  	[tilespmem:s21], [sflag:$0x3] =	stream.linear.gather [hbm4b:s13+s15], $0x1400, $0x38;
	[tilespmem:$0x1E500] =	vst v63  }
0x44: {  	_ =	swait.ge [sflag:s20], $0x1400  }
0x45: {  	[sflag:s20] =	ssyncset.done $0x0  }
0x46: {  	s14 =	rddreg [dreg:$0x5];
	[sflag:s20] =	ssyncadd.s32 $0xFFFFEC00  }
0x47: {  	[tilespmem:s22], [sflag:$0x3] =	stream.linear.gather [hbm4b:s14+s15], $0x1400, $0x38;
	[tilespmem:$0x1E500] =	vst v63  }
0x48: {  	_ =	swait.ge [sflag:s20], $0x1400  }
0x49: {  	[sflag:s20] =	ssyncset.done $0x0  }
0x4a: {  	[sflag:s20] =	ssyncadd.s32 $0xFFFFEC00  }
0x4b: {  	[tilespmem:s15], [sflag:$0x1] =	stream.indirect.gather [hbm4b:s4+s23], $0x80, s21, s23, $0xb8;
	[tilespmem:$0x1E500] =	vst v63  }
0x4c: {  	_ = 	snop  }
0x4d: {  	[tilespmem:s25], [sflag:$0x1] =	stream.indirect.gather [hbm4b:s4+s23], $0x80, s24, s23, $0xb8;
	[tilespmem:$0x1E500] =	vst v63  }
0x4e: {  	_ = 	snop  }
0x4f: {  	[tilespmem:s28], [sflag:$0x2] =	stream.indirect.gather [hbm4b:s4+s23], $0x80, s26, s23, $0xb8;
	[tilespmem:$0x1E500] =	vst v63  }
0x50: {  	s12 =	simm.s32 $0x0  }
0x51: {  	[tilespmem:s30], [sflag:$0x2] =	stream.indirect.gather [hbm4b:s4+s23], $0x80, s29, s23, $0xb8;
	[tilespmem:$0x1E500] =	vst v63  }
0x52: {  	v1 =	vld [tilespmem:s12+$0x9400];
	_ =	sdelay $0x4  }
0x53: {  	[tilespmem:$0xA800] =	vst v1  }
0x54: {  	v1 =	vld [tilespmem:s12+$0x9410];
	_ =	sdelay $0x4  }
0x55: {  	[tilespmem:$0xA810] =	vst v1  }
0x56: {  	v1 =	vld [tilespmem:s12+$0x9420];
	_ =	sdelay $0x4  }
0x57: {  	[tilespmem:$0xA820] =	vst v1  }
0x58: {  	v1 =	vld [tilespmem:s12+$0x9430];
	_ =	sdelay $0x4  }
0x59: {  	[tilespmem:$0xA830] =	vst v1  }
0x5a: {  	v1 =	vld [tilespmem:s12+$0x9440];
	_ =	sdelay $0x4  }
0x5b: {  	[tilespmem:$0xA840] =	vst v1  }
0x5c: {  	v1 =	vld [tilespmem:s12+$0x9450];
	_ =	sdelay $0x4  }
0x5d: {  	[tilespmem:$0xA850] =	vst v1  }
0x5e: {  	v1 =	vld [tilespmem:s12+$0x9460];
	_ =	sdelay $0x4  }
0x5f: {  	[tilespmem:$0xA860] =	vst v1  }
0x60: {  	v1 =	vld [tilespmem:s12+$0x9470];
	_ =	sdelay $0x4  }
0x61: {  	[tilespmem:$0xA870] =	vst v1  }
0x62: {  	_ =	swait.ge [sflag:s31], $0x4000  }
0x63: {  	[sflag:s31] =	ssyncset.done $0x0  }
0x64: {  	[sflag:s31] =	ssyncadd.s32 $0xFFFFC000  }
0x65: {  	[spmem:s1] =	stream.indirect.scatter.add.f32 [tilespmem:s3], [sflag:$0x3], $0x80, s2, s0, $0xb8;
	[tilespmem:$0x1E500] =	vst v63  }
0x66: {  	_ =	swait.ge [sflag:s20], $0x4000  }
0x67: {  	[sflag:s20] =	ssyncset.done $0x0  }
0x68: {  	s15 =	simm.s32 $0x8100;
	[sflag:s20] =	ssyncadd.s32 $0xFFFFC000  }
0x69: {  	[tilespmem:s3], [sflag:$0x1] =	stream.indirect.gather [hbm4b:s4+s23], $0x80, s15, s23, $0xb8;
	[tilespmem:$0x1E500] =	vst v63  }
0x6a: {  	s14 =	simm.s32 $0x8140  }
0x6b: {  	[tilespmem:s25], [sflag:$0x1] =	stream.indirect.gather [hbm4b:s4+s23], $0x80, s14, s23, $0xb8;
	[tilespmem:$0x1E500] =	vst v63  }
0x6c: {  	v1 =	vld [tilespmem:s12+$0x9480];
	_ =	sdelay $0x4  }
0x6d: {  	[tilespmem:$0xA800] =	vst v1  }
0x6e: {  	v1 =	vld [tilespmem:s12+$0x9490];
	_ =	sdelay $0x4  }
0x6f: {  	[tilespmem:$0xA810] =	vst v1  }
0x70: {  	v1 =	vld [tilespmem:s12+$0x94A0];
	_ =	sdelay $0x4  }
0x71: {  	[tilespmem:$0xA820] =	vst v1  }
0x72: {  	v1 =	vld [tilespmem:s12+$0x94B0];
	_ =	sdelay $0x4  }
0x73: {  	[tilespmem:$0xA830] =	vst v1  }
0x74: {  	v1 =	vld [tilespmem:s12+$0x94C0];
	_ =	sdelay $0x4  }
0x75: {  	[tilespmem:$0xA840] =	vst v1  }
0x76: {  	v1 =	vld [tilespmem:s12+$0x94D0];
	_ =	sdelay $0x4  }
0x77: {  	[tilespmem:$0xA850] =	vst v1  }
0x78: {  	v1 =	vld [tilespmem:s12+$0x94E0];
	_ =	sdelay $0x4  }
0x79: {  	[tilespmem:$0xA860] =	vst v1  }
0x7a: {  	v1 =	vld [tilespmem:s12+$0x94F0];
	_ =	sdelay $0x4  }
0x7b: {  	[tilespmem:$0xA870] =	vst v1  }
0x7c: {  	_ =	swait.ge [sflag:s10], $0x4000  }
0x7d: {  	[sflag:s10] =	ssyncset.done $0x0  }
0x7e: {  	[sflag:s10] =	ssyncadd.s32 $0xFFFFC000  }
0x7f: {  	[spmem:s1] =	stream.indirect.scatter.add.f32 [tilespmem:s28], [sflag:$0x3], $0x80, s2, s0, $0xb8;
	[tilespmem:$0x1E500] =	vst v63  }
0x80: {  	_ =	swait.ge [sflag:s20], $0x4000  }
0x81: {  	[sflag:s20] =	ssyncset.done $0x0  }
0x82: {  	s15 =	simm.s32 $0x8180;
	[sflag:s20] =	ssyncadd.s32 $0xFFFFC000  }
0x83: {  	[tilespmem:s28], [sflag:$0x2] =	stream.indirect.gather [hbm4b:s4+s23], $0x80, s15, s23, $0xb8;
	[tilespmem:$0x1E500] =	vst v63  }
0x84: {  	s13 =	simm.s32 $0x800;
	s12 =	simm.s32 $0x100;
	s15 =	simm.s32 $0x81C0  }
.LBB2_4:
0x85: {  	[tilespmem:s30], [sflag:$0x2] =	stream.indirect.gather [hbm4b:s4+s23], $0x80, s15, s23, $0xb8;
	[tilespmem:$0x1E500] =	vst v63  }
0x86: {  	s14 =	sshra.s32 s13, $0x2;
	p0 =	sne.s32 s13, $0x4800;
	s13 =	sadd.s32 $0x400, s13;
	v1 =	vld [tilespmem:s12+$0x9400]  }
0x87: {  	_ =	sdelay $0x3  }
0x88: {  	[tilespmem:$0xA800] =	vst v1  }
0x89: {  	v1 =	vld [tilespmem:s12+$0x9410];
	_ =	sdelay $0x4  }
0x8a: {  	[tilespmem:$0xA810] =	vst v1  }
0x8b: {  	v1 =	vld [tilespmem:s12+$0x9420];
	_ =	sdelay $0x4  }
0x8c: {  	[tilespmem:$0xA820] =	vst v1  }
0x8d: {  	v1 =	vld [tilespmem:s12+$0x9430];
	_ =	sdelay $0x4  }
0x8e: {  	[tilespmem:$0xA830] =	vst v1  }
0x8f: {  	v1 =	vld [tilespmem:s12+$0x9440];
	_ =	sdelay $0x4  }
0x90: {  	[tilespmem:$0xA840] =	vst v1  }
0x91: {  	v1 =	vld [tilespmem:s12+$0x9450];
	_ =	sdelay $0x4  }
0x92: {  	[tilespmem:$0xA850] =	vst v1  }
0x93: {  	v1 =	vld [tilespmem:s12+$0x9460];
	_ =	sdelay $0x4  }
0x94: {  	[tilespmem:$0xA860] =	vst v1  }
0x95: {  	v1 =	vld [tilespmem:s12+$0x9470];
	_ =	sdelay $0x4  }
0x96: {  	[tilespmem:$0xA870] =	vst v1  }
0x97: {  	_ =	swait.ge [sflag:s31], $0x4000  }
0x98: {  	[sflag:s31] =	ssyncset.done $0x0  }
0x99: {  	[sflag:s31] =	ssyncadd.s32 $0xFFFFC000  }
0x9a: {  	[spmem:s1] =	stream.indirect.scatter.add.f32 [tilespmem:s3], [sflag:$0x3], $0x80, s2, s0, $0xb8;
	[tilespmem:$0x1E500] =	vst v63  }
0x9b: {  	_ =	swait.ge [sflag:s20], $0x4000  }
0x9c: {  	[sflag:s20] =	ssyncset.done $0x0  }
0x9d: {  	s15 =	sadd.s32 $0x8100, s12;
	[sflag:s20] =	ssyncadd.s32 $0xFFFFC000  }
0x9e: {  	[tilespmem:s3], [sflag:$0x1] =	stream.indirect.gather [hbm4b:s4+s23], $0x80, s15, s23, $0xb8;
	[tilespmem:$0x1E500] =	vst v63  }
0x9f: {  	s15 =	sadd.s32 $0x8140, s12  }
0xa0: {  	[tilespmem:s25], [sflag:$0x1] =	stream.indirect.gather [hbm4b:s4+s23], $0x80, s15, s23, $0xb8;
	[tilespmem:$0x1E500] =	vst v63  }
0xa1: {  	v1 =	vld [tilespmem:s12+$0x9480];
	_ =	sdelay $0x4  }
0xa2: {  	[tilespmem:$0xA800] =	vst v1  }
0xa3: {  	v1 =	vld [tilespmem:s12+$0x9490];
	_ =	sdelay $0x4  }
0xa4: {  	[tilespmem:$0xA810] =	vst v1  }
0xa5: {  	v1 =	vld [tilespmem:s12+$0x94A0];
	_ =	sdelay $0x4  }
0xa6: {  	[tilespmem:$0xA820] =	vst v1  }
0xa7: {  	v1 =	vld [tilespmem:s12+$0x94B0];
	_ =	sdelay $0x4  }
0xa8: {  	[tilespmem:$0xA830] =	vst v1  }
0xa9: {  	v1 =	vld [tilespmem:s12+$0x94C0];
	_ =	sdelay $0x4  }
0xaa: {  	[tilespmem:$0xA840] =	vst v1  }
0xab: {  	v1 =	vld [tilespmem:s12+$0x94D0];
	_ =	sdelay $0x4  }
0xac: {  	[tilespmem:$0xA850] =	vst v1  }
0xad: {  	v1 =	vld [tilespmem:s12+$0x94E0];
	_ =	sdelay $0x4  }
0xae: {  	[tilespmem:$0xA860] =	vst v1  }
0xaf: {  	v1 =	vld [tilespmem:s12+$0x94F0];
	_ =	sdelay $0x4  }
0xb0: {  	[tilespmem:$0xA870] =	vst v1  }
0xb1: {  	_ =	swait.ge [sflag:s10], $0x4000  }
0xb2: {  	[sflag:s10] =	ssyncset.done $0x0  }
0xb3: {  	[sflag:s10] =	ssyncadd.s32 $0xFFFFC000  }
0xb4: {  	[spmem:s1] =	stream.indirect.scatter.add.f32 [tilespmem:s28], [sflag:$0x3], $0x80, s2, s0, $0xb8;
	[tilespmem:$0x1E500] =	vst v63  }
.Ltmp1:
0xb5: {  	_ =	swait.ge [sflag:s20], $0x4000;
	(pc) =	sbr.rel @p0 .LBB2_4-.Ltmp1, $4  }
0xb6: {  	[sflag:s20] =	ssyncset.done $0x0  }
0xb7: {  	s15 =	sadd.s32 $0x8180, s12;
	[sflag:s20] =	ssyncadd.s32 $0xFFFFC000  }
0xb8: {  	[tilespmem:s28], [sflag:$0x2] =	stream.indirect.gather [hbm4b:s4+s23], $0x80, s15, s23, $0xb8;
	[tilespmem:$0x1E500] =	vst v63  }
0xb9: {  	s15 =	sadd.s32 $0x81C0, s12;
	s12 =	smov.u32 s14  }
0xba: {  	[tilespmem:s30], [sflag:$0x2] =	stream.indirect.gather [hbm4b:s4+s23], $0x80, s15, s23, $0xb8;
	[tilespmem:$0x1E500] =	vst v63  }
0xbb: {  	v1 =	vld [tilespmem:s12+$0x9400];
	_ =	sdelay $0x4  }
0xbc: {  	[tilespmem:$0xA800] =	vst v1  }
0xbd: {  	v1 =	vld [tilespmem:s12+$0x9410];
	_ =	sdelay $0x4  }
0xbe: {  	[tilespmem:$0xA810] =	vst v1  }
0xbf: {  	v1 =	vld [tilespmem:s12+$0x9420];
	_ =	sdelay $0x4  }
0xc0: {  	[tilespmem:$0xA820] =	vst v1  }
0xc1: {  	v1 =	vld [tilespmem:s12+$0x9430];
	_ =	sdelay $0x4  }
0xc2: {  	[tilespmem:$0xA830] =	vst v1  }
0xc3: {  	v1 =	vld [tilespmem:s12+$0x9440];
	_ =	sdelay $0x4  }
0xc4: {  	[tilespmem:$0xA840] =	vst v1  }
0xc5: {  	v1 =	vld [tilespmem:s12+$0x9450];
	_ =	sdelay $0x4  }
0xc6: {  	[tilespmem:$0xA850] =	vst v1  }
0xc7: {  	v1 =	vld [tilespmem:s12+$0x9460];
	_ =	sdelay $0x4  }
0xc8: {  	[tilespmem:$0xA860] =	vst v1  }
0xc9: {  	v1 =	vld [tilespmem:s12+$0x9470];
	_ =	sdelay $0x4  }
0xca: {  	[tilespmem:$0xA870] =	vst v1  }
0xcb: {  	_ =	swait.ge [sflag:s31], $0x4000  }
0xcc: {  	[sflag:s31] =	ssyncset.done $0x0  }
0xcd: {  	[sflag:s31] =	ssyncadd.s32 $0xFFFFC000  }
0xce: {  	[spmem:s1] =	stream.indirect.scatter.add.f32 [tilespmem:s3], [sflag:$0x3], $0x80, s2, s0, $0xb8;
	[tilespmem:$0x1E500] =	vst v63  }
0xcf: {  	_ =	swait.ge [sflag:s20], $0x4000  }
0xd0: {  	[sflag:s20] =	ssyncset.done $0x0  }
0xd1: {  	s13 =	sadd.s32 $0x8100, s12;
	[sflag:s20] =	ssyncadd.s32 $0xFFFFC000  }
0xd2: {  	[tilespmem:s3], [sflag:$0x1] =	stream.indirect.gather [hbm4b:s4+s23], $0x80, s13, s23, $0xb8;
	[tilespmem:$0x1E500] =	vst v63  }
0xd3: {  	s14 =	sadd.s32 $0x8140, s12  }
0xd4: {  	[tilespmem:s25], [sflag:$0x1] =	stream.indirect.gather [hbm4b:s4+s23], $0x80, s14, s23, $0xb8;
	[tilespmem:$0x1E500] =	vst v63  }
0xd5: {  	v1 =	vld [tilespmem:s12+$0x9480];
	_ =	sdelay $0x4  }
0xd6: {  	[tilespmem:$0xA800] =	vst v1  }
0xd7: {  	v1 =	vld [tilespmem:s12+$0x9490];
	_ =	sdelay $0x4  }
0xd8: {  	[tilespmem:$0xA810] =	vst v1  }
0xd9: {  	v1 =	vld [tilespmem:s12+$0x94A0];
	_ =	sdelay $0x4  }
0xda: {  	[tilespmem:$0xA820] =	vst v1  }
0xdb: {  	v1 =	vld [tilespmem:s12+$0x94B0];
	_ =	sdelay $0x4  }
0xdc: {  	[tilespmem:$0xA830] =	vst v1  }
0xdd: {  	v1 =	vld [tilespmem:s12+$0x94C0];
	_ =	sdelay $0x4  }
0xde: {  	[tilespmem:$0xA840] =	vst v1  }
0xdf: {  	v1 =	vld [tilespmem:s12+$0x94D0];
	_ =	sdelay $0x4  }
0xe0: {  	[tilespmem:$0xA850] =	vst v1  }
0xe1: {  	v1 =	vld [tilespmem:s12+$0x94E0];
	_ =	sdelay $0x4  }
0xe2: {  	[tilespmem:$0xA860] =	vst v1  }
0xe3: {  	v1 =	vld [tilespmem:s12+$0x94F0];
	_ =	sdelay $0x4  }
0xe4: {  	[tilespmem:$0xA870] =	vst v1  }
0xe5: {  	_ =	swait.ge [sflag:s10], $0x4000  }
0xe6: {  	[sflag:s10] =	ssyncset.done $0x0  }
0xe7: {  	[sflag:s10] =	ssyncadd.s32 $0xFFFFC000  }
0xe8: {  	[spmem:s1] =	stream.indirect.scatter.add.f32 [tilespmem:s28], [sflag:$0x3], $0x80, s2, s0, $0xb8;
	[tilespmem:$0x1E500] =	vst v63  }
0xe9: {  	_ =	swait.ge [sflag:s20], $0x4000  }
0xea: {  	[sflag:s20] =	ssyncset.done $0x0  }
0xeb: {  	s15 =	sadd.s32 $0x8180, s12;
	[sflag:s20] =	ssyncadd.s32 $0xFFFFC000  }
0xec: {  	[tilespmem:s28], [sflag:$0x2] =	stream.indirect.gather [hbm4b:s4+s23], $0x80, s15, s23, $0xb8;
	[tilespmem:$0x1E500] =	vst v63  }
0xed: {  	s14 =	sadd.s32 $0x81C0, s12  }
0xee: {  	[tilespmem:s30], [sflag:$0x2] =	stream.indirect.gather [hbm4b:s4+s23], $0x80, s14, s23, $0xb8;
	[tilespmem:$0x1E500] =	vst v63  }
0xef: {  	v1 =	vld [tilespmem:$0xA700]  }
0xf0: {  	v2 =	vld [tilespmem:$0xA710]  }
0xf1: {  	v3 =	vld [tilespmem:$0xA720]  }
0xf2: {  	v4 =	vld [tilespmem:$0xA730]  }
0xf3: {  	v5 =	vld [tilespmem:$0xA740]  }
0xf4: {  	[tilespmem:$0xA800] =	vst v1;
	v1 =	vld [tilespmem:$0xA750]  }
0xf5: {  	[tilespmem:$0xA810] =	vst v2;
	v2 =	vld [tilespmem:$0xA760]  }
0xf6: {  	[tilespmem:$0xA820] =	vst v3;
	v3 =	vld [tilespmem:$0xA770]  }
0xf7: {  	[tilespmem:$0xA830] =	vst v4  }
0xf8: {  	[tilespmem:$0xA840] =	vst v5  }
0xf9: {  	[tilespmem:$0xA850] =	vst v1  }
0xfa: {  	[tilespmem:$0xA860] =	vst v2  }
0xfb: {  	[tilespmem:$0xA870] =	vst v3  }
0xfc: {  	_ =	swait.ge [sflag:s31], $0x4000  }
0xfd: {  	[sflag:s31] =	ssyncset.done $0x0  }
0xfe: {  	s12 =	simm.s32 $0x0;
	[sflag:s31] =	ssyncadd.s32 $0xFFFFC000  }
0xff: {  	[spmem:s1] =	stream.indirect.scatter.add.f32 [tilespmem:s12], [sflag:$0x3], $0x80, s2, s0, $0xb8;
	[tilespmem:$0x1E500] =	vst v63  }
0x100: {  	_ =	swait.ge [sflag:s20], $0x4000  }
0x101: {  	[sflag:s20] =	ssyncset.done $0x0  }
0x102: {  	[sflag:s20] =	ssyncadd.s32 $0xFFFFC000  }
0x103: {  	v1 =	vld [tilespmem:$0xA780]  }
0x104: {  	v2 =	vld [tilespmem:$0xA790]  }
0x105: {  	v3 =	vld [tilespmem:$0xA7A0]  }
0x106: {  	v62 =	vld [tilespmem:$0xA7B0]  }
0x107: {  	v63 =	vld [tilespmem:$0xA7C0]  }
0x108: {  	[tilespmem:$0xA800] =	vst v1;
	v1 =	vld [tilespmem:$0xA7D0]  }
0x109: {  	[tilespmem:$0xA810] =	vst v2;
	v2 =	vld [tilespmem:$0xA7E0]  }
0x10a: {  	[tilespmem:$0xA820] =	vst v3;
	v3 =	vld [tilespmem:$0xA7F0]  }
0x10b: {  	[tilespmem:$0xA830] =	vst v62  }
0x10c: {  	[tilespmem:$0xA840] =	vst v63  }
0x10d: {  	[tilespmem:$0xA850] =	vst v1  }
0x10e: {  	[tilespmem:$0xA860] =	vst v2  }
0x10f: {  	[tilespmem:$0xA870] =	vst v3  }
0x110: {  	_ =	swait.ge [sflag:s10], $0x4000  }
0x111: {  	[sflag:s10] =	ssyncset.done $0x0  }
0x112: {  	[sflag:s10] =	ssyncadd.s32 $0xFFFFC000  }
0x113: {  	[spmem:s1] =	stream.indirect.scatter.add.f32 [tilespmem:s28], [sflag:$0x3], $0x80, s2, s0, $0xb8;
	[tilespmem:$0x1E500] =	vst v63  }
0x114: {  	_ =	swait.ge [sflag:s20], $0x4000  }
0x115: {  	[sflag:s20] =	ssyncset.done $0x0  }
0x116: {  	s15 =	rddreg [dreg:$0x6];
	[sflag:s20] =	ssyncadd.s32 $0xFFFFC000  }
0x117: {  	[tilespmem:s21], [sflag:$0x3] =	stream.linear.gather [hbm4b:s15+s12], $0x1400, $0x38;
	[tilespmem:$0x1E500] =	vst v63  }
0x118: {  	_ =	swait.ge [sflag:s20], $0x1400  }
0x119: {  	[sflag:s20] =	ssyncset.done $0x0  }
0x11a: {  	s14 =	rddreg [dreg:$0x7];
	[sflag:s20] =	ssyncadd.s32 $0xFFFFEC00  }
0x11b: {  	[tilespmem:s22], [sflag:$0x3] =	stream.linear.gather [hbm4b:s14+s12], $0x1400, $0x38;
	[tilespmem:$0x1E500] =	vst v63  }
0x11c: {  	_ =	swait.ge [sflag:s20], $0x1400  }
0x11d: {  	[sflag:s20] =	ssyncset.done $0x0  }
0x11e: {  	[sflag:s20] =	ssyncadd.s32 $0xFFFFEC00  }
0x11f: {  	[tilespmem:s12], [sflag:$0x1] =	stream.indirect.gather [hbm4b:s4+s23], $0x80, s21, s23, $0xb8;
	[tilespmem:$0x1E500] =	vst v63  }
0x120: {  	_ = 	snop  }
0x121: {  	[tilespmem:s25], [sflag:$0x1] =	stream.indirect.gather [hbm4b:s4+s23], $0x80, s24, s23, $0xb8;
	[tilespmem:$0x1E500] =	vst v63  }
0x122: {  	_ = 	snop  }
0x123: {  	[tilespmem:s28], [sflag:$0x2] =	stream.indirect.gather [hbm4b:s4+s23], $0x80, s26, s23, $0xb8;
	[tilespmem:$0x1E500] =	vst v63  }
0x124: {  	s12 =	simm.s32 $0x0  }
0x125: {  	[tilespmem:s30], [sflag:$0x2] =	stream.indirect.gather [hbm4b:s4+s23], $0x80, s29, s23, $0xb8;
	[tilespmem:$0x1E500] =	vst v63  }
0x126: {  	v1 =	vld [tilespmem:s12+$0x9400];
	_ =	sdelay $0x4  }
0x127: {  	[tilespmem:$0xA800] =	vst v1  }
0x128: {  	v1 =	vld [tilespmem:s12+$0x9410];
	_ =	sdelay $0x4  }
0x129: {  	[tilespmem:$0xA810] =	vst v1  }
0x12a: {  	v1 =	vld [tilespmem:s12+$0x9420];
	_ =	sdelay $0x4  }
0x12b: {  	[tilespmem:$0xA820] =	vst v1  }
0x12c: {  	v1 =	vld [tilespmem:s12+$0x9430];
	_ =	sdelay $0x4  }
0x12d: {  	[tilespmem:$0xA830] =	vst v1  }
0x12e: {  	v1 =	vld [tilespmem:s12+$0x9440];
	_ =	sdelay $0x4  }
0x12f: {  	[tilespmem:$0xA840] =	vst v1  }
0x130: {  	v1 =	vld [tilespmem:s12+$0x9450];
	_ =	sdelay $0x4  }
0x131: {  	[tilespmem:$0xA850] =	vst v1  }
0x132: {  	v1 =	vld [tilespmem:s12+$0x9460];
	_ =	sdelay $0x4  }
0x133: {  	[tilespmem:$0xA860] =	vst v1  }
0x134: {  	v1 =	vld [tilespmem:s12+$0x9470];
	_ =	sdelay $0x4  }
0x135: {  	[tilespmem:$0xA870] =	vst v1  }
0x136: {  	_ =	swait.ge [sflag:s31], $0x4000  }
0x137: {  	[sflag:s31] =	ssyncset.done $0x0  }
0x138: {  	[sflag:s31] =	ssyncadd.s32 $0xFFFFC000  }
0x139: {  	[spmem:s1] =	stream.indirect.scatter.add.f32 [tilespmem:s3], [sflag:$0x3], $0x80, s2, s0, $0xb8;
	[tilespmem:$0x1E500] =	vst v63  }
0x13a: {  	_ =	swait.ge [sflag:s20], $0x4000  }
0x13b: {  	[sflag:s20] =	ssyncset.done $0x0  }
0x13c: {  	s15 =	simm.s32 $0x8100;
	[sflag:s20] =	ssyncadd.s32 $0xFFFFC000  }
0x13d: {  	[tilespmem:s3], [sflag:$0x1] =	stream.indirect.gather [hbm4b:s4+s23], $0x80, s15, s23, $0xb8;
	[tilespmem:$0x1E500] =	vst v63  }
0x13e: {  	s14 =	simm.s32 $0x8140  }
0x13f: {  	[tilespmem:s25], [sflag:$0x1] =	stream.indirect.gather [hbm4b:s4+s23], $0x80, s14, s23, $0xb8;
	[tilespmem:$0x1E500] =	vst v63  }
0x140: {  	v1 =	vld [tilespmem:s12+$0x9480];
	_ =	sdelay $0x4  }
0x141: {  	[tilespmem:$0xA800] =	vst v1  }
0x142: {  	v1 =	vld [tilespmem:s12+$0x9490];
	_ =	sdelay $0x4  }
0x143: {  	[tilespmem:$0xA810] =	vst v1  }
0x144: {  	v1 =	vld [tilespmem:s12+$0x94A0];
	_ =	sdelay $0x4  }
0x145: {  	[tilespmem:$0xA820] =	vst v1  }
0x146: {  	v1 =	vld [tilespmem:s12+$0x94B0];
	_ =	sdelay $0x4  }
0x147: {  	[tilespmem:$0xA830] =	vst v1  }
0x148: {  	v1 =	vld [tilespmem:s12+$0x94C0];
	_ =	sdelay $0x4  }
0x149: {  	[tilespmem:$0xA840] =	vst v1  }
0x14a: {  	v1 =	vld [tilespmem:s12+$0x94D0];
	_ =	sdelay $0x4  }
0x14b: {  	[tilespmem:$0xA850] =	vst v1  }
0x14c: {  	v1 =	vld [tilespmem:s12+$0x94E0];
	_ =	sdelay $0x4  }
0x14d: {  	[tilespmem:$0xA860] =	vst v1  }
0x14e: {  	v1 =	vld [tilespmem:s12+$0x94F0];
	_ =	sdelay $0x4  }
0x14f: {  	[tilespmem:$0xA870] =	vst v1  }
0x150: {  	_ =	swait.ge [sflag:s10], $0x4000  }
0x151: {  	[sflag:s10] =	ssyncset.done $0x0  }
0x152: {  	[sflag:s10] =	ssyncadd.s32 $0xFFFFC000  }
0x153: {  	[spmem:s1] =	stream.indirect.scatter.add.f32 [tilespmem:s28], [sflag:$0x3], $0x80, s2, s0, $0xb8;
	[tilespmem:$0x1E500] =	vst v63  }
0x154: {  	_ =	swait.ge [sflag:s20], $0x4000  }
0x155: {  	[sflag:s20] =	ssyncset.done $0x0  }
0x156: {  	s15 =	simm.s32 $0x8180;
	[sflag:s20] =	ssyncadd.s32 $0xFFFFC000  }
0x157: {  	[tilespmem:s28], [sflag:$0x2] =	stream.indirect.gather [hbm4b:s4+s23], $0x80, s15, s23, $0xb8;
	[tilespmem:$0x1E500] =	vst v63  }
0x158: {  	s13 =	simm.s32 $0x800;
	s12 =	simm.s32 $0x100;
	s15 =	simm.s32 $0x81C0  }
.LBB2_6:
0x159: {  	[tilespmem:s30], [sflag:$0x2] =	stream.indirect.gather [hbm4b:s4+s23], $0x80, s15, s23, $0xb8;
	[tilespmem:$0x1E500] =	vst v63  }
0x15a: {  	s14 =	sshra.s32 s13, $0x2;
	p0 =	sne.s32 s13, $0x4800;
	s13 =	sadd.s32 $0x400, s13;
	v1 =	vld [tilespmem:s12+$0x9400]  }
0x15b: {  	_ =	sdelay $0x3  }
0x15c: {  	[tilespmem:$0xA800] =	vst v1  }
0x15d: {  	v1 =	vld [tilespmem:s12+$0x9410];
	_ =	sdelay $0x4  }
0x15e: {  	[tilespmem:$0xA810] =	vst v1  }
0x15f: {  	v1 =	vld [tilespmem:s12+$0x9420];
	_ =	sdelay $0x4  }
0x160: {  	[tilespmem:$0xA820] =	vst v1  }
0x161: {  	v1 =	vld [tilespmem:s12+$0x9430];
	_ =	sdelay $0x4  }
0x162: {  	[tilespmem:$0xA830] =	vst v1  }
0x163: {  	v1 =	vld [tilespmem:s12+$0x9440];
	_ =	sdelay $0x4  }
0x164: {  	[tilespmem:$0xA840] =	vst v1  }
0x165: {  	v1 =	vld [tilespmem:s12+$0x9450];
	_ =	sdelay $0x4  }
0x166: {  	[tilespmem:$0xA850] =	vst v1  }
0x167: {  	v1 =	vld [tilespmem:s12+$0x9460];
	_ =	sdelay $0x4  }
0x168: {  	[tilespmem:$0xA860] =	vst v1  }
0x169: {  	v1 =	vld [tilespmem:s12+$0x9470];
	_ =	sdelay $0x4  }
0x16a: {  	[tilespmem:$0xA870] =	vst v1  }
0x16b: {  	_ =	swait.ge [sflag:s31], $0x4000  }
0x16c: {  	[sflag:s31] =	ssyncset.done $0x0  }
0x16d: {  	[sflag:s31] =	ssyncadd.s32 $0xFFFFC000  }
0x16e: {  	[spmem:s1] =	stream.indirect.scatter.add.f32 [tilespmem:s3], [sflag:$0x3], $0x80, s2, s0, $0xb8;
	[tilespmem:$0x1E500] =	vst v63  }
0x16f: {  	_ =	swait.ge [sflag:s20], $0x4000  }
0x170: {  	[sflag:s20] =	ssyncset.done $0x0  }
0x171: {  	s15 =	sadd.s32 $0x8100, s12;
	[sflag:s20] =	ssyncadd.s32 $0xFFFFC000  }
0x172: {  	[tilespmem:s3], [sflag:$0x1] =	stream.indirect.gather [hbm4b:s4+s23], $0x80, s15, s23, $0xb8;
	[tilespmem:$0x1E500] =	vst v63  }
0x173: {  	s15 =	sadd.s32 $0x8140, s12  }
0x174: {  	[tilespmem:s25], [sflag:$0x1] =	stream.indirect.gather [hbm4b:s4+s23], $0x80, s15, s23, $0xb8;
	[tilespmem:$0x1E500] =	vst v63  }
0x175: {  	v1 =	vld [tilespmem:s12+$0x9480];
	_ =	sdelay $0x4  }
0x176: {  	[tilespmem:$0xA800] =	vst v1  }
0x177: {  	v1 =	vld [tilespmem:s12+$0x9490];
	_ =	sdelay $0x4  }
0x178: {  	[tilespmem:$0xA810] =	vst v1  }
0x179: {  	v1 =	vld [tilespmem:s12+$0x94A0];
	_ =	sdelay $0x4  }
0x17a: {  	[tilespmem:$0xA820] =	vst v1  }
0x17b: {  	v1 =	vld [tilespmem:s12+$0x94B0];
	_ =	sdelay $0x4  }
0x17c: {  	[tilespmem:$0xA830] =	vst v1  }
0x17d: {  	v1 =	vld [tilespmem:s12+$0x94C0];
	_ =	sdelay $0x4  }
0x17e: {  	[tilespmem:$0xA840] =	vst v1  }
0x17f: {  	v1 =	vld [tilespmem:s12+$0x94D0];
	_ =	sdelay $0x4  }
0x180: {  	[tilespmem:$0xA850] =	vst v1  }
0x181: {  	v1 =	vld [tilespmem:s12+$0x94E0];
	_ =	sdelay $0x4  }
0x182: {  	[tilespmem:$0xA860] =	vst v1  }
0x183: {  	v1 =	vld [tilespmem:s12+$0x94F0];
	_ =	sdelay $0x4  }
0x184: {  	[tilespmem:$0xA870] =	vst v1  }
0x185: {  	_ =	swait.ge [sflag:s10], $0x4000  }
0x186: {  	[sflag:s10] =	ssyncset.done $0x0  }
0x187: {  	[sflag:s10] =	ssyncadd.s32 $0xFFFFC000  }
0x188: {  	[spmem:s1] =	stream.indirect.scatter.add.f32 [tilespmem:s28], [sflag:$0x3], $0x80, s2, s0, $0xb8;
	[tilespmem:$0x1E500] =	vst v63  }
.Ltmp2:
0x189: {  	_ =	swait.ge [sflag:s20], $0x4000;
	(pc) =	sbr.rel @p0 .LBB2_6-.Ltmp2, $4  }
0x18a: {  	[sflag:s20] =	ssyncset.done $0x0  }
0x18b: {  	s15 =	sadd.s32 $0x8180, s12;
	[sflag:s20] =	ssyncadd.s32 $0xFFFFC000  }
0x18c: {  	[tilespmem:s28], [sflag:$0x2] =	stream.indirect.gather [hbm4b:s4+s23], $0x80, s15, s23, $0xb8;
	[tilespmem:$0x1E500] =	vst v63  }
0x18d: {  	s15 =	sadd.s32 $0x81C0, s12;
	s12 =	smov.u32 s14  }
0x18e: {  	[tilespmem:s30], [sflag:$0x2] =	stream.indirect.gather [hbm4b:s4+s23], $0x80, s15, s23, $0xb8;
	[tilespmem:$0x1E500] =	vst v63  }
0x18f: {  	v1 =	vld [tilespmem:s12+$0x9400];
	_ =	sdelay $0x4  }
0x190: {  	[tilespmem:$0xA800] =	vst v1  }
0x191: {  	v1 =	vld [tilespmem:s12+$0x9410];
	_ =	sdelay $0x4  }
0x192: {  	[tilespmem:$0xA810] =	vst v1  }
0x193: {  	v1 =	vld [tilespmem:s12+$0x9420];
	_ =	sdelay $0x4  }
0x194: {  	[tilespmem:$0xA820] =	vst v1  }
0x195: {  	v1 =	vld [tilespmem:s12+$0x9430];
	_ =	sdelay $0x4  }
0x196: {  	[tilespmem:$0xA830] =	vst v1  }
0x197: {  	v1 =	vld [tilespmem:s12+$0x9440];
	_ =	sdelay $0x4  }
0x198: {  	[tilespmem:$0xA840] =	vst v1  }
0x199: {  	v1 =	vld [tilespmem:s12+$0x9450];
	_ =	sdelay $0x4  }
0x19a: {  	[tilespmem:$0xA850] =	vst v1  }
0x19b: {  	v1 =	vld [tilespmem:s12+$0x9460];
	_ =	sdelay $0x4  }
0x19c: {  	[tilespmem:$0xA860] =	vst v1  }
0x19d: {  	v1 =	vld [tilespmem:s12+$0x9470];
	_ =	sdelay $0x4  }
0x19e: {  	[tilespmem:$0xA870] =	vst v1  }
0x19f: {  	_ =	swait.ge [sflag:s31], $0x4000  }
0x1a0: {  	[sflag:s31] =	ssyncset.done $0x0  }
0x1a1: {  	[sflag:s31] =	ssyncadd.s32 $0xFFFFC000  }
0x1a2: {  	[spmem:s1] =	stream.indirect.scatter.add.f32 [tilespmem:s3], [sflag:$0x3], $0x80, s2, s0, $0xb8;
	[tilespmem:$0x1E500] =	vst v63  }
0x1a3: {  	_ =	swait.ge [sflag:s20], $0x4000  }
0x1a4: {  	[sflag:s20] =	ssyncset.done $0x0  }
0x1a5: {  	s13 =	sadd.s32 $0x8100, s12;
	[sflag:s20] =	ssyncadd.s32 $0xFFFFC000  }
0x1a6: {  	[tilespmem:s3], [sflag:$0x1] =	stream.indirect.gather [hbm4b:s4+s23], $0x80, s13, s23, $0xb8;
	[tilespmem:$0x1E500] =	vst v63  }
0x1a7: {  	s14 =	sadd.s32 $0x8140, s12  }
0x1a8: {  	[tilespmem:s25], [sflag:$0x1] =	stream.indirect.gather [hbm4b:s4+s23], $0x80, s14, s23, $0xb8;
	[tilespmem:$0x1E500] =	vst v63  }
0x1a9: {  	v1 =	vld [tilespmem:s12+$0x9480];
	_ =	sdelay $0x4  }
0x1aa: {  	[tilespmem:$0xA800] =	vst v1  }
0x1ab: {  	v1 =	vld [tilespmem:s12+$0x9490];
	_ =	sdelay $0x4  }
0x1ac: {  	[tilespmem:$0xA810] =	vst v1  }
0x1ad: {  	v1 =	vld [tilespmem:s12+$0x94A0];
	_ =	sdelay $0x4  }
0x1ae: {  	[tilespmem:$0xA820] =	vst v1  }
0x1af: {  	v1 =	vld [tilespmem:s12+$0x94B0];
	_ =	sdelay $0x4  }
0x1b0: {  	[tilespmem:$0xA830] =	vst v1  }
0x1b1: {  	v1 =	vld [tilespmem:s12+$0x94C0];
	_ =	sdelay $0x4  }
0x1b2: {  	[tilespmem:$0xA840] =	vst v1  }
0x1b3: {  	v1 =	vld [tilespmem:s12+$0x94D0];
	_ =	sdelay $0x4  }
0x1b4: {  	[tilespmem:$0xA850] =	vst v1  }
0x1b5: {  	v1 =	vld [tilespmem:s12+$0x94E0];
	_ =	sdelay $0x4  }
0x1b6: {  	[tilespmem:$0xA860] =	vst v1  }
0x1b7: {  	v1 =	vld [tilespmem:s12+$0x94F0];
	_ =	sdelay $0x4  }
0x1b8: {  	[tilespmem:$0xA870] =	vst v1  }
0x1b9: {  	_ =	swait.ge [sflag:s10], $0x4000  }
0x1ba: {  	[sflag:s10] =	ssyncset.done $0x0  }
0x1bb: {  	[sflag:s10] =	ssyncadd.s32 $0xFFFFC000  }
0x1bc: {  	[spmem:s1] =	stream.indirect.scatter.add.f32 [tilespmem:s28], [sflag:$0x3], $0x80, s2, s0, $0xb8;
	[tilespmem:$0x1E500] =	vst v63  }
0x1bd: {  	_ =	swait.ge [sflag:s20], $0x4000  }
0x1be: {  	[sflag:s20] =	ssyncset.done $0x0  }
0x1bf: {  	s15 =	sadd.s32 $0x8180, s12;
	[sflag:s20] =	ssyncadd.s32 $0xFFFFC000  }
0x1c0: {  	[tilespmem:s28], [sflag:$0x2] =	stream.indirect.gather [hbm4b:s4+s23], $0x80, s15, s23, $0xb8;
	[tilespmem:$0x1E500] =	vst v63  }
0x1c1: {  	s13 =	sadd.s32 $0x81C0, s12  }
0x1c2: {  	[tilespmem:s30], [sflag:$0x2] =	stream.indirect.gather [hbm4b:s4+s23], $0x80, s13, s23, $0xb8;
	[tilespmem:$0x1E500] =	vst v63  }
0x1c3: {  	v1 =	vld [tilespmem:$0xA700]  }
0x1c4: {  	v2 =	vld [tilespmem:$0xA710]  }
0x1c5: {  	v3 =	vld [tilespmem:$0xA720]  }
0x1c6: {  	v4 =	vld [tilespmem:$0xA730]  }
0x1c7: {  	v5 =	vld [tilespmem:$0xA740]  }
0x1c8: {  	[tilespmem:$0xA800] =	vst v1;
	v1 =	vld [tilespmem:$0xA750]  }
0x1c9: {  	[tilespmem:$0xA810] =	vst v2;
	v2 =	vld [tilespmem:$0xA760]  }
0x1ca: {  	[tilespmem:$0xA820] =	vst v3;
	v3 =	vld [tilespmem:$0xA770]  }
0x1cb: {  	[tilespmem:$0xA830] =	vst v4  }
0x1cc: {  	[tilespmem:$0xA840] =	vst v5  }
0x1cd: {  	[tilespmem:$0xA850] =	vst v1  }
0x1ce: {  	[tilespmem:$0xA860] =	vst v2  }
0x1cf: {  	[tilespmem:$0xA870] =	vst v3  }
0x1d0: {  	_ =	swait.ge [sflag:s31], $0x4000  }
0x1d1: {  	[sflag:s31] =	ssyncset.done $0x0  }
0x1d2: {  	[sflag:s31] =	ssyncadd.s32 $0xFFFFC000  }
0x1d3: {  	[spmem:s1] =	stream.indirect.scatter.add.f32 [tilespmem:s3], [sflag:$0x3], $0x80, s2, s0, $0xb8;
	[tilespmem:$0x1E500] =	vst v63  }
0x1d4: {  	_ =	swait.ge [sflag:s20], $0x4000  }
0x1d5: {  	[sflag:s20] =	ssyncset.done $0x0  }
0x1d6: {  	[sflag:s20] =	ssyncadd.s32 $0xFFFFC000  }
0x1d7: {  	v1 =	vld [tilespmem:$0xA780]  }
0x1d8: {  	v2 =	vld [tilespmem:$0xA790]  }
0x1d9: {  	v3 =	vld [tilespmem:$0xA7A0]  }
0x1da: {  	v62 =	vld [tilespmem:$0xA7B0]  }
0x1db: {  	v63 =	vld [tilespmem:$0xA7C0]  }
0x1dc: {  	[tilespmem:$0xA800] =	vst v1;
	v1 =	vld [tilespmem:$0xA7D0]  }
0x1dd: {  	[tilespmem:$0xA810] =	vst v2;
	v2 =	vld [tilespmem:$0xA7E0]  }
0x1de: {  	[tilespmem:$0xA820] =	vst v3;
	v3 =	vld [tilespmem:$0xA7F0]  }
0x1df: {  	[tilespmem:$0xA830] =	vst v62  }
0x1e0: {  	[tilespmem:$0xA840] =	vst v63  }
0x1e1: {  	[tilespmem:$0xA850] =	vst v1  }
0x1e2: {  	[tilespmem:$0xA860] =	vst v2  }
0x1e3: {  	[tilespmem:$0xA870] =	vst v3  }
0x1e4: {  	_ =	swait.ge [sflag:s10], $0x4000  }
0x1e5: {  	[sflag:s10] =	ssyncset.done $0x0  }
0x1e6: {  	[sflag:s10] =	ssyncadd.s32 $0xFFFFC000  }
0x1e7: {  	[spmem:s1] =	stream.indirect.scatter.add.f32 [tilespmem:s28], [sflag:$0x3], $0x80, s2, s0, $0xb8;
	[tilespmem:$0x1E500] =	vst v63  }
0x1e8: {  	_ =	swait.ge [sflag:s20], $0x4000  }
0x1e9: {  	[sflag:s20] =	ssyncset.done $0x0  }
0x1ea: {  	s14 =	stileid.u32;
	[sflag:s20] =	ssyncadd.s32 $0xFFFFC000  }
0x1eb: {  	s12 =	sshll.u32 s14, $0x6;
	[bflag:$0x0] =	sbarrier.arrive $0xFFFF  }
0x1ec: {  	s12 =	sor.u32 $0x1C03, s12;
	s15 =	sshrl.u32 s5, $0x3;
	s14 =	rddreg [dreg:$0x8]  }
0x1ed: {  	[hbm:s14], [sflag:s12] =	dma.local [spmem:s15], $0x800  }
0x1ee: {  	_ =	swait.ge [sflag:s20], $0x800  }
0x1ef: {  	[sflag:s20] =	ssyncset.done $0x0  }
0x1f0: {  	s14 =	sshrl.u32 s6, $0x3;
	s15 =	rddreg [dreg:$0x9];
	[sflag:s20] =	ssyncadd.s32 $0xFFFFF800  }
0x1f1: {  	[hbm:s15], [sflag:s12] =	dma.local [spmem:s14], $0x800  }
0x1f2: {  	_ =	swait.ge [sflag:s20], $0x800  }
0x1f3: {  	[sflag:s20] =	ssyncset.done $0x0  }
0x1f4: {  	s15 =	sshrl.u32 s7, $0x3;
	[sflag:s20] =	ssyncadd.s32 $0xFFFFF800  }
0x1f5: {  	[hbm:s16], [sflag:s12] =	dma.local [spmem:s15], $0x800  }
0x1f6: {  	_ =	swait.ge [sflag:s20], $0x800  }
0x1f7: {  	[sflag:s20] =	ssyncset.done $0x0  }
0x1f8: {  	s14 =	sshrl.u32 s8, $0x3;
	[sflag:s20] =	ssyncadd.s32 $0xFFFFF800  }
0x1f9: {  	[hbm:s17], [sflag:s12] =	dma.local [spmem:s14], $0x800  }
0x1fa: {  	s11 =	sadd.s32 $0x1, s11;
	_ =	swait.ge [sflag:s20], $0x800  }
0x1fb: {  	p0 =	sne.s32 s11, s19;
	[sflag:s20] =	ssyncset.done $0x0  }
.Ltmp3:
0x1fc: {  	s15 =	sshrl.u32 s9, $0x3;
	[sflag:s20] =	ssyncadd.s32 $0xFFFFF800;
	(pc) =	sbr.rel @p0 .LBB2_1-.Ltmp3, $4  }
0x1fd: {  	[hbm:s18], [sflag:s12] =	dma.local [spmem:s15], $0x800  }
0x1fe: {  	_ =	swait.ge [sflag:s20], $0x800  }
0x1ff: {  	[sflag:s20] =	ssyncset.done $0x0  }
0x200: {  	[sflag:s20] =	ssyncadd.s32 $0xFFFFF800  }
0x201: {  	_ =	sfence.sel $0x180000  }
0x202: {  	[bflag:$0x0] =	sbarrier.arrive $0xFFFF  }
0x203: {  	_ =	strace $0x9000004A  }
0x204: {  	s0 =	stileid.u32;
	[bflag:$0x2] =	sbarrier.arrive $0xFFFF  }
0x205: {  	p0 =	sne.s32 s0, $0x0;
	s0 =	rddreg [dreg:$0x3]  }
0x206: {  	s0 =	sadd.s32 @!p0 $0x100000, s0  }
0x207: {  	[sflag:s0] =	ssyncadd.tile.s32 @!p0 $0x1;
	_ =	shalt  }
.Lfunc_end2:
_tile_overlayer_lowered:
.L_overlay_start_2:
0x208: {  	(tag) =	ssettag $0x2  }
0x209: {  	s0 =	rddreg [dreg:$0x0];
	s2 =	stileid.u32  }
0x20a: {  	s1 =	rddreg [dreg:$0x1];
	p0 =	sne.s32 s2, $0x0  }
0x20b: {  	s3 =	rddreg [dreg:$0x2];
	[bflag:$0x3] =	sbarrier.arrive $0xFFFF;
	s2 =	simm.s32 @!p0 $0x1C03  }
0x20c: {  	[timem:s3], [sflag:s2] =	dma.local @!p0 [hbm:s0], s1  }
0x20d: {  	s0 =	simm.s32 @!p0 $0x3  }
0x20e: {  	_ =	swait.ge @!p0 [sflag:s0], s1  }
0x20f: {  	s1 =	ssub.s32 @!p0 $0x0, s1;
	[sflag:s0] =	ssyncset.done @!p0 $0x0  }
0x210: {  	[sflag:s0] =	ssyncadd.s32 @!p0 s1  }
0x211: {  	[bflag:$0x3] =	sbarrier.arrive $0xFFFF  }
0x212: {  	_ =	shalt  }

// kernel: kernel.14.cloned.1.call-start
scs
__scs_entry_jumppad:
0x0: {  	(pc) =	sbr.rel $0x88, $3  }
0x1: {  	(tag) =	ssettag $0x0;
	lr =	simm.s32 $0x1  }
0x2: {  	[smem:$0x3F9B] =	sst lr;
	_ =	strace $0xD0000000  }
0x3: {  	_ = 	snop  }
0x4: {  	_ = 	snop  }
0x5: {  	_ = 	snop  }
0x6: {  	_ = 	snop  }
0x7: {  	_ = 	snop  }
__scs_overlays_trampoline_lowered:
0x8: {  	[smem:$0x3FAA] =	sst s0  }
0x9: {  	[smem:$0x3FAB] =	sst s1  }
0xa: {  	[smem:$0x3FAC] =	sst s2  }
0xb: {  	[smem:$0x3FAD] =	sst s3  }
0xc: {  	[smem:$0x3FAE] =	sst s4  }
0xd: {  	[smem:$0x3FAF] =	sst s5  }
0xe: {  	[smem:$0x3FB0] =	sst s6  }
0xf: {  	[smem:$0x3FB1] =	sst s7  }
0x10: {  	[smem:$0x3FB2] =	sst s8  }
0x11: {  	[smem:$0x3FB3] =	sst s9;
	s0 =	simm.s32 @!p0 $0x0  }
0x12: {  	s1 =	sld [smem:$0x3F99];
	s0 =	simm.s32 @p0 $0x1  }
0x13: {  	[smem:$0x3FB4] =	sst s0;
	s0 =	simm.s32 @!p1 $0x0  }
0x14: {  	s2 =	sld [smem:$0x3F98];
	s0 =	simm.s32 @p1 $0x1  }
0x15: {  	[smem:$0x3FB5] =	sst s0;
	s0 =	simm.s32 @!p2 $0x0  }
0x16: {  	s3 =	sld [smem:$0x3FDB];
	s0 =	simm.s32 @p2 $0x1  }
0x17: {  	s4 =	simm.s32 $0x1BF5;
	[smem:$0x3FB7] =	sst s0  }
0x18: {  	s0 =	sld [smem:$0x3F9A];
	_ =	swait.ge [sflag:s4], $0x0  }
0x19: {  	s7 =	sld [smem:$0x3F9B]  }
0x1a: {  	s8 =	sadd.s32 $0xFFFFE003, lr  }
0x1b: {  	s9 =	sadd.s32 $0xFFFFFEF7, lr;
	s5 =	simm.s32 $0xFFFFFFFF;
	p2 =	slt.u32 s8, $0xFFFFF086  }
0x1c: {  	p1 =	slt.u32 s9, $0xF7A;
	s5 =	simm.s32 @!p2 $0x0  }
0x1d: {  	s5 =	simm.s32 @p1 $0x1;
	p0 =	seq.s32 s7, s2  }
0x1e: {  	s7 =	smul.u32 @!p0 $0xF7A, s2;
	p2 =	seq.s32 @!p0 s5, $0x0  }
0x1f: {  	s9 =	smul.u32 $0xF7A, s1;
	s8 =	simm.s32 @!p0 $0x1BF5;
	p2 =	por !p2, p0  }
0x20: {  	[sflag:s8] =	ssyncset.s32 @!p0 $0xFFFFF086;
	s6 =	sadd.s32 @!p0 s3, s7;
	s7 =	simm.s32 @!p0 $0x108  }
0x21: {  	s3 =	sadd.s32 s3, s9;
	s6 =	sadd.s32 @!p0 $0x88, s6;
	s7 =	simm.s32 @p2 $0x1082  }
0x22: {  	[simem:s7], [sflag:s8] =	dma.local @!p0 [hbm:s6], $0xF7A  }
0x23: {  	s9 =	sor.u32 $0xD0000000, s2;
	s6 =	simm.s32 $0x108;
	_ =	swait.ge @!p0 [sflag:s8], $0x0  }
0x24: {  	s3 =	sadd.s32 $0x88, s3;
	s6 =	simm.s32 @!p1 $0x1082;
	[sflag:s4] =	ssyncset.s32 $0xFFFFF086  }
0x25: {  	[simem:s6], [sflag:s4] =	dma.local [hbm:s3], $0xF7A  }
0x26: {  	[smem:$0x3F9B] =	sst s1;
	(tag) =	ssettag s2;
	_ =	strace s9  }
0x27: {  	s1 =	sld [smem:$0x3FAB]  }
0x28: {  	s2 =	sld [smem:$0x3FAC]  }
0x29: {  	s4 =	sld [smem:$0x3FAE]  }
0x2a: {  	p0 =	seq.s32 s5, $0x0;
	s5 =	sld [smem:$0x3FAF]  }
0x2b: {  	s6 =	sld [smem:$0x3FB0]  }
0x2c: {  	s7 =	sld [smem:$0x3FB1]  }
0x2d: {  	s3 =	simm.s32 $0x108;
	s8 =	sld [smem:$0x3FB2]  }
0x2e: {  	s3 =	simm.s32 @!p0 $0x1082;
	s9 =	sld [smem:$0x3FB3]  }
0x2f: {  	lr =	sadd.s32 s0, s3;
	s0 =	sld [smem:$0x3FAA]  }
0x30: {  	s3 =	sld [smem:$0x3FAD]  }
0x31: {  	[smem:$0x3FB6] =	sst s10  }
0x32: {  	s10 =	sld [smem:$0x3FB4];
	_ =	sdelay $0x3  }
0x33: {  	p0 =	seq.s32 s10, $0x1;
	s10 =	sld [smem:$0x3FB6];
	_ =	sdelay $0x3  }
0x34: {  	[smem:$0x3FB6] =	sst s10  }
0x35: {  	s10 =	sld [smem:$0x3FB5];
	_ =	sdelay $0x3  }
0x36: {  	p1 =	seq.s32 s10, $0x1;
	s10 =	sld [smem:$0x3FB6];
	_ =	sdelay $0x3  }
0x37: {  	[smem:$0x3FB6] =	sst s10  }
0x38: {  	s10 =	sld [smem:$0x3FB7]  }
0x39: {  	_ = 	snop;
	(pc) =	sbr.ind lr, $3  }
0x3a: {  	_ = 	snop  }
0x3b: {  	_ = 	snop  }
0x3c: {  	p2 =	seq.s32 s10, $0x1;
	s10 =	sld [smem:$0x3FB6]  }
0x3d: {  	_ =	shalt  }
0x3e: {  	_ =	shalt  }
0x3f: {  	_ =	shalt  }
0x40: {  	_ =	shalt  }
0x41: {  	_ =	shalt  }
0x42: {  	_ =	shalt  }
0x43: {  	_ =	shalt  }
0x44: {  	_ =	shalt  }
0x45: {  	_ =	shalt  }
0x46: {  	_ =	shalt  }
0x47: {  	_ =	shalt  }
0x48: {  	_ =	shalt  }
0x49: {  	_ =	shalt  }
0x4a: {  	_ =	shalt  }
0x4b: {  	_ =	shalt  }
0x4c: {  	_ =	shalt  }
0x4d: {  	_ =	shalt  }
0x4e: {  	_ =	shalt  }
0x4f: {  	_ =	shalt  }
0x50: {  	_ =	shalt  }
0x51: {  	_ =	shalt  }
0x52: {  	_ =	shalt  }
0x53: {  	_ =	shalt  }
0x54: {  	_ =	shalt  }
0x55: {  	_ =	shalt  }
0x56: {  	_ =	shalt  }
0x57: {  	_ =	shalt  }
0x58: {  	_ =	shalt  }
0x59: {  	_ =	shalt  }
0x5a: {  	_ =	shalt  }
0x5b: {  	_ =	shalt  }
0x5c: {  	_ =	shalt  }
0x5d: {  	_ =	shalt  }
0x5e: {  	_ =	shalt  }
0x5f: {  	_ =	shalt  }
0x60: {  	_ =	shalt  }
0x61: {  	_ =	shalt  }
0x62: {  	_ =	shalt  }
0x63: {  	_ =	shalt  }
0x64: {  	_ =	shalt  }
0x65: {  	_ =	shalt  }
0x66: {  	_ =	shalt  }
0x67: {  	_ =	shalt  }
0x68: {  	_ =	shalt  }
0x69: {  	_ =	shalt  }
0x6a: {  	_ =	shalt  }
0x6b: {  	_ =	shalt  }
0x6c: {  	_ =	shalt  }
0x6d: {  	_ =	shalt  }
0x6e: {  	_ =	shalt  }
0x6f: {  	_ =	shalt  }
0x70: {  	_ =	shalt  }
0x71: {  	_ =	shalt  }
0x72: {  	_ =	shalt  }
0x73: {  	_ =	shalt  }
0x74: {  	_ =	shalt  }
0x75: {  	_ =	shalt  }
0x76: {  	_ =	shalt  }
0x77: {  	_ =	shalt  }
0x78: {  	_ =	shalt  }
0x79: {  	_ =	shalt  }
0x7a: {  	_ =	shalt  }
0x7b: {  	_ =	shalt  }
0x7c: {  	_ =	shalt  }
0x7d: {  	_ =	shalt  }
0x7e: {  	_ =	shalt  }
0x7f: {  	_ =	shalt  }
0x80: {  	_ =	shalt  }
0x81: {  	_ =	shalt  }
0x82: {  	_ =	shalt  }
0x83: {  	_ =	shalt  }
0x84: {  	_ =	shalt  }
0x85: {  	_ =	shalt  }
0x86: {  	_ =	shalt  }
0x87: {  	_ =	shalt  }
.Lfunc_end0:
.L_simem_size_0:
called_computation.2_lowered:
.L_overlay_start_0:
0x88: {  	s2 =	sld [smem:$0x3FD9]  }
0x89: {  	s3 =	sld [smem:$0x3FFE];
	_ =	sdelay $0x1  }
0x8a: {  	s1 =	srdreg.scid  }
0x8b: {  	s0 =	sand.u32 $0x1, s1  }
0x8c: {  	s17 =	sshll.u32 s0, $0xA;
	s2 =	sadd.s32 s3, s2  }
0x8d: {  	s2 =	sadd.s32 s2, s17  }
0x8e: {  	[smem:$0x3FC2] =	sst s2  }
0x8f: {  	_ = 	snop  }
0x90: {  	s2 =	sld [smem:$0x3FD0];
	(tm) =	ssettm $0x1  }
0x91: {  	s18 =	sld [smem:$0x3FFB];
	_ =	sdelay $0x3  }
0x92: {  	_ =	strace s18  }
0x93: {  	s3 =	sld [smem:$0x3FFC];
	_ =	sdelay $0x3  }
0x94: {  	_ =	strace s3  }
0x95: {  	s3 =	sld [smem:$0x3FFD];
	_ =	sdelay $0x3  }
0x96: {  	_ =	strace s3  }
0x97: {  	_ =	strace $0x8FFFFFFF  }
0x98: {  	s19 =	sld [smem:$0x3FDB];
	_ =	sdelay $0x1  }
0x99: {  	s4 =	simm.s32 $_scs_section_size  }
0x9a: {  	s5 =	simm.s32 $_size__tile_overlayer_lowered;
	s6 =	simm.s32 $_tile_overlayer_lowered  }
0x9b: {  	s22 =	simm.s32 $0x1BFF;
	s21 =	sshll.u32 s6, $0x1;
	s3 =	sadd.s32 s4, s19  }
0x9c: {  	s7 =	simm.s32 $0x0;
	s20 =	sshll.u32 s5, $0x1;
	s5 =	sadd.s32 s21, s3  }
0x9d: {  	[timem:s7], [sflag:s22] =	dma.local [hbm:s5], s20  }
0x9e: {  	_ =	swait.ge [sflag:s22], s20  }
0x9f: {  	s4 =	ssub.s32 $0x0, s20;
	[sflag:s22] =	ssyncset.done $0x0  }
0xa0: {  	[sflag:s22] =	ssyncadd.s32 s4;
	_ =	sdelay $0x1  }
0xa1: {  	s23 =	simm.s32 $0x1B8B  }
0xa2: {  	_ =	swait.ge [sflag:s23], $0x1  }
0xa3: {  	[sflag:s23] =	ssyncset.done $0x0  }
0xa4: {  	s25 =	simm.s32 $0x1B8E;
	s24 =	sld [smem:$0x3FFE];
	[sflag:s23] =	ssyncadd.s32 $0xFFFFFFFF  }
0xa5: {  	s26 =	simm.s32 $execute0_lowered;
	[smem:$0x3FD2] =	sst s25  }
0xa6: {  	s5 =	sshll.u32 s26, $0x1;
	_ =	strace $0x8000004C;
	[dreg:$0x1] =	wrdreg $0xFFFFFFFF  }
0xa7: {  	s28 =	simm.s32 $_size_execute0_lowered;
	s3 =	sadd.s32 s3, s5;
	[dreg:$0x0] =	wrdreg $0x0  }
0xa8: {  	s5 =	sshll.u32 s28, $0x1;
	[dreg:$0x2] =	wrdreg s3  }
0xa9: {  	[dreg:$0x3] =	wrdreg s5  }
0xaa: {  	[dreg:$0x4] =	wrdreg $0xC0  }
0xab: {  	_ =	task [dreg:s7], $0x5FFFF  }
0xac: {  	[dreg:$0x1] =	wrdreg $0xFFFFFFFF  }
0xad: {  	[dreg:$0x0] =	wrdreg $0x60  }
0xae: {  	[dreg:$0x2] =	wrdreg s24  }
0xaf: {  	[dreg:$0x3] =	wrdreg s2  }
0xb0: {  	[dreg:$0x4] =	wrdreg $0xA8800  }
0xb1: {  	[dreg:$0x5] =	wrdreg $0x9  }
0xb2: {  	_ =	task.clear_ibuf [dreg:s7], $0x6FFFF;
	_ =	strace $0x9000004C  }
0xb3: {  	s29 =	simm.s32 $0x9;
	_ =	strace $0x8000004E  }
0xb4: {  	_ =	swait.ge [sflag:s29], $0x1  }
0xb5: {  	[sflag:s29] =	ssyncadd.s32 $0xFFFFFFFF  }
0xb6: {  	_ =	strace $0x9000004E  }
0xb7: {  	_ =	sfence  }
0xb8: {  	s30 =	sld [smem:$0x0];
	_ =	sdelay $0x2  }
0xb9: {  	s31 =	sshll.u32 s1, $0xD;
	s1 =	sshrl.u32 s1, $0x2  }
0xba: {  	s3 =	sand.u32 $0x4000, s31;
	s1 =	sadd.s32 s1, s30  }
0xbb: {  	s0 =	sor.u32 s3, s0;
	s1 =	sshll.u32 s1, $0x11  }
0xbc: {  	s0 =	sor.u32 s1, s0  }
0xbd: {  	s0 =	sadd.s32 $0x8F2B, s0  }
0xbe: {  	[sflag:s0] =	ssyncadd.remote.s32 $0x1  }
0xbf: {  	_ =	sfence.sel $0xFFFF  }
0xc0: {  	[dreg:$0x0] =	wrdreg $0xFFFFFFFF;
	(pc) =	sbr.abs _section_cstart, $3  }
0xc1: {  	[dreg:$0x1] =	wrdreg $0xFFFFFFFF  }
0xc2: {  	_ =	task.clear_ibuf [dreg:s7], $0x2FFFF;
	_ =	strace $0x9FFFFFFF  }
0xc3: {  	(tm) =	ssettm $0x7FFFFFFF  }
tec
execute0_lowered:
.L_overlay_start_1:
0x0: {  	(tag) =	ssettag $0x1  }
0x1: {  	s0 =	rddreg [dreg:$0x0]  }
0x2: {  	s2 =	rddreg [dreg:$0x1]  }
0x3: {  	s1 =	rddreg [dreg:$0x2]  }
0x4: {  	s3 =	simm.s32 $0x0;
	s4 =	srdreg.scid;
	s8 =	stileid.u32  }
0x5: {  	s28 =	simm.s32 $0x4000;
	s29 =	simm.s32 $0x80C0;
	s30 =	simm.s32 $0x6000  }
0x6: {  	s31 =	simm.s32 $0x1;
	[smem:$0x7FF] =	sst s3;
	s10 =	sand.u32 $0x1, s4  }
0x7: {  	s4 =	sadd.s32 $0x34200, s0;
	s6 =	smul.u32 $0x4E000, s8;
	s11 =	sadd.s32 $0x3000, s0  }
0x8: {  	s12 =	smul.u32 $0x13800, s8;
	s0 =	sadd.s32 $0x5B400, s0;
	_ =	strace $0x8000004D  }
0x9: {  	s5 =	ssub.s32 $0x2, s10;
	s17 =	sshll.u32 s10, $0x4;
	s10 =	smul.u32 $0x138800, s10  }
0xa: {  	s7 =	sshrl.u32 s5, $0x1;
	s9 =	sor.u32 s8, s17;
	s18 =	sshrl.u32 s6, $0x2  }
0xb: {  	s14 =	sadd.s32 $0x4000, s12;
	s15 =	sadd.s32 $0x8000, s12;
	s16 =	sadd.s32 $0xC000, s12  }
0xc: {  	s13 =	ssub.s32 s5, s7;
	s5 =	sadd.s32 s18, s1;
	s17 =	smul.u32 $0x2800, s9  }
0xd: {  	s6 =	sadd.s32 s14, s1;
	s7 =	sadd.s32 s15, s1;
	s19 =	smul.u32 $0x500, s9  }
0xe: {  	s8 =	sadd.s32 s16, s1;
	s18 =	sadd.s32 $0x10000, s12;
	s24 =	sadd.s32 s10, s15  }
0xf: {  	s25 =	sadd.s32 s10, s16;
	s9 =	sadd.s32 s18, s1;
	s20 =	sadd.s32 s11, s19  }
0x10: {  	s26 =	sshrl.u32 s25, $0x3;
	s19 =	sadd.s32 s2, s19;
	[dreg:$0x4] =	wrdreg s20  }
0x11: {  	s25 =	simm.s32 $0x2000;
	s17 =	sshrl.u32 s17, $0x3;
	[dreg:$0x5] =	wrdreg s19  }
0x12: {  	s17 =	sadd.s32 $0x280, s17;
	s19 =	sadd.s32 s12, s10;
	s20 =	sadd.s32 s10, s14  }
0x13: {  	s10 =	sadd.s32 s10, s18;
	s11 =	sadd.s32 s11, s17;
	s2 =	sadd.s32 s2, s17  }
0x14: {  	s21 =	sshrl.u32 s19, $0x3;
	s22 =	sshrl.u32 s20, $0x3;
	s10 =	sshrl.u32 s10, $0x3  }
0x15: {  	s17 =	sadd.s32 s0, s26;
	s19 =	smax.u32 s13, $0x1;
	[dreg:$0x6] =	wrdreg s11  }
0x16: {  	s20 =	simm.s32 $0x3;
	s26 =	simm.s32 $0x8080;
	[dreg:$0x7] =	wrdreg s2  }
0x17: {  	s2 =	sadd.s32 s0, s21;
	s23 =	sadd.s32 s0, s22;
	s18 =	sadd.s32 s0, s10  }
0x18: {  	s21 =	simm.s32 $0x8000;
	s22 =	simm.s32 $0x9400;
	[dreg:$0x8] =	wrdreg s2  }
0x19: {  	s10 =	simm.s32 $0x2;
	s11 =	simm.s32 $0x0;
	[dreg:$0x9] =	wrdreg s23  }
0x1a: {  	s2 =	sshrl.u32 s24, $0x3;
	s23 =	simm.s32 $0x40;
	s24 =	simm.s32 $0x8040  }
0x1b: {  	v0 =	vimm.f32 $0.0e+00;
	s16 =	sadd.s32 s0, s2;
	s0 =	simm.s32 $0x80;
	s2 =	simm.s32 $0xA800  }
.LBB2_1:
0x1c: {  	s12 =	simm.s32 $0x0;
	s13 =	simm.s32 $0x200  }
.LBB2_2:
0x1d: {  	p0 =	sne.s32 s13, $0xFE00;
	[tilespmem:s12+$0x70] =	vst v0  }
0x1e: {  	[tilespmem:s12+$0x0] =	vst v0  }
0x1f: {  	[tilespmem:s12+$0x10] =	vst v0  }
.Ltmp0:
0x20: {  	[tilespmem:s12+$0x20] =	vst v0;
	(pc) =	sbr.rel @p0 .LBB2_2-.Ltmp0, $4  }
0x21: {  	[tilespmem:s12+$0x30] =	vst v0  }
0x22: {  	[tilespmem:s12+$0x40] =	vst v0  }
0x23: {  	[tilespmem:s12+$0x50] =	vst v0  }
0x24: {  	[tilespmem:s12+$0x60] =	vst v0;
	s12 =	sshra.s32 s13, $0x2;
	s13 =	sadd.s32 $0x200, s13  }
0x25: {  	[tilespmem:s12+$0x70] =	vst v0  }
0x26: {  	[tilespmem:s12+$0x0] =	vst v0  }
0x27: {  	[tilespmem:s12+$0x10] =	vst v0  }
0x28: {  	[tilespmem:s12+$0x20] =	vst v0  }
0x29: {  	[tilespmem:s12+$0x30] =	vst v0  }
0x2a: {  	[tilespmem:s12+$0x40] =	vst v0  }
0x2b: {  	[tilespmem:s12+$0x50] =	vst v0  }
0x2c: {  	[tilespmem:s12+$0x60] =	vst v0;
	s15 =	simm.s32 $0x0  }
0x2d: {  	[spmem:s5] =	stream.linear.scatter [tilespmem:s15], [sflag:$0x3], $0x4000, $0x38;
	[tilespmem:$0x1E500] =	vst v63  }
0x2e: {  	_ =	swait.ge [sflag:s20], $0x4000  }
0x2f: {  	[sflag:s20] =	ssyncset.done $0x0  }
0x30: {  	[sflag:s20] =	ssyncadd.s32 $0xFFFFC000  }
0x31: {  	[spmem:s6] =	stream.linear.scatter [tilespmem:s15], [sflag:$0x3], $0x4000, $0x38;
	[tilespmem:$0x1E500] =	vst v63  }
0x32: {  	_ =	swait.ge [sflag:s20], $0x4000  }
0x33: {  	[sflag:s20] =	ssyncset.done $0x0  }
0x34: {  	[sflag:s20] =	ssyncadd.s32 $0xFFFFC000  }
0x35: {  	[spmem:s7] =	stream.linear.scatter [tilespmem:s15], [sflag:$0x3], $0x4000, $0x38;
	[tilespmem:$0x1E500] =	vst v63  }
0x36: {  	_ =	swait.ge [sflag:s20], $0x4000  }
0x37: {  	[sflag:s20] =	ssyncset.done $0x0  }
0x38: {  	[sflag:s20] =	ssyncadd.s32 $0xFFFFC000  }
0x39: {  	[spmem:s8] =	stream.linear.scatter [tilespmem:s15], [sflag:$0x3], $0x4000, $0x38;
	[tilespmem:$0x1E500] =	vst v63  }
0x3a: {  	_ =	swait.ge [sflag:s20], $0x4000  }
0x3b: {  	[sflag:s20] =	ssyncset.done $0x0  }
0x3c: {  	[sflag:s20] =	ssyncadd.s32 $0xFFFFC000  }
0x3d: {  	[spmem:s9] =	stream.linear.scatter [tilespmem:s15], [sflag:$0x3], $0x4000, $0x38;
	[tilespmem:$0x1E500] =	vst v63  }
0x3e: {  	_ =	swait.ge [sflag:s20], $0x4000  }
0x3f: {  	[sflag:s20] =	ssyncset.done $0x0  }
0x40: {  	[sflag:s20] =	ssyncadd.s32 $0xFFFFC000  }
0x41: {  	[bflag:$0x0] =	sbarrier.arrive $0xFFFF  }
0x42: {  	s13 =	rddreg [dreg:$0x4]  }
0x43: {  	[tilespmem:s21], [sflag:$0x3] =	stream.linear.gather [hbm4b:s13+s15], $0x1400, $0x38;
	[tilespmem:$0x1E500] =	vst v63  }
0x44: {  	_ =	swait.ge [sflag:s20], $0x1400  }
0x45: {  	[sflag:s20] =	ssyncset.done $0x0  }
0x46: {  	s14 =	rddreg [dreg:$0x5];
	[sflag:s20] =	ssyncadd.s32 $0xFFFFEC00  }
0x47: {  	[tilespmem:s22], [sflag:$0x3] =	stream.linear.gather [hbm4b:s14+s15], $0x1400, $0x38;
	[tilespmem:$0x1E500] =	vst v63  }
0x48: {  	_ =	swait.ge [sflag:s20], $0x1400  }
0x49: {  	[sflag:s20] =	ssyncset.done $0x0  }
0x4a: {  	[sflag:s20] =	ssyncadd.s32 $0xFFFFEC00  }
0x4b: {  	[tilespmem:s15], [sflag:$0x1] =	stream.indirect.gather [hbm4b:s4+s23], $0x80, s21, s23, $0xb8;
	[tilespmem:$0x1E500] =	vst v63  }
0x4c: {  	_ = 	snop  }
0x4d: {  	[tilespmem:s25], [sflag:$0x1] =	stream.indirect.gather [hbm4b:s4+s23], $0x80, s24, s23, $0xb8;
	[tilespmem:$0x1E500] =	vst v63  }
0x4e: {  	_ = 	snop  }
0x4f: {  	[tilespmem:s28], [sflag:$0x2] =	stream.indirect.gather [hbm4b:s4+s23], $0x80, s26, s23, $0xb8;
	[tilespmem:$0x1E500] =	vst v63  }
0x50: {  	s12 =	simm.s32 $0x0  }
0x51: {  	[tilespmem:s30], [sflag:$0x2] =	stream.indirect.gather [hbm4b:s4+s23], $0x80, s29, s23, $0xb8;
	[tilespmem:$0x1E500] =	vst v63  }
0x52: {  	v1 =	vld [tilespmem:s12+$0x9400];
	_ =	sdelay $0x4  }
0x53: {  	[tilespmem:$0xA800] =	vst v1  }
0x54: {  	v1 =	vld [tilespmem:s12+$0x9410];
	_ =	sdelay $0x4  }
0x55: {  	[tilespmem:$0xA810] =	vst v1  }
0x56: {  	v1 =	vld [tilespmem:s12+$0x9420];
	_ =	sdelay $0x4  }
0x57: {  	[tilespmem:$0xA820] =	vst v1  }
0x58: {  	v1 =	vld [tilespmem:s12+$0x9430];
	_ =	sdelay $0x4  }
0x59: {  	[tilespmem:$0xA830] =	vst v1  }
0x5a: {  	v1 =	vld [tilespmem:s12+$0x9440];
	_ =	sdelay $0x4  }
0x5b: {  	[tilespmem:$0xA840] =	vst v1  }
0x5c: {  	v1 =	vld [tilespmem:s12+$0x9450];
	_ =	sdelay $0x4  }
0x5d: {  	[tilespmem:$0xA850] =	vst v1  }
0x5e: {  	v1 =	vld [tilespmem:s12+$0x9460];
	_ =	sdelay $0x4  }
0x5f: {  	[tilespmem:$0xA860] =	vst v1  }
0x60: {  	v1 =	vld [tilespmem:s12+$0x9470];
	_ =	sdelay $0x4  }
0x61: {  	[tilespmem:$0xA870] =	vst v1  }
0x62: {  	_ =	swait.ge [sflag:s31], $0x4000  }
0x63: {  	[sflag:s31] =	ssyncset.done $0x0  }
0x64: {  	[sflag:s31] =	ssyncadd.s32 $0xFFFFC000  }
0x65: {  	[spmem:s1] =	stream.indirect.scatter.add.f32 [tilespmem:s3], [sflag:$0x3], $0x80, s2, s0, $0xb8;
	[tilespmem:$0x1E500] =	vst v63  }
0x66: {  	_ =	swait.ge [sflag:s20], $0x4000  }
0x67: {  	[sflag:s20] =	ssyncset.done $0x0  }
0x68: {  	s15 =	simm.s32 $0x8100;
	[sflag:s20] =	ssyncadd.s32 $0xFFFFC000  }
0x69: {  	[tilespmem:s3], [sflag:$0x1] =	stream.indirect.gather [hbm4b:s4+s23], $0x80, s15, s23, $0xb8;
	[tilespmem:$0x1E500] =	vst v63  }
0x6a: {  	s14 =	simm.s32 $0x8140  }
0x6b: {  	[tilespmem:s25], [sflag:$0x1] =	stream.indirect.gather [hbm4b:s4+s23], $0x80, s14, s23, $0xb8;
	[tilespmem:$0x1E500] =	vst v63  }
0x6c: {  	v1 =	vld [tilespmem:s12+$0x9480];
	_ =	sdelay $0x4  }
0x6d: {  	[tilespmem:$0xA800] =	vst v1  }
0x6e: {  	v1 =	vld [tilespmem:s12+$0x9490];
	_ =	sdelay $0x4  }
0x6f: {  	[tilespmem:$0xA810] =	vst v1  }
0x70: {  	v1 =	vld [tilespmem:s12+$0x94A0];
	_ =	sdelay $0x4  }
0x71: {  	[tilespmem:$0xA820] =	vst v1  }
0x72: {  	v1 =	vld [tilespmem:s12+$0x94B0];
	_ =	sdelay $0x4  }
0x73: {  	[tilespmem:$0xA830] =	vst v1  }
0x74: {  	v1 =	vld [tilespmem:s12+$0x94C0];
	_ =	sdelay $0x4  }
0x75: {  	[tilespmem:$0xA840] =	vst v1  }
0x76: {  	v1 =	vld [tilespmem:s12+$0x94D0];
	_ =	sdelay $0x4  }
0x77: {  	[tilespmem:$0xA850] =	vst v1  }
0x78: {  	v1 =	vld [tilespmem:s12+$0x94E0];
	_ =	sdelay $0x4  }
0x79: {  	[tilespmem:$0xA860] =	vst v1  }
0x7a: {  	v1 =	vld [tilespmem:s12+$0x94F0];
	_ =	sdelay $0x4  }
0x7b: {  	[tilespmem:$0xA870] =	vst v1  }
0x7c: {  	_ =	swait.ge [sflag:s10], $0x4000  }
0x7d: {  	[sflag:s10] =	ssyncset.done $0x0  }
0x7e: {  	[sflag:s10] =	ssyncadd.s32 $0xFFFFC000  }
0x7f: {  	[spmem:s1] =	stream.indirect.scatter.add.f32 [tilespmem:s28], [sflag:$0x3], $0x80, s2, s0, $0xb8;
	[tilespmem:$0x1E500] =	vst v63  }
0x80: {  	_ =	swait.ge [sflag:s20], $0x4000  }
0x81: {  	[sflag:s20] =	ssyncset.done $0x0  }
0x82: {  	s15 =	simm.s32 $0x8180;
	[sflag:s20] =	ssyncadd.s32 $0xFFFFC000  }
0x83: {  	[tilespmem:s28], [sflag:$0x2] =	stream.indirect.gather [hbm4b:s4+s23], $0x80, s15, s23, $0xb8;
	[tilespmem:$0x1E500] =	vst v63  }
0x84: {  	s13 =	simm.s32 $0x800;
	s12 =	simm.s32 $0x100;
	s15 =	simm.s32 $0x81C0  }
.LBB2_4:
0x85: {  	[tilespmem:s30], [sflag:$0x2] =	stream.indirect.gather [hbm4b:s4+s23], $0x80, s15, s23, $0xb8;
	[tilespmem:$0x1E500] =	vst v63  }
0x86: {  	s14 =	sshra.s32 s13, $0x2;
	p0 =	sne.s32 s13, $0x4800;
	s13 =	sadd.s32 $0x400, s13;
	v1 =	vld [tilespmem:s12+$0x9400]  }
0x87: {  	_ =	sdelay $0x3  }
0x88: {  	[tilespmem:$0xA800] =	vst v1  }
0x89: {  	v1 =	vld [tilespmem:s12+$0x9410];
	_ =	sdelay $0x4  }
0x8a: {  	[tilespmem:$0xA810] =	vst v1  }
0x8b: {  	v1 =	vld [tilespmem:s12+$0x9420];
	_ =	sdelay $0x4  }
0x8c: {  	[tilespmem:$0xA820] =	vst v1  }
0x8d: {  	v1 =	vld [tilespmem:s12+$0x9430];
	_ =	sdelay $0x4  }
0x8e: {  	[tilespmem:$0xA830] =	vst v1  }
0x8f: {  	v1 =	vld [tilespmem:s12+$0x9440];
	_ =	sdelay $0x4  }
0x90: {  	[tilespmem:$0xA840] =	vst v1  }
0x91: {  	v1 =	vld [tilespmem:s12+$0x9450];
	_ =	sdelay $0x4  }
0x92: {  	[tilespmem:$0xA850] =	vst v1  }
0x93: {  	v1 =	vld [tilespmem:s12+$0x9460];
	_ =	sdelay $0x4  }
0x94: {  	[tilespmem:$0xA860] =	vst v1  }
0x95: {  	v1 =	vld [tilespmem:s12+$0x9470];
	_ =	sdelay $0x4  }
0x96: {  	[tilespmem:$0xA870] =	vst v1  }
0x97: {  	_ =	swait.ge [sflag:s31], $0x4000  }
0x98: {  	[sflag:s31] =	ssyncset.done $0x0  }
0x99: {  	[sflag:s31] =	ssyncadd.s32 $0xFFFFC000  }
0x9a: {  	[spmem:s1] =	stream.indirect.scatter.add.f32 [tilespmem:s3], [sflag:$0x3], $0x80, s2, s0, $0xb8;
	[tilespmem:$0x1E500] =	vst v63  }
0x9b: {  	_ =	swait.ge [sflag:s20], $0x4000  }
0x9c: {  	[sflag:s20] =	ssyncset.done $0x0  }
0x9d: {  	s15 =	sadd.s32 $0x8100, s12;
	[sflag:s20] =	ssyncadd.s32 $0xFFFFC000  }
0x9e: {  	[tilespmem:s3], [sflag:$0x1] =	stream.indirect.gather [hbm4b:s4+s23], $0x80, s15, s23, $0xb8;
	[tilespmem:$0x1E500] =	vst v63  }
0x9f: {  	s15 =	sadd.s32 $0x8140, s12  }
0xa0: {  	[tilespmem:s25], [sflag:$0x1] =	stream.indirect.gather [hbm4b:s4+s23], $0x80, s15, s23, $0xb8;
	[tilespmem:$0x1E500] =	vst v63  }
0xa1: {  	v1 =	vld [tilespmem:s12+$0x9480];
	_ =	sdelay $0x4  }
0xa2: {  	[tilespmem:$0xA800] =	vst v1  }
0xa3: {  	v1 =	vld [tilespmem:s12+$0x9490];
	_ =	sdelay $0x4  }
0xa4: {  	[tilespmem:$0xA810] =	vst v1  }
0xa5: {  	v1 =	vld [tilespmem:s12+$0x94A0];
	_ =	sdelay $0x4  }
0xa6: {  	[tilespmem:$0xA820] =	vst v1  }
0xa7: {  	v1 =	vld [tilespmem:s12+$0x94B0];
	_ =	sdelay $0x4  }
0xa8: {  	[tilespmem:$0xA830] =	vst v1  }
0xa9: {  	v1 =	vld [tilespmem:s12+$0x94C0];
	_ =	sdelay $0x4  }
0xaa: {  	[tilespmem:$0xA840] =	vst v1  }
0xab: {  	v1 =	vld [tilespmem:s12+$0x94D0];
	_ =	sdelay $0x4  }
0xac: {  	[tilespmem:$0xA850] =	vst v1  }
0xad: {  	v1 =	vld [tilespmem:s12+$0x94E0];
	_ =	sdelay $0x4  }
0xae: {  	[tilespmem:$0xA860] =	vst v1  }
0xaf: {  	v1 =	vld [tilespmem:s12+$0x94F0];
	_ =	sdelay $0x4  }
0xb0: {  	[tilespmem:$0xA870] =	vst v1  }
0xb1: {  	_ =	swait.ge [sflag:s10], $0x4000  }
0xb2: {  	[sflag:s10] =	ssyncset.done $0x0  }
0xb3: {  	[sflag:s10] =	ssyncadd.s32 $0xFFFFC000  }
0xb4: {  	[spmem:s1] =	stream.indirect.scatter.add.f32 [tilespmem:s28], [sflag:$0x3], $0x80, s2, s0, $0xb8;
	[tilespmem:$0x1E500] =	vst v63  }
.Ltmp1:
0xb5: {  	_ =	swait.ge [sflag:s20], $0x4000;
	(pc) =	sbr.rel @p0 .LBB2_4-.Ltmp1, $4  }
0xb6: {  	[sflag:s20] =	ssyncset.done $0x0  }
0xb7: {  	s15 =	sadd.s32 $0x8180, s12;
	[sflag:s20] =	ssyncadd.s32 $0xFFFFC000  }
0xb8: {  	[tilespmem:s28], [sflag:$0x2] =	stream.indirect.gather [hbm4b:s4+s23], $0x80, s15, s23, $0xb8;
	[tilespmem:$0x1E500] =	vst v63  }
0xb9: {  	s15 =	sadd.s32 $0x81C0, s12;
	s12 =	smov.u32 s14  }
0xba: {  	[tilespmem:s30], [sflag:$0x2] =	stream.indirect.gather [hbm4b:s4+s23], $0x80, s15, s23, $0xb8;
	[tilespmem:$0x1E500] =	vst v63  }
0xbb: {  	v1 =	vld [tilespmem:s12+$0x9400];
	_ =	sdelay $0x4  }
0xbc: {  	[tilespmem:$0xA800] =	vst v1  }
0xbd: {  	v1 =	vld [tilespmem:s12+$0x9410];
	_ =	sdelay $0x4  }
0xbe: {  	[tilespmem:$0xA810] =	vst v1  }
0xbf: {  	v1 =	vld [tilespmem:s12+$0x9420];
	_ =	sdelay $0x4  }
0xc0: {  	[tilespmem:$0xA820] =	vst v1  }
0xc1: {  	v1 =	vld [tilespmem:s12+$0x9430];
	_ =	sdelay $0x4  }
0xc2: {  	[tilespmem:$0xA830] =	vst v1  }
0xc3: {  	v1 =	vld [tilespmem:s12+$0x9440];
	_ =	sdelay $0x4  }
0xc4: {  	[tilespmem:$0xA840] =	vst v1  }
0xc5: {  	v1 =	vld [tilespmem:s12+$0x9450];
	_ =	sdelay $0x4  }
0xc6: {  	[tilespmem:$0xA850] =	vst v1  }
0xc7: {  	v1 =	vld [tilespmem:s12+$0x9460];
	_ =	sdelay $0x4  }
0xc8: {  	[tilespmem:$0xA860] =	vst v1  }
0xc9: {  	v1 =	vld [tilespmem:s12+$0x9470];
	_ =	sdelay $0x4  }
0xca: {  	[tilespmem:$0xA870] =	vst v1  }
0xcb: {  	_ =	swait.ge [sflag:s31], $0x4000  }
0xcc: {  	[sflag:s31] =	ssyncset.done $0x0  }
0xcd: {  	[sflag:s31] =	ssyncadd.s32 $0xFFFFC000  }
0xce: {  	[spmem:s1] =	stream.indirect.scatter.add.f32 [tilespmem:s3], [sflag:$0x3], $0x80, s2, s0, $0xb8;
	[tilespmem:$0x1E500] =	vst v63  }
0xcf: {  	_ =	swait.ge [sflag:s20], $0x4000  }
0xd0: {  	[sflag:s20] =	ssyncset.done $0x0  }
0xd1: {  	s13 =	sadd.s32 $0x8100, s12;
	[sflag:s20] =	ssyncadd.s32 $0xFFFFC000  }
0xd2: {  	[tilespmem:s3], [sflag:$0x1] =	stream.indirect.gather [hbm4b:s4+s23], $0x80, s13, s23, $0xb8;
	[tilespmem:$0x1E500] =	vst v63  }
0xd3: {  	s14 =	sadd.s32 $0x8140, s12  }
0xd4: {  	[tilespmem:s25], [sflag:$0x1] =	stream.indirect.gather [hbm4b:s4+s23], $0x80, s14, s23, $0xb8;
	[tilespmem:$0x1E500] =	vst v63  }
0xd5: {  	v1 =	vld [tilespmem:s12+$0x9480];
	_ =	sdelay $0x4  }
0xd6: {  	[tilespmem:$0xA800] =	vst v1  }
0xd7: {  	v1 =	vld [tilespmem:s12+$0x9490];
	_ =	sdelay $0x4  }
0xd8: {  	[tilespmem:$0xA810] =	vst v1  }
0xd9: {  	v1 =	vld [tilespmem:s12+$0x94A0];
	_ =	sdelay $0x4  }
0xda: {  	[tilespmem:$0xA820] =	vst v1  }
0xdb: {  	v1 =	vld [tilespmem:s12+$0x94B0];
	_ =	sdelay $0x4  }
0xdc: {  	[tilespmem:$0xA830] =	vst v1  }
0xdd: {  	v1 =	vld [tilespmem:s12+$0x94C0];
	_ =	sdelay $0x4  }
0xde: {  	[tilespmem:$0xA840] =	vst v1  }
0xdf: {  	v1 =	vld [tilespmem:s12+$0x94D0];
	_ =	sdelay $0x4  }
0xe0: {  	[tilespmem:$0xA850] =	vst v1  }
0xe1: {  	v1 =	vld [tilespmem:s12+$0x94E0];
	_ =	sdelay $0x4  }
0xe2: {  	[tilespmem:$0xA860] =	vst v1  }
0xe3: {  	v1 =	vld [tilespmem:s12+$0x94F0];
	_ =	sdelay $0x4  }
0xe4: {  	[tilespmem:$0xA870] =	vst v1  }
0xe5: {  	_ =	swait.ge [sflag:s10], $0x4000  }
0xe6: {  	[sflag:s10] =	ssyncset.done $0x0  }
0xe7: {  	[sflag:s10] =	ssyncadd.s32 $0xFFFFC000  }
0xe8: {  	[spmem:s1] =	stream.indirect.scatter.add.f32 [tilespmem:s28], [sflag:$0x3], $0x80, s2, s0, $0xb8;
	[tilespmem:$0x1E500] =	vst v63  }
0xe9: {  	_ =	swait.ge [sflag:s20], $0x4000  }
0xea: {  	[sflag:s20] =	ssyncset.done $0x0  }
0xeb: {  	s15 =	sadd.s32 $0x8180, s12;
	[sflag:s20] =	ssyncadd.s32 $0xFFFFC000  }
0xec: {  	[tilespmem:s28], [sflag:$0x2] =	stream.indirect.gather [hbm4b:s4+s23], $0x80, s15, s23, $0xb8;
	[tilespmem:$0x1E500] =	vst v63  }
0xed: {  	s14 =	sadd.s32 $0x81C0, s12  }
0xee: {  	[tilespmem:s30], [sflag:$0x2] =	stream.indirect.gather [hbm4b:s4+s23], $0x80, s14, s23, $0xb8;
	[tilespmem:$0x1E500] =	vst v63  }
0xef: {  	v1 =	vld [tilespmem:$0xA700]  }
0xf0: {  	v2 =	vld [tilespmem:$0xA710]  }
0xf1: {  	v3 =	vld [tilespmem:$0xA720]  }
0xf2: {  	v4 =	vld [tilespmem:$0xA730]  }
0xf3: {  	v5 =	vld [tilespmem:$0xA740]  }
0xf4: {  	[tilespmem:$0xA800] =	vst v1;
	v1 =	vld [tilespmem:$0xA750]  }
0xf5: {  	[tilespmem:$0xA810] =	vst v2;
	v2 =	vld [tilespmem:$0xA760]  }
0xf6: {  	[tilespmem:$0xA820] =	vst v3;
	v3 =	vld [tilespmem:$0xA770]  }
0xf7: {  	[tilespmem:$0xA830] =	vst v4  }
0xf8: {  	[tilespmem:$0xA840] =	vst v5  }
0xf9: {  	[tilespmem:$0xA850] =	vst v1  }
0xfa: {  	[tilespmem:$0xA860] =	vst v2  }
0xfb: {  	[tilespmem:$0xA870] =	vst v3  }
0xfc: {  	_ =	swait.ge [sflag:s31], $0x4000  }
0xfd: {  	[sflag:s31] =	ssyncset.done $0x0  }
0xfe: {  	s12 =	simm.s32 $0x0;
	[sflag:s31] =	ssyncadd.s32 $0xFFFFC000  }
0xff: {  	[spmem:s1] =	stream.indirect.scatter.add.f32 [tilespmem:s12], [sflag:$0x3], $0x80, s2, s0, $0xb8;
	[tilespmem:$0x1E500] =	vst v63  }
0x100: {  	_ =	swait.ge [sflag:s20], $0x4000  }
0x101: {  	[sflag:s20] =	ssyncset.done $0x0  }
0x102: {  	[sflag:s20] =	ssyncadd.s32 $0xFFFFC000  }
0x103: {  	v1 =	vld [tilespmem:$0xA780]  }
0x104: {  	v2 =	vld [tilespmem:$0xA790]  }
0x105: {  	v3 =	vld [tilespmem:$0xA7A0]  }
0x106: {  	v62 =	vld [tilespmem:$0xA7B0]  }
0x107: {  	v63 =	vld [tilespmem:$0xA7C0]  }
0x108: {  	[tilespmem:$0xA800] =	vst v1;
	v1 =	vld [tilespmem:$0xA7D0]  }
0x109: {  	[tilespmem:$0xA810] =	vst v2;
	v2 =	vld [tilespmem:$0xA7E0]  }
0x10a: {  	[tilespmem:$0xA820] =	vst v3;
	v3 =	vld [tilespmem:$0xA7F0]  }
0x10b: {  	[tilespmem:$0xA830] =	vst v62  }
0x10c: {  	[tilespmem:$0xA840] =	vst v63  }
0x10d: {  	[tilespmem:$0xA850] =	vst v1  }
0x10e: {  	[tilespmem:$0xA860] =	vst v2  }
0x10f: {  	[tilespmem:$0xA870] =	vst v3  }
0x110: {  	_ =	swait.ge [sflag:s10], $0x4000  }
0x111: {  	[sflag:s10] =	ssyncset.done $0x0  }
0x112: {  	[sflag:s10] =	ssyncadd.s32 $0xFFFFC000  }
0x113: {  	[spmem:s1] =	stream.indirect.scatter.add.f32 [tilespmem:s28], [sflag:$0x3], $0x80, s2, s0, $0xb8;
	[tilespmem:$0x1E500] =	vst v63  }
0x114: {  	_ =	swait.ge [sflag:s20], $0x4000  }
0x115: {  	[sflag:s20] =	ssyncset.done $0x0  }
0x116: {  	s15 =	rddreg [dreg:$0x6];
	[sflag:s20] =	ssyncadd.s32 $0xFFFFC000  }
0x117: {  	[tilespmem:s21], [sflag:$0x3] =	stream.linear.gather [hbm4b:s15+s12], $0x1400, $0x38;
	[tilespmem:$0x1E500] =	vst v63  }
0x118: {  	_ =	swait.ge [sflag:s20], $0x1400  }
0x119: {  	[sflag:s20] =	ssyncset.done $0x0  }
0x11a: {  	s14 =	rddreg [dreg:$0x7];
	[sflag:s20] =	ssyncadd.s32 $0xFFFFEC00  }
0x11b: {  	[tilespmem:s22], [sflag:$0x3] =	stream.linear.gather [hbm4b:s14+s12], $0x1400, $0x38;
	[tilespmem:$0x1E500] =	vst v63  }
0x11c: {  	_ =	swait.ge [sflag:s20], $0x1400  }
0x11d: {  	[sflag:s20] =	ssyncset.done $0x0  }
0x11e: {  	[sflag:s20] =	ssyncadd.s32 $0xFFFFEC00  }
0x11f: {  	[tilespmem:s12], [sflag:$0x1] =	stream.indirect.gather [hbm4b:s4+s23], $0x80, s21, s23, $0xb8;
	[tilespmem:$0x1E500] =	vst v63  }
0x120: {  	_ = 	snop  }
0x121: {  	[tilespmem:s25], [sflag:$0x1] =	stream.indirect.gather [hbm4b:s4+s23], $0x80, s24, s23, $0xb8;
	[tilespmem:$0x1E500] =	vst v63  }
0x122: {  	_ = 	snop  }
0x123: {  	[tilespmem:s28], [sflag:$0x2] =	stream.indirect.gather [hbm4b:s4+s23], $0x80, s26, s23, $0xb8;
	[tilespmem:$0x1E500] =	vst v63  }
0x124: {  	s12 =	simm.s32 $0x0  }
0x125: {  	[tilespmem:s30], [sflag:$0x2] =	stream.indirect.gather [hbm4b:s4+s23], $0x80, s29, s23, $0xb8;
	[tilespmem:$0x1E500] =	vst v63  }
0x126: {  	v1 =	vld [tilespmem:s12+$0x9400];
	_ =	sdelay $0x4  }
0x127: {  	[tilespmem:$0xA800] =	vst v1  }
0x128: {  	v1 =	vld [tilespmem:s12+$0x9410];
	_ =	sdelay $0x4  }
0x129: {  	[tilespmem:$0xA810] =	vst v1  }
0x12a: {  	v1 =	vld [tilespmem:s12+$0x9420];
	_ =	sdelay $0x4  }
0x12b: {  	[tilespmem:$0xA820] =	vst v1  }
0x12c: {  	v1 =	vld [tilespmem:s12+$0x9430];
	_ =	sdelay $0x4  }
0x12d: {  	[tilespmem:$0xA830] =	vst v1  }
0x12e: {  	v1 =	vld [tilespmem:s12+$0x9440];
	_ =	sdelay $0x4  }
0x12f: {  	[tilespmem:$0xA840] =	vst v1  }
0x130: {  	v1 =	vld [tilespmem:s12+$0x9450];
	_ =	sdelay $0x4  }
0x131: {  	[tilespmem:$0xA850] =	vst v1  }
0x132: {  	v1 =	vld [tilespmem:s12+$0x9460];
	_ =	sdelay $0x4  }
0x133: {  	[tilespmem:$0xA860] =	vst v1  }
0x134: {  	v1 =	vld [tilespmem:s12+$0x9470];
	_ =	sdelay $0x4  }
0x135: {  	[tilespmem:$0xA870] =	vst v1  }
0x136: {  	_ =	swait.ge [sflag:s31], $0x4000  }
0x137: {  	[sflag:s31] =	ssyncset.done $0x0  }
0x138: {  	[sflag:s31] =	ssyncadd.s32 $0xFFFFC000  }
0x139: {  	[spmem:s1] =	stream.indirect.scatter.add.f32 [tilespmem:s3], [sflag:$0x3], $0x80, s2, s0, $0xb8;
	[tilespmem:$0x1E500] =	vst v63  }
0x13a: {  	_ =	swait.ge [sflag:s20], $0x4000  }
0x13b: {  	[sflag:s20] =	ssyncset.done $0x0  }
0x13c: {  	s15 =	simm.s32 $0x8100;
	[sflag:s20] =	ssyncadd.s32 $0xFFFFC000  }
0x13d: {  	[tilespmem:s3], [sflag:$0x1] =	stream.indirect.gather [hbm4b:s4+s23], $0x80, s15, s23, $0xb8;
	[tilespmem:$0x1E500] =	vst v63  }
0x13e: {  	s14 =	simm.s32 $0x8140  }
0x13f: {  	[tilespmem:s25], [sflag:$0x1] =	stream.indirect.gather [hbm4b:s4+s23], $0x80, s14, s23, $0xb8;
	[tilespmem:$0x1E500] =	vst v63  }
0x140: {  	v1 =	vld [tilespmem:s12+$0x9480];
	_ =	sdelay $0x4  }
0x141: {  	[tilespmem:$0xA800] =	vst v1  }
0x142: {  	v1 =	vld [tilespmem:s12+$0x9490];
	_ =	sdelay $0x4  }
0x143: {  	[tilespmem:$0xA810] =	vst v1  }
0x144: {  	v1 =	vld [tilespmem:s12+$0x94A0];
	_ =	sdelay $0x4  }
0x145: {  	[tilespmem:$0xA820] =	vst v1  }
0x146: {  	v1 =	vld [tilespmem:s12+$0x94B0];
	_ =	sdelay $0x4  }
0x147: {  	[tilespmem:$0xA830] =	vst v1  }
0x148: {  	v1 =	vld [tilespmem:s12+$0x94C0];
	_ =	sdelay $0x4  }
0x149: {  	[tilespmem:$0xA840] =	vst v1  }
0x14a: {  	v1 =	vld [tilespmem:s12+$0x94D0];
	_ =	sdelay $0x4  }
0x14b: {  	[tilespmem:$0xA850] =	vst v1  }
0x14c: {  	v1 =	vld [tilespmem:s12+$0x94E0];
	_ =	sdelay $0x4  }
0x14d: {  	[tilespmem:$0xA860] =	vst v1  }
0x14e: {  	v1 =	vld [tilespmem:s12+$0x94F0];
	_ =	sdelay $0x4  }
0x14f: {  	[tilespmem:$0xA870] =	vst v1  }
0x150: {  	_ =	swait.ge [sflag:s10], $0x4000  }
0x151: {  	[sflag:s10] =	ssyncset.done $0x0  }
0x152: {  	[sflag:s10] =	ssyncadd.s32 $0xFFFFC000  }
0x153: {  	[spmem:s1] =	stream.indirect.scatter.add.f32 [tilespmem:s28], [sflag:$0x3], $0x80, s2, s0, $0xb8;
	[tilespmem:$0x1E500] =	vst v63  }
0x154: {  	_ =	swait.ge [sflag:s20], $0x4000  }
0x155: {  	[sflag:s20] =	ssyncset.done $0x0  }
0x156: {  	s15 =	simm.s32 $0x8180;
	[sflag:s20] =	ssyncadd.s32 $0xFFFFC000  }
0x157: {  	[tilespmem:s28], [sflag:$0x2] =	stream.indirect.gather [hbm4b:s4+s23], $0x80, s15, s23, $0xb8;
	[tilespmem:$0x1E500] =	vst v63  }
0x158: {  	s13 =	simm.s32 $0x800;
	s12 =	simm.s32 $0x100;
	s15 =	simm.s32 $0x81C0  }
.LBB2_6:
0x159: {  	[tilespmem:s30], [sflag:$0x2] =	stream.indirect.gather [hbm4b:s4+s23], $0x80, s15, s23, $0xb8;
	[tilespmem:$0x1E500] =	vst v63  }
0x15a: {  	s14 =	sshra.s32 s13, $0x2;
	p0 =	sne.s32 s13, $0x4800;
	s13 =	sadd.s32 $0x400, s13;
	v1 =	vld [tilespmem:s12+$0x9400]  }
0x15b: {  	_ =	sdelay $0x3  }
0x15c: {  	[tilespmem:$0xA800] =	vst v1  }
0x15d: {  	v1 =	vld [tilespmem:s12+$0x9410];
	_ =	sdelay $0x4  }
0x15e: {  	[tilespmem:$0xA810] =	vst v1  }
0x15f: {  	v1 =	vld [tilespmem:s12+$0x9420];
	_ =	sdelay $0x4  }
0x160: {  	[tilespmem:$0xA820] =	vst v1  }
0x161: {  	v1 =	vld [tilespmem:s12+$0x9430];
	_ =	sdelay $0x4  }
0x162: {  	[tilespmem:$0xA830] =	vst v1  }
0x163: {  	v1 =	vld [tilespmem:s12+$0x9440];
	_ =	sdelay $0x4  }
0x164: {  	[tilespmem:$0xA840] =	vst v1  }
0x165: {  	v1 =	vld [tilespmem:s12+$0x9450];
	_ =	sdelay $0x4  }
0x166: {  	[tilespmem:$0xA850] =	vst v1  }
0x167: {  	v1 =	vld [tilespmem:s12+$0x9460];
	_ =	sdelay $0x4  }
0x168: {  	[tilespmem:$0xA860] =	vst v1  }
0x169: {  	v1 =	vld [tilespmem:s12+$0x9470];
	_ =	sdelay $0x4  }
0x16a: {  	[tilespmem:$0xA870] =	vst v1  }
0x16b: {  	_ =	swait.ge [sflag:s31], $0x4000  }
0x16c: {  	[sflag:s31] =	ssyncset.done $0x0  }
0x16d: {  	[sflag:s31] =	ssyncadd.s32 $0xFFFFC000  }
0x16e: {  	[spmem:s1] =	stream.indirect.scatter.add.f32 [tilespmem:s3], [sflag:$0x3], $0x80, s2, s0, $0xb8;
	[tilespmem:$0x1E500] =	vst v63  }
0x16f: {  	_ =	swait.ge [sflag:s20], $0x4000  }
0x170: {  	[sflag:s20] =	ssyncset.done $0x0  }
0x171: {  	s15 =	sadd.s32 $0x8100, s12;
	[sflag:s20] =	ssyncadd.s32 $0xFFFFC000  }
0x172: {  	[tilespmem:s3], [sflag:$0x1] =	stream.indirect.gather [hbm4b:s4+s23], $0x80, s15, s23, $0xb8;
	[tilespmem:$0x1E500] =	vst v63  }
0x173: {  	s15 =	sadd.s32 $0x8140, s12  }
0x174: {  	[tilespmem:s25], [sflag:$0x1] =	stream.indirect.gather [hbm4b:s4+s23], $0x80, s15, s23, $0xb8;
	[tilespmem:$0x1E500] =	vst v63  }
0x175: {  	v1 =	vld [tilespmem:s12+$0x9480];
	_ =	sdelay $0x4  }
0x176: {  	[tilespmem:$0xA800] =	vst v1  }
0x177: {  	v1 =	vld [tilespmem:s12+$0x9490];
	_ =	sdelay $0x4  }
0x178: {  	[tilespmem:$0xA810] =	vst v1  }
0x179: {  	v1 =	vld [tilespmem:s12+$0x94A0];
	_ =	sdelay $0x4  }
0x17a: {  	[tilespmem:$0xA820] =	vst v1  }
0x17b: {  	v1 =	vld [tilespmem:s12+$0x94B0];
	_ =	sdelay $0x4  }
0x17c: {  	[tilespmem:$0xA830] =	vst v1  }
0x17d: {  	v1 =	vld [tilespmem:s12+$0x94C0];
	_ =	sdelay $0x4  }
0x17e: {  	[tilespmem:$0xA840] =	vst v1  }
0x17f: {  	v1 =	vld [tilespmem:s12+$0x94D0];
	_ =	sdelay $0x4  }
0x180: {  	[tilespmem:$0xA850] =	vst v1  }
0x181: {  	v1 =	vld [tilespmem:s12+$0x94E0];
	_ =	sdelay $0x4  }
0x182: {  	[tilespmem:$0xA860] =	vst v1  }
0x183: {  	v1 =	vld [tilespmem:s12+$0x94F0];
	_ =	sdelay $0x4  }
0x184: {  	[tilespmem:$0xA870] =	vst v1  }
0x185: {  	_ =	swait.ge [sflag:s10], $0x4000  }
0x186: {  	[sflag:s10] =	ssyncset.done $0x0  }
0x187: {  	[sflag:s10] =	ssyncadd.s32 $0xFFFFC000  }
0x188: {  	[spmem:s1] =	stream.indirect.scatter.add.f32 [tilespmem:s28], [sflag:$0x3], $0x80, s2, s0, $0xb8;
	[tilespmem:$0x1E500] =	vst v63  }
.Ltmp2:
0x189: {  	_ =	swait.ge [sflag:s20], $0x4000;
	(pc) =	sbr.rel @p0 .LBB2_6-.Ltmp2, $4  }
0x18a: {  	[sflag:s20] =	ssyncset.done $0x0  }
0x18b: {  	s15 =	sadd.s32 $0x8180, s12;
	[sflag:s20] =	ssyncadd.s32 $0xFFFFC000  }
0x18c: {  	[tilespmem:s28], [sflag:$0x2] =	stream.indirect.gather [hbm4b:s4+s23], $0x80, s15, s23, $0xb8;
	[tilespmem:$0x1E500] =	vst v63  }
0x18d: {  	s15 =	sadd.s32 $0x81C0, s12;
	s12 =	smov.u32 s14  }
0x18e: {  	[tilespmem:s30], [sflag:$0x2] =	stream.indirect.gather [hbm4b:s4+s23], $0x80, s15, s23, $0xb8;
	[tilespmem:$0x1E500] =	vst v63  }
0x18f: {  	v1 =	vld [tilespmem:s12+$0x9400];
	_ =	sdelay $0x4  }
0x190: {  	[tilespmem:$0xA800] =	vst v1  }
0x191: {  	v1 =	vld [tilespmem:s12+$0x9410];
	_ =	sdelay $0x4  }
0x192: {  	[tilespmem:$0xA810] =	vst v1  }
0x193: {  	v1 =	vld [tilespmem:s12+$0x9420];
	_ =	sdelay $0x4  }
0x194: {  	[tilespmem:$0xA820] =	vst v1  }
0x195: {  	v1 =	vld [tilespmem:s12+$0x9430];
	_ =	sdelay $0x4  }
0x196: {  	[tilespmem:$0xA830] =	vst v1  }
0x197: {  	v1 =	vld [tilespmem:s12+$0x9440];
	_ =	sdelay $0x4  }
0x198: {  	[tilespmem:$0xA840] =	vst v1  }
0x199: {  	v1 =	vld [tilespmem:s12+$0x9450];
	_ =	sdelay $0x4  }
0x19a: {  	[tilespmem:$0xA850] =	vst v1  }
0x19b: {  	v1 =	vld [tilespmem:s12+$0x9460];
	_ =	sdelay $0x4  }
0x19c: {  	[tilespmem:$0xA860] =	vst v1  }
0x19d: {  	v1 =	vld [tilespmem:s12+$0x9470];
	_ =	sdelay $0x4  }
0x19e: {  	[tilespmem:$0xA870] =	vst v1  }
0x19f: {  	_ =	swait.ge [sflag:s31], $0x4000  }
0x1a0: {  	[sflag:s31] =	ssyncset.done $0x0  }
0x1a1: {  	[sflag:s31] =	ssyncadd.s32 $0xFFFFC000  }
0x1a2: {  	[spmem:s1] =	stream.indirect.scatter.add.f32 [tilespmem:s3], [sflag:$0x3], $0x80, s2, s0, $0xb8;
	[tilespmem:$0x1E500] =	vst v63  }
0x1a3: {  	_ =	swait.ge [sflag:s20], $0x4000  }
0x1a4: {  	[sflag:s20] =	ssyncset.done $0x0  }
0x1a5: {  	s13 =	sadd.s32 $0x8100, s12;
	[sflag:s20] =	ssyncadd.s32 $0xFFFFC000  }
0x1a6: {  	[tilespmem:s3], [sflag:$0x1] =	stream.indirect.gather [hbm4b:s4+s23], $0x80, s13, s23, $0xb8;
	[tilespmem:$0x1E500] =	vst v63  }
0x1a7: {  	s14 =	sadd.s32 $0x8140, s12  }
0x1a8: {  	[tilespmem:s25], [sflag:$0x1] =	stream.indirect.gather [hbm4b:s4+s23], $0x80, s14, s23, $0xb8;
	[tilespmem:$0x1E500] =	vst v63  }
0x1a9: {  	v1 =	vld [tilespmem:s12+$0x9480];
	_ =	sdelay $0x4  }
0x1aa: {  	[tilespmem:$0xA800] =	vst v1  }
0x1ab: {  	v1 =	vld [tilespmem:s12+$0x9490];
	_ =	sdelay $0x4  }
0x1ac: {  	[tilespmem:$0xA810] =	vst v1  }
0x1ad: {  	v1 =	vld [tilespmem:s12+$0x94A0];
	_ =	sdelay $0x4  }
0x1ae: {  	[tilespmem:$0xA820] =	vst v1  }
0x1af: {  	v1 =	vld [tilespmem:s12+$0x94B0];
	_ =	sdelay $0x4  }
0x1b0: {  	[tilespmem:$0xA830] =	vst v1  }
0x1b1: {  	v1 =	vld [tilespmem:s12+$0x94C0];
	_ =	sdelay $0x4  }
0x1b2: {  	[tilespmem:$0xA840] =	vst v1  }
0x1b3: {  	v1 =	vld [tilespmem:s12+$0x94D0];
	_ =	sdelay $0x4  }
0x1b4: {  	[tilespmem:$0xA850] =	vst v1  }
0x1b5: {  	v1 =	vld [tilespmem:s12+$0x94E0];
	_ =	sdelay $0x4  }
0x1b6: {  	[tilespmem:$0xA860] =	vst v1  }
0x1b7: {  	v1 =	vld [tilespmem:s12+$0x94F0];
	_ =	sdelay $0x4  }
0x1b8: {  	[tilespmem:$0xA870] =	vst v1  }
0x1b9: {  	_ =	swait.ge [sflag:s10], $0x4000  }
0x1ba: {  	[sflag:s10] =	ssyncset.done $0x0  }
0x1bb: {  	[sflag:s10] =	ssyncadd.s32 $0xFFFFC000  }
0x1bc: {  	[spmem:s1] =	stream.indirect.scatter.add.f32 [tilespmem:s28], [sflag:$0x3], $0x80, s2, s0, $0xb8;
	[tilespmem:$0x1E500] =	vst v63  }
0x1bd: {  	_ =	swait.ge [sflag:s20], $0x4000  }
0x1be: {  	[sflag:s20] =	ssyncset.done $0x0  }
0x1bf: {  	s15 =	sadd.s32 $0x8180, s12;
	[sflag:s20] =	ssyncadd.s32 $0xFFFFC000  }
0x1c0: {  	[tilespmem:s28], [sflag:$0x2] =	stream.indirect.gather [hbm4b:s4+s23], $0x80, s15, s23, $0xb8;
	[tilespmem:$0x1E500] =	vst v63  }
0x1c1: {  	s13 =	sadd.s32 $0x81C0, s12  }
0x1c2: {  	[tilespmem:s30], [sflag:$0x2] =	stream.indirect.gather [hbm4b:s4+s23], $0x80, s13, s23, $0xb8;
	[tilespmem:$0x1E500] =	vst v63  }
0x1c3: {  	v1 =	vld [tilespmem:$0xA700]  }
0x1c4: {  	v2 =	vld [tilespmem:$0xA710]  }
0x1c5: {  	v3 =	vld [tilespmem:$0xA720]  }
0x1c6: {  	v4 =	vld [tilespmem:$0xA730]  }
0x1c7: {  	v5 =	vld [tilespmem:$0xA740]  }
0x1c8: {  	[tilespmem:$0xA800] =	vst v1;
	v1 =	vld [tilespmem:$0xA750]  }
0x1c9: {  	[tilespmem:$0xA810] =	vst v2;
	v2 =	vld [tilespmem:$0xA760]  }
0x1ca: {  	[tilespmem:$0xA820] =	vst v3;
	v3 =	vld [tilespmem:$0xA770]  }
0x1cb: {  	[tilespmem:$0xA830] =	vst v4  }
0x1cc: {  	[tilespmem:$0xA840] =	vst v5  }
0x1cd: {  	[tilespmem:$0xA850] =	vst v1  }
0x1ce: {  	[tilespmem:$0xA860] =	vst v2  }
0x1cf: {  	[tilespmem:$0xA870] =	vst v3  }
0x1d0: {  	_ =	swait.ge [sflag:s31], $0x4000  }
0x1d1: {  	[sflag:s31] =	ssyncset.done $0x0  }
0x1d2: {  	[sflag:s31] =	ssyncadd.s32 $0xFFFFC000  }
0x1d3: {  	[spmem:s1] =	stream.indirect.scatter.add.f32 [tilespmem:s3], [sflag:$0x3], $0x80, s2, s0, $0xb8;
	[tilespmem:$0x1E500] =	vst v63  }
0x1d4: {  	_ =	swait.ge [sflag:s20], $0x4000  }
0x1d5: {  	[sflag:s20] =	ssyncset.done $0x0  }
0x1d6: {  	[sflag:s20] =	ssyncadd.s32 $0xFFFFC000  }
0x1d7: {  	v1 =	vld [tilespmem:$0xA780]  }
0x1d8: {  	v2 =	vld [tilespmem:$0xA790]  }
0x1d9: {  	v3 =	vld [tilespmem:$0xA7A0]  }
0x1da: {  	v62 =	vld [tilespmem:$0xA7B0]  }
0x1db: {  	v63 =	vld [tilespmem:$0xA7C0]  }
0x1dc: {  	[tilespmem:$0xA800] =	vst v1;
	v1 =	vld [tilespmem:$0xA7D0]  }
0x1dd: {  	[tilespmem:$0xA810] =	vst v2;
	v2 =	vld [tilespmem:$0xA7E0]  }
0x1de: {  	[tilespmem:$0xA820] =	vst v3;
	v3 =	vld [tilespmem:$0xA7F0]  }
0x1df: {  	[tilespmem:$0xA830] =	vst v62  }
0x1e0: {  	[tilespmem:$0xA840] =	vst v63  }
0x1e1: {  	[tilespmem:$0xA850] =	vst v1  }
0x1e2: {  	[tilespmem:$0xA860] =	vst v2  }
0x1e3: {  	[tilespmem:$0xA870] =	vst v3  }
0x1e4: {  	_ =	swait.ge [sflag:s10], $0x4000  }
0x1e5: {  	[sflag:s10] =	ssyncset.done $0x0  }
0x1e6: {  	[sflag:s10] =	ssyncadd.s32 $0xFFFFC000  }
0x1e7: {  	[spmem:s1] =	stream.indirect.scatter.add.f32 [tilespmem:s28], [sflag:$0x3], $0x80, s2, s0, $0xb8;
	[tilespmem:$0x1E500] =	vst v63  }
0x1e8: {  	_ =	swait.ge [sflag:s20], $0x4000  }
0x1e9: {  	[sflag:s20] =	ssyncset.done $0x0  }
0x1ea: {  	s14 =	stileid.u32;
	[sflag:s20] =	ssyncadd.s32 $0xFFFFC000  }
0x1eb: {  	s12 =	sshll.u32 s14, $0x6;
	[bflag:$0x0] =	sbarrier.arrive $0xFFFF  }
0x1ec: {  	s12 =	sor.u32 $0x1C03, s12;
	s15 =	sshrl.u32 s5, $0x3;
	s14 =	rddreg [dreg:$0x8]  }
0x1ed: {  	[hbm:s14], [sflag:s12] =	dma.local [spmem:s15], $0x800  }
0x1ee: {  	_ =	swait.ge [sflag:s20], $0x800  }
0x1ef: {  	[sflag:s20] =	ssyncset.done $0x0  }
0x1f0: {  	s14 =	sshrl.u32 s6, $0x3;
	s15 =	rddreg [dreg:$0x9];
	[sflag:s20] =	ssyncadd.s32 $0xFFFFF800  }
0x1f1: {  	[hbm:s15], [sflag:s12] =	dma.local [spmem:s14], $0x800  }
0x1f2: {  	_ =	swait.ge [sflag:s20], $0x800  }
0x1f3: {  	[sflag:s20] =	ssyncset.done $0x0  }
0x1f4: {  	s15 =	sshrl.u32 s7, $0x3;
	[sflag:s20] =	ssyncadd.s32 $0xFFFFF800  }
0x1f5: {  	[hbm:s16], [sflag:s12] =	dma.local [spmem:s15], $0x800  }
0x1f6: {  	_ =	swait.ge [sflag:s20], $0x800  }
0x1f7: {  	[sflag:s20] =	ssyncset.done $0x0  }
0x1f8: {  	s14 =	sshrl.u32 s8, $0x3;
	[sflag:s20] =	ssyncadd.s32 $0xFFFFF800  }
0x1f9: {  	[hbm:s17], [sflag:s12] =	dma.local [spmem:s14], $0x800  }
0x1fa: {  	s11 =	sadd.s32 $0x1, s11;
	_ =	swait.ge [sflag:s20], $0x800  }
0x1fb: {  	p0 =	sne.s32 s11, s19;
	[sflag:s20] =	ssyncset.done $0x0  }
.Ltmp3:
0x1fc: {  	s15 =	sshrl.u32 s9, $0x3;
	[sflag:s20] =	ssyncadd.s32 $0xFFFFF800;
	(pc) =	sbr.rel @p0 .LBB2_1-.Ltmp3, $4  }
0x1fd: {  	[hbm:s18], [sflag:s12] =	dma.local [spmem:s15], $0x800  }
0x1fe: {  	_ =	swait.ge [sflag:s20], $0x800  }
0x1ff: {  	[sflag:s20] =	ssyncset.done $0x0  }
0x200: {  	[sflag:s20] =	ssyncadd.s32 $0xFFFFF800  }
0x201: {  	_ =	sfence.sel $0x180000  }
0x202: {  	[bflag:$0x0] =	sbarrier.arrive $0xFFFF  }
0x203: {  	_ =	strace $0x9000004D  }
0x204: {  	s0 =	stileid.u32;
	[bflag:$0x2] =	sbarrier.arrive $0xFFFF  }
0x205: {  	p0 =	sne.s32 s0, $0x0;
	s0 =	rddreg [dreg:$0x3]  }
0x206: {  	s0 =	sadd.s32 @!p0 $0x100000, s0  }
0x207: {  	[sflag:s0] =	ssyncadd.tile.s32 @!p0 $0x1;
	_ =	shalt  }
.Lfunc_end2:
_tile_overlayer_lowered:
.L_overlay_start_2:
0x208: {  	(tag) =	ssettag $0x2  }
0x209: {  	s0 =	rddreg [dreg:$0x0];
	s2 =	stileid.u32  }
0x20a: {  	s1 =	rddreg [dreg:$0x1];
	p0 =	sne.s32 s2, $0x0  }
0x20b: {  	s3 =	rddreg [dreg:$0x2];
	[bflag:$0x3] =	sbarrier.arrive $0xFFFF;
	s2 =	simm.s32 @!p0 $0x1C03  }
0x20c: {  	[timem:s3], [sflag:s2] =	dma.local @!p0 [hbm:s0], s1  }
0x20d: {  	s0 =	simm.s32 @!p0 $0x3  }
0x20e: {  	_ =	swait.ge @!p0 [sflag:s0], s1  }
0x20f: {  	s1 =	ssub.s32 @!p0 $0x0, s1;
	[sflag:s0] =	ssyncset.done @!p0 $0x0  }
0x210: {  	[sflag:s0] =	ssyncadd.s32 @!p0 s1  }
0x211: {  	[bflag:$0x3] =	sbarrier.arrive $0xFFFF  }
0x212: {  	_ =	shalt  }

// kernel: kernel.8.cloned.1.call-start
scs
__scs_entry_jumppad:
0x0: {  	(pc) =	sbr.rel $0x88, $3  }
0x1: {  	(tag) =	ssettag $0x0;
	lr =	simm.s32 $0x1  }
0x2: {  	[smem:$0x3F9B] =	sst lr;
	_ =	strace $0xD0000000  }
0x3: {  	_ = 	snop  }
0x4: {  	_ = 	snop  }
0x5: {  	_ = 	snop  }
0x6: {  	_ = 	snop  }
0x7: {  	_ = 	snop  }
__scs_overlays_trampoline_lowered:
0x8: {  	[smem:$0x3FAA] =	sst s0  }
0x9: {  	[smem:$0x3FAB] =	sst s1  }
0xa: {  	[smem:$0x3FAC] =	sst s2  }
0xb: {  	[smem:$0x3FAD] =	sst s3  }
0xc: {  	[smem:$0x3FAE] =	sst s4  }
0xd: {  	[smem:$0x3FAF] =	sst s5  }
0xe: {  	[smem:$0x3FB0] =	sst s6  }
0xf: {  	[smem:$0x3FB1] =	sst s7  }
0x10: {  	[smem:$0x3FB2] =	sst s8  }
0x11: {  	[smem:$0x3FB3] =	sst s9;
	s0 =	simm.s32 @!p0 $0x0  }
0x12: {  	s1 =	sld [smem:$0x3F99];
	s0 =	simm.s32 @p0 $0x1  }
0x13: {  	[smem:$0x3FB4] =	sst s0;
	s0 =	simm.s32 @!p1 $0x0  }
0x14: {  	s2 =	sld [smem:$0x3F98];
	s0 =	simm.s32 @p1 $0x1  }
0x15: {  	[smem:$0x3FB5] =	sst s0;
	s0 =	simm.s32 @!p2 $0x0  }
0x16: {  	s3 =	sld [smem:$0x3FDB];
	s0 =	simm.s32 @p2 $0x1  }
0x17: {  	s4 =	simm.s32 $0x1BF5;
	[smem:$0x3FB7] =	sst s0  }
0x18: {  	s0 =	sld [smem:$0x3F9A];
	_ =	swait.ge [sflag:s4], $0x0  }
0x19: {  	s7 =	sld [smem:$0x3F9B]  }
0x1a: {  	s8 =	sadd.s32 $0xFFFFE003, lr  }
0x1b: {  	s9 =	sadd.s32 $0xFFFFFEF7, lr;
	s5 =	simm.s32 $0xFFFFFFFF;
	p2 =	slt.u32 s8, $0xFFFFF086  }
0x1c: {  	p1 =	slt.u32 s9, $0xF7A;
	s5 =	simm.s32 @!p2 $0x0  }
0x1d: {  	s5 =	simm.s32 @p1 $0x1;
	p0 =	seq.s32 s7, s2  }
0x1e: {  	s7 =	smul.u32 @!p0 $0xF7A, s2;
	p2 =	seq.s32 @!p0 s5, $0x0  }
0x1f: {  	s9 =	smul.u32 $0xF7A, s1;
	s8 =	simm.s32 @!p0 $0x1BF5;
	p2 =	por !p2, p0  }
0x20: {  	[sflag:s8] =	ssyncset.s32 @!p0 $0xFFFFF086;
	s6 =	sadd.s32 @!p0 s3, s7;
	s7 =	simm.s32 @!p0 $0x108  }
0x21: {  	s3 =	sadd.s32 s3, s9;
	s6 =	sadd.s32 @!p0 $0x88, s6;
	s7 =	simm.s32 @p2 $0x1082  }
0x22: {  	[simem:s7], [sflag:s8] =	dma.local @!p0 [hbm:s6], $0xF7A  }
0x23: {  	s9 =	sor.u32 $0xD0000000, s2;
	s6 =	simm.s32 $0x108;
	_ =	swait.ge @!p0 [sflag:s8], $0x0  }
0x24: {  	s3 =	sadd.s32 $0x88, s3;
	s6 =	simm.s32 @!p1 $0x1082;
	[sflag:s4] =	ssyncset.s32 $0xFFFFF086  }
0x25: {  	[simem:s6], [sflag:s4] =	dma.local [hbm:s3], $0xF7A  }
0x26: {  	[smem:$0x3F9B] =	sst s1;
	(tag) =	ssettag s2;
	_ =	strace s9  }
0x27: {  	s1 =	sld [smem:$0x3FAB]  }
0x28: {  	s2 =	sld [smem:$0x3FAC]  }
0x29: {  	s4 =	sld [smem:$0x3FAE]  }
0x2a: {  	p0 =	seq.s32 s5, $0x0;
	s5 =	sld [smem:$0x3FAF]  }
0x2b: {  	s6 =	sld [smem:$0x3FB0]  }
0x2c: {  	s7 =	sld [smem:$0x3FB1]  }
0x2d: {  	s3 =	simm.s32 $0x108;
	s8 =	sld [smem:$0x3FB2]  }
0x2e: {  	s3 =	simm.s32 @!p0 $0x1082;
	s9 =	sld [smem:$0x3FB3]  }
0x2f: {  	lr =	sadd.s32 s0, s3;
	s0 =	sld [smem:$0x3FAA]  }
0x30: {  	s3 =	sld [smem:$0x3FAD]  }
0x31: {  	[smem:$0x3FB6] =	sst s10  }
0x32: {  	s10 =	sld [smem:$0x3FB4];
	_ =	sdelay $0x3  }
0x33: {  	p0 =	seq.s32 s10, $0x1;
	s10 =	sld [smem:$0x3FB6];
	_ =	sdelay $0x3  }
0x34: {  	[smem:$0x3FB6] =	sst s10  }
0x35: {  	s10 =	sld [smem:$0x3FB5];
	_ =	sdelay $0x3  }
0x36: {  	p1 =	seq.s32 s10, $0x1;
	s10 =	sld [smem:$0x3FB6];
	_ =	sdelay $0x3  }
0x37: {  	[smem:$0x3FB6] =	sst s10  }
0x38: {  	s10 =	sld [smem:$0x3FB7]  }
0x39: {  	_ = 	snop;
	(pc) =	sbr.ind lr, $3  }
0x3a: {  	_ = 	snop  }
0x3b: {  	_ = 	snop  }
0x3c: {  	p2 =	seq.s32 s10, $0x1;
	s10 =	sld [smem:$0x3FB6]  }
0x3d: {  	_ =	shalt  }
0x3e: {  	_ =	shalt  }
0x3f: {  	_ =	shalt  }
0x40: {  	_ =	shalt  }
0x41: {  	_ =	shalt  }
0x42: {  	_ =	shalt  }
0x43: {  	_ =	shalt  }
0x44: {  	_ =	shalt  }
0x45: {  	_ =	shalt  }
0x46: {  	_ =	shalt  }
0x47: {  	_ =	shalt  }
0x48: {  	_ =	shalt  }
0x49: {  	_ =	shalt  }
0x4a: {  	_ =	shalt  }
0x4b: {  	_ =	shalt  }
0x4c: {  	_ =	shalt  }
0x4d: {  	_ =	shalt  }
0x4e: {  	_ =	shalt  }
0x4f: {  	_ =	shalt  }
0x50: {  	_ =	shalt  }
0x51: {  	_ =	shalt  }
0x52: {  	_ =	shalt  }
0x53: {  	_ =	shalt  }
0x54: {  	_ =	shalt  }
0x55: {  	_ =	shalt  }
0x56: {  	_ =	shalt  }
0x57: {  	_ =	shalt  }
0x58: {  	_ =	shalt  }
0x59: {  	_ =	shalt  }
0x5a: {  	_ =	shalt  }
0x5b: {  	_ =	shalt  }
0x5c: {  	_ =	shalt  }
0x5d: {  	_ =	shalt  }
0x5e: {  	_ =	shalt  }
0x5f: {  	_ =	shalt  }
0x60: {  	_ =	shalt  }
0x61: {  	_ =	shalt  }
0x62: {  	_ =	shalt  }
0x63: {  	_ =	shalt  }
0x64: {  	_ =	shalt  }
0x65: {  	_ =	shalt  }
0x66: {  	_ =	shalt  }
0x67: {  	_ =	shalt  }
0x68: {  	_ =	shalt  }
0x69: {  	_ =	shalt  }
0x6a: {  	_ =	shalt  }
0x6b: {  	_ =	shalt  }
0x6c: {  	_ =	shalt  }
0x6d: {  	_ =	shalt  }
0x6e: {  	_ =	shalt  }
0x6f: {  	_ =	shalt  }
0x70: {  	_ =	shalt  }
0x71: {  	_ =	shalt  }
0x72: {  	_ =	shalt  }
0x73: {  	_ =	shalt  }
0x74: {  	_ =	shalt  }
0x75: {  	_ =	shalt  }
0x76: {  	_ =	shalt  }
0x77: {  	_ =	shalt  }
0x78: {  	_ =	shalt  }
0x79: {  	_ =	shalt  }
0x7a: {  	_ =	shalt  }
0x7b: {  	_ =	shalt  }
0x7c: {  	_ =	shalt  }
0x7d: {  	_ =	shalt  }
0x7e: {  	_ =	shalt  }
0x7f: {  	_ =	shalt  }
0x80: {  	_ =	shalt  }
0x81: {  	_ =	shalt  }
0x82: {  	_ =	shalt  }
0x83: {  	_ =	shalt  }
0x84: {  	_ =	shalt  }
0x85: {  	_ =	shalt  }
0x86: {  	_ =	shalt  }
0x87: {  	_ =	shalt  }
.Lfunc_end0:
.L_simem_size_0:
called_computation_lowered:
.L_overlay_start_0:
0x88: {  	s2 =	sld [smem:$0x3FD9]  }
0x89: {  	s3 =	sld [smem:$0x3FFE];
	_ =	sdelay $0x1  }
0x8a: {  	s1 =	srdreg.scid  }
0x8b: {  	s0 =	sand.u32 $0x1, s1  }
0x8c: {  	s17 =	sshll.u32 s0, $0xA;
	s2 =	sadd.s32 s3, s2  }
0x8d: {  	s2 =	sadd.s32 s2, s17  }
0x8e: {  	[smem:$0x3FC2] =	sst s2  }
0x8f: {  	_ = 	snop  }
0x90: {  	s2 =	sld [smem:$0x3FD0];
	(tm) =	ssettm $0x1  }
0x91: {  	s18 =	sld [smem:$0x3FFB];
	_ =	sdelay $0x3  }
0x92: {  	_ =	strace s18  }
0x93: {  	s3 =	sld [smem:$0x3FFC];
	_ =	sdelay $0x3  }
0x94: {  	_ =	strace s3  }
0x95: {  	s3 =	sld [smem:$0x3FFD];
	_ =	sdelay $0x3  }
0x96: {  	_ =	strace s3  }
0x97: {  	_ =	strace $0x8FFFFFFF  }
0x98: {  	s19 =	sld [smem:$0x3FDB];
	_ =	sdelay $0x1  }
0x99: {  	s4 =	simm.s32 $_scs_section_size  }
0x9a: {  	s5 =	simm.s32 $_size__tile_overlayer_lowered;
	s6 =	simm.s32 $_tile_overlayer_lowered  }
0x9b: {  	s22 =	simm.s32 $0x1BFF;
	s21 =	sshll.u32 s6, $0x1;
	s3 =	sadd.s32 s4, s19  }
0x9c: {  	s7 =	simm.s32 $0x0;
	s20 =	sshll.u32 s5, $0x1;
	s5 =	sadd.s32 s21, s3  }
0x9d: {  	[timem:s7], [sflag:s22] =	dma.local [hbm:s5], s20  }
0x9e: {  	_ =	swait.ge [sflag:s22], s20  }
0x9f: {  	s4 =	ssub.s32 $0x0, s20;
	[sflag:s22] =	ssyncset.done $0x0  }
0xa0: {  	[sflag:s22] =	ssyncadd.s32 s4;
	_ =	sdelay $0x1  }
0xa1: {  	s23 =	simm.s32 $0x1B8B  }
0xa2: {  	_ =	swait.ge [sflag:s23], $0x1  }
0xa3: {  	[sflag:s23] =	ssyncset.done $0x0  }
0xa4: {  	s25 =	simm.s32 $0x1B8E;
	s24 =	sld [smem:$0x3FFE];
	[sflag:s23] =	ssyncadd.s32 $0xFFFFFFFF  }
0xa5: {  	s26 =	simm.s32 $execute0_lowered;
	[smem:$0x3FD2] =	sst s25  }
0xa6: {  	s5 =	sshll.u32 s26, $0x1;
	_ =	strace $0x80000046;
	[dreg:$0x1] =	wrdreg $0xFFFFFFFF  }
0xa7: {  	s28 =	simm.s32 $_size_execute0_lowered;
	s3 =	sadd.s32 s3, s5;
	[dreg:$0x0] =	wrdreg $0x0  }
0xa8: {  	s5 =	sshll.u32 s28, $0x1;
	[dreg:$0x2] =	wrdreg s3  }
0xa9: {  	[dreg:$0x3] =	wrdreg s5  }
0xaa: {  	[dreg:$0x4] =	wrdreg $0xC0  }
0xab: {  	_ =	task [dreg:s7], $0x5FFFF  }
0xac: {  	[dreg:$0x1] =	wrdreg $0xFFFFFFFF  }
0xad: {  	[dreg:$0x0] =	wrdreg $0x60  }
0xae: {  	[dreg:$0x2] =	wrdreg s2  }
0xaf: {  	[dreg:$0x3] =	wrdreg s24  }
0xb0: {  	[dreg:$0x4] =	wrdreg $0x9  }
0xb1: {  	_ =	task.clear_ibuf [dreg:s7], $0x5FFFF;
	_ =	strace $0x90000046  }
0xb2: {  	s29 =	simm.s32 $0x9;
	_ =	strace $0x80000048  }
0xb3: {  	_ =	swait.ge [sflag:s29], $0x1  }
0xb4: {  	[sflag:s29] =	ssyncadd.s32 $0xFFFFFFFF  }
0xb5: {  	_ =	strace $0x90000048  }
0xb6: {  	_ =	sfence  }
0xb7: {  	s30 =	sld [smem:$0x0];
	_ =	sdelay $0x2  }
0xb8: {  	s31 =	sshll.u32 s1, $0xD;
	s1 =	sshrl.u32 s1, $0x2  }
0xb9: {  	s3 =	sand.u32 $0x4000, s31;
	s1 =	sadd.s32 s1, s30  }
0xba: {  	s0 =	sor.u32 s3, s0;
	s1 =	sshll.u32 s1, $0x11  }
0xbb: {  	s0 =	sor.u32 s1, s0  }
0xbc: {  	s0 =	sadd.s32 $0x8F2B, s0  }
0xbd: {  	[sflag:s0] =	ssyncadd.remote.s32 $0x1  }
0xbe: {  	_ =	sfence.sel $0xFFFF  }
0xbf: {  	[dreg:$0x0] =	wrdreg $0xFFFFFFFF;
	(pc) =	sbr.abs _section_cstart, $3  }
0xc0: {  	[dreg:$0x1] =	wrdreg $0xFFFFFFFF  }
0xc1: {  	_ =	task.clear_ibuf [dreg:s7], $0x2FFFF;
	_ =	strace $0x9FFFFFFF  }
0xc2: {  	(tm) =	ssettm $0x7FFFFFFF  }
0xc3: {  	_ =	shalt  }
tec
execute0_lowered:
.L_overlay_start_1:
0x0: {  	(tag) =	ssettag $0x1  }
0x1: {  	s0 =	srdreg.scid  }
0x2: {  	s3 =	rddreg [dreg:$0x0];
	s4 =	sand.u32 $0x1, s0  }
0x3: {  	s5 =	rddreg [dreg:$0x1];
	s1 =	stileid.u32;
	s2 =	sshll.u32 s4, $0x4  }
0x4: {  	s0 =	rddreg [dreg:$0x2];
	s6 =	sor.u32 s1, s2  }
0x5: {  	s4 =	ssub.s32 $0x2, s4;
	s2 =	simm.s32 $0x0;
	s7 =	smul.u32 $0x4E2, s6  }
0x6: {  	s8 =	sshrl.u32 s4, $0x1;
	[smem:$0x7FF] =	sst s2;
	s6 =	smul.u32 $0x500, s6  }
0x7: {  	s31 =	ssub.s32 s4, s8;
	s8 =	simm.s32 $0x0;
	_ =	strace $0x80000047  }
0x8: {  	s5 =	sadd.s32 s7, s5;
	s3 =	sadd.s32 s3, s6;
	s6 =	simm.s32 $0x2800  }
0x9: {  	v0 =	vimm.f32 $0.0e+00;
	v1 =	vimm.f32 $1.000000000e+00;
	s7 =	simm.s32 $0x1;
	s4 =	sadd.s32 $0xD000, s5;
	s5 =	smax.u32 s31, $0x1  }
.LBB2_1:
0xa: {  	[tilespmem:s6], [sflag:$0x1] =	stream.linear.gather [hbm4b:s3+s2], $0x2800, $0x38;
	[tilespmem:$0x5000] =	vst v63  }
0xb: {  	_ =	swait.ge [sflag:s7], $0x2800  }
0xc: {  	[sflag:s7] =	ssyncset.done $0x0  }
0xd: {  	s9 =	simm.s32 $0x0;
	[sflag:s7] =	ssyncadd.s32 $0xFFFFD800  }
.LBB2_2:
0xe: {  	p0 =	sne.s32 s9, $0x9E00  }
.Ltmp0:
0xf: {  	_ = 	snop;
	(pc) =	sbr.rel @p0 .LBB2_2-.Ltmp0, $3  }
0x10: {  	_ =	sdelay $0x1  }
0x11: {  	s10 =	sshra.s32 s9, $0x2  }
0x12: {  	s9 =	sadd.s32 $0x40, s9;
	[tilespmem:s10+$0x0] =	vst v0  }
0x13: {  	s9 =	simm.s32 $0x1C0  }
.LBB2_4:
0x14: {  	s10 =	sshra.s32 s9, $0x2  }
0x15: {  	v2 =	vld [tilespmem:s10+$0x2790];
	_ =	sdelay $0x7  }
0x16: {  	[tilespmem:v2+s2+$0x0] =	vst.idx.add.f32.msk $0xffff, v1  }
0x17: {  	v2 =	vld [tilespmem:s10+$0x27A0];
	_ =	sdelay $0x7  }
0x18: {  	[tilespmem:v2+s2+$0x0] =	vst.idx.add.f32.msk $0xffff, v1  }
0x19: {  	v2 =	vld [tilespmem:s10+$0x27B0];
	_ =	sdelay $0x7  }
0x1a: {  	[tilespmem:v2+s2+$0x0] =	vst.idx.add.f32.msk $0xffff, v1  }
0x1b: {  	v2 =	vld [tilespmem:s10+$0x27C0];
	_ =	sdelay $0x7  }
0x1c: {  	[tilespmem:v2+s2+$0x0] =	vst.idx.add.f32.msk $0xffff, v1  }
0x1d: {  	v2 =	vld [tilespmem:s10+$0x27D0];
	_ =	sdelay $0x7  }
0x1e: {  	[tilespmem:v2+s2+$0x0] =	vst.idx.add.f32.msk $0xffff, v1  }
0x1f: {  	v2 =	vld [tilespmem:s10+$0x27E0];
	_ =	sdelay $0x7  }
0x20: {  	[tilespmem:v2+s2+$0x0] =	vst.idx.add.f32.msk $0xffff, v1  }
0x21: {  	v2 =	vld [tilespmem:s10+$0x27F0];
	_ =	sdelay $0x7  }
0x22: {  	[tilespmem:v2+s2+$0x0] =	vst.idx.add.f32.msk $0xffff, v1  }
0x23: {  	v2 =	vld [tilespmem:s10+$0x2800];
	_ =	sdelay $0x2  }
0x24: {  	p0 =	sne.s32 s9, $0x9FC0  }
.Ltmp1:
0x25: {  	_ = 	snop;
	(pc) =	sbr.rel @p0 .LBB2_4-.Ltmp1, $2  }
0x26: {  	_ =	sdelay $0x2  }
0x27: {  	s9 =	sadd.s32 $0x200, s9;
	[tilespmem:v2+s2+$0x0] =	vst.idx.add.f32.msk $0xffff, v1  }
0x28: {  	s8 =	sadd.s32 $0x1, s8  }
0x29: {  	p0 =	sne.s32 s8, s5  }
.Ltmp2:
0x2a: {  	_ = 	snop;
	(pc) =	sbr.rel @p0 .LBB2_1-.Ltmp2, $4  }
0x2b: {  	[hbm4b:s4+s2] =	stream.linear.scatter [tilespmem:s2], [sflag:$0x1], $0x2710, $0x38;
	[tilespmem:$0x5000] =	vst v63  }
0x2c: {  	_ =	swait.ge [sflag:s7], $0x2710  }
0x2d: {  	[sflag:s7] =	ssyncset.done $0x0  }
0x2e: {  	[sflag:s7] =	ssyncadd.s32 $0xFFFFD8F0  }
0x2f: {  	_ =	sfence.sel $0x180000  }
0x30: {  	[bflag:$0x0] =	sbarrier.arrive $0xFFFF  }
0x31: {  	p0 =	sne.s32 s1, $0x0;
	_ =	strace $0x90000047  }
0x32: {  	s0 =	sadd.s32 @!p0 $0x100000, s0;
	[bflag:$0x2] =	sbarrier.arrive $0xFFFF  }
0x33: {  	[sflag:s0] =	ssyncadd.tile.s32 @!p0 $0x1;
	_ =	shalt  }
.Lfunc_end2:
_tile_overlayer_lowered:
.L_overlay_start_2:
0x34: {  	(tag) =	ssettag $0x2  }
0x35: {  	s0 =	rddreg [dreg:$0x0];
	s2 =	stileid.u32  }
0x36: {  	s1 =	rddreg [dreg:$0x1];
	p0 =	sne.s32 s2, $0x0  }
0x37: {  	s3 =	rddreg [dreg:$0x2];
	[bflag:$0x3] =	sbarrier.arrive $0xFFFF;
	s2 =	simm.s32 @!p0 $0x1C01  }
0x38: {  	[timem:s3], [sflag:s2] =	dma.local @!p0 [hbm:s0], s1  }
0x39: {  	s0 =	simm.s32 @!p0 $0x1  }
0x3a: {  	_ =	swait.ge @!p0 [sflag:s0], s1  }
0x3b: {  	s1 =	ssub.s32 @!p0 $0x0, s1;
	[sflag:s0] =	ssyncset.done @!p0 $0x0  }
0x3c: {  	[sflag:s0] =	ssyncadd.s32 @!p0 s1  }
0x3d: {  	[bflag:$0x3] =	sbarrier.arrive $0xFFFF  }
0x3e: {  	_ =	shalt  }

</sc_bundles>
